<compile_context>
chip_gen: v7x
topology: tpu7x:2x2x1
jax: 0.10.2.dev20260603
libtpu: 0.0.44.dev20260713+nightly
codegen_flags: <defaults>
</compile_context>

<pallas_src>
import functools

import jax
import jax.numpy as jnp
import numpy as np
from jax import lax
from jax.experimental import pallas as pl
from jax.experimental.pallas import tpu as pltpu
from jax.experimental.pallas import tpu_sc as plsc

_N = 1024
_ROWS = 16384
_NW = 32
_RPW = _ROWS // _NW
_R = 16
_NCHUNK = _RPW // _R
_L = 16
_G = 8

_PERM = np.arange(_N)
np.random.RandomState(0).shuffle(_PERM)
_PERM = _PERM.astype(np.int32)


def _sc_permute(in_hbm, perm_hbm, out_hbm,
                perm_v, in0, in1, out0, out1, isem, osem):
    wid = lax.axis_index("s") * 2 + lax.axis_index("c")
    row0 = wid * _RPW
    pltpu.sync_copy(perm_hbm, perm_v)
    inbufs = (in0, in1)
    outbufs = (out0, out1)

    def in_desc(c, b):
        return pltpu.make_async_copy(
            in_hbm.at[pl.ds(row0 + c * _R, _R)], inbufs[b], isem)

    def out_desc(d, ob):
        return pltpu.make_async_copy(
            outbufs[ob], out_hbm.at[pl.ds(row0 + d * 2 * _R, 2 * _R)], osem)

    def compute(inbuf, outbuf, half):
        def group_body(g, carry):
            col0 = g * (_L * _G)
            idxs = [perm_v[pl.ds(col0 + _L * t, _L)] for t in range(_G)]

            def row_body(r):
                rv = jnp.zeros((_L,), jnp.int32) + r
                for t in range(_G):
                    v = plsc.load_gather(inbuf, [rv, idxs[t]])
                    outbuf[half * _R + r, pl.ds(col0 + _L * t, _L)] = v

            plsc.parallel_loop(0, _R, 1, unroll=2)(row_body)
            return carry

        lax.fori_loop(0, _N // (_L * _G), group_body, 0)

    def run_chunk(c, b4, *, wait_prev_out, start_next_in):
        b = b4 % 2
        half = b4 % 2
        ob = b4 // 2
        in_desc(c, b).wait()
        if half == 0 and wait_prev_out:
            out_desc(c // 2 - 2, ob).wait()
        compute(inbufs[b], outbufs[ob], half)
        if half == 1:
            out_desc(c // 2, ob).start()
        if start_next_in:
            in_desc(c + 2, b).start()

    in_desc(0, 0).start()
    in_desc(1, 1).start()
    for b in range(4):
        run_chunk(b, b, wait_prev_out=False, start_next_in=True)

    def quad_body(q, carry):
        c = 4 * q
        for b in range(4):
            run_chunk(c + b, b, wait_prev_out=True, start_next_in=True)
        return carry

    lax.fori_loop(1, _NCHUNK // 4 - 1, quad_body, 0)

    for b in range(4):
        run_chunk(_NCHUNK - 4 + b, b, wait_prev_out=True, start_next_in=(b < 2))
    out_desc(_NCHUNK // 2 - 2, 0).wait()
    out_desc(_NCHUNK // 2 - 1, 1).wait()


@jax.jit
def _run(inputs):
    mesh = plsc.VectorSubcoreMesh(core_axis_name="c", subcore_axis_name="s")
    fn = functools.partial(
        pl.kernel,
        mesh=mesh,
        out_type=jax.ShapeDtypeStruct((_ROWS, _N), jnp.float32),
        scratch_types=[
            pltpu.VMEM((_N,), jnp.int32),
            pltpu.VMEM((_R, _N), jnp.float32),
            pltpu.VMEM((_R, _N), jnp.float32),
            pltpu.VMEM((2 * _R, _N), jnp.float32),
            pltpu.VMEM((2 * _R, _N), jnp.float32),
            pltpu.SemaphoreType.DMA,
            pltpu.SemaphoreType.DMA,
        ],
        compiler_params=pltpu.CompilerParams(needs_layout_passes=False),
    )(_sc_permute)
    return fn(inputs, jnp.asarray(_PERM))


def kernel(inputs):
    out = _run(inputs)
    logdet = jnp.zeros((_ROWS, 1), dtype=inputs.dtype)
    return (out, logdet)

# --- scband reference (transcript-rebuilt; emitter-appended) ---
"""Pipeline reference for scband-shuffle-26706106647122 (READ-ONLY COPY).

The authoritative reference and input builder live on the scoring server;
editing this copy changes nothing except your own understanding.
"""

import jax, jax.numpy as jnp
import numpy as np

NUM_INPUTS = 1024
SEED = 0

np.random.seed(SEED)
_perm = np.arange(0, NUM_INPUTS)
np.random.shuffle(_perm)
PERM = jnp.asarray(_perm, dtype=jnp.int32)
INV_PERM = jnp.asarray(np.argsort(_perm), dtype=jnp.int32)


def setup_inputs(seed: int = 0) -> dict:
    key = jax.random.key(seed)
    inputs = jax.random.normal(key, (16384, NUM_INPUTS), dtype=jnp.float32)
    return {"inputs": inputs}


def reference(inputs):
    # mode='direct': transpose(inputs, 0, -1)[perm] then transpose back
    x = jnp.swapaxes(inputs, 0, -1)
    x = jnp.take(x, PERM, axis=0)
    x = jnp.swapaxes(x, 0, -1)
    logdet = jnp.zeros(x.shape[:-1] + (1,), dtype=x.dtype)
    return (x, logdet)

if __name__ == "__main__":
    import jax
    _d = setup_inputs()
    print(jax.jit(kernel)(*tuple(_d.values())))

</pallas_src>

<mosaic_0001>
#map = affine_map<(d0, d1) -> (0, 0)>
#map1 = affine_map<(d0, d1) -> (0)>
module attributes {stable_mosaic.version = 14 : i64} {
  func.func @_sc_permute(%arg0: i32, %arg1: i32, %arg2: memref<16384x1024xf32, #tpu.memory_space<hbm>>, %arg3: memref<1024xi32, #tpu.memory_space<hbm>>, %arg4: memref<16384x1024xf32, #tpu.memory_space<hbm>>, %arg5: memref<1024xi32, #tpu.memory_space<vmem>>, %arg6: memref<16x1024xf32, #tpu.memory_space<vmem>>, %arg7: memref<16x1024xf32, #tpu.memory_space<vmem>>, %arg8: memref<32x1024xf32, #tpu.memory_space<vmem>>, %arg9: memref<32x1024xf32, #tpu.memory_space<vmem>>, %arg10: memref<!tpu.dma_semaphore, #tpu.memory_space<semaphore_mem>>, %arg11: memref<!tpu.dma_semaphore, #tpu.memory_space<semaphore_mem>>) attributes {dimension_semantics = [#tpu.dimension_semantics<core_parallel>, #tpu.dimension_semantics<subcore_parallel>], iteration_bounds = array<i64: 2, 16>, scalar_prefetch = 0 : i64, scratch_operands = 7 : i64, tpu.core_type = #tpu.core_type<sc_vector_subcore>, window_params = [{transform_indices = #map}, {transform_indices = #map1}, {transform_indices = #map}]} {
    %mul3A = arith.constant 2 : i32
    %mul3A_0 = arith.muli %arg1, %mul3A : i32
    %add3A = arith.addi %mul3A_0, %arg0 : i32
    %mul3A_1 = arith.constant 512 : i32
    %mul3A_2 = arith.muli %add3A, %mul3A_1 : i32
    "tpu.region"() ({
      %run_scoped3A = tpu.sem_alloc : memref<!tpu.dma_semaphore, #tpu.memory_space<semaphore_mem>>
      tpu.enqueue_dma source(%arg3 : memref<1024xi32, #tpu.memory_space<hbm>>) target(%arg5 : memref<1024xi32, #tpu.memory_space<vmem>>) target_semaphore(%run_scoped3A : memref<!tpu.dma_semaphore, #tpu.memory_space<semaphore_mem>>)
      tpu.wait_dma2 semaphore(%run_scoped3A : memref<!tpu.dma_semaphore, #tpu.memory_space<semaphore_mem>>) src(%arg3 : memref<1024xi32, #tpu.memory_space<hbm>>) dst(%arg5 : memref<1024xi32, #tpu.memory_space<vmem>>)
      tpu.yield
    }) : () -> ()
    %add3A_3 = arith.constant 0 : i32
    %add3A_4 = arith.addi %mul3A_2, %add3A_3 : i32
    %dma_start3A = arith.constant 0 : i32
    %dma_start3A_5 = tpu.memref_slice %arg2[%add3A_4, %dma_start3A] : memref<16384x1024xf32, #tpu.memory_space<hbm>> -> memref<16x1024xf32, #tpu.memory_space<hbm>>
    %dma_start3A_6 = arith.constant 0 : i32
    %dma_start3A_7 = tpu.memref_slice %arg2[%add3A_4, %dma_start3A_6] : memref<16384x1024xf32, #tpu.memory_space<hbm>> -> memref<16x1024xf32, #tpu.memory_space<hbm>>
    tpu.enqueue_dma source(%dma_start3A_7 : memref<16x1024xf32, #tpu.memory_space<hbm>>) target(%arg6 : memref<16x1024xf32, #tpu.memory_space<vmem>>) target_semaphore(%arg10 : memref<!tpu.dma_semaphore, #tpu.memory_space<semaphore_mem>>)
    %add3A_8 = arith.constant 16 : i32
    %add3A_9 = arith.addi %mul3A_2, %add3A_8 : i32
    %dma_start3A_10 = arith.constant 0 : i32
    %dma_start3A_11 = tpu.memref_slice %arg2[%add3A_9, %dma_start3A_10] : memref<16384x1024xf32, #tpu.memory_space<hbm>> -> memref<16x1024xf32, #tpu.memory_space<hbm>>
    %dma_start3A_12 = arith.constant 0 : i32
    %dma_start3A_13 = tpu.memref_slice %arg2[%add3A_9, %dma_start3A_12] : memref<16384x1024xf32, #tpu.memory_space<hbm>> -> memref<16x1024xf32, #tpu.memory_space<hbm>>
    tpu.enqueue_dma source(%dma_start3A_13 : memref<16x1024xf32, #tpu.memory_space<hbm>>) target(%arg7 : memref<16x1024xf32, #tpu.memory_space<vmem>>) target_semaphore(%arg10 : memref<!tpu.dma_semaphore, #tpu.memory_space<semaphore_mem>>)
    %add3A_14 = arith.constant 0 : i32
    %add3A_15 = arith.addi %mul3A_2, %add3A_14 : i32
    %dma_wait3A = arith.constant 0 : i32
    %dma_wait3A_16 = tpu.memref_slice %arg2[%add3A_15, %dma_wait3A] : memref<16384x1024xf32, #tpu.memory_space<hbm>> -> memref<16x1024xf32, #tpu.memory_space<hbm>>
    %dma_wait3A_17 = arith.constant 0 : i32
    %dma_wait3A_18 = tpu.memref_slice %arg2[%add3A_15, %dma_wait3A_17] : memref<16384x1024xf32, #tpu.memory_space<hbm>> -> memref<16x1024xf32, #tpu.memory_space<hbm>>
    tpu.wait_dma2 semaphore(%arg10 : memref<!tpu.dma_semaphore, #tpu.memory_space<semaphore_mem>>) src(%dma_wait3A_18 : memref<16x1024xf32, #tpu.memory_space<hbm>>) dst(%arg6 : memref<16x1024xf32, #tpu.memory_space<vmem>>)
    %scan3A = arith.constant 0 : i32
    %scan3A_19 = arith.constant 0 : i32
    %scan3A_20 = arith.constant 8 : i32
    %scan3A_21 = arith.addi %scan3A_19, %scan3A_20 : i32
    %scan3A_22 = arith.constant 1 : i32
    scf.for %scan3A_198 = %scan3A_19 to %scan3A_21 step %scan3A_22  : i32 {
      %mul3A_199 = arith.constant 128 : i32
      %mul3A_200 = arith.muli %scan3A_198, %mul3A_199 : i32
      %add3A_201 = arith.constant 0 : i32
      %add3A_202 = arith.addi %mul3A_200, %add3A_201 : i32
      %get3A = arith.index_cast %add3A_202 : i32 to index
      %get3A_203 = tpu.vector_load %arg5[%get3A] {strides = array<i32>} : memref<1024xi32, #tpu.memory_space<vmem>>, vector<16xi32>,
      %add3A_204 = arith.constant 16 : i32
      %add3A_205 = arith.addi %mul3A_200, %add3A_204 : i32
      %get3A_206 = arith.index_cast %add3A_205 : i32 to index
      %get3A_207 = tpu.vector_load %arg5[%get3A_206] {strides = array<i32>} : memref<1024xi32, #tpu.memory_space<vmem>>, vector<16xi32>,
      %add3A_208 = arith.constant 32 : i32
      %add3A_209 = arith.addi %mul3A_200, %add3A_208 : i32
      %get3A_210 = arith.index_cast %add3A_209 : i32 to index
      %get3A_211 = tpu.vector_load %arg5[%get3A_210] {strides = array<i32>} : memref<1024xi32, #tpu.memory_space<vmem>>, vector<16xi32>,
      %add3A_212 = arith.constant 48 : i32
      %add3A_213 = arith.addi %mul3A_200, %add3A_212 : i32
      %get3A_214 = arith.index_cast %add3A_213 : i32 to index
      %get3A_215 = tpu.vector_load %arg5[%get3A_214] {strides = array<i32>} : memref<1024xi32, #tpu.memory_space<vmem>>, vector<16xi32>,
      %add3A_216 = arith.constant 64 : i32
      %add3A_217 = arith.addi %mul3A_200, %add3A_216 : i32
      %get3A_218 = arith.index_cast %add3A_217 : i32 to index
      %get3A_219 = tpu.vector_load %arg5[%get3A_218] {strides = array<i32>} : memref<1024xi32, #tpu.memory_space<vmem>>, vector<16xi32>,
      %add3A_220 = arith.constant 80 : i32
      %add3A_221 = arith.addi %mul3A_200, %add3A_220 : i32
      %get3A_222 = arith.index_cast %add3A_221 : i32 to index
      %get3A_223 = tpu.vector_load %arg5[%get3A_222] {strides = array<i32>} : memref<1024xi32, #tpu.memory_space<vmem>>, vector<16xi32>,
      %add3A_224 = arith.constant 96 : i32
      %add3A_225 = arith.addi %mul3A_200, %add3A_224 : i32
      %get3A_226 = arith.index_cast %add3A_225 : i32 to index
      %get3A_227 = tpu.vector_load %arg5[%get3A_226] {strides = array<i32>} : memref<1024xi32, #tpu.memory_space<vmem>>, vector<16xi32>,
      %add3A_228 = arith.constant 112 : i32
      %add3A_229 = arith.addi %mul3A_200, %add3A_228 : i32
      %get3A_230 = arith.index_cast %add3A_229 : i32 to index
      %get3A_231 = tpu.vector_load %arg5[%get3A_230] {strides = array<i32>} : memref<1024xi32, #tpu.memory_space<vmem>>, vector<16xi32>,
      %parallel_loop3A = arith.constant 0 : i32
      %parallel_loop3A_232 = arith.constant 16 : i32
      %parallel_loop3A_233 = arith.constant 1 : i32
      scf.for %parallel_loop3A_234 = %parallel_loop3A to %parallel_loop3A_232 step %parallel_loop3A_233  : i32 {
        %parallel_loop3A_235 = arith.constant 0 : i32
        %parallel_loop3A_236 = vector.broadcast %parallel_loop3A_235 : i32 to vector<16xi32>
        %parallel_loop3A_237 = vector.broadcast %parallel_loop3A_234 : i32 to vector<16xi32>
        %parallel_loop3A_238 = arith.addi %parallel_loop3A_236, %parallel_loop3A_237 : vector<16xi32>
        %parallel_loop3A_239 = tpu.vector_load_idx %arg6[%parallel_loop3A_238, %get3A_203] : memref<16x1024xf32, #tpu.memory_space<vmem>>[vector<16xi32>, vector<16xi32>], vector<16xf32>,
        %parallel_loop3A_240 = arith.constant 0 : i32
        %parallel_loop3A_241 = arith.addi %parallel_loop3A_240, %parallel_loop3A_234 : i32
        %parallel_loop3A_242 = arith.constant 0 : i32
        %parallel_loop3A_243 = arith.addi %mul3A_200, %parallel_loop3A_242 : i32
        %parallel_loop3A_244 = arith.index_cast %parallel_loop3A_241 : i32 to index
        %parallel_loop3A_245 = arith.index_cast %parallel_loop3A_243 : i32 to index
        %parallel_loop3A_246 = tpu.vector_load %arg8[%parallel_loop3A_244, %parallel_loop3A_245] {strides = array<i32>} : memref<32x1024xf32, #tpu.memory_space<vmem>>, vector<16xf32>,
        tpu.vector_store %arg8[%parallel_loop3A_244, %parallel_loop3A_245], %parallel_loop3A_239 {strides = array<i32>} : memref<32x1024xf32, #tpu.memory_space<vmem>>, vector<16xf32>,
        %parallel_loop3A_247 = tpu.vector_load_idx %arg6[%parallel_loop3A_238, %get3A_207] : memref<16x1024xf32, #tpu.memory_space<vmem>>[vector<16xi32>, vector<16xi32>], vector<16xf32>,
        %parallel_loop3A_248 = arith.constant 0 : i32
        %parallel_loop3A_249 = arith.addi %parallel_loop3A_248, %parallel_loop3A_234 : i32
        %parallel_loop3A_250 = arith.constant 16 : i32
        %parallel_loop3A_251 = arith.addi %mul3A_200, %parallel_loop3A_250 : i32
        %parallel_loop3A_252 = arith.index_cast %parallel_loop3A_249 : i32 to index
        %parallel_loop3A_253 = arith.index_cast %parallel_loop3A_251 : i32 to index
        %parallel_loop3A_254 = tpu.vector_load %arg8[%parallel_loop3A_252, %parallel_loop3A_253] {strides = array<i32>} : memref<32x1024xf32, #tpu.memory_space<vmem>>, vector<16xf32>,
        tpu.vector_store %arg8[%parallel_loop3A_252, %parallel_loop3A_253], %parallel_loop3A_247 {strides = array<i32>} : memref<32x1024xf32, #tpu.memory_space<vmem>>, vector<16xf32>,
        %parallel_loop3A_255 = tpu.vector_load_idx %arg6[%parallel_loop3A_238, %get3A_211] : memref<16x1024xf32, #tpu.memory_space<vmem>>[vector<16xi32>, vector<16xi32>], vector<16xf32>,
        %parallel_loop3A_256 = arith.constant 0 : i32
        %parallel_loop3A_257 = arith.addi %parallel_loop3A_256, %parallel_loop3A_234 : i32
        %parallel_loop3A_258 = arith.constant 32 : i32
        %parallel_loop3A_259 = arith.addi %mul3A_200, %parallel_loop3A_258 : i32
        %parallel_loop3A_260 = arith.index_cast %parallel_loop3A_257 : i32 to index
        %parallel_loop3A_261 = arith.index_cast %parallel_loop3A_259 : i32 to index
        %parallel_loop3A_262 = tpu.vector_load %arg8[%parallel_loop3A_260, %parallel_loop3A_261] {strides = array<i32>} : memref<32x1024xf32, #tpu.memory_space<vmem>>, vector<16xf32>,
        tpu.vector_store %arg8[%parallel_loop3A_260, %parallel_loop3A_261], %parallel_loop3A_255 {strides = array<i32>} : memref<32x1024xf32, #tpu.memory_space<vmem>>, vector<16xf32>,
        %parallel_loop3A_263 = tpu.vector_load_idx %arg6[%parallel_loop3A_238, %get3A_215] : memref<16x1024xf32, #tpu.memory_space<vmem>>[vector<16xi32>, vector<16xi32>], vector<16xf32>,
        %parallel_loop3A_264 = arith.constant 0 : i32
        %parallel_loop3A_265 = arith.addi %parallel_loop3A_264, %parallel_loop3A_234 : i32
        %parallel_loop3A_266 = arith.constant 48 : i32
        %parallel_loop3A_267 = arith.addi %mul3A_200, %parallel_loop3A_266 : i32
        %parallel_loop3A_268 = arith.index_cast %parallel_loop3A_265 : i32 to index
        %parallel_loop3A_269 = arith.index_cast %parallel_loop3A_267 : i32 to index
        %parallel_loop3A_270 = tpu.vector_load %arg8[%parallel_loop3A_268, %parallel_loop3A_269] {strides = array<i32>} : memref<32x1024xf32, #tpu.memory_space<vmem>>, vector<16xf32>,
        tpu.vector_store %arg8[%parallel_loop3A_268, %parallel_loop3A_269], %parallel_loop3A_263 {strides = array<i32>} : memref<32x1024xf32, #tpu.memory_space<vmem>>, vector<16xf32>,
        %parallel_loop3A_271 = tpu.vector_load_idx %arg6[%parallel_loop3A_238, %get3A_219] : memref<16x1024xf32, #tpu.memory_space<vmem>>[vector<16xi32>, vector<16xi32>], vector<16xf32>,
        %parallel_loop3A_272 = arith.constant 0 : i32
        %parallel_loop3A_273 = arith.addi %parallel_loop3A_272, %parallel_loop3A_234 : i32
        %parallel_loop3A_274 = arith.constant 64 : i32
        %parallel_loop3A_275 = arith.addi %mul3A_200, %parallel_loop3A_274 : i32
        %parallel_loop3A_276 = arith.index_cast %parallel_loop3A_273 : i32 to index
        %parallel_loop3A_277 = arith.index_cast %parallel_loop3A_275 : i32 to index
        %parallel_loop3A_278 = tpu.vector_load %arg8[%parallel_loop3A_276, %parallel_loop3A_277] {strides = array<i32>} : memref<32x1024xf32, #tpu.memory_space<vmem>>, vector<16xf32>,
        tpu.vector_store %arg8[%parallel_loop3A_276, %parallel_loop3A_277], %parallel_loop3A_271 {strides = array<i32>} : memref<32x1024xf32, #tpu.memory_space<vmem>>, vector<16xf32>,
        %parallel_loop3A_279 = tpu.vector_load_idx %arg6[%parallel_loop3A_238, %get3A_223] : memref<16x1024xf32, #tpu.memory_space<vmem>>[vector<16xi32>, vector<16xi32>], vector<16xf32>,
        %parallel_loop3A_280 = arith.constant 0 : i32
        %parallel_loop3A_281 = arith.addi %parallel_loop3A_280, %parallel_loop3A_234 : i32
        %parallel_loop3A_282 = arith.constant 80 : i32
        %parallel_loop3A_283 = arith.addi %mul3A_200, %parallel_loop3A_282 : i32
        %parallel_loop3A_284 = arith.index_cast %parallel_loop3A_281 : i32 to index
        %parallel_loop3A_285 = arith.index_cast %parallel_loop3A_283 : i32 to index
        %parallel_loop3A_286 = tpu.vector_load %arg8[%parallel_loop3A_284, %parallel_loop3A_285] {strides = array<i32>} : memref<32x1024xf32, #tpu.memory_space<vmem>>, vector<16xf32>,
        tpu.vector_store %arg8[%parallel_loop3A_284, %parallel_loop3A_285], %parallel_loop3A_279 {strides = array<i32>} : memref<32x1024xf32, #tpu.memory_space<vmem>>, vector<16xf32>,
        %parallel_loop3A_287 = tpu.vector_load_idx %arg6[%parallel_loop3A_238, %get3A_227] : memref<16x1024xf32, #tpu.memory_space<vmem>>[vector<16xi32>, vector<16xi32>], vector<16xf32>,
        %parallel_loop3A_288 = arith.constant 0 : i32
        %parallel_loop3A_289 = arith.addi %parallel_loop3A_288, %parallel_loop3A_234 : i32
        %parallel_loop3A_290 = arith.constant 96 : i32
        %parallel_loop3A_291 = arith.addi %mul3A_200, %parallel_loop3A_290 : i32
        %parallel_loop3A_292 = arith.index_cast %parallel_loop3A_289 : i32 to index
        %parallel_loop3A_293 = arith.index_cast %parallel_loop3A_291 : i32 to index
        %parallel_loop3A_294 = tpu.vector_load %arg8[%parallel_loop3A_292, %parallel_loop3A_293] {strides = array<i32>} : memref<32x1024xf32, #tpu.memory_space<vmem>>, vector<16xf32>,
        tpu.vector_store %arg8[%parallel_loop3A_292, %parallel_loop3A_293], %parallel_loop3A_287 {strides = array<i32>} : memref<32x1024xf32, #tpu.memory_space<vmem>>, vector<16xf32>,
        %parallel_loop3A_295 = tpu.vector_load_idx %arg6[%parallel_loop3A_238, %get3A_231] : memref<16x1024xf32, #tpu.memory_space<vmem>>[vector<16xi32>, vector<16xi32>], vector<16xf32>,
        %parallel_loop3A_296 = arith.constant 0 : i32
        %parallel_loop3A_297 = arith.addi %parallel_loop3A_296, %parallel_loop3A_234 : i32
        %parallel_loop3A_298 = arith.constant 112 : i32
        %parallel_loop3A_299 = arith.addi %mul3A_200, %parallel_loop3A_298 : i32
        %parallel_loop3A_300 = arith.index_cast %parallel_loop3A_297 : i32 to index
        %parallel_loop3A_301 = arith.index_cast %parallel_loop3A_299 : i32 to index
        %parallel_loop3A_302 = tpu.vector_load %arg8[%parallel_loop3A_300, %parallel_loop3A_301] {strides = array<i32>} : memref<32x1024xf32, #tpu.memory_space<vmem>>, vector<16xf32>,
        tpu.vector_store %arg8[%parallel_loop3A_300, %parallel_loop3A_301], %parallel_loop3A_295 {strides = array<i32>} : memref<32x1024xf32, #tpu.memory_space<vmem>>, vector<16xf32>,
      } {sc.loop_unroll_factor = 2 : i64, sc.parallel_access}
    }
    %scan3A_23 = arith.constant 8 : i32
    %add3A_24 = arith.constant 32 : i32
    %add3A_25 = arith.addi %mul3A_2, %add3A_24 : i32
    %dma_start3A_26 = arith.constant 0 : i32
    %dma_start3A_27 = tpu.memref_slice %arg2[%add3A_25, %dma_start3A_26] : memref<16384x1024xf32, #tpu.memory_space<hbm>> -> memref<16x1024xf32, #tpu.memory_space<hbm>>
    %dma_start3A_28 = arith.constant 0 : i32
    %dma_start3A_29 = tpu.memref_slice %arg2[%add3A_25, %dma_start3A_28] : memref<16384x1024xf32, #tpu.memory_space<hbm>> -> memref<16x1024xf32, #tpu.memory_space<hbm>>
    tpu.enqueue_dma source(%dma_start3A_29 : memref<16x1024xf32, #tpu.memory_space<hbm>>) target(%arg6 : memref<16x1024xf32, #tpu.memory_space<vmem>>) target_semaphore(%arg10 : memref<!tpu.dma_semaphore, #tpu.memory_space<semaphore_mem>>)
    %add3A_30 = arith.constant 16 : i32
    %add3A_31 = arith.addi %mul3A_2, %add3A_30 : i32
    %dma_wait3A_32 = arith.constant 0 : i32
    %dma_wait3A_33 = tpu.memref_slice %arg2[%add3A_31, %dma_wait3A_32] : memref<16384x1024xf32, #tpu.memory_space<hbm>> -> memref<16x1024xf32, #tpu.memory_space<hbm>>
    %dma_wait3A_34 = arith.constant 0 : i32
    %dma_wait3A_35 = tpu.memref_slice %arg2[%add3A_31, %dma_wait3A_34] : memref<16384x1024xf32, #tpu.memory_space<hbm>> -> memref<16x1024xf32, #tpu.memory_space<hbm>>
    tpu.wait_dma2 semaphore(%arg10 : memref<!tpu.dma_semaphore, #tpu.memory_space<semaphore_mem>>) src(%dma_wait3A_35 : memref<16x1024xf32, #tpu.memory_space<hbm>>) dst(%arg7 : memref<16x1024xf32, #tpu.memory_space<vmem>>)
    %scan3A_36 = arith.constant 0 : i32
    %scan3A_37 = arith.constant 0 : i32
    %scan3A_38 = arith.constant 8 : i32
    %scan3A_39 = arith.addi %scan3A_37, %scan3A_38 : i32
    %scan3A_40 = arith.constant 1 : i32
    scf.for %scan3A_198 = %scan3A_37 to %scan3A_39 step %scan3A_40  : i32 {
      %mul3A_199 = arith.constant 128 : i32
      %mul3A_200 = arith.muli %scan3A_198, %mul3A_199 : i32
      %add3A_201 = arith.constant 0 : i32
      %add3A_202 = arith.addi %mul3A_200, %add3A_201 : i32
      %get3A = arith.index_cast %add3A_202 : i32 to index
      %get3A_203 = tpu.vector_load %arg5[%get3A] {strides = array<i32>} : memref<1024xi32, #tpu.memory_space<vmem>>, vector<16xi32>,
      %add3A_204 = arith.constant 16 : i32
      %add3A_205 = arith.addi %mul3A_200, %add3A_204 : i32
      %get3A_206 = arith.index_cast %add3A_205 : i32 to index
      %get3A_207 = tpu.vector_load %arg5[%get3A_206] {strides = array<i32>} : memref<1024xi32, #tpu.memory_space<vmem>>, vector<16xi32>,
      %add3A_208 = arith.constant 32 : i32
      %add3A_209 = arith.addi %mul3A_200, %add3A_208 : i32
      %get3A_210 = arith.index_cast %add3A_209 : i32 to index
      %get3A_211 = tpu.vector_load %arg5[%get3A_210] {strides = array<i32>} : memref<1024xi32, #tpu.memory_space<vmem>>, vector<16xi32>,
      %add3A_212 = arith.constant 48 : i32
      %add3A_213 = arith.addi %mul3A_200, %add3A_212 : i32
      %get3A_214 = arith.index_cast %add3A_213 : i32 to index
      %get3A_215 = tpu.vector_load %arg5[%get3A_214] {strides = array<i32>} : memref<1024xi32, #tpu.memory_space<vmem>>, vector<16xi32>,
      %add3A_216 = arith.constant 64 : i32
      %add3A_217 = arith.addi %mul3A_200, %add3A_216 : i32
      %get3A_218 = arith.index_cast %add3A_217 : i32 to index
      %get3A_219 = tpu.vector_load %arg5[%get3A_218] {strides = array<i32>} : memref<1024xi32, #tpu.memory_space<vmem>>, vector<16xi32>,
      %add3A_220 = arith.constant 80 : i32
      %add3A_221 = arith.addi %mul3A_200, %add3A_220 : i32
      %get3A_222 = arith.index_cast %add3A_221 : i32 to index
      %get3A_223 = tpu.vector_load %arg5[%get3A_222] {strides = array<i32>} : memref<1024xi32, #tpu.memory_space<vmem>>, vector<16xi32>,
      %add3A_224 = arith.constant 96 : i32
      %add3A_225 = arith.addi %mul3A_200, %add3A_224 : i32
      %get3A_226 = arith.index_cast %add3A_225 : i32 to index
      %get3A_227 = tpu.vector_load %arg5[%get3A_226] {strides = array<i32>} : memref<1024xi32, #tpu.memory_space<vmem>>, vector<16xi32>,
      %add3A_228 = arith.constant 112 : i32
      %add3A_229 = arith.addi %mul3A_200, %add3A_228 : i32
      %get3A_230 = arith.index_cast %add3A_229 : i32 to index
      %get3A_231 = tpu.vector_load %arg5[%get3A_230] {strides = array<i32>} : memref<1024xi32, #tpu.memory_space<vmem>>, vector<16xi32>,
      %parallel_loop3A = arith.constant 0 : i32
      %parallel_loop3A_232 = arith.constant 16 : i32
      %parallel_loop3A_233 = arith.constant 1 : i32
      scf.for %parallel_loop3A_234 = %parallel_loop3A to %parallel_loop3A_232 step %parallel_loop3A_233  : i32 {
        %parallel_loop3A_235 = arith.constant 0 : i32
        %parallel_loop3A_236 = vector.broadcast %parallel_loop3A_235 : i32 to vector<16xi32>
        %parallel_loop3A_237 = vector.broadcast %parallel_loop3A_234 : i32 to vector<16xi32>
        %parallel_loop3A_238 = arith.addi %parallel_loop3A_236, %parallel_loop3A_237 : vector<16xi32>
        %parallel_loop3A_239 = tpu.vector_load_idx %arg7[%parallel_loop3A_238, %get3A_203] : memref<16x1024xf32, #tpu.memory_space<vmem>>[vector<16xi32>, vector<16xi32>], vector<16xf32>,
        %parallel_loop3A_240 = arith.constant 16 : i32
        %parallel_loop3A_241 = arith.addi %parallel_loop3A_240, %parallel_loop3A_234 : i32
        %parallel_loop3A_242 = arith.constant 0 : i32
        %parallel_loop3A_243 = arith.addi %mul3A_200, %parallel_loop3A_242 : i32
        %parallel_loop3A_244 = arith.index_cast %parallel_loop3A_241 : i32 to index
        %parallel_loop3A_245 = arith.index_cast %parallel_loop3A_243 : i32 to index
        %parallel_loop3A_246 = tpu.vector_load %arg8[%parallel_loop3A_244, %parallel_loop3A_245] {strides = array<i32>} : memref<32x1024xf32, #tpu.memory_space<vmem>>, vector<16xf32>,
        tpu.vector_store %arg8[%parallel_loop3A_244, %parallel_loop3A_245], %parallel_loop3A_239 {strides = array<i32>} : memref<32x1024xf32, #tpu.memory_space<vmem>>, vector<16xf32>,
        %parallel_loop3A_247 = tpu.vector_load_idx %arg7[%parallel_loop3A_238, %get3A_207] : memref<16x1024xf32, #tpu.memory_space<vmem>>[vector<16xi32>, vector<16xi32>], vector<16xf32>,
        %parallel_loop3A_248 = arith.constant 16 : i32
        %parallel_loop3A_249 = arith.addi %parallel_loop3A_248, %parallel_loop3A_234 : i32
        %parallel_loop3A_250 = arith.constant 16 : i32
        %parallel_loop3A_251 = arith.addi %mul3A_200, %parallel_loop3A_250 : i32
        %parallel_loop3A_252 = arith.index_cast %parallel_loop3A_249 : i32 to index
        %parallel_loop3A_253 = arith.index_cast %parallel_loop3A_251 : i32 to index
        %parallel_loop3A_254 = tpu.vector_load %arg8[%parallel_loop3A_252, %parallel_loop3A_253] {strides = array<i32>} : memref<32x1024xf32, #tpu.memory_space<vmem>>, vector<16xf32>,
        tpu.vector_store %arg8[%parallel_loop3A_252, %parallel_loop3A_253], %parallel_loop3A_247 {strides = array<i32>} : memref<32x1024xf32, #tpu.memory_space<vmem>>, vector<16xf32>,
        %parallel_loop3A_255 = tpu.vector_load_idx %arg7[%parallel_loop3A_238, %get3A_211] : memref<16x1024xf32, #tpu.memory_space<vmem>>[vector<16xi32>, vector<16xi32>], vector<16xf32>,
        %parallel_loop3A_256 = arith.constant 16 : i32
        %parallel_loop3A_257 = arith.addi %parallel_loop3A_256, %parallel_loop3A_234 : i32
        %parallel_loop3A_258 = arith.constant 32 : i32
        %parallel_loop3A_259 = arith.addi %mul3A_200, %parallel_loop3A_258 : i32
        %parallel_loop3A_260 = arith.index_cast %parallel_loop3A_257 : i32 to index
        %parallel_loop3A_261 = arith.index_cast %parallel_loop3A_259 : i32 to index
        %parallel_loop3A_262 = tpu.vector_load %arg8[%parallel_loop3A_260, %parallel_loop3A_261] {strides = array<i32>} : memref<32x1024xf32, #tpu.memory_space<vmem>>, vector<16xf32>,
        tpu.vector_store %arg8[%parallel_loop3A_260, %parallel_loop3A_261], %parallel_loop3A_255 {strides = array<i32>} : memref<32x1024xf32, #tpu.memory_space<vmem>>, vector<16xf32>,
        %parallel_loop3A_263 = tpu.vector_load_idx %arg7[%parallel_loop3A_238, %get3A_215] : memref<16x1024xf32, #tpu.memory_space<vmem>>[vector<16xi32>, vector<16xi32>], vector<16xf32>,
        %parallel_loop3A_264 = arith.constant 16 : i32
        %parallel_loop3A_265 = arith.addi %parallel_loop3A_264, %parallel_loop3A_234 : i32
        %parallel_loop3A_266 = arith.constant 48 : i32
        %parallel_loop3A_267 = arith.addi %mul3A_200, %parallel_loop3A_266 : i32
        %parallel_loop3A_268 = arith.index_cast %parallel_loop3A_265 : i32 to index
        %parallel_loop3A_269 = arith.index_cast %parallel_loop3A_267 : i32 to index
        %parallel_loop3A_270 = tpu.vector_load %arg8[%parallel_loop3A_268, %parallel_loop3A_269] {strides = array<i32>} : memref<32x1024xf32, #tpu.memory_space<vmem>>, vector<16xf32>,
        tpu.vector_store %arg8[%parallel_loop3A_268, %parallel_loop3A_269], %parallel_loop3A_263 {strides = array<i32>} : memref<32x1024xf32, #tpu.memory_space<vmem>>, vector<16xf32>,
        %parallel_loop3A_271 = tpu.vector_load_idx %arg7[%parallel_loop3A_238, %get3A_219] : memref<16x1024xf32, #tpu.memory_space<vmem>>[vector<16xi32>, vector<16xi32>], vector<16xf32>,
        %parallel_loop3A_272 = arith.constant 16 : i32
        %parallel_loop3A_273 = arith.addi %parallel_loop3A_272, %parallel_loop3A_234 : i32
        %parallel_loop3A_274 = arith.constant 64 : i32
        %parallel_loop3A_275 = arith.addi %mul3A_200, %parallel_loop3A_274 : i32
        %parallel_loop3A_276 = arith.index_cast %parallel_loop3A_273 : i32 to index
        %parallel_loop3A_277 = arith.index_cast %parallel_loop3A_275 : i32 to index
        %parallel_loop3A_278 = tpu.vector_load %arg8[%parallel_loop3A_276, %parallel_loop3A_277] {strides = array<i32>} : memref<32x1024xf32, #tpu.memory_space<vmem>>, vector<16xf32>,
        tpu.vector_store %arg8[%parallel_loop3A_276, %parallel_loop3A_277], %parallel_loop3A_271 {strides = array<i32>} : memref<32x1024xf32, #tpu.memory_space<vmem>>, vector<16xf32>,
        %parallel_loop3A_279 = tpu.vector_load_idx %arg7[%parallel_loop3A_238, %get3A_223] : memref<16x1024xf32, #tpu.memory_space<vmem>>[vector<16xi32>, vector<16xi32>], vector<16xf32>,
        %parallel_loop3A_280 = arith.constant 16 : i32
        %parallel_loop3A_281 = arith.addi %parallel_loop3A_280, %parallel_loop3A_234 : i32
        %parallel_loop3A_282 = arith.constant 80 : i32
        %parallel_loop3A_283 = arith.addi %mul3A_200, %parallel_loop3A_282 : i32
        %parallel_loop3A_284 = arith.index_cast %parallel_loop3A_281 : i32 to index
        %parallel_loop3A_285 = arith.index_cast %parallel_loop3A_283 : i32 to index
        %parallel_loop3A_286 = tpu.vector_load %arg8[%parallel_loop3A_284, %parallel_loop3A_285] {strides = array<i32>} : memref<32x1024xf32, #tpu.memory_space<vmem>>, vector<16xf32>,
        tpu.vector_store %arg8[%parallel_loop3A_284, %parallel_loop3A_285], %parallel_loop3A_279 {strides = array<i32>} : memref<32x1024xf32, #tpu.memory_space<vmem>>, vector<16xf32>,
        %parallel_loop3A_287 = tpu.vector_load_idx %arg7[%parallel_loop3A_238, %get3A_227] : memref<16x1024xf32, #tpu.memory_space<vmem>>[vector<16xi32>, vector<16xi32>], vector<16xf32>,
        %parallel_loop3A_288 = arith.constant 16 : i32
        %parallel_loop3A_289 = arith.addi %parallel_loop3A_288, %parallel_loop3A_234 : i32
        %parallel_loop3A_290 = arith.constant 96 : i32
        %parallel_loop3A_291 = arith.addi %mul3A_200, %parallel_loop3A_290 : i32
        %parallel_loop3A_292 = arith.index_cast %parallel_loop3A_289 : i32 to index
        %parallel_loop3A_293 = arith.index_cast %parallel_loop3A_291 : i32 to index
        %parallel_loop3A_294 = tpu.vector_load %arg8[%parallel_loop3A_292, %parallel_loop3A_293] {strides = array<i32>} : memref<32x1024xf32, #tpu.memory_space<vmem>>, vector<16xf32>,
        tpu.vector_store %arg8[%parallel_loop3A_292, %parallel_loop3A_293], %parallel_loop3A_287 {strides = array<i32>} : memref<32x1024xf32, #tpu.memory_space<vmem>>, vector<16xf32>,
        %parallel_loop3A_295 = tpu.vector_load_idx %arg7[%parallel_loop3A_238, %get3A_231] : memref<16x1024xf32, #tpu.memory_space<vmem>>[vector<16xi32>, vector<16xi32>], vector<16xf32>,
        %parallel_loop3A_296 = arith.constant 16 : i32
        %parallel_loop3A_297 = arith.addi %parallel_loop3A_296, %parallel_loop3A_234 : i32
        %parallel_loop3A_298 = arith.constant 112 : i32
        %parallel_loop3A_299 = arith.addi %mul3A_200, %parallel_loop3A_298 : i32
        %parallel_loop3A_300 = arith.index_cast %parallel_loop3A_297 : i32 to index
        %parallel_loop3A_301 = arith.index_cast %parallel_loop3A_299 : i32 to index
        %parallel_loop3A_302 = tpu.vector_load %arg8[%parallel_loop3A_300, %parallel_loop3A_301] {strides = array<i32>} : memref<32x1024xf32, #tpu.memory_space<vmem>>, vector<16xf32>,
        tpu.vector_store %arg8[%parallel_loop3A_300, %parallel_loop3A_301], %parallel_loop3A_295 {strides = array<i32>} : memref<32x1024xf32, #tpu.memory_space<vmem>>, vector<16xf32>,
      } {sc.loop_unroll_factor = 2 : i64, sc.parallel_access}
    }
    %scan3A_41 = arith.constant 8 : i32
    %add3A_42 = arith.constant 0 : i32
    %add3A_43 = arith.addi %mul3A_2, %add3A_42 : i32
    %dma_start3A_44 = arith.constant 0 : i32
    %dma_start3A_45 = tpu.memref_slice %arg4[%add3A_43, %dma_start3A_44] : memref<16384x1024xf32, #tpu.memory_space<hbm>> -> memref<32x1024xf32, #tpu.memory_space<hbm>>
    %dma_start3A_46 = arith.constant 0 : i32
    %dma_start3A_47 = tpu.memref_slice %arg4[%add3A_43, %dma_start3A_46] : memref<16384x1024xf32, #tpu.memory_space<hbm>> -> memref<32x1024xf32, #tpu.memory_space<hbm>>
    tpu.enqueue_dma source(%arg8 : memref<32x1024xf32, #tpu.memory_space<vmem>>) target(%dma_start3A_47 : memref<32x1024xf32, #tpu.memory_space<hbm>>) target_semaphore(%arg11 : memref<!tpu.dma_semaphore, #tpu.memory_space<semaphore_mem>>)
    %add3A_48 = arith.constant 48 : i32
    %add3A_49 = arith.addi %mul3A_2, %add3A_48 : i32
    %dma_start3A_50 = arith.constant 0 : i32
    %dma_start3A_51 = tpu.memref_slice %arg2[%add3A_49, %dma_start3A_50] : memref<16384x1024xf32, #tpu.memory_space<hbm>> -> memref<16x1024xf32, #tpu.memory_space<hbm>>
    %dma_start3A_52 = arith.constant 0 : i32
    %dma_start3A_53 = tpu.memref_slice %arg2[%add3A_49, %dma_start3A_52] : memref<16384x1024xf32, #tpu.memory_space<hbm>> -> memref<16x1024xf32, #tpu.memory_space<hbm>>
    tpu.enqueue_dma source(%dma_start3A_53 : memref<16x1024xf32, #tpu.memory_space<hbm>>) target(%arg7 : memref<16x1024xf32, #tpu.memory_space<vmem>>) target_semaphore(%arg10 : memref<!tpu.dma_semaphore, #tpu.memory_space<semaphore_mem>>)
    %add3A_54 = arith.constant 32 : i32
    %add3A_55 = arith.addi %mul3A_2, %add3A_54 : i32
    %dma_wait3A_56 = arith.constant 0 : i32
    %dma_wait3A_57 = tpu.memref_slice %arg2[%add3A_55, %dma_wait3A_56] : memref<16384x1024xf32, #tpu.memory_space<hbm>> -> memref<16x1024xf32, #tpu.memory_space<hbm>>
    %dma_wait3A_58 = arith.constant 0 : i32
    %dma_wait3A_59 = tpu.memref_slice %arg2[%add3A_55, %dma_wait3A_58] : memref<16384x1024xf32, #tpu.memory_space<hbm>> -> memref<16x1024xf32, #tpu.memory_space<hbm>>
    tpu.wait_dma2 semaphore(%arg10 : memref<!tpu.dma_semaphore, #tpu.memory_space<semaphore_mem>>) src(%dma_wait3A_59 : memref<16x1024xf32, #tpu.memory_space<hbm>>) dst(%arg6 : memref<16x1024xf32, #tpu.memory_space<vmem>>)
    %scan3A_60 = arith.constant 0 : i32
    %scan3A_61 = arith.constant 0 : i32
    %scan3A_62 = arith.constant 8 : i32
    %scan3A_63 = arith.addi %scan3A_61, %scan3A_62 : i32
    %scan3A_64 = arith.constant 1 : i32
    scf.for %scan3A_198 = %scan3A_61 to %scan3A_63 step %scan3A_64  : i32 {
      %mul3A_199 = arith.constant 128 : i32
      %mul3A_200 = arith.muli %scan3A_198, %mul3A_199 : i32
      %add3A_201 = arith.constant 0 : i32
      %add3A_202 = arith.addi %mul3A_200, %add3A_201 : i32
      %get3A = arith.index_cast %add3A_202 : i32 to index
      %get3A_203 = tpu.vector_load %arg5[%get3A] {strides = array<i32>} : memref<1024xi32, #tpu.memory_space<vmem>>, vector<16xi32>,
      %add3A_204 = arith.constant 16 : i32
      %add3A_205 = arith.addi %mul3A_200, %add3A_204 : i32
      %get3A_206 = arith.index_cast %add3A_205 : i32 to index
      %get3A_207 = tpu.vector_load %arg5[%get3A_206] {strides = array<i32>} : memref<1024xi32, #tpu.memory_space<vmem>>, vector<16xi32>,
      %add3A_208 = arith.constant 32 : i32
      %add3A_209 = arith.addi %mul3A_200, %add3A_208 : i32
      %get3A_210 = arith.index_cast %add3A_209 : i32 to index
      %get3A_211 = tpu.vector_load %arg5[%get3A_210] {strides = array<i32>} : memref<1024xi32, #tpu.memory_space<vmem>>, vector<16xi32>,
      %add3A_212 = arith.constant 48 : i32
      %add3A_213 = arith.addi %mul3A_200, %add3A_212 : i32
      %get3A_214 = arith.index_cast %add3A_213 : i32 to index
      %get3A_215 = tpu.vector_load %arg5[%get3A_214] {strides = array<i32>} : memref<1024xi32, #tpu.memory_space<vmem>>, vector<16xi32>,
      %add3A_216 = arith.constant 64 : i32
      %add3A_217 = arith.addi %mul3A_200, %add3A_216 : i32
      %get3A_218 = arith.index_cast %add3A_217 : i32 to index
      %get3A_219 = tpu.vector_load %arg5[%get3A_218] {strides = array<i32>} : memref<1024xi32, #tpu.memory_space<vmem>>, vector<16xi32>,
      %add3A_220 = arith.constant 80 : i32
      %add3A_221 = arith.addi %mul3A_200, %add3A_220 : i32
      %get3A_222 = arith.index_cast %add3A_221 : i32 to index
      %get3A_223 = tpu.vector_load %arg5[%get3A_222] {strides = array<i32>} : memref<1024xi32, #tpu.memory_space<vmem>>, vector<16xi32>,
      %add3A_224 = arith.constant 96 : i32
      %add3A_225 = arith.addi %mul3A_200, %add3A_224 : i32
      %get3A_226 = arith.index_cast %add3A_225 : i32 to index
      %get3A_227 = tpu.vector_load %arg5[%get3A_226] {strides = array<i32>} : memref<1024xi32, #tpu.memory_space<vmem>>, vector<16xi32>,
      %add3A_228 = arith.constant 112 : i32
      %add3A_229 = arith.addi %mul3A_200, %add3A_228 : i32
      %get3A_230 = arith.index_cast %add3A_229 : i32 to index
      %get3A_231 = tpu.vector_load %arg5[%get3A_230] {strides = array<i32>} : memref<1024xi32, #tpu.memory_space<vmem>>, vector<16xi32>,
      %parallel_loop3A = arith.constant 0 : i32
      %parallel_loop3A_232 = arith.constant 16 : i32
      %parallel_loop3A_233 = arith.constant 1 : i32
      scf.for %parallel_loop3A_234 = %parallel_loop3A to %parallel_loop3A_232 step %parallel_loop3A_233  : i32 {
        %parallel_loop3A_235 = arith.constant 0 : i32
        %parallel_loop3A_236 = vector.broadcast %parallel_loop3A_235 : i32 to vector<16xi32>
        %parallel_loop3A_237 = vector.broadcast %parallel_loop3A_234 : i32 to vector<16xi32>
        %parallel_loop3A_238 = arith.addi %parallel_loop3A_236, %parallel_loop3A_237 : vector<16xi32>
        %parallel_loop3A_239 = tpu.vector_load_idx %arg6[%parallel_loop3A_238, %get3A_203] : memref<16x1024xf32, #tpu.memory_space<vmem>>[vector<16xi32>, vector<16xi32>], vector<16xf32>,
        %parallel_loop3A_240 = arith.constant 0 : i32
        %parallel_loop3A_241 = arith.addi %parallel_loop3A_240, %parallel_loop3A_234 : i32
        %parallel_loop3A_242 = arith.constant 0 : i32
        %parallel_loop3A_243 = arith.addi %mul3A_200, %parallel_loop3A_242 : i32
        %parallel_loop3A_244 = arith.index_cast %parallel_loop3A_241 : i32 to index
        %parallel_loop3A_245 = arith.index_cast %parallel_loop3A_243 : i32 to index
        %parallel_loop3A_246 = tpu.vector_load %arg9[%parallel_loop3A_244, %parallel_loop3A_245] {strides = array<i32>} : memref<32x1024xf32, #tpu.memory_space<vmem>>, vector<16xf32>,
        tpu.vector_store %arg9[%parallel_loop3A_244, %parallel_loop3A_245], %parallel_loop3A_239 {strides = array<i32>} : memref<32x1024xf32, #tpu.memory_space<vmem>>, vector<16xf32>,
        %parallel_loop3A_247 = tpu.vector_load_idx %arg6[%parallel_loop3A_238, %get3A_207] : memref<16x1024xf32, #tpu.memory_space<vmem>>[vector<16xi32>, vector<16xi32>], vector<16xf32>,
        %parallel_loop3A_248 = arith.constant 0 : i32
        %parallel_loop3A_249 = arith.addi %parallel_loop3A_248, %parallel_loop3A_234 : i32
        %parallel_loop3A_250 = arith.constant 16 : i32
        %parallel_loop3A_251 = arith.addi %mul3A_200, %parallel_loop3A_250 : i32
        %parallel_loop3A_252 = arith.index_cast %parallel_loop3A_249 : i32 to index
        %parallel_loop3A_253 = arith.index_cast %parallel_loop3A_251 : i32 to index
        %parallel_loop3A_254 = tpu.vector_load %arg9[%parallel_loop3A_252, %parallel_loop3A_253] {strides = array<i32>} : memref<32x1024xf32, #tpu.memory_space<vmem>>, vector<16xf32>,
        tpu.vector_store %arg9[%parallel_loop3A_252, %parallel_loop3A_253], %parallel_loop3A_247 {strides = array<i32>} : memref<32x1024xf32, #tpu.memory_space<vmem>>, vector<16xf32>,
        %parallel_loop3A_255 = tpu.vector_load_idx %arg6[%parallel_loop3A_238, %get3A_211] : memref<16x1024xf32, #tpu.memory_space<vmem>>[vector<16xi32>, vector<16xi32>], vector<16xf32>,
        %parallel_loop3A_256 = arith.constant 0 : i32
        %parallel_loop3A_257 = arith.addi %parallel_loop3A_256, %parallel_loop3A_234 : i32
        %parallel_loop3A_258 = arith.constant 32 : i32
        %parallel_loop3A_259 = arith.addi %mul3A_200, %parallel_loop3A_258 : i32
        %parallel_loop3A_260 = arith.index_cast %parallel_loop3A_257 : i32 to index
        %parallel_loop3A_261 = arith.index_cast %parallel_loop3A_259 : i32 to index
        %parallel_loop3A_262 = tpu.vector_load %arg9[%parallel_loop3A_260, %parallel_loop3A_261] {strides = array<i32>} : memref<32x1024xf32, #tpu.memory_space<vmem>>, vector<16xf32>,
        tpu.vector_store %arg9[%parallel_loop3A_260, %parallel_loop3A_261], %parallel_loop3A_255 {strides = array<i32>} : memref<32x1024xf32, #tpu.memory_space<vmem>>, vector<16xf32>,
        %parallel_loop3A_263 = tpu.vector_load_idx %arg6[%parallel_loop3A_238, %get3A_215] : memref<16x1024xf32, #tpu.memory_space<vmem>>[vector<16xi32>, vector<16xi32>], vector<16xf32>,
        %parallel_loop3A_264 = arith.constant 0 : i32
        %parallel_loop3A_265 = arith.addi %parallel_loop3A_264, %parallel_loop3A_234 : i32
        %parallel_loop3A_266 = arith.constant 48 : i32
        %parallel_loop3A_267 = arith.addi %mul3A_200, %parallel_loop3A_266 : i32
        %parallel_loop3A_268 = arith.index_cast %parallel_loop3A_265 : i32 to index
        %parallel_loop3A_269 = arith.index_cast %parallel_loop3A_267 : i32 to index
        %parallel_loop3A_270 = tpu.vector_load %arg9[%parallel_loop3A_268, %parallel_loop3A_269] {strides = array<i32>} : memref<32x1024xf32, #tpu.memory_space<vmem>>, vector<16xf32>,
        tpu.vector_store %arg9[%parallel_loop3A_268, %parallel_loop3A_269], %parallel_loop3A_263 {strides = array<i32>} : memref<32x1024xf32, #tpu.memory_space<vmem>>, vector<16xf32>,
        %parallel_loop3A_271 = tpu.vector_load_idx %arg6[%parallel_loop3A_238, %get3A_219] : memref<16x1024xf32, #tpu.memory_space<vmem>>[vector<16xi32>, vector<16xi32>], vector<16xf32>,
        %parallel_loop3A_272 = arith.constant 0 : i32
        %parallel_loop3A_273 = arith.addi %parallel_loop3A_272, %parallel_loop3A_234 : i32
        %parallel_loop3A_274 = arith.constant 64 : i32
        %parallel_loop3A_275 = arith.addi %mul3A_200, %parallel_loop3A_274 : i32
        %parallel_loop3A_276 = arith.index_cast %parallel_loop3A_273 : i32 to index
        %parallel_loop3A_277 = arith.index_cast %parallel_loop3A_275 : i32 to index
        %parallel_loop3A_278 = tpu.vector_load %arg9[%parallel_loop3A_276, %parallel_loop3A_277] {strides = array<i32>} : memref<32x1024xf32, #tpu.memory_space<vmem>>, vector<16xf32>,
        tpu.vector_store %arg9[%parallel_loop3A_276, %parallel_loop3A_277], %parallel_loop3A_271 {strides = array<i32>} : memref<32x1024xf32, #tpu.memory_space<vmem>>, vector<16xf32>,
        %parallel_loop3A_279 = tpu.vector_load_idx %arg6[%parallel_loop3A_238, %get3A_223] : memref<16x1024xf32, #tpu.memory_space<vmem>>[vector<16xi32>, vector<16xi32>], vector<16xf32>,
        %parallel_loop3A_280 = arith.constant 0 : i32
        %parallel_loop3A_281 = arith.addi %parallel_loop3A_280, %parallel_loop3A_234 : i32
        %parallel_loop3A_282 = arith.constant 80 : i32
        %parallel_loop3A_283 = arith.addi %mul3A_200, %parallel_loop3A_282 : i32
        %parallel_loop3A_284 = arith.index_cast %parallel_loop3A_281 : i32 to index
        %parallel_loop3A_285 = arith.index_cast %parallel_loop3A_283 : i32 to index
        %parallel_loop3A_286 = tpu.vector_load %arg9[%parallel_loop3A_284, %parallel_loop3A_285] {strides = array<i32>} : memref<32x1024xf32, #tpu.memory_space<vmem>>, vector<16xf32>,
        tpu.vector_store %arg9[%parallel_loop3A_284, %parallel_loop3A_285], %parallel_loop3A_279 {strides = array<i32>} : memref<32x1024xf32, #tpu.memory_space<vmem>>, vector<16xf32>,
        %parallel_loop3A_287 = tpu.vector_load_idx %arg6[%parallel_loop3A_238, %get3A_227] : memref<16x1024xf32, #tpu.memory_space<vmem>>[vector<16xi32>, vector<16xi32>], vector<16xf32>,
        %parallel_loop3A_288 = arith.constant 0 : i32
        %parallel_loop3A_289 = arith.addi %parallel_loop3A_288, %parallel_loop3A_234 : i32
        %parallel_loop3A_290 = arith.constant 96 : i32
        %parallel_loop3A_291 = arith.addi %mul3A_200, %parallel_loop3A_290 : i32
        %parallel_loop3A_292 = arith.index_cast %parallel_loop3A_289 : i32 to index
        %parallel_loop3A_293 = arith.index_cast %parallel_loop3A_291 : i32 to index
        %parallel_loop3A_294 = tpu.vector_load %arg9[%parallel_loop3A_292, %parallel_loop3A_293] {strides = array<i32>} : memref<32x1024xf32, #tpu.memory_space<vmem>>, vector<16xf32>,
        tpu.vector_store %arg9[%parallel_loop3A_292, %parallel_loop3A_293], %parallel_loop3A_287 {strides = array<i32>} : memref<32x1024xf32, #tpu.memory_space<vmem>>, vector<16xf32>,
        %parallel_loop3A_295 = tpu.vector_load_idx %arg6[%parallel_loop3A_238, %get3A_231] : memref<16x1024xf32, #tpu.memory_space<vmem>>[vector<16xi32>, vector<16xi32>], vector<16xf32>,
        %parallel_loop3A_296 = arith.constant 0 : i32
        %parallel_loop3A_297 = arith.addi %parallel_loop3A_296, %parallel_loop3A_234 : i32
        %parallel_loop3A_298 = arith.constant 112 : i32
        %parallel_loop3A_299 = arith.addi %mul3A_200, %parallel_loop3A_298 : i32
        %parallel_loop3A_300 = arith.index_cast %parallel_loop3A_297 : i32 to index
        %parallel_loop3A_301 = arith.index_cast %parallel_loop3A_299 : i32 to index
        %parallel_loop3A_302 = tpu.vector_load %arg9[%parallel_loop3A_300, %parallel_loop3A_301] {strides = array<i32>} : memref<32x1024xf32, #tpu.memory_space<vmem>>, vector<16xf32>,
        tpu.vector_store %arg9[%parallel_loop3A_300, %parallel_loop3A_301], %parallel_loop3A_295 {strides = array<i32>} : memref<32x1024xf32, #tpu.memory_space<vmem>>, vector<16xf32>,
      } {sc.loop_unroll_factor = 2 : i64, sc.parallel_access}
    }
    %scan3A_65 = arith.constant 8 : i32
    %add3A_66 = arith.constant 64 : i32
    %add3A_67 = arith.addi %mul3A_2, %add3A_66 : i32
    %dma_start3A_68 = arith.constant 0 : i32
    %dma_start3A_69 = tpu.memref_slice %arg2[%add3A_67, %dma_start3A_68] : memref<16384x1024xf32, #tpu.memory_space<hbm>> -> memref<16x1024xf32, #tpu.memory_space<hbm>>
    %dma_start3A_70 = arith.constant 0 : i32
    %dma_start3A_71 = tpu.memref_slice %arg2[%add3A_67, %dma_start3A_70] : memref<16384x1024xf32, #tpu.memory_space<hbm>> -> memref<16x1024xf32, #tpu.memory_space<hbm>>
    tpu.enqueue_dma source(%dma_start3A_71 : memref<16x1024xf32, #tpu.memory_space<hbm>>) target(%arg6 : memref<16x1024xf32, #tpu.memory_space<vmem>>) target_semaphore(%arg10 : memref<!tpu.dma_semaphore, #tpu.memory_space<semaphore_mem>>)
    %add3A_72 = arith.constant 48 : i32
    %add3A_73 = arith.addi %mul3A_2, %add3A_72 : i32
    %dma_wait3A_74 = arith.constant 0 : i32
    %dma_wait3A_75 = tpu.memref_slice %arg2[%add3A_73, %dma_wait3A_74] : memref<16384x1024xf32, #tpu.memory_space<hbm>> -> memref<16x1024xf32, #tpu.memory_space<hbm>>
    %dma_wait3A_76 = arith.constant 0 : i32
    %dma_wait3A_77 = tpu.memref_slice %arg2[%add3A_73, %dma_wait3A_76] : memref<16384x1024xf32, #tpu.memory_space<hbm>> -> memref<16x1024xf32, #tpu.memory_space<hbm>>
    tpu.wait_dma2 semaphore(%arg10 : memref<!tpu.dma_semaphore, #tpu.memory_space<semaphore_mem>>) src(%dma_wait3A_77 : memref<16x1024xf32, #tpu.memory_space<hbm>>) dst(%arg7 : memref<16x1024xf32, #tpu.memory_space<vmem>>)
    %scan3A_78 = arith.constant 0 : i32
    %scan3A_79 = arith.constant 0 : i32
    %scan3A_80 = arith.constant 8 : i32
    %scan3A_81 = arith.addi %scan3A_79, %scan3A_80 : i32
    %scan3A_82 = arith.constant 1 : i32
    scf.for %scan3A_198 = %scan3A_79 to %scan3A_81 step %scan3A_82  : i32 {
      %mul3A_199 = arith.constant 128 : i32
      %mul3A_200 = arith.muli %scan3A_198, %mul3A_199 : i32
      %add3A_201 = arith.constant 0 : i32
      %add3A_202 = arith.addi %mul3A_200, %add3A_201 : i32
      %get3A = arith.index_cast %add3A_202 : i32 to index
      %get3A_203 = tpu.vector_load %arg5[%get3A] {strides = array<i32>} : memref<1024xi32, #tpu.memory_space<vmem>>, vector<16xi32>,
      %add3A_204 = arith.constant 16 : i32
      %add3A_205 = arith.addi %mul3A_200, %add3A_204 : i32
      %get3A_206 = arith.index_cast %add3A_205 : i32 to index
      %get3A_207 = tpu.vector_load %arg5[%get3A_206] {strides = array<i32>} : memref<1024xi32, #tpu.memory_space<vmem>>, vector<16xi32>,
      %add3A_208 = arith.constant 32 : i32
      %add3A_209 = arith.addi %mul3A_200, %add3A_208 : i32
      %get3A_210 = arith.index_cast %add3A_209 : i32 to index
      %get3A_211 = tpu.vector_load %arg5[%get3A_210] {strides = array<i32>} : memref<1024xi32, #tpu.memory_space<vmem>>, vector<16xi32>,
      %add3A_212 = arith.constant 48 : i32
      %add3A_213 = arith.addi %mul3A_200, %add3A_212 : i32
      %get3A_214 = arith.index_cast %add3A_213 : i32 to index
      %get3A_215 = tpu.vector_load %arg5[%get3A_214] {strides = array<i32>} : memref<1024xi32, #tpu.memory_space<vmem>>, vector<16xi32>,
      %add3A_216 = arith.constant 64 : i32
      %add3A_217 = arith.addi %mul3A_200, %add3A_216 : i32
      %get3A_218 = arith.index_cast %add3A_217 : i32 to index
      %get3A_219 = tpu.vector_load %arg5[%get3A_218] {strides = array<i32>} : memref<1024xi32, #tpu.memory_space<vmem>>, vector<16xi32>,
      %add3A_220 = arith.constant 80 : i32
      %add3A_221 = arith.addi %mul3A_200, %add3A_220 : i32
      %get3A_222 = arith.index_cast %add3A_221 : i32 to index
      %get3A_223 = tpu.vector_load %arg5[%get3A_222] {strides = array<i32>} : memref<1024xi32, #tpu.memory_space<vmem>>, vector<16xi32>,
      %add3A_224 = arith.constant 96 : i32
      %add3A_225 = arith.addi %mul3A_200, %add3A_224 : i32
      %get3A_226 = arith.index_cast %add3A_225 : i32 to index
      %get3A_227 = tpu.vector_load %arg5[%get3A_226] {strides = array<i32>} : memref<1024xi32, #tpu.memory_space<vmem>>, vector<16xi32>,
      %add3A_228 = arith.constant 112 : i32
      %add3A_229 = arith.addi %mul3A_200, %add3A_228 : i32
      %get3A_230 = arith.index_cast %add3A_229 : i32 to index
      %get3A_231 = tpu.vector_load %arg5[%get3A_230] {strides = array<i32>} : memref<1024xi32, #tpu.memory_space<vmem>>, vector<16xi32>,
      %parallel_loop3A = arith.constant 0 : i32
      %parallel_loop3A_232 = arith.constant 16 : i32
      %parallel_loop3A_233 = arith.constant 1 : i32
      scf.for %parallel_loop3A_234 = %parallel_loop3A to %parallel_loop3A_232 step %parallel_loop3A_233  : i32 {
        %parallel_loop3A_235 = arith.constant 0 : i32
        %parallel_loop3A_236 = vector.broadcast %parallel_loop3A_235 : i32 to vector<16xi32>
        %parallel_loop3A_237 = vector.broadcast %parallel_loop3A_234 : i32 to vector<16xi32>
        %parallel_loop3A_238 = arith.addi %parallel_loop3A_236, %parallel_loop3A_237 : vector<16xi32>
        %parallel_loop3A_239 = tpu.vector_load_idx %arg7[%parallel_loop3A_238, %get3A_203] : memref<16x1024xf32, #tpu.memory_space<vmem>>[vector<16xi32>, vector<16xi32>], vector<16xf32>,
        %parallel_loop3A_240 = arith.constant 16 : i32
        %parallel_loop3A_241 = arith.addi %parallel_loop3A_240, %parallel_loop3A_234 : i32
        %parallel_loop3A_242 = arith.constant 0 : i32
        %parallel_loop3A_243 = arith.addi %mul3A_200, %parallel_loop3A_242 : i32
        %parallel_loop3A_244 = arith.index_cast %parallel_loop3A_241 : i32 to index
        %parallel_loop3A_245 = arith.index_cast %parallel_loop3A_243 : i32 to index
        %parallel_loop3A_246 = tpu.vector_load %arg9[%parallel_loop3A_244, %parallel_loop3A_245] {strides = array<i32>} : memref<32x1024xf32, #tpu.memory_space<vmem>>, vector<16xf32>,
        tpu.vector_store %arg9[%parallel_loop3A_244, %parallel_loop3A_245], %parallel_loop3A_239 {strides = array<i32>} : memref<32x1024xf32, #tpu.memory_space<vmem>>, vector<16xf32>,
        %parallel_loop3A_247 = tpu.vector_load_idx %arg7[%parallel_loop3A_238, %get3A_207] : memref<16x1024xf32, #tpu.memory_space<vmem>>[vector<16xi32>, vector<16xi32>], vector<16xf32>,
        %parallel_loop3A_248 = arith.constant 16 : i32
        %parallel_loop3A_249 = arith.addi %parallel_loop3A_248, %parallel_loop3A_234 : i32
        %parallel_loop3A_250 = arith.constant 16 : i32
        %parallel_loop3A_251 = arith.addi %mul3A_200, %parallel_loop3A_250 : i32
        %parallel_loop3A_252 = arith.index_cast %parallel_loop3A_249 : i32 to index
        %parallel_loop3A_253 = arith.index_cast %parallel_loop3A_251 : i32 to index
        %parallel_loop3A_254 = tpu.vector_load %arg9[%parallel_loop3A_252, %parallel_loop3A_253] {strides = array<i32>} : memref<32x1024xf32, #tpu.memory_space<vmem>>, vector<16xf32>,
        tpu.vector_store %arg9[%parallel_loop3A_252, %parallel_loop3A_253], %parallel_loop3A_247 {strides = array<i32>} : memref<32x1024xf32, #tpu.memory_space<vmem>>, vector<16xf32>,
        %parallel_loop3A_255 = tpu.vector_load_idx %arg7[%parallel_loop3A_238, %get3A_211] : memref<16x1024xf32, #tpu.memory_space<vmem>>[vector<16xi32>, vector<16xi32>], vector<16xf32>,
        %parallel_loop3A_256 = arith.constant 16 : i32
        %parallel_loop3A_257 = arith.addi %parallel_loop3A_256, %parallel_loop3A_234 : i32
        %parallel_loop3A_258 = arith.constant 32 : i32
        %parallel_loop3A_259 = arith.addi %mul3A_200, %parallel_loop3A_258 : i32
        %parallel_loop3A_260 = arith.index_cast %parallel_loop3A_257 : i32 to index
        %parallel_loop3A_261 = arith.index_cast %parallel_loop3A_259 : i32 to index
        %parallel_loop3A_262 = tpu.vector_load %arg9[%parallel_loop3A_260, %parallel_loop3A_261] {strides = array<i32>} : memref<32x1024xf32, #tpu.memory_space<vmem>>, vector<16xf32>,
        tpu.vector_store %arg9[%parallel_loop3A_260, %parallel_loop3A_261], %parallel_loop3A_255 {strides = array<i32>} : memref<32x1024xf32, #tpu.memory_space<vmem>>, vector<16xf32>,
        %parallel_loop3A_263 = tpu.vector_load_idx %arg7[%parallel_loop3A_238, %get3A_215] : memref<16x1024xf32, #tpu.memory_space<vmem>>[vector<16xi32>, vector<16xi32>], vector<16xf32>,
        %parallel_loop3A_264 = arith.constant 16 : i32
        %parallel_loop3A_265 = arith.addi %parallel_loop3A_264, %parallel_loop3A_234 : i32
        %parallel_loop3A_266 = arith.constant 48 : i32
        %parallel_loop3A_267 = arith.addi %mul3A_200, %parallel_loop3A_266 : i32
        %parallel_loop3A_268 = arith.index_cast %parallel_loop3A_265 : i32 to index
        %parallel_loop3A_269 = arith.index_cast %parallel_loop3A_267 : i32 to index
        %parallel_loop3A_270 = tpu.vector_load %arg9[%parallel_loop3A_268, %parallel_loop3A_269] {strides = array<i32>} : memref<32x1024xf32, #tpu.memory_space<vmem>>, vector<16xf32>,
        tpu.vector_store %arg9[%parallel_loop3A_268, %parallel_loop3A_269], %parallel_loop3A_263 {strides = array<i32>} : memref<32x1024xf32, #tpu.memory_space<vmem>>, vector<16xf32>,
        %parallel_loop3A_271 = tpu.vector_load_idx %arg7[%parallel_loop3A_238, %get3A_219] : memref<16x1024xf32, #tpu.memory_space<vmem>>[vector<16xi32>, vector<16xi32>], vector<16xf32>,
        %parallel_loop3A_272 = arith.constant 16 : i32
        %parallel_loop3A_273 = arith.addi %parallel_loop3A_272, %parallel_loop3A_234 : i32
        %parallel_loop3A_274 = arith.constant 64 : i32
        %parallel_loop3A_275 = arith.addi %mul3A_200, %parallel_loop3A_274 : i32
        %parallel_loop3A_276 = arith.index_cast %parallel_loop3A_273 : i32 to index
        %parallel_loop3A_277 = arith.index_cast %parallel_loop3A_275 : i32 to index
        %parallel_loop3A_278 = tpu.vector_load %arg9[%parallel_loop3A_276, %parallel_loop3A_277] {strides = array<i32>} : memref<32x1024xf32, #tpu.memory_space<vmem>>, vector<16xf32>,
        tpu.vector_store %arg9[%parallel_loop3A_276, %parallel_loop3A_277], %parallel_loop3A_271 {strides = array<i32>} : memref<32x1024xf32, #tpu.memory_space<vmem>>, vector<16xf32>,
        %parallel_loop3A_279 = tpu.vector_load_idx %arg7[%parallel_loop3A_238, %get3A_223] : memref<16x1024xf32, #tpu.memory_space<vmem>>[vector<16xi32>, vector<16xi32>], vector<16xf32>,
        %parallel_loop3A_280 = arith.constant 16 : i32
        %parallel_loop3A_281 = arith.addi %parallel_loop3A_280, %parallel_loop3A_234 : i32
        %parallel_loop3A_282 = arith.constant 80 : i32
        %parallel_loop3A_283 = arith.addi %mul3A_200, %parallel_loop3A_282 : i32
        %parallel_loop3A_284 = arith.index_cast %parallel_loop3A_281 : i32 to index
        %parallel_loop3A_285 = arith.index_cast %parallel_loop3A_283 : i32 to index
        %parallel_loop3A_286 = tpu.vector_load %arg9[%parallel_loop3A_284, %parallel_loop3A_285] {strides = array<i32>} : memref<32x1024xf32, #tpu.memory_space<vmem>>, vector<16xf32>,
        tpu.vector_store %arg9[%parallel_loop3A_284, %parallel_loop3A_285], %parallel_loop3A_279 {strides = array<i32>} : memref<32x1024xf32, #tpu.memory_space<vmem>>, vector<16xf32>,
        %parallel_loop3A_287 = tpu.vector_load_idx %arg7[%parallel_loop3A_238, %get3A_227] : memref<16x1024xf32, #tpu.memory_space<vmem>>[vector<16xi32>, vector<16xi32>], vector<16xf32>,
        %parallel_loop3A_288 = arith.constant 16 : i32
        %parallel_loop3A_289 = arith.addi %parallel_loop3A_288, %parallel_loop3A_234 : i32
        %parallel_loop3A_290 = arith.constant 96 : i32
        %parallel_loop3A_291 = arith.addi %mul3A_200, %parallel_loop3A_290 : i32
        %parallel_loop3A_292 = arith.index_cast %parallel_loop3A_289 : i32 to index
        %parallel_loop3A_293 = arith.index_cast %parallel_loop3A_291 : i32 to index
        %parallel_loop3A_294 = tpu.vector_load %arg9[%parallel_loop3A_292, %parallel_loop3A_293] {strides = array<i32>} : memref<32x1024xf32, #tpu.memory_space<vmem>>, vector<16xf32>,
        tpu.vector_store %arg9[%parallel_loop3A_292, %parallel_loop3A_293], %parallel_loop3A_287 {strides = array<i32>} : memref<32x1024xf32, #tpu.memory_space<vmem>>, vector<16xf32>,
        %parallel_loop3A_295 = tpu.vector_load_idx %arg7[%parallel_loop3A_238, %get3A_231] : memref<16x1024xf32, #tpu.memory_space<vmem>>[vector<16xi32>, vector<16xi32>], vector<16xf32>,
        %parallel_loop3A_296 = arith.constant 16 : i32
        %parallel_loop3A_297 = arith.addi %parallel_loop3A_296, %parallel_loop3A_234 : i32
        %parallel_loop3A_298 = arith.constant 112 : i32
        %parallel_loop3A_299 = arith.addi %mul3A_200, %parallel_loop3A_298 : i32
        %parallel_loop3A_300 = arith.index_cast %parallel_loop3A_297 : i32 to index
        %parallel_loop3A_301 = arith.index_cast %parallel_loop3A_299 : i32 to index
        %parallel_loop3A_302 = tpu.vector_load %arg9[%parallel_loop3A_300, %parallel_loop3A_301] {strides = array<i32>} : memref<32x1024xf32, #tpu.memory_space<vmem>>, vector<16xf32>,
        tpu.vector_store %arg9[%parallel_loop3A_300, %parallel_loop3A_301], %parallel_loop3A_295 {strides = array<i32>} : memref<32x1024xf32, #tpu.memory_space<vmem>>, vector<16xf32>,
      } {sc.loop_unroll_factor = 2 : i64, sc.parallel_access}
    }
    %scan3A_83 = arith.constant 8 : i32
    %add3A_84 = arith.constant 32 : i32
    %add3A_85 = arith.addi %mul3A_2, %add3A_84 : i32
    %dma_start3A_86 = arith.constant 0 : i32
    %dma_start3A_87 = tpu.memref_slice %arg4[%add3A_85, %dma_start3A_86] : memref<16384x1024xf32, #tpu.memory_space<hbm>> -> memref<32x1024xf32, #tpu.memory_space<hbm>>
    %dma_start3A_88 = arith.constant 0 : i32
    %dma_start3A_89 = tpu.memref_slice %arg4[%add3A_85, %dma_start3A_88] : memref<16384x1024xf32, #tpu.memory_space<hbm>> -> memref<32x1024xf32, #tpu.memory_space<hbm>>
    tpu.enqueue_dma source(%arg9 : memref<32x1024xf32, #tpu.memory_space<vmem>>) target(%dma_start3A_89 : memref<32x1024xf32, #tpu.memory_space<hbm>>) target_semaphore(%arg11 : memref<!tpu.dma_semaphore, #tpu.memory_space<semaphore_mem>>)
    %add3A_90 = arith.constant 80 : i32
    %add3A_91 = arith.addi %mul3A_2, %add3A_90 : i32
    %dma_start3A_92 = arith.constant 0 : i32
    %dma_start3A_93 = tpu.memref_slice %arg2[%add3A_91, %dma_start3A_92] : memref<16384x1024xf32, #tpu.memory_space<hbm>> -> memref<16x1024xf32, #tpu.memory_space<hbm>>
    %dma_start3A_94 = arith.constant 0 : i32
    %dma_start3A_95 = tpu.memref_slice %arg2[%add3A_91, %dma_start3A_94] : memref<16384x1024xf32, #tpu.memory_space<hbm>> -> memref<16x1024xf32, #tpu.memory_space<hbm>>
    tpu.enqueue_dma source(%dma_start3A_95 : memref<16x1024xf32, #tpu.memory_space<hbm>>) target(%arg7 : memref<16x1024xf32, #tpu.memory_space<vmem>>) target_semaphore(%arg10 : memref<!tpu.dma_semaphore, #tpu.memory_space<semaphore_mem>>)
    %scan3A_96 = arith.constant 0 : i32
    %scan3A_97 = arith.constant 1 : i32
    %scan3A_98 = arith.constant 6 : i32
    %scan3A_99 = arith.addi %scan3A_97, %scan3A_98 : i32
    %scan3A_100 = arith.constant 1 : i32
    scf.for %scan3A_198 = %scan3A_97 to %scan3A_99 step %scan3A_100  : i32 {
      %mul3A_199 = arith.constant 4 : i32
      %mul3A_200 = arith.muli %mul3A_199, %scan3A_198 : i32
      %add3A_201 = arith.constant 0 : i32
      %add3A_202 = arith.addi %mul3A_200, %add3A_201 : i32
      %mul3A_203 = arith.constant 16 : i32
      %mul3A_204 = arith.muli %add3A_202, %mul3A_203 : i32
      %add3A_205 = arith.addi %mul3A_2, %mul3A_204 : i32
      %dma_wait3A_206 = arith.constant 0 : i32
      %dma_wait3A_207 = tpu.memref_slice %arg2[%add3A_205, %dma_wait3A_206] : memref<16384x1024xf32, #tpu.memory_space<hbm>> -> memref<16x1024xf32, #tpu.memory_space<hbm>>
      %dma_wait3A_208 = arith.constant 0 : i32
      %dma_wait3A_209 = tpu.memref_slice %arg2[%add3A_205, %dma_wait3A_208] : memref<16384x1024xf32, #tpu.memory_space<hbm>> -> memref<16x1024xf32, #tpu.memory_space<hbm>>
      tpu.wait_dma2 semaphore(%arg10 : memref<!tpu.dma_semaphore, #tpu.memory_space<semaphore_mem>>) src(%dma_wait3A_209 : memref<16x1024xf32, #tpu.memory_space<hbm>>) dst(%arg6 : memref<16x1024xf32, #tpu.memory_space<vmem>>)
      %jit3A = arith.constant 2 : i32
      %div3A = arith.divsi %add3A_202, %jit3A : i32
      %sign3A = arith.constant 0 : i32
      %sign3A_210 = arith.cmpi sgt, %add3A_202, %sign3A : i32
      %sign3A_211 = arith.extui %sign3A_210 : i1 to i32
      %sign3A_212 = arith.constant 0 : i32
      %sign3A_213 = arith.cmpi slt, %add3A_202, %sign3A_212 : i32
      %sign3A_214 = arith.extui %sign3A_213 : i1 to i32
      %sign3A_215 = arith.subi %sign3A_211, %sign3A_214 : i32
      %sign3A_216 = arith.constant 0 : i32
      %sign3A_217 = arith.cmpi sgt, %jit3A, %sign3A_216 : i32
      %sign3A_218 = arith.extui %sign3A_217 : i1 to i32
      %sign3A_219 = arith.constant 0 : i32
      %sign3A_220 = arith.cmpi slt, %jit3A, %sign3A_219 : i32
      %sign3A_221 = arith.extui %sign3A_220 : i1 to i32
      %sign3A_222 = arith.subi %sign3A_218, %sign3A_221 : i32
      %ne3A = arith.cmpi ne, %sign3A_215, %sign3A_222 : i32
      %rem3A = arith.remsi %add3A_202, %jit3A : i32
      %ne3A_223 = arith.constant 0 : i32
      %ne3A_224 = arith.cmpi ne, %rem3A, %ne3A_223 : i32
      %and3A = arith.andi %ne3A, %ne3A_224 : i1
      %sub3A = arith.constant 1 : i32
      %sub3A_225 = arith.subi %div3A, %sub3A : i32
      %select_n3A = arith.select %and3A, %sub3A_225, %div3A : i32
      %sub3A_226 = arith.constant 2 : i32
      %sub3A_227 = arith.subi %select_n3A, %sub3A_226 : i32
      %mul3A_228 = arith.constant 2 : i32
      %mul3A_229 = arith.muli %sub3A_227, %mul3A_228 : i32
      %mul3A_230 = arith.constant 16 : i32
      %mul3A_231 = arith.muli %mul3A_229, %mul3A_230 : i32
      %add3A_232 = arith.addi %mul3A_2, %mul3A_231 : i32
      %dma_wait3A_233 = arith.constant 0 : i32
      %dma_wait3A_234 = tpu.memref_slice %arg4[%add3A_232, %dma_wait3A_233] : memref<16384x1024xf32, #tpu.memory_space<hbm>> -> memref<32x1024xf32, #tpu.memory_space<hbm>>
      %dma_wait3A_235 = arith.constant 0 : i32
      %dma_wait3A_236 = tpu.memref_slice %arg4[%add3A_232, %dma_wait3A_235] : memref<16384x1024xf32, #tpu.memory_space<hbm>> -> memref<32x1024xf32, #tpu.memory_space<hbm>>
      tpu.wait_dma2 semaphore(%arg11 : memref<!tpu.dma_semaphore, #tpu.memory_space<semaphore_mem>>) src(%arg8 : memref<32x1024xf32, #tpu.memory_space<vmem>>) dst(%dma_wait3A_236 : memref<32x1024xf32, #tpu.memory_space<hbm>>)
      %scan3A_237 = arith.constant 0 : i32
      %scan3A_238 = arith.constant 0 : i32
      %scan3A_239 = arith.constant 8 : i32
      %scan3A_240 = arith.addi %scan3A_238, %scan3A_239 : i32
      %scan3A_241 = arith.constant 1 : i32
      scf.for %scan3A_425 = %scan3A_238 to %scan3A_240 step %scan3A_241  : i32 {
        %mul3A_426 = arith.constant 128 : i32
        %mul3A_427 = arith.muli %scan3A_425, %mul3A_426 : i32
        %add3A_428 = arith.constant 0 : i32
        %add3A_429 = arith.addi %mul3A_427, %add3A_428 : i32
        %get3A = arith.index_cast %add3A_429 : i32 to index
        %get3A_430 = tpu.vector_load %arg5[%get3A] {strides = array<i32>} : memref<1024xi32, #tpu.memory_space<vmem>>, vector<16xi32>,
        %add3A_431 = arith.constant 16 : i32
        %add3A_432 = arith.addi %mul3A_427, %add3A_431 : i32
        %get3A_433 = arith.index_cast %add3A_432 : i32 to index
        %get3A_434 = tpu.vector_load %arg5[%get3A_433] {strides = array<i32>} : memref<1024xi32, #tpu.memory_space<vmem>>, vector<16xi32>,
        %add3A_435 = arith.constant 32 : i32
        %add3A_436 = arith.addi %mul3A_427, %add3A_435 : i32
        %get3A_437 = arith.index_cast %add3A_436 : i32 to index
        %get3A_438 = tpu.vector_load %arg5[%get3A_437] {strides = array<i32>} : memref<1024xi32, #tpu.memory_space<vmem>>, vector<16xi32>,
        %add3A_439 = arith.constant 48 : i32
        %add3A_440 = arith.addi %mul3A_427, %add3A_439 : i32
        %get3A_441 = arith.index_cast %add3A_440 : i32 to index
        %get3A_442 = tpu.vector_load %arg5[%get3A_441] {strides = array<i32>} : memref<1024xi32, #tpu.memory_space<vmem>>, vector<16xi32>,
        %add3A_443 = arith.constant 64 : i32
        %add3A_444 = arith.addi %mul3A_427, %add3A_443 : i32
        %get3A_445 = arith.index_cast %add3A_444 : i32 to index
        %get3A_446 = tpu.vector_load %arg5[%get3A_445] {strides = array<i32>} : memref<1024xi32, #tpu.memory_space<vmem>>, vector<16xi32>,
        %add3A_447 = arith.constant 80 : i32
        %add3A_448 = arith.addi %mul3A_427, %add3A_447 : i32
        %get3A_449 = arith.index_cast %add3A_448 : i32 to index
        %get3A_450 = tpu.vector_load %arg5[%get3A_449] {strides = array<i32>} : memref<1024xi32, #tpu.memory_space<vmem>>, vector<16xi32>,
        %add3A_451 = arith.constant 96 : i32
        %add3A_452 = arith.addi %mul3A_427, %add3A_451 : i32
        %get3A_453 = arith.index_cast %add3A_452 : i32 to index
        %get3A_454 = tpu.vector_load %arg5[%get3A_453] {strides = array<i32>} : memref<1024xi32, #tpu.memory_space<vmem>>, vector<16xi32>,
        %add3A_455 = arith.constant 112 : i32
        %add3A_456 = arith.addi %mul3A_427, %add3A_455 : i32
        %get3A_457 = arith.index_cast %add3A_456 : i32 to index
        %get3A_458 = tpu.vector_load %arg5[%get3A_457] {strides = array<i32>} : memref<1024xi32, #tpu.memory_space<vmem>>, vector<16xi32>,
        %parallel_loop3A = arith.constant 0 : i32
        %parallel_loop3A_459 = arith.constant 16 : i32
        %parallel_loop3A_460 = arith.constant 1 : i32
        scf.for %parallel_loop3A_461 = %parallel_loop3A to %parallel_loop3A_459 step %parallel_loop3A_460  : i32 {
          %parallel_loop3A_462 = arith.constant 0 : i32
          %parallel_loop3A_463 = vector.broadcast %parallel_loop3A_462 : i32 to vector<16xi32>
          %parallel_loop3A_464 = vector.broadcast %parallel_loop3A_461 : i32 to vector<16xi32>
          %parallel_loop3A_465 = arith.addi %parallel_loop3A_463, %parallel_loop3A_464 : vector<16xi32>
          %parallel_loop3A_466 = tpu.vector_load_idx %arg6[%parallel_loop3A_465, %get3A_430] : memref<16x1024xf32, #tpu.memory_space<vmem>>[vector<16xi32>, vector<16xi32>], vector<16xf32>,
          %parallel_loop3A_467 = arith.constant 0 : i32
          %parallel_loop3A_468 = arith.addi %parallel_loop3A_467, %parallel_loop3A_461 : i32
          %parallel_loop3A_469 = arith.constant 0 : i32
          %parallel_loop3A_470 = arith.addi %mul3A_427, %parallel_loop3A_469 : i32
          %parallel_loop3A_471 = arith.index_cast %parallel_loop3A_468 : i32 to index
          %parallel_loop3A_472 = arith.index_cast %parallel_loop3A_470 : i32 to index
          %parallel_loop3A_473 = tpu.vector_load %arg8[%parallel_loop3A_471, %parallel_loop3A_472] {strides = array<i32>} : memref<32x1024xf32, #tpu.memory_space<vmem>>, vector<16xf32>,
          tpu.vector_store %arg8[%parallel_loop3A_471, %parallel_loop3A_472], %parallel_loop3A_466 {strides = array<i32>} : memref<32x1024xf32, #tpu.memory_space<vmem>>, vector<16xf32>,
          %parallel_loop3A_474 = tpu.vector_load_idx %arg6[%parallel_loop3A_465, %get3A_434] : memref<16x1024xf32, #tpu.memory_space<vmem>>[vector<16xi32>, vector<16xi32>], vector<16xf32>,
          %parallel_loop3A_475 = arith.constant 0 : i32
          %parallel_loop3A_476 = arith.addi %parallel_loop3A_475, %parallel_loop3A_461 : i32
          %parallel_loop3A_477 = arith.constant 16 : i32
          %parallel_loop3A_478 = arith.addi %mul3A_427, %parallel_loop3A_477 : i32
          %parallel_loop3A_479 = arith.index_cast %parallel_loop3A_476 : i32 to index
          %parallel_loop3A_480 = arith.index_cast %parallel_loop3A_478 : i32 to index
          %parallel_loop3A_481 = tpu.vector_load %arg8[%parallel_loop3A_479, %parallel_loop3A_480] {strides = array<i32>} : memref<32x1024xf32, #tpu.memory_space<vmem>>, vector<16xf32>,
          tpu.vector_store %arg8[%parallel_loop3A_479, %parallel_loop3A_480], %parallel_loop3A_474 {strides = array<i32>} : memref<32x1024xf32, #tpu.memory_space<vmem>>, vector<16xf32>,
          %parallel_loop3A_482 = tpu.vector_load_idx %arg6[%parallel_loop3A_465, %get3A_438] : memref<16x1024xf32, #tpu.memory_space<vmem>>[vector<16xi32>, vector<16xi32>], vector<16xf32>,
          %parallel_loop3A_483 = arith.constant 0 : i32
          %parallel_loop3A_484 = arith.addi %parallel_loop3A_483, %parallel_loop3A_461 : i32
          %parallel_loop3A_485 = arith.constant 32 : i32
          %parallel_loop3A_486 = arith.addi %mul3A_427, %parallel_loop3A_485 : i32
          %parallel_loop3A_487 = arith.index_cast %parallel_loop3A_484 : i32 to index
          %parallel_loop3A_488 = arith.index_cast %parallel_loop3A_486 : i32 to index
          %parallel_loop3A_489 = tpu.vector_load %arg8[%parallel_loop3A_487, %parallel_loop3A_488] {strides = array<i32>} : memref<32x1024xf32, #tpu.memory_space<vmem>>, vector<16xf32>,
          tpu.vector_store %arg8[%parallel_loop3A_487, %parallel_loop3A_488], %parallel_loop3A_482 {strides = array<i32>} : memref<32x1024xf32, #tpu.memory_space<vmem>>, vector<16xf32>,
          %parallel_loop3A_490 = tpu.vector_load_idx %arg6[%parallel_loop3A_465, %get3A_442] : memref<16x1024xf32, #tpu.memory_space<vmem>>[vector<16xi32>, vector<16xi32>], vector<16xf32>,
          %parallel_loop3A_491 = arith.constant 0 : i32
          %parallel_loop3A_492 = arith.addi %parallel_loop3A_491, %parallel_loop3A_461 : i32
          %parallel_loop3A_493 = arith.constant 48 : i32
          %parallel_loop3A_494 = arith.addi %mul3A_427, %parallel_loop3A_493 : i32
          %parallel_loop3A_495 = arith.index_cast %parallel_loop3A_492 : i32 to index
          %parallel_loop3A_496 = arith.index_cast %parallel_loop3A_494 : i32 to index
          %parallel_loop3A_497 = tpu.vector_load %arg8[%parallel_loop3A_495, %parallel_loop3A_496] {strides = array<i32>} : memref<32x1024xf32, #tpu.memory_space<vmem>>, vector<16xf32>,
          tpu.vector_store %arg8[%parallel_loop3A_495, %parallel_loop3A_496], %parallel_loop3A_490 {strides = array<i32>} : memref<32x1024xf32, #tpu.memory_space<vmem>>, vector<16xf32>,
          %parallel_loop3A_498 = tpu.vector_load_idx %arg6[%parallel_loop3A_465, %get3A_446] : memref<16x1024xf32, #tpu.memory_space<vmem>>[vector<16xi32>, vector<16xi32>], vector<16xf32>,
          %parallel_loop3A_499 = arith.constant 0 : i32
          %parallel_loop3A_500 = arith.addi %parallel_loop3A_499, %parallel_loop3A_461 : i32
          %parallel_loop3A_501 = arith.constant 64 : i32
          %parallel_loop3A_502 = arith.addi %mul3A_427, %parallel_loop3A_501 : i32
          %parallel_loop3A_503 = arith.index_cast %parallel_loop3A_500 : i32 to index
          %parallel_loop3A_504 = arith.index_cast %parallel_loop3A_502 : i32 to index
          %parallel_loop3A_505 = tpu.vector_load %arg8[%parallel_loop3A_503, %parallel_loop3A_504] {strides = array<i32>} : memref<32x1024xf32, #tpu.memory_space<vmem>>, vector<16xf32>,
          tpu.vector_store %arg8[%parallel_loop3A_503, %parallel_loop3A_504], %parallel_loop3A_498 {strides = array<i32>} : memref<32x1024xf32, #tpu.memory_space<vmem>>, vector<16xf32>,
          %parallel_loop3A_506 = tpu.vector_load_idx %arg6[%parallel_loop3A_465, %get3A_450] : memref<16x1024xf32, #tpu.memory_space<vmem>>[vector<16xi32>, vector<16xi32>], vector<16xf32>,
          %parallel_loop3A_507 = arith.constant 0 : i32
          %parallel_loop3A_508 = arith.addi %parallel_loop3A_507, %parallel_loop3A_461 : i32
          %parallel_loop3A_509 = arith.constant 80 : i32
          %parallel_loop3A_510 = arith.addi %mul3A_427, %parallel_loop3A_509 : i32
          %parallel_loop3A_511 = arith.index_cast %parallel_loop3A_508 : i32 to index
          %parallel_loop3A_512 = arith.index_cast %parallel_loop3A_510 : i32 to index
          %parallel_loop3A_513 = tpu.vector_load %arg8[%parallel_loop3A_511, %parallel_loop3A_512] {strides = array<i32>} : memref<32x1024xf32, #tpu.memory_space<vmem>>, vector<16xf32>,
          tpu.vector_store %arg8[%parallel_loop3A_511, %parallel_loop3A_512], %parallel_loop3A_506 {strides = array<i32>} : memref<32x1024xf32, #tpu.memory_space<vmem>>, vector<16xf32>,
          %parallel_loop3A_514 = tpu.vector_load_idx %arg6[%parallel_loop3A_465, %get3A_454] : memref<16x1024xf32, #tpu.memory_space<vmem>>[vector<16xi32>, vector<16xi32>], vector<16xf32>,
          %parallel_loop3A_515 = arith.constant 0 : i32
          %parallel_loop3A_516 = arith.addi %parallel_loop3A_515, %parallel_loop3A_461 : i32
          %parallel_loop3A_517 = arith.constant 96 : i32
          %parallel_loop3A_518 = arith.addi %mul3A_427, %parallel_loop3A_517 : i32
          %parallel_loop3A_519 = arith.index_cast %parallel_loop3A_516 : i32 to index
          %parallel_loop3A_520 = arith.index_cast %parallel_loop3A_518 : i32 to index
          %parallel_loop3A_521 = tpu.vector_load %arg8[%parallel_loop3A_519, %parallel_loop3A_520] {strides = array<i32>} : memref<32x1024xf32, #tpu.memory_space<vmem>>, vector<16xf32>,
          tpu.vector_store %arg8[%parallel_loop3A_519, %parallel_loop3A_520], %parallel_loop3A_514 {strides = array<i32>} : memref<32x1024xf32, #tpu.memory_space<vmem>>, vector<16xf32>,
          %parallel_loop3A_522 = tpu.vector_load_idx %arg6[%parallel_loop3A_465, %get3A_458] : memref<16x1024xf32, #tpu.memory_space<vmem>>[vector<16xi32>, vector<16xi32>], vector<16xf32>,
          %parallel_loop3A_523 = arith.constant 0 : i32
          %parallel_loop3A_524 = arith.addi %parallel_loop3A_523, %parallel_loop3A_461 : i32
          %parallel_loop3A_525 = arith.constant 112 : i32
          %parallel_loop3A_526 = arith.addi %mul3A_427, %parallel_loop3A_525 : i32
          %parallel_loop3A_527 = arith.index_cast %parallel_loop3A_524 : i32 to index
          %parallel_loop3A_528 = arith.index_cast %parallel_loop3A_526 : i32 to index
          %parallel_loop3A_529 = tpu.vector_load %arg8[%parallel_loop3A_527, %parallel_loop3A_528] {strides = array<i32>} : memref<32x1024xf32, #tpu.memory_space<vmem>>, vector<16xf32>,
          tpu.vector_store %arg8[%parallel_loop3A_527, %parallel_loop3A_528], %parallel_loop3A_522 {strides = array<i32>} : memref<32x1024xf32, #tpu.memory_space<vmem>>, vector<16xf32>,
        } {sc.loop_unroll_factor = 2 : i64, sc.parallel_access}
      }
      %scan3A_242 = arith.constant 8 : i32
      %add3A_243 = arith.constant 2 : i32
      %add3A_244 = arith.addi %add3A_202, %add3A_243 : i32
      %mul3A_245 = arith.constant 16 : i32
      %mul3A_246 = arith.muli %add3A_244, %mul3A_245 : i32
      %add3A_247 = arith.addi %mul3A_2, %mul3A_246 : i32
      %dma_start3A_248 = arith.constant 0 : i32
      %dma_start3A_249 = tpu.memref_slice %arg2[%add3A_247, %dma_start3A_248] : memref<16384x1024xf32, #tpu.memory_space<hbm>> -> memref<16x1024xf32, #tpu.memory_space<hbm>>
      %dma_start3A_250 = arith.constant 0 : i32
      %dma_start3A_251 = tpu.memref_slice %arg2[%add3A_247, %dma_start3A_250] : memref<16384x1024xf32, #tpu.memory_space<hbm>> -> memref<16x1024xf32, #tpu.memory_space<hbm>>
      tpu.enqueue_dma source(%dma_start3A_251 : memref<16x1024xf32, #tpu.memory_space<hbm>>) target(%arg6 : memref<16x1024xf32, #tpu.memory_space<vmem>>) target_semaphore(%arg10 : memref<!tpu.dma_semaphore, #tpu.memory_space<semaphore_mem>>)
      %add3A_252 = arith.constant 1 : i32
      %add3A_253 = arith.addi %mul3A_200, %add3A_252 : i32
      %mul3A_254 = arith.constant 16 : i32
      %mul3A_255 = arith.muli %add3A_253, %mul3A_254 : i32
      %add3A_256 = arith.addi %mul3A_2, %mul3A_255 : i32
      %dma_wait3A_257 = arith.constant 0 : i32
      %dma_wait3A_258 = tpu.memref_slice %arg2[%add3A_256, %dma_wait3A_257] : memref<16384x1024xf32, #tpu.memory_space<hbm>> -> memref<16x1024xf32, #tpu.memory_space<hbm>>
      %dma_wait3A_259 = arith.constant 0 : i32
      %dma_wait3A_260 = tpu.memref_slice %arg2[%add3A_256, %dma_wait3A_259] : memref<16384x1024xf32, #tpu.memory_space<hbm>> -> memref<16x1024xf32, #tpu.memory_space<hbm>>
      tpu.wait_dma2 semaphore(%arg10 : memref<!tpu.dma_semaphore, #tpu.memory_space<semaphore_mem>>) src(%dma_wait3A_260 : memref<16x1024xf32, #tpu.memory_space<hbm>>) dst(%arg7 : memref<16x1024xf32, #tpu.memory_space<vmem>>)
      %scan3A_261 = arith.constant 0 : i32
      %scan3A_262 = arith.constant 0 : i32
      %scan3A_263 = arith.constant 8 : i32
      %scan3A_264 = arith.addi %scan3A_262, %scan3A_263 : i32
      %scan3A_265 = arith.constant 1 : i32
      scf.for %scan3A_425 = %scan3A_262 to %scan3A_264 step %scan3A_265  : i32 {
        %mul3A_426 = arith.constant 128 : i32
        %mul3A_427 = arith.muli %scan3A_425, %mul3A_426 : i32
        %add3A_428 = arith.constant 0 : i32
        %add3A_429 = arith.addi %mul3A_427, %add3A_428 : i32
        %get3A = arith.index_cast %add3A_429 : i32 to index
        %get3A_430 = tpu.vector_load %arg5[%get3A] {strides = array<i32>} : memref<1024xi32, #tpu.memory_space<vmem>>, vector<16xi32>,
        %add3A_431 = arith.constant 16 : i32
        %add3A_432 = arith.addi %mul3A_427, %add3A_431 : i32
        %get3A_433 = arith.index_cast %add3A_432 : i32 to index
        %get3A_434 = tpu.vector_load %arg5[%get3A_433] {strides = array<i32>} : memref<1024xi32, #tpu.memory_space<vmem>>, vector<16xi32>,
        %add3A_435 = arith.constant 32 : i32
        %add3A_436 = arith.addi %mul3A_427, %add3A_435 : i32
        %get3A_437 = arith.index_cast %add3A_436 : i32 to index
        %get3A_438 = tpu.vector_load %arg5[%get3A_437] {strides = array<i32>} : memref<1024xi32, #tpu.memory_space<vmem>>, vector<16xi32>,
        %add3A_439 = arith.constant 48 : i32
        %add3A_440 = arith.addi %mul3A_427, %add3A_439 : i32
        %get3A_441 = arith.index_cast %add3A_440 : i32 to index
        %get3A_442 = tpu.vector_load %arg5[%get3A_441] {strides = array<i32>} : memref<1024xi32, #tpu.memory_space<vmem>>, vector<16xi32>,
        %add3A_443 = arith.constant 64 : i32
        %add3A_444 = arith.addi %mul3A_427, %add3A_443 : i32
        %get3A_445 = arith.index_cast %add3A_444 : i32 to index
        %get3A_446 = tpu.vector_load %arg5[%get3A_445] {strides = array<i32>} : memref<1024xi32, #tpu.memory_space<vmem>>, vector<16xi32>,
        %add3A_447 = arith.constant 80 : i32
        %add3A_448 = arith.addi %mul3A_427, %add3A_447 : i32
        %get3A_449 = arith.index_cast %add3A_448 : i32 to index
        %get3A_450 = tpu.vector_load %arg5[%get3A_449] {strides = array<i32>} : memref<1024xi32, #tpu.memory_space<vmem>>, vector<16xi32>,
        %add3A_451 = arith.constant 96 : i32
        %add3A_452 = arith.addi %mul3A_427, %add3A_451 : i32
        %get3A_453 = arith.index_cast %add3A_452 : i32 to index
        %get3A_454 = tpu.vector_load %arg5[%get3A_453] {strides = array<i32>} : memref<1024xi32, #tpu.memory_space<vmem>>, vector<16xi32>,
        %add3A_455 = arith.constant 112 : i32
        %add3A_456 = arith.addi %mul3A_427, %add3A_455 : i32
        %get3A_457 = arith.index_cast %add3A_456 : i32 to index
        %get3A_458 = tpu.vector_load %arg5[%get3A_457] {strides = array<i32>} : memref<1024xi32, #tpu.memory_space<vmem>>, vector<16xi32>,
        %parallel_loop3A = arith.constant 0 : i32
        %parallel_loop3A_459 = arith.constant 16 : i32
        %parallel_loop3A_460 = arith.constant 1 : i32
        scf.for %parallel_loop3A_461 = %parallel_loop3A to %parallel_loop3A_459 step %parallel_loop3A_460  : i32 {
          %parallel_loop3A_462 = arith.constant 0 : i32
          %parallel_loop3A_463 = vector.broadcast %parallel_loop3A_462 : i32 to vector<16xi32>
          %parallel_loop3A_464 = vector.broadcast %parallel_loop3A_461 : i32 to vector<16xi32>
          %parallel_loop3A_465 = arith.addi %parallel_loop3A_463, %parallel_loop3A_464 : vector<16xi32>
          %parallel_loop3A_466 = tpu.vector_load_idx %arg7[%parallel_loop3A_465, %get3A_430] : memref<16x1024xf32, #tpu.memory_space<vmem>>[vector<16xi32>, vector<16xi32>], vector<16xf32>,
          %parallel_loop3A_467 = arith.constant 16 : i32
          %parallel_loop3A_468 = arith.addi %parallel_loop3A_467, %parallel_loop3A_461 : i32
          %parallel_loop3A_469 = arith.constant 0 : i32
          %parallel_loop3A_470 = arith.addi %mul3A_427, %parallel_loop3A_469 : i32
          %parallel_loop3A_471 = arith.index_cast %parallel_loop3A_468 : i32 to index
          %parallel_loop3A_472 = arith.index_cast %parallel_loop3A_470 : i32 to index
          %parallel_loop3A_473 = tpu.vector_load %arg8[%parallel_loop3A_471, %parallel_loop3A_472] {strides = array<i32>} : memref<32x1024xf32, #tpu.memory_space<vmem>>, vector<16xf32>,
          tpu.vector_store %arg8[%parallel_loop3A_471, %parallel_loop3A_472], %parallel_loop3A_466 {strides = array<i32>} : memref<32x1024xf32, #tpu.memory_space<vmem>>, vector<16xf32>,
          %parallel_loop3A_474 = tpu.vector_load_idx %arg7[%parallel_loop3A_465, %get3A_434] : memref<16x1024xf32, #tpu.memory_space<vmem>>[vector<16xi32>, vector<16xi32>], vector<16xf32>,
          %parallel_loop3A_475 = arith.constant 16 : i32
          %parallel_loop3A_476 = arith.addi %parallel_loop3A_475, %parallel_loop3A_461 : i32
          %parallel_loop3A_477 = arith.constant 16 : i32
          %parallel_loop3A_478 = arith.addi %mul3A_427, %parallel_loop3A_477 : i32
          %parallel_loop3A_479 = arith.index_cast %parallel_loop3A_476 : i32 to index
          %parallel_loop3A_480 = arith.index_cast %parallel_loop3A_478 : i32 to index
          %parallel_loop3A_481 = tpu.vector_load %arg8[%parallel_loop3A_479, %parallel_loop3A_480] {strides = array<i32>} : memref<32x1024xf32, #tpu.memory_space<vmem>>, vector<16xf32>,
          tpu.vector_store %arg8[%parallel_loop3A_479, %parallel_loop3A_480], %parallel_loop3A_474 {strides = array<i32>} : memref<32x1024xf32, #tpu.memory_space<vmem>>, vector<16xf32>,
          %parallel_loop3A_482 = tpu.vector_load_idx %arg7[%parallel_loop3A_465, %get3A_438] : memref<16x1024xf32, #tpu.memory_space<vmem>>[vector<16xi32>, vector<16xi32>], vector<16xf32>,
          %parallel_loop3A_483 = arith.constant 16 : i32
          %parallel_loop3A_484 = arith.addi %parallel_loop3A_483, %parallel_loop3A_461 : i32
          %parallel_loop3A_485 = arith.constant 32 : i32
          %parallel_loop3A_486 = arith.addi %mul3A_427, %parallel_loop3A_485 : i32
          %parallel_loop3A_487 = arith.index_cast %parallel_loop3A_484 : i32 to index
          %parallel_loop3A_488 = arith.index_cast %parallel_loop3A_486 : i32 to index
          %parallel_loop3A_489 = tpu.vector_load %arg8[%parallel_loop3A_487, %parallel_loop3A_488] {strides = array<i32>} : memref<32x1024xf32, #tpu.memory_space<vmem>>, vector<16xf32>,
          tpu.vector_store %arg8[%parallel_loop3A_487, %parallel_loop3A_488], %parallel_loop3A_482 {strides = array<i32>} : memref<32x1024xf32, #tpu.memory_space<vmem>>, vector<16xf32>,
          %parallel_loop3A_490 = tpu.vector_load_idx %arg7[%parallel_loop3A_465, %get3A_442] : memref<16x1024xf32, #tpu.memory_space<vmem>>[vector<16xi32>, vector<16xi32>], vector<16xf32>,
          %parallel_loop3A_491 = arith.constant 16 : i32
          %parallel_loop3A_492 = arith.addi %parallel_loop3A_491, %parallel_loop3A_461 : i32
          %parallel_loop3A_493 = arith.constant 48 : i32
          %parallel_loop3A_494 = arith.addi %mul3A_427, %parallel_loop3A_493 : i32
          %parallel_loop3A_495 = arith.index_cast %parallel_loop3A_492 : i32 to index
          %parallel_loop3A_496 = arith.index_cast %parallel_loop3A_494 : i32 to index
          %parallel_loop3A_497 = tpu.vector_load %arg8[%parallel_loop3A_495, %parallel_loop3A_496] {strides = array<i32>} : memref<32x1024xf32, #tpu.memory_space<vmem>>, vector<16xf32>,
          tpu.vector_store %arg8[%parallel_loop3A_495, %parallel_loop3A_496], %parallel_loop3A_490 {strides = array<i32>} : memref<32x1024xf32, #tpu.memory_space<vmem>>, vector<16xf32>,
          %parallel_loop3A_498 = tpu.vector_load_idx %arg7[%parallel_loop3A_465, %get3A_446] : memref<16x1024xf32, #tpu.memory_space<vmem>>[vector<16xi32>, vector<16xi32>], vector<16xf32>,
          %parallel_loop3A_499 = arith.constant 16 : i32
          %parallel_loop3A_500 = arith.addi %parallel_loop3A_499, %parallel_loop3A_461 : i32
          %parallel_loop3A_501 = arith.constant 64 : i32
          %parallel_loop3A_502 = arith.addi %mul3A_427, %parallel_loop3A_501 : i32
          %parallel_loop3A_503 = arith.index_cast %parallel_loop3A_500 : i32 to index
          %parallel_loop3A_504 = arith.index_cast %parallel_loop3A_502 : i32 to index
          %parallel_loop3A_505 = tpu.vector_load %arg8[%parallel_loop3A_503, %parallel_loop3A_504] {strides = array<i32>} : memref<32x1024xf32, #tpu.memory_space<vmem>>, vector<16xf32>,
          tpu.vector_store %arg8[%parallel_loop3A_503, %parallel_loop3A_504], %parallel_loop3A_498 {strides = array<i32>} : memref<32x1024xf32, #tpu.memory_space<vmem>>, vector<16xf32>,
          %parallel_loop3A_506 = tpu.vector_load_idx %arg7[%parallel_loop3A_465, %get3A_450] : memref<16x1024xf32, #tpu.memory_space<vmem>>[vector<16xi32>, vector<16xi32>], vector<16xf32>,
          %parallel_loop3A_507 = arith.constant 16 : i32
          %parallel_loop3A_508 = arith.addi %parallel_loop3A_507, %parallel_loop3A_461 : i32
          %parallel_loop3A_509 = arith.constant 80 : i32
          %parallel_loop3A_510 = arith.addi %mul3A_427, %parallel_loop3A_509 : i32
          %parallel_loop3A_511 = arith.index_cast %parallel_loop3A_508 : i32 to index
          %parallel_loop3A_512 = arith.index_cast %parallel_loop3A_510 : i32 to index
          %parallel_loop3A_513 = tpu.vector_load %arg8[%parallel_loop3A_511, %parallel_loop3A_512] {strides = array<i32>} : memref<32x1024xf32, #tpu.memory_space<vmem>>, vector<16xf32>,
          tpu.vector_store %arg8[%parallel_loop3A_511, %parallel_loop3A_512], %parallel_loop3A_506 {strides = array<i32>} : memref<32x1024xf32, #tpu.memory_space<vmem>>, vector<16xf32>,
          %parallel_loop3A_514 = tpu.vector_load_idx %arg7[%parallel_loop3A_465, %get3A_454] : memref<16x1024xf32, #tpu.memory_space<vmem>>[vector<16xi32>, vector<16xi32>], vector<16xf32>,
          %parallel_loop3A_515 = arith.constant 16 : i32
          %parallel_loop3A_516 = arith.addi %parallel_loop3A_515, %parallel_loop3A_461 : i32
          %parallel_loop3A_517 = arith.constant 96 : i32
          %parallel_loop3A_518 = arith.addi %mul3A_427, %parallel_loop3A_517 : i32
          %parallel_loop3A_519 = arith.index_cast %parallel_loop3A_516 : i32 to index
          %parallel_loop3A_520 = arith.index_cast %parallel_loop3A_518 : i32 to index
          %parallel_loop3A_521 = tpu.vector_load %arg8[%parallel_loop3A_519, %parallel_loop3A_520] {strides = array<i32>} : memref<32x1024xf32, #tpu.memory_space<vmem>>, vector<16xf32>,
          tpu.vector_store %arg8[%parallel_loop3A_519, %parallel_loop3A_520], %parallel_loop3A_514 {strides = array<i32>} : memref<32x1024xf32, #tpu.memory_space<vmem>>, vector<16xf32>,
          %parallel_loop3A_522 = tpu.vector_load_idx %arg7[%parallel_loop3A_465, %get3A_458] : memref<16x1024xf32, #tpu.memory_space<vmem>>[vector<16xi32>, vector<16xi32>], vector<16xf32>,
          %parallel_loop3A_523 = arith.constant 16 : i32
          %parallel_loop3A_524 = arith.addi %parallel_loop3A_523, %parallel_loop3A_461 : i32
          %parallel_loop3A_525 = arith.constant 112 : i32
          %parallel_loop3A_526 = arith.addi %mul3A_427, %parallel_loop3A_525 : i32
          %parallel_loop3A_527 = arith.index_cast %parallel_loop3A_524 : i32 to index
          %parallel_loop3A_528 = arith.index_cast %parallel_loop3A_526 : i32 to index
          %parallel_loop3A_529 = tpu.vector_load %arg8[%parallel_loop3A_527, %parallel_loop3A_528] {strides = array<i32>} : memref<32x1024xf32, #tpu.memory_space<vmem>>, vector<16xf32>,
          tpu.vector_store %arg8[%parallel_loop3A_527, %parallel_loop3A_528], %parallel_loop3A_522 {strides = array<i32>} : memref<32x1024xf32, #tpu.memory_space<vmem>>, vector<16xf32>,
        } {sc.loop_unroll_factor = 2 : i64, sc.parallel_access}
      }
      %scan3A_266 = arith.constant 8 : i32
      %jit3A_267 = arith.constant 2 : i32
      %div3A_268 = arith.divsi %add3A_253, %jit3A_267 : i32
      %sign3A_269 = arith.constant 0 : i32
      %sign3A_270 = arith.cmpi sgt, %add3A_253, %sign3A_269 : i32
      %sign3A_271 = arith.extui %sign3A_270 : i1 to i32
      %sign3A_272 = arith.constant 0 : i32
      %sign3A_273 = arith.cmpi slt, %add3A_253, %sign3A_272 : i32
      %sign3A_274 = arith.extui %sign3A_273 : i1 to i32
      %sign3A_275 = arith.subi %sign3A_271, %sign3A_274 : i32
      %sign3A_276 = arith.constant 0 : i32
      %sign3A_277 = arith.cmpi sgt, %jit3A_267, %sign3A_276 : i32
      %sign3A_278 = arith.extui %sign3A_277 : i1 to i32
      %sign3A_279 = arith.constant 0 : i32
      %sign3A_280 = arith.cmpi slt, %jit3A_267, %sign3A_279 : i32
      %sign3A_281 = arith.extui %sign3A_280 : i1 to i32
      %sign3A_282 = arith.subi %sign3A_278, %sign3A_281 : i32
      %ne3A_283 = arith.cmpi ne, %sign3A_275, %sign3A_282 : i32
      %rem3A_284 = arith.remsi %add3A_253, %jit3A_267 : i32
      %ne3A_285 = arith.constant 0 : i32
      %ne3A_286 = arith.cmpi ne, %rem3A_284, %ne3A_285 : i32
      %and3A_287 = arith.andi %ne3A_283, %ne3A_286 : i1
      %sub3A_288 = arith.constant 1 : i32
      %sub3A_289 = arith.subi %div3A_268, %sub3A_288 : i32
      %select_n3A_290 = arith.select %and3A_287, %sub3A_289, %div3A_268 : i32
      %mul3A_291 = arith.constant 2 : i32
      %mul3A_292 = arith.muli %select_n3A_290, %mul3A_291 : i32
      %mul3A_293 = arith.constant 16 : i32
      %mul3A_294 = arith.muli %mul3A_292, %mul3A_293 : i32
      %add3A_295 = arith.addi %mul3A_2, %mul3A_294 : i32
      %dma_start3A_296 = arith.constant 0 : i32
      %dma_start3A_297 = tpu.memref_slice %arg4[%add3A_295, %dma_start3A_296] : memref<16384x1024xf32, #tpu.memory_space<hbm>> -> memref<32x1024xf32, #tpu.memory_space<hbm>>
      %dma_start3A_298 = arith.constant 0 : i32
      %dma_start3A_299 = tpu.memref_slice %arg4[%add3A_295, %dma_start3A_298] : memref<16384x1024xf32, #tpu.memory_space<hbm>> -> memref<32x1024xf32, #tpu.memory_space<hbm>>
      tpu.enqueue_dma source(%arg8 : memref<32x1024xf32, #tpu.memory_space<vmem>>) target(%dma_start3A_299 : memref<32x1024xf32, #tpu.memory_space<hbm>>) target_semaphore(%arg11 : memref<!tpu.dma_semaphore, #tpu.memory_space<semaphore_mem>>)
      %add3A_300 = arith.constant 2 : i32
      %add3A_301 = arith.addi %add3A_253, %add3A_300 : i32
      %mul3A_302 = arith.constant 16 : i32
      %mul3A_303 = arith.muli %add3A_301, %mul3A_302 : i32
      %add3A_304 = arith.addi %mul3A_2, %mul3A_303 : i32
      %dma_start3A_305 = arith.constant 0 : i32
      %dma_start3A_306 = tpu.memref_slice %arg2[%add3A_304, %dma_start3A_305] : memref<16384x1024xf32, #tpu.memory_space<hbm>> -> memref<16x1024xf32, #tpu.memory_space<hbm>>
      %dma_start3A_307 = arith.constant 0 : i32
      %dma_start3A_308 = tpu.memref_slice %arg2[%add3A_304, %dma_start3A_307] : memref<16384x1024xf32, #tpu.memory_space<hbm>> -> memref<16x1024xf32, #tpu.memory_space<hbm>>
      tpu.enqueue_dma source(%dma_start3A_308 : memref<16x1024xf32, #tpu.memory_space<hbm>>) target(%arg7 : memref<16x1024xf32, #tpu.memory_space<vmem>>) target_semaphore(%arg10 : memref<!tpu.dma_semaphore, #tpu.memory_space<semaphore_mem>>)
      %add3A_309 = arith.constant 2 : i32
      %add3A_310 = arith.addi %mul3A_200, %add3A_309 : i32
      %mul3A_311 = arith.constant 16 : i32
      %mul3A_312 = arith.muli %add3A_310, %mul3A_311 : i32
      %add3A_313 = arith.addi %mul3A_2, %mul3A_312 : i32
      %dma_wait3A_314 = arith.constant 0 : i32
      %dma_wait3A_315 = tpu.memref_slice %arg2[%add3A_313, %dma_wait3A_314] : memref<16384x1024xf32, #tpu.memory_space<hbm>> -> memref<16x1024xf32, #tpu.memory_space<hbm>>
      %dma_wait3A_316 = arith.constant 0 : i32
      %dma_wait3A_317 = tpu.memref_slice %arg2[%add3A_313, %dma_wait3A_316] : memref<16384x1024xf32, #tpu.memory_space<hbm>> -> memref<16x1024xf32, #tpu.memory_space<hbm>>
      tpu.wait_dma2 semaphore(%arg10 : memref<!tpu.dma_semaphore, #tpu.memory_space<semaphore_mem>>) src(%dma_wait3A_317 : memref<16x1024xf32, #tpu.memory_space<hbm>>) dst(%arg6 : memref<16x1024xf32, #tpu.memory_space<vmem>>)
      %jit3A_318 = arith.constant 2 : i32
      %div3A_319 = arith.divsi %add3A_310, %jit3A_318 : i32
      %sign3A_320 = arith.constant 0 : i32
      %sign3A_321 = arith.cmpi sgt, %add3A_310, %sign3A_320 : i32
      %sign3A_322 = arith.extui %sign3A_321 : i1 to i32
      %sign3A_323 = arith.constant 0 : i32
      %sign3A_324 = arith.cmpi slt, %add3A_310, %sign3A_323 : i32
      %sign3A_325 = arith.extui %sign3A_324 : i1 to i32
      %sign3A_326 = arith.subi %sign3A_322, %sign3A_325 : i32
      %sign3A_327 = arith.constant 0 : i32
      %sign3A_328 = arith.cmpi sgt, %jit3A_318, %sign3A_327 : i32
      %sign3A_329 = arith.extui %sign3A_328 : i1 to i32
      %sign3A_330 = arith.constant 0 : i32
      %sign3A_331 = arith.cmpi slt, %jit3A_318, %sign3A_330 : i32
      %sign3A_332 = arith.extui %sign3A_331 : i1 to i32
      %sign3A_333 = arith.subi %sign3A_329, %sign3A_332 : i32
      %ne3A_334 = arith.cmpi ne, %sign3A_326, %sign3A_333 : i32
      %rem3A_335 = arith.remsi %add3A_310, %jit3A_318 : i32
      %ne3A_336 = arith.constant 0 : i32
      %ne3A_337 = arith.cmpi ne, %rem3A_335, %ne3A_336 : i32
      %and3A_338 = arith.andi %ne3A_334, %ne3A_337 : i1
      %sub3A_339 = arith.constant 1 : i32
      %sub3A_340 = arith.subi %div3A_319, %sub3A_339 : i32
      %select_n3A_341 = arith.select %and3A_338, %sub3A_340, %div3A_319 : i32
      %sub3A_342 = arith.constant 2 : i32
      %sub3A_343 = arith.subi %select_n3A_341, %sub3A_342 : i32
      %mul3A_344 = arith.constant 2 : i32
      %mul3A_345 = arith.muli %sub3A_343, %mul3A_344 : i32
      %mul3A_346 = arith.constant 16 : i32
      %mul3A_347 = arith.muli %mul3A_345, %mul3A_346 : i32
      %add3A_348 = arith.addi %mul3A_2, %mul3A_347 : i32
      %dma_wait3A_349 = arith.constant 0 : i32
      %dma_wait3A_350 = tpu.memref_slice %arg4[%add3A_348, %dma_wait3A_349] : memref<16384x1024xf32, #tpu.memory_space<hbm>> -> memref<32x1024xf32, #tpu.memory_space<hbm>>
      %dma_wait3A_351 = arith.constant 0 : i32
      %dma_wait3A_352 = tpu.memref_slice %arg4[%add3A_348, %dma_wait3A_351] : memref<16384x1024xf32, #tpu.memory_space<hbm>> -> memref<32x1024xf32, #tpu.memory_space<hbm>>
      tpu.wait_dma2 semaphore(%arg11 : memref<!tpu.dma_semaphore, #tpu.memory_space<semaphore_mem>>) src(%arg9 : memref<32x1024xf32, #tpu.memory_space<vmem>>) dst(%dma_wait3A_352 : memref<32x1024xf32, #tpu.memory_space<hbm>>)
      %scan3A_353 = arith.constant 0 : i32
      %scan3A_354 = arith.constant 0 : i32
      %scan3A_355 = arith.constant 8 : i32
      %scan3A_356 = arith.addi %scan3A_354, %scan3A_355 : i32
      %scan3A_357 = arith.constant 1 : i32
      scf.for %scan3A_425 = %scan3A_354 to %scan3A_356 step %scan3A_357  : i32 {
        %mul3A_426 = arith.constant 128 : i32
        %mul3A_427 = arith.muli %scan3A_425, %mul3A_426 : i32
        %add3A_428 = arith.constant 0 : i32
        %add3A_429 = arith.addi %mul3A_427, %add3A_428 : i32
        %get3A = arith.index_cast %add3A_429 : i32 to index
        %get3A_430 = tpu.vector_load %arg5[%get3A] {strides = array<i32>} : memref<1024xi32, #tpu.memory_space<vmem>>, vector<16xi32>,
        %add3A_431 = arith.constant 16 : i32
        %add3A_432 = arith.addi %mul3A_427, %add3A_431 : i32
        %get3A_433 = arith.index_cast %add3A_432 : i32 to index
        %get3A_434 = tpu.vector_load %arg5[%get3A_433] {strides = array<i32>} : memref<1024xi32, #tpu.memory_space<vmem>>, vector<16xi32>,
        %add3A_435 = arith.constant 32 : i32
        %add3A_436 = arith.addi %mul3A_427, %add3A_435 : i32
        %get3A_437 = arith.index_cast %add3A_436 : i32 to index
        %get3A_438 = tpu.vector_load %arg5[%get3A_437] {strides = array<i32>} : memref<1024xi32, #tpu.memory_space<vmem>>, vector<16xi32>,
        %add3A_439 = arith.constant 48 : i32
        %add3A_440 = arith.addi %mul3A_427, %add3A_439 : i32
        %get3A_441 = arith.index_cast %add3A_440 : i32 to index
        %get3A_442 = tpu.vector_load %arg5[%get3A_441] {strides = array<i32>} : memref<1024xi32, #tpu.memory_space<vmem>>, vector<16xi32>,
        %add3A_443 = arith.constant 64 : i32
        %add3A_444 = arith.addi %mul3A_427, %add3A_443 : i32
        %get3A_445 = arith.index_cast %add3A_444 : i32 to index
        %get3A_446 = tpu.vector_load %arg5[%get3A_445] {strides = array<i32>} : memref<1024xi32, #tpu.memory_space<vmem>>, vector<16xi32>,
        %add3A_447 = arith.constant 80 : i32
        %add3A_448 = arith.addi %mul3A_427, %add3A_447 : i32
        %get3A_449 = arith.index_cast %add3A_448 : i32 to index
        %get3A_450 = tpu.vector_load %arg5[%get3A_449] {strides = array<i32>} : memref<1024xi32, #tpu.memory_space<vmem>>, vector<16xi32>,
        %add3A_451 = arith.constant 96 : i32
        %add3A_452 = arith.addi %mul3A_427, %add3A_451 : i32
        %get3A_453 = arith.index_cast %add3A_452 : i32 to index
        %get3A_454 = tpu.vector_load %arg5[%get3A_453] {strides = array<i32>} : memref<1024xi32, #tpu.memory_space<vmem>>, vector<16xi32>,
        %add3A_455 = arith.constant 112 : i32
        %add3A_456 = arith.addi %mul3A_427, %add3A_455 : i32
        %get3A_457 = arith.index_cast %add3A_456 : i32 to index
        %get3A_458 = tpu.vector_load %arg5[%get3A_457] {strides = array<i32>} : memref<1024xi32, #tpu.memory_space<vmem>>, vector<16xi32>,
        %parallel_loop3A = arith.constant 0 : i32
        %parallel_loop3A_459 = arith.constant 16 : i32
        %parallel_loop3A_460 = arith.constant 1 : i32
        scf.for %parallel_loop3A_461 = %parallel_loop3A to %parallel_loop3A_459 step %parallel_loop3A_460  : i32 {
          %parallel_loop3A_462 = arith.constant 0 : i32
          %parallel_loop3A_463 = vector.broadcast %parallel_loop3A_462 : i32 to vector<16xi32>
          %parallel_loop3A_464 = vector.broadcast %parallel_loop3A_461 : i32 to vector<16xi32>
          %parallel_loop3A_465 = arith.addi %parallel_loop3A_463, %parallel_loop3A_464 : vector<16xi32>
          %parallel_loop3A_466 = tpu.vector_load_idx %arg6[%parallel_loop3A_465, %get3A_430] : memref<16x1024xf32, #tpu.memory_space<vmem>>[vector<16xi32>, vector<16xi32>], vector<16xf32>,
          %parallel_loop3A_467 = arith.constant 0 : i32
          %parallel_loop3A_468 = arith.addi %parallel_loop3A_467, %parallel_loop3A_461 : i32
          %parallel_loop3A_469 = arith.constant 0 : i32
          %parallel_loop3A_470 = arith.addi %mul3A_427, %parallel_loop3A_469 : i32
          %parallel_loop3A_471 = arith.index_cast %parallel_loop3A_468 : i32 to index
          %parallel_loop3A_472 = arith.index_cast %parallel_loop3A_470 : i32 to index
          %parallel_loop3A_473 = tpu.vector_load %arg9[%parallel_loop3A_471, %parallel_loop3A_472] {strides = array<i32>} : memref<32x1024xf32, #tpu.memory_space<vmem>>, vector<16xf32>,
          tpu.vector_store %arg9[%parallel_loop3A_471, %parallel_loop3A_472], %parallel_loop3A_466 {strides = array<i32>} : memref<32x1024xf32, #tpu.memory_space<vmem>>, vector<16xf32>,
          %parallel_loop3A_474 = tpu.vector_load_idx %arg6[%parallel_loop3A_465, %get3A_434] : memref<16x1024xf32, #tpu.memory_space<vmem>>[vector<16xi32>, vector<16xi32>], vector<16xf32>,
          %parallel_loop3A_475 = arith.constant 0 : i32
          %parallel_loop3A_476 = arith.addi %parallel_loop3A_475, %parallel_loop3A_461 : i32
          %parallel_loop3A_477 = arith.constant 16 : i32
          %parallel_loop3A_478 = arith.addi %mul3A_427, %parallel_loop3A_477 : i32
          %parallel_loop3A_479 = arith.index_cast %parallel_loop3A_476 : i32 to index
          %parallel_loop3A_480 = arith.index_cast %parallel_loop3A_478 : i32 to index
          %parallel_loop3A_481 = tpu.vector_load %arg9[%parallel_loop3A_479, %parallel_loop3A_480] {strides = array<i32>} : memref<32x1024xf32, #tpu.memory_space<vmem>>, vector<16xf32>,
          tpu.vector_store %arg9[%parallel_loop3A_479, %parallel_loop3A_480], %parallel_loop3A_474 {strides = array<i32>} : memref<32x1024xf32, #tpu.memory_space<vmem>>, vector<16xf32>,
          %parallel_loop3A_482 = tpu.vector_load_idx %arg6[%parallel_loop3A_465, %get3A_438] : memref<16x1024xf32, #tpu.memory_space<vmem>>[vector<16xi32>, vector<16xi32>], vector<16xf32>,
          %parallel_loop3A_483 = arith.constant 0 : i32
          %parallel_loop3A_484 = arith.addi %parallel_loop3A_483, %parallel_loop3A_461 : i32
          %parallel_loop3A_485 = arith.constant 32 : i32
          %parallel_loop3A_486 = arith.addi %mul3A_427, %parallel_loop3A_485 : i32
          %parallel_loop3A_487 = arith.index_cast %parallel_loop3A_484 : i32 to index
          %parallel_loop3A_488 = arith.index_cast %parallel_loop3A_486 : i32 to index
          %parallel_loop3A_489 = tpu.vector_load %arg9[%parallel_loop3A_487, %parallel_loop3A_488] {strides = array<i32>} : memref<32x1024xf32, #tpu.memory_space<vmem>>, vector<16xf32>,
          tpu.vector_store %arg9[%parallel_loop3A_487, %parallel_loop3A_488], %parallel_loop3A_482 {strides = array<i32>} : memref<32x1024xf32, #tpu.memory_space<vmem>>, vector<16xf32>,
          %parallel_loop3A_490 = tpu.vector_load_idx %arg6[%parallel_loop3A_465, %get3A_442] : memref<16x1024xf32, #tpu.memory_space<vmem>>[vector<16xi32>, vector<16xi32>], vector<16xf32>,
          %parallel_loop3A_491 = arith.constant 0 : i32
          %parallel_loop3A_492 = arith.addi %parallel_loop3A_491, %parallel_loop3A_461 : i32
          %parallel_loop3A_493 = arith.constant 48 : i32
          %parallel_loop3A_494 = arith.addi %mul3A_427, %parallel_loop3A_493 : i32
          %parallel_loop3A_495 = arith.index_cast %parallel_loop3A_492 : i32 to index
          %parallel_loop3A_496 = arith.index_cast %parallel_loop3A_494 : i32 to index
          %parallel_loop3A_497 = tpu.vector_load %arg9[%parallel_loop3A_495, %parallel_loop3A_496] {strides = array<i32>} : memref<32x1024xf32, #tpu.memory_space<vmem>>, vector<16xf32>,
          tpu.vector_store %arg9[%parallel_loop3A_495, %parallel_loop3A_496], %parallel_loop3A_490 {strides = array<i32>} : memref<32x1024xf32, #tpu.memory_space<vmem>>, vector<16xf32>,
          %parallel_loop3A_498 = tpu.vector_load_idx %arg6[%parallel_loop3A_465, %get3A_446] : memref<16x1024xf32, #tpu.memory_space<vmem>>[vector<16xi32>, vector<16xi32>], vector<16xf32>,
          %parallel_loop3A_499 = arith.constant 0 : i32
          %parallel_loop3A_500 = arith.addi %parallel_loop3A_499, %parallel_loop3A_461 : i32
          %parallel_loop3A_501 = arith.constant 64 : i32
          %parallel_loop3A_502 = arith.addi %mul3A_427, %parallel_loop3A_501 : i32
          %parallel_loop3A_503 = arith.index_cast %parallel_loop3A_500 : i32 to index
          %parallel_loop3A_504 = arith.index_cast %parallel_loop3A_502 : i32 to index
          %parallel_loop3A_505 = tpu.vector_load %arg9[%parallel_loop3A_503, %parallel_loop3A_504] {strides = array<i32>} : memref<32x1024xf32, #tpu.memory_space<vmem>>, vector<16xf32>,
          tpu.vector_store %arg9[%parallel_loop3A_503, %parallel_loop3A_504], %parallel_loop3A_498 {strides = array<i32>} : memref<32x1024xf32, #tpu.memory_space<vmem>>, vector<16xf32>,
          %parallel_loop3A_506 = tpu.vector_load_idx %arg6[%parallel_loop3A_465, %get3A_450] : memref<16x1024xf32, #tpu.memory_space<vmem>>[vector<16xi32>, vector<16xi32>], vector<16xf32>,
          %parallel_loop3A_507 = arith.constant 0 : i32
          %parallel_loop3A_508 = arith.addi %parallel_loop3A_507, %parallel_loop3A_461 : i32
          %parallel_loop3A_509 = arith.constant 80 : i32
          %parallel_loop3A_510 = arith.addi %mul3A_427, %parallel_loop3A_509 : i32
          %parallel_loop3A_511 = arith.index_cast %parallel_loop3A_508 : i32 to index
          %parallel_loop3A_512 = arith.index_cast %parallel_loop3A_510 : i32 to index
          %parallel_loop3A_513 = tpu.vector_load %arg9[%parallel_loop3A_511, %parallel_loop3A_512] {strides = array<i32>} : memref<32x1024xf32, #tpu.memory_space<vmem>>, vector<16xf32>,
          tpu.vector_store %arg9[%parallel_loop3A_511, %parallel_loop3A_512], %parallel_loop3A_506 {strides = array<i32>} : memref<32x1024xf32, #tpu.memory_space<vmem>>, vector<16xf32>,
          %parallel_loop3A_514 = tpu.vector_load_idx %arg6[%parallel_loop3A_465, %get3A_454] : memref<16x1024xf32, #tpu.memory_space<vmem>>[vector<16xi32>, vector<16xi32>], vector<16xf32>,
          %parallel_loop3A_515 = arith.constant 0 : i32
          %parallel_loop3A_516 = arith.addi %parallel_loop3A_515, %parallel_loop3A_461 : i32
          %parallel_loop3A_517 = arith.constant 96 : i32
          %parallel_loop3A_518 = arith.addi %mul3A_427, %parallel_loop3A_517 : i32
          %parallel_loop3A_519 = arith.index_cast %parallel_loop3A_516 : i32 to index
          %parallel_loop3A_520 = arith.index_cast %parallel_loop3A_518 : i32 to index
          %parallel_loop3A_521 = tpu.vector_load %arg9[%parallel_loop3A_519, %parallel_loop3A_520] {strides = array<i32>} : memref<32x1024xf32, #tpu.memory_space<vmem>>, vector<16xf32>,
          tpu.vector_store %arg9[%parallel_loop3A_519, %parallel_loop3A_520], %parallel_loop3A_514 {strides = array<i32>} : memref<32x1024xf32, #tpu.memory_space<vmem>>, vector<16xf32>,
          %parallel_loop3A_522 = tpu.vector_load_idx %arg6[%parallel_loop3A_465, %get3A_458] : memref<16x1024xf32, #tpu.memory_space<vmem>>[vector<16xi32>, vector<16xi32>], vector<16xf32>,
          %parallel_loop3A_523 = arith.constant 0 : i32
          %parallel_loop3A_524 = arith.addi %parallel_loop3A_523, %parallel_loop3A_461 : i32
          %parallel_loop3A_525 = arith.constant 112 : i32
          %parallel_loop3A_526 = arith.addi %mul3A_427, %parallel_loop3A_525 : i32
          %parallel_loop3A_527 = arith.index_cast %parallel_loop3A_524 : i32 to index
          %parallel_loop3A_528 = arith.index_cast %parallel_loop3A_526 : i32 to index
          %parallel_loop3A_529 = tpu.vector_load %arg9[%parallel_loop3A_527, %parallel_loop3A_528] {strides = array<i32>} : memref<32x1024xf32, #tpu.memory_space<vmem>>, vector<16xf32>,
          tpu.vector_store %arg9[%parallel_loop3A_527, %parallel_loop3A_528], %parallel_loop3A_522 {strides = array<i32>} : memref<32x1024xf32, #tpu.memory_space<vmem>>, vector<16xf32>,
        } {sc.loop_unroll_factor = 2 : i64, sc.parallel_access}
      }
      %scan3A_358 = arith.constant 8 : i32
      %add3A_359 = arith.constant 2 : i32
      %add3A_360 = arith.addi %add3A_310, %add3A_359 : i32
      %mul3A_361 = arith.constant 16 : i32
      %mul3A_362 = arith.muli %add3A_360, %mul3A_361 : i32
      %add3A_363 = arith.addi %mul3A_2, %mul3A_362 : i32
      %dma_start3A_364 = arith.constant 0 : i32
      %dma_start3A_365 = tpu.memref_slice %arg2[%add3A_363, %dma_start3A_364] : memref<16384x1024xf32, #tpu.memory_space<hbm>> -> memref<16x1024xf32, #tpu.memory_space<hbm>>
      %dma_start3A_366 = arith.constant 0 : i32
      %dma_start3A_367 = tpu.memref_slice %arg2[%add3A_363, %dma_start3A_366] : memref<16384x1024xf32, #tpu.memory_space<hbm>> -> memref<16x1024xf32, #tpu.memory_space<hbm>>
      tpu.enqueue_dma source(%dma_start3A_367 : memref<16x1024xf32, #tpu.memory_space<hbm>>) target(%arg6 : memref<16x1024xf32, #tpu.memory_space<vmem>>) target_semaphore(%arg10 : memref<!tpu.dma_semaphore, #tpu.memory_space<semaphore_mem>>)
      %add3A_368 = arith.constant 3 : i32
      %add3A_369 = arith.addi %mul3A_200, %add3A_368 : i32
      %mul3A_370 = arith.constant 16 : i32
      %mul3A_371 = arith.muli %add3A_369, %mul3A_370 : i32
      %add3A_372 = arith.addi %mul3A_2, %mul3A_371 : i32
      %dma_wait3A_373 = arith.constant 0 : i32
      %dma_wait3A_374 = tpu.memref_slice %arg2[%add3A_372, %dma_wait3A_373] : memref<16384x1024xf32, #tpu.memory_space<hbm>> -> memref<16x1024xf32, #tpu.memory_space<hbm>>
      %dma_wait3A_375 = arith.constant 0 : i32
      %dma_wait3A_376 = tpu.memref_slice %arg2[%add3A_372, %dma_wait3A_375] : memref<16384x1024xf32, #tpu.memory_space<hbm>> -> memref<16x1024xf32, #tpu.memory_space<hbm>>
      tpu.wait_dma2 semaphore(%arg10 : memref<!tpu.dma_semaphore, #tpu.memory_space<semaphore_mem>>) src(%dma_wait3A_376 : memref<16x1024xf32, #tpu.memory_space<hbm>>) dst(%arg7 : memref<16x1024xf32, #tpu.memory_space<vmem>>)
      %scan3A_377 = arith.constant 0 : i32
      %scan3A_378 = arith.constant 0 : i32
      %scan3A_379 = arith.constant 8 : i32
      %scan3A_380 = arith.addi %scan3A_378, %scan3A_379 : i32
      %scan3A_381 = arith.constant 1 : i32
      scf.for %scan3A_425 = %scan3A_378 to %scan3A_380 step %scan3A_381  : i32 {
        %mul3A_426 = arith.constant 128 : i32
        %mul3A_427 = arith.muli %scan3A_425, %mul3A_426 : i32
        %add3A_428 = arith.constant 0 : i32
        %add3A_429 = arith.addi %mul3A_427, %add3A_428 : i32
        %get3A = arith.index_cast %add3A_429 : i32 to index
        %get3A_430 = tpu.vector_load %arg5[%get3A] {strides = array<i32>} : memref<1024xi32, #tpu.memory_space<vmem>>, vector<16xi32>,
        %add3A_431 = arith.constant 16 : i32
        %add3A_432 = arith.addi %mul3A_427, %add3A_431 : i32
        %get3A_433 = arith.index_cast %add3A_432 : i32 to index
        %get3A_434 = tpu.vector_load %arg5[%get3A_433] {strides = array<i32>} : memref<1024xi32, #tpu.memory_space<vmem>>, vector<16xi32>,
        %add3A_435 = arith.constant 32 : i32
        %add3A_436 = arith.addi %mul3A_427, %add3A_435 : i32
        %get3A_437 = arith.index_cast %add3A_436 : i32 to index
        %get3A_438 = tpu.vector_load %arg5[%get3A_437] {strides = array<i32>} : memref<1024xi32, #tpu.memory_space<vmem>>, vector<16xi32>,
        %add3A_439 = arith.constant 48 : i32
        %add3A_440 = arith.addi %mul3A_427, %add3A_439 : i32
        %get3A_441 = arith.index_cast %add3A_440 : i32 to index
        %get3A_442 = tpu.vector_load %arg5[%get3A_441] {strides = array<i32>} : memref<1024xi32, #tpu.memory_space<vmem>>, vector<16xi32>,
        %add3A_443 = arith.constant 64 : i32
        %add3A_444 = arith.addi %mul3A_427, %add3A_443 : i32
        %get3A_445 = arith.index_cast %add3A_444 : i32 to index
        %get3A_446 = tpu.vector_load %arg5[%get3A_445] {strides = array<i32>} : memref<1024xi32, #tpu.memory_space<vmem>>, vector<16xi32>,
        %add3A_447 = arith.constant 80 : i32
        %add3A_448 = arith.addi %mul3A_427, %add3A_447 : i32
        %get3A_449 = arith.index_cast %add3A_448 : i32 to index
        %get3A_450 = tpu.vector_load %arg5[%get3A_449] {strides = array<i32>} : memref<1024xi32, #tpu.memory_space<vmem>>, vector<16xi32>,
        %add3A_451 = arith.constant 96 : i32
        %add3A_452 = arith.addi %mul3A_427, %add3A_451 : i32
        %get3A_453 = arith.index_cast %add3A_452 : i32 to index
        %get3A_454 = tpu.vector_load %arg5[%get3A_453] {strides = array<i32>} : memref<1024xi32, #tpu.memory_space<vmem>>, vector<16xi32>,
        %add3A_455 = arith.constant 112 : i32
        %add3A_456 = arith.addi %mul3A_427, %add3A_455 : i32
        %get3A_457 = arith.index_cast %add3A_456 : i32 to index
        %get3A_458 = tpu.vector_load %arg5[%get3A_457] {strides = array<i32>} : memref<1024xi32, #tpu.memory_space<vmem>>, vector<16xi32>,
        %parallel_loop3A = arith.constant 0 : i32
        %parallel_loop3A_459 = arith.constant 16 : i32
        %parallel_loop3A_460 = arith.constant 1 : i32
        scf.for %parallel_loop3A_461 = %parallel_loop3A to %parallel_loop3A_459 step %parallel_loop3A_460  : i32 {
          %parallel_loop3A_462 = arith.constant 0 : i32
          %parallel_loop3A_463 = vector.broadcast %parallel_loop3A_462 : i32 to vector<16xi32>
          %parallel_loop3A_464 = vector.broadcast %parallel_loop3A_461 : i32 to vector<16xi32>
          %parallel_loop3A_465 = arith.addi %parallel_loop3A_463, %parallel_loop3A_464 : vector<16xi32>
          %parallel_loop3A_466 = tpu.vector_load_idx %arg7[%parallel_loop3A_465, %get3A_430] : memref<16x1024xf32, #tpu.memory_space<vmem>>[vector<16xi32>, vector<16xi32>], vector<16xf32>,
          %parallel_loop3A_467 = arith.constant 16 : i32
          %parallel_loop3A_468 = arith.addi %parallel_loop3A_467, %parallel_loop3A_461 : i32
          %parallel_loop3A_469 = arith.constant 0 : i32
          %parallel_loop3A_470 = arith.addi %mul3A_427, %parallel_loop3A_469 : i32
          %parallel_loop3A_471 = arith.index_cast %parallel_loop3A_468 : i32 to index
          %parallel_loop3A_472 = arith.index_cast %parallel_loop3A_470 : i32 to index
          %parallel_loop3A_473 = tpu.vector_load %arg9[%parallel_loop3A_471, %parallel_loop3A_472] {strides = array<i32>} : memref<32x1024xf32, #tpu.memory_space<vmem>>, vector<16xf32>,
          tpu.vector_store %arg9[%parallel_loop3A_471, %parallel_loop3A_472], %parallel_loop3A_466 {strides = array<i32>} : memref<32x1024xf32, #tpu.memory_space<vmem>>, vector<16xf32>,
          %parallel_loop3A_474 = tpu.vector_load_idx %arg7[%parallel_loop3A_465, %get3A_434] : memref<16x1024xf32, #tpu.memory_space<vmem>>[vector<16xi32>, vector<16xi32>], vector<16xf32>,
          %parallel_loop3A_475 = arith.constant 16 : i32
          %parallel_loop3A_476 = arith.addi %parallel_loop3A_475, %parallel_loop3A_461 : i32
          %parallel_loop3A_477 = arith.constant 16 : i32
          %parallel_loop3A_478 = arith.addi %mul3A_427, %parallel_loop3A_477 : i32
          %parallel_loop3A_479 = arith.index_cast %parallel_loop3A_476 : i32 to index
          %parallel_loop3A_480 = arith.index_cast %parallel_loop3A_478 : i32 to index
          %parallel_loop3A_481 = tpu.vector_load %arg9[%parallel_loop3A_479, %parallel_loop3A_480] {strides = array<i32>} : memref<32x1024xf32, #tpu.memory_space<vmem>>, vector<16xf32>,
          tpu.vector_store %arg9[%parallel_loop3A_479, %parallel_loop3A_480], %parallel_loop3A_474 {strides = array<i32>} : memref<32x1024xf32, #tpu.memory_space<vmem>>, vector<16xf32>,
          %parallel_loop3A_482 = tpu.vector_load_idx %arg7[%parallel_loop3A_465, %get3A_438] : memref<16x1024xf32, #tpu.memory_space<vmem>>[vector<16xi32>, vector<16xi32>], vector<16xf32>,
          %parallel_loop3A_483 = arith.constant 16 : i32
          %parallel_loop3A_484 = arith.addi %parallel_loop3A_483, %parallel_loop3A_461 : i32
          %parallel_loop3A_485 = arith.constant 32 : i32
          %parallel_loop3A_486 = arith.addi %mul3A_427, %parallel_loop3A_485 : i32
          %parallel_loop3A_487 = arith.index_cast %parallel_loop3A_484 : i32 to index
          %parallel_loop3A_488 = arith.index_cast %parallel_loop3A_486 : i32 to index
          %parallel_loop3A_489 = tpu.vector_load %arg9[%parallel_loop3A_487, %parallel_loop3A_488] {strides = array<i32>} : memref<32x1024xf32, #tpu.memory_space<vmem>>, vector<16xf32>,
          tpu.vector_store %arg9[%parallel_loop3A_487, %parallel_loop3A_488], %parallel_loop3A_482 {strides = array<i32>} : memref<32x1024xf32, #tpu.memory_space<vmem>>, vector<16xf32>,
          %parallel_loop3A_490 = tpu.vector_load_idx %arg7[%parallel_loop3A_465, %get3A_442] : memref<16x1024xf32, #tpu.memory_space<vmem>>[vector<16xi32>, vector<16xi32>], vector<16xf32>,
          %parallel_loop3A_491 = arith.constant 16 : i32
          %parallel_loop3A_492 = arith.addi %parallel_loop3A_491, %parallel_loop3A_461 : i32
          %parallel_loop3A_493 = arith.constant 48 : i32
          %parallel_loop3A_494 = arith.addi %mul3A_427, %parallel_loop3A_493 : i32
          %parallel_loop3A_495 = arith.index_cast %parallel_loop3A_492 : i32 to index
          %parallel_loop3A_496 = arith.index_cast %parallel_loop3A_494 : i32 to index
          %parallel_loop3A_497 = tpu.vector_load %arg9[%parallel_loop3A_495, %parallel_loop3A_496] {strides = array<i32>} : memref<32x1024xf32, #tpu.memory_space<vmem>>, vector<16xf32>,
          tpu.vector_store %arg9[%parallel_loop3A_495, %parallel_loop3A_496], %parallel_loop3A_490 {strides = array<i32>} : memref<32x1024xf32, #tpu.memory_space<vmem>>, vector<16xf32>,
          %parallel_loop3A_498 = tpu.vector_load_idx %arg7[%parallel_loop3A_465, %get3A_446] : memref<16x1024xf32, #tpu.memory_space<vmem>>[vector<16xi32>, vector<16xi32>], vector<16xf32>,
          %parallel_loop3A_499 = arith.constant 16 : i32
          %parallel_loop3A_500 = arith.addi %parallel_loop3A_499, %parallel_loop3A_461 : i32
          %parallel_loop3A_501 = arith.constant 64 : i32
          %parallel_loop3A_502 = arith.addi %mul3A_427, %parallel_loop3A_501 : i32
          %parallel_loop3A_503 = arith.index_cast %parallel_loop3A_500 : i32 to index
          %parallel_loop3A_504 = arith.index_cast %parallel_loop3A_502 : i32 to index
          %parallel_loop3A_505 = tpu.vector_load %arg9[%parallel_loop3A_503, %parallel_loop3A_504] {strides = array<i32>} : memref<32x1024xf32, #tpu.memory_space<vmem>>, vector<16xf32>,
          tpu.vector_store %arg9[%parallel_loop3A_503, %parallel_loop3A_504], %parallel_loop3A_498 {strides = array<i32>} : memref<32x1024xf32, #tpu.memory_space<vmem>>, vector<16xf32>,
          %parallel_loop3A_506 = tpu.vector_load_idx %arg7[%parallel_loop3A_465, %get3A_450] : memref<16x1024xf32, #tpu.memory_space<vmem>>[vector<16xi32>, vector<16xi32>], vector<16xf32>,
          %parallel_loop3A_507 = arith.constant 16 : i32
          %parallel_loop3A_508 = arith.addi %parallel_loop3A_507, %parallel_loop3A_461 : i32
          %parallel_loop3A_509 = arith.constant 80 : i32
          %parallel_loop3A_510 = arith.addi %mul3A_427, %parallel_loop3A_509 : i32
          %parallel_loop3A_511 = arith.index_cast %parallel_loop3A_508 : i32 to index
          %parallel_loop3A_512 = arith.index_cast %parallel_loop3A_510 : i32 to index
          %parallel_loop3A_513 = tpu.vector_load %arg9[%parallel_loop3A_511, %parallel_loop3A_512] {strides = array<i32>} : memref<32x1024xf32, #tpu.memory_space<vmem>>, vector<16xf32>,
          tpu.vector_store %arg9[%parallel_loop3A_511, %parallel_loop3A_512], %parallel_loop3A_506 {strides = array<i32>} : memref<32x1024xf32, #tpu.memory_space<vmem>>, vector<16xf32>,
          %parallel_loop3A_514 = tpu.vector_load_idx %arg7[%parallel_loop3A_465, %get3A_454] : memref<16x1024xf32, #tpu.memory_space<vmem>>[vector<16xi32>, vector<16xi32>], vector<16xf32>,
          %parallel_loop3A_515 = arith.constant 16 : i32
          %parallel_loop3A_516 = arith.addi %parallel_loop3A_515, %parallel_loop3A_461 : i32
          %parallel_loop3A_517 = arith.constant 96 : i32
          %parallel_loop3A_518 = arith.addi %mul3A_427, %parallel_loop3A_517 : i32
          %parallel_loop3A_519 = arith.index_cast %parallel_loop3A_516 : i32 to index
          %parallel_loop3A_520 = arith.index_cast %parallel_loop3A_518 : i32 to index
          %parallel_loop3A_521 = tpu.vector_load %arg9[%parallel_loop3A_519, %parallel_loop3A_520] {strides = array<i32>} : memref<32x1024xf32, #tpu.memory_space<vmem>>, vector<16xf32>,
          tpu.vector_store %arg9[%parallel_loop3A_519, %parallel_loop3A_520], %parallel_loop3A_514 {strides = array<i32>} : memref<32x1024xf32, #tpu.memory_space<vmem>>, vector<16xf32>,
          %parallel_loop3A_522 = tpu.vector_load_idx %arg7[%parallel_loop3A_465, %get3A_458] : memref<16x1024xf32, #tpu.memory_space<vmem>>[vector<16xi32>, vector<16xi32>], vector<16xf32>,
          %parallel_loop3A_523 = arith.constant 16 : i32
          %parallel_loop3A_524 = arith.addi %parallel_loop3A_523, %parallel_loop3A_461 : i32
          %parallel_loop3A_525 = arith.constant 112 : i32
          %parallel_loop3A_526 = arith.addi %mul3A_427, %parallel_loop3A_525 : i32
          %parallel_loop3A_527 = arith.index_cast %parallel_loop3A_524 : i32 to index
          %parallel_loop3A_528 = arith.index_cast %parallel_loop3A_526 : i32 to index
          %parallel_loop3A_529 = tpu.vector_load %arg9[%parallel_loop3A_527, %parallel_loop3A_528] {strides = array<i32>} : memref<32x1024xf32, #tpu.memory_space<vmem>>, vector<16xf32>,
          tpu.vector_store %arg9[%parallel_loop3A_527, %parallel_loop3A_528], %parallel_loop3A_522 {strides = array<i32>} : memref<32x1024xf32, #tpu.memory_space<vmem>>, vector<16xf32>,
        } {sc.loop_unroll_factor = 2 : i64, sc.parallel_access}
      }
      %scan3A_382 = arith.constant 8 : i32
      %jit3A_383 = arith.constant 2 : i32
      %div3A_384 = arith.divsi %add3A_369, %jit3A_383 : i32
      %sign3A_385 = arith.constant 0 : i32
      %sign3A_386 = arith.cmpi sgt, %add3A_369, %sign3A_385 : i32
      %sign3A_387 = arith.extui %sign3A_386 : i1 to i32
      %sign3A_388 = arith.constant 0 : i32
      %sign3A_389 = arith.cmpi slt, %add3A_369, %sign3A_388 : i32
      %sign3A_390 = arith.extui %sign3A_389 : i1 to i32
      %sign3A_391 = arith.subi %sign3A_387, %sign3A_390 : i32
      %sign3A_392 = arith.constant 0 : i32
      %sign3A_393 = arith.cmpi sgt, %jit3A_383, %sign3A_392 : i32
      %sign3A_394 = arith.extui %sign3A_393 : i1 to i32
      %sign3A_395 = arith.constant 0 : i32
      %sign3A_396 = arith.cmpi slt, %jit3A_383, %sign3A_395 : i32
      %sign3A_397 = arith.extui %sign3A_396 : i1 to i32
      %sign3A_398 = arith.subi %sign3A_394, %sign3A_397 : i32
      %ne3A_399 = arith.cmpi ne, %sign3A_391, %sign3A_398 : i32
      %rem3A_400 = arith.remsi %add3A_369, %jit3A_383 : i32
      %ne3A_401 = arith.constant 0 : i32
      %ne3A_402 = arith.cmpi ne, %rem3A_400, %ne3A_401 : i32
      %and3A_403 = arith.andi %ne3A_399, %ne3A_402 : i1
      %sub3A_404 = arith.constant 1 : i32
      %sub3A_405 = arith.subi %div3A_384, %sub3A_404 : i32
      %select_n3A_406 = arith.select %and3A_403, %sub3A_405, %div3A_384 : i32
      %mul3A_407 = arith.constant 2 : i32
      %mul3A_408 = arith.muli %select_n3A_406, %mul3A_407 : i32
      %mul3A_409 = arith.constant 16 : i32
      %mul3A_410 = arith.muli %mul3A_408, %mul3A_409 : i32
      %add3A_411 = arith.addi %mul3A_2, %mul3A_410 : i32
      %dma_start3A_412 = arith.constant 0 : i32
      %dma_start3A_413 = tpu.memref_slice %arg4[%add3A_411, %dma_start3A_412] : memref<16384x1024xf32, #tpu.memory_space<hbm>> -> memref<32x1024xf32, #tpu.memory_space<hbm>>
      %dma_start3A_414 = arith.constant 0 : i32
      %dma_start3A_415 = tpu.memref_slice %arg4[%add3A_411, %dma_start3A_414] : memref<16384x1024xf32, #tpu.memory_space<hbm>> -> memref<32x1024xf32, #tpu.memory_space<hbm>>
      tpu.enqueue_dma source(%arg9 : memref<32x1024xf32, #tpu.memory_space<vmem>>) target(%dma_start3A_415 : memref<32x1024xf32, #tpu.memory_space<hbm>>) target_semaphore(%arg11 : memref<!tpu.dma_semaphore, #tpu.memory_space<semaphore_mem>>)
      %add3A_416 = arith.constant 2 : i32
      %add3A_417 = arith.addi %add3A_369, %add3A_416 : i32
      %mul3A_418 = arith.constant 16 : i32
      %mul3A_419 = arith.muli %add3A_417, %mul3A_418 : i32
      %add3A_420 = arith.addi %mul3A_2, %mul3A_419 : i32
      %dma_start3A_421 = arith.constant 0 : i32
      %dma_start3A_422 = tpu.memref_slice %arg2[%add3A_420, %dma_start3A_421] : memref<16384x1024xf32, #tpu.memory_space<hbm>> -> memref<16x1024xf32, #tpu.memory_space<hbm>>
      %dma_start3A_423 = arith.constant 0 : i32
      %dma_start3A_424 = tpu.memref_slice %arg2[%add3A_420, %dma_start3A_423] : memref<16384x1024xf32, #tpu.memory_space<hbm>> -> memref<16x1024xf32, #tpu.memory_space<hbm>>
      tpu.enqueue_dma source(%dma_start3A_424 : memref<16x1024xf32, #tpu.memory_space<hbm>>) target(%arg7 : memref<16x1024xf32, #tpu.memory_space<vmem>>) target_semaphore(%arg10 : memref<!tpu.dma_semaphore, #tpu.memory_space<semaphore_mem>>)
    }
    %scan3A_101 = arith.constant 6 : i32
    %add3A_102 = arith.constant 448 : i32
    %add3A_103 = arith.addi %mul3A_2, %add3A_102 : i32
    %dma_wait3A_104 = arith.constant 0 : i32
    %dma_wait3A_105 = tpu.memref_slice %arg2[%add3A_103, %dma_wait3A_104] : memref<16384x1024xf32, #tpu.memory_space<hbm>> -> memref<16x1024xf32, #tpu.memory_space<hbm>>
    %dma_wait3A_106 = arith.constant 0 : i32
    %dma_wait3A_107 = tpu.memref_slice %arg2[%add3A_103, %dma_wait3A_106] : memref<16384x1024xf32, #tpu.memory_space<hbm>> -> memref<16x1024xf32, #tpu.memory_space<hbm>>
    tpu.wait_dma2 semaphore(%arg10 : memref<!tpu.dma_semaphore, #tpu.memory_space<semaphore_mem>>) src(%dma_wait3A_107 : memref<16x1024xf32, #tpu.memory_space<hbm>>) dst(%arg6 : memref<16x1024xf32, #tpu.memory_space<vmem>>)
    %add3A_108 = arith.constant 384 : i32
    %add3A_109 = arith.addi %mul3A_2, %add3A_108 : i32
    %dma_wait3A_110 = arith.constant 0 : i32
    %dma_wait3A_111 = tpu.memref_slice %arg4[%add3A_109, %dma_wait3A_110] : memref<16384x1024xf32, #tpu.memory_space<hbm>> -> memref<32x1024xf32, #tpu.memory_space<hbm>>
    %dma_wait3A_112 = arith.constant 0 : i32
    %dma_wait3A_113 = tpu.memref_slice %arg4[%add3A_109, %dma_wait3A_112] : memref<16384x1024xf32, #tpu.memory_space<hbm>> -> memref<32x1024xf32, #tpu.memory_space<hbm>>
    tpu.wait_dma2 semaphore(%arg11 : memref<!tpu.dma_semaphore, #tpu.memory_space<semaphore_mem>>) src(%arg8 : memref<32x1024xf32, #tpu.memory_space<vmem>>) dst(%dma_wait3A_113 : memref<32x1024xf32, #tpu.memory_space<hbm>>)
    %scan3A_114 = arith.constant 0 : i32
    %scan3A_115 = arith.constant 0 : i32
    %scan3A_116 = arith.constant 8 : i32
    %scan3A_117 = arith.addi %scan3A_115, %scan3A_116 : i32
    %scan3A_118 = arith.constant 1 : i32
    scf.for %scan3A_198 = %scan3A_115 to %scan3A_117 step %scan3A_118  : i32 {
      %mul3A_199 = arith.constant 128 : i32
      %mul3A_200 = arith.muli %scan3A_198, %mul3A_199 : i32
      %add3A_201 = arith.constant 0 : i32
      %add3A_202 = arith.addi %mul3A_200, %add3A_201 : i32
      %get3A = arith.index_cast %add3A_202 : i32 to index
      %get3A_203 = tpu.vector_load %arg5[%get3A] {strides = array<i32>} : memref<1024xi32, #tpu.memory_space<vmem>>, vector<16xi32>,
      %add3A_204 = arith.constant 16 : i32
      %add3A_205 = arith.addi %mul3A_200, %add3A_204 : i32
      %get3A_206 = arith.index_cast %add3A_205 : i32 to index
      %get3A_207 = tpu.vector_load %arg5[%get3A_206] {strides = array<i32>} : memref<1024xi32, #tpu.memory_space<vmem>>, vector<16xi32>,
      %add3A_208 = arith.constant 32 : i32
      %add3A_209 = arith.addi %mul3A_200, %add3A_208 : i32
      %get3A_210 = arith.index_cast %add3A_209 : i32 to index
      %get3A_211 = tpu.vector_load %arg5[%get3A_210] {strides = array<i32>} : memref<1024xi32, #tpu.memory_space<vmem>>, vector<16xi32>,
      %add3A_212 = arith.constant 48 : i32
      %add3A_213 = arith.addi %mul3A_200, %add3A_212 : i32
      %get3A_214 = arith.index_cast %add3A_213 : i32 to index
      %get3A_215 = tpu.vector_load %arg5[%get3A_214] {strides = array<i32>} : memref<1024xi32, #tpu.memory_space<vmem>>, vector<16xi32>,
      %add3A_216 = arith.constant 64 : i32
      %add3A_217 = arith.addi %mul3A_200, %add3A_216 : i32
      %get3A_218 = arith.index_cast %add3A_217 : i32 to index
      %get3A_219 = tpu.vector_load %arg5[%get3A_218] {strides = array<i32>} : memref<1024xi32, #tpu.memory_space<vmem>>, vector<16xi32>,
      %add3A_220 = arith.constant 80 : i32
      %add3A_221 = arith.addi %mul3A_200, %add3A_220 : i32
      %get3A_222 = arith.index_cast %add3A_221 : i32 to index
      %get3A_223 = tpu.vector_load %arg5[%get3A_222] {strides = array<i32>} : memref<1024xi32, #tpu.memory_space<vmem>>, vector<16xi32>,
      %add3A_224 = arith.constant 96 : i32
      %add3A_225 = arith.addi %mul3A_200, %add3A_224 : i32
      %get3A_226 = arith.index_cast %add3A_225 : i32 to index
      %get3A_227 = tpu.vector_load %arg5[%get3A_226] {strides = array<i32>} : memref<1024xi32, #tpu.memory_space<vmem>>, vector<16xi32>,
      %add3A_228 = arith.constant 112 : i32
      %add3A_229 = arith.addi %mul3A_200, %add3A_228 : i32
      %get3A_230 = arith.index_cast %add3A_229 : i32 to index
      %get3A_231 = tpu.vector_load %arg5[%get3A_230] {strides = array<i32>} : memref<1024xi32, #tpu.memory_space<vmem>>, vector<16xi32>,
      %parallel_loop3A = arith.constant 0 : i32
      %parallel_loop3A_232 = arith.constant 16 : i32
      %parallel_loop3A_233 = arith.constant 1 : i32
      scf.for %parallel_loop3A_234 = %parallel_loop3A to %parallel_loop3A_232 step %parallel_loop3A_233  : i32 {
        %parallel_loop3A_235 = arith.constant 0 : i32
        %parallel_loop3A_236 = vector.broadcast %parallel_loop3A_235 : i32 to vector<16xi32>
        %parallel_loop3A_237 = vector.broadcast %parallel_loop3A_234 : i32 to vector<16xi32>
        %parallel_loop3A_238 = arith.addi %parallel_loop3A_236, %parallel_loop3A_237 : vector<16xi32>
        %parallel_loop3A_239 = tpu.vector_load_idx %arg6[%parallel_loop3A_238, %get3A_203] : memref<16x1024xf32, #tpu.memory_space<vmem>>[vector<16xi32>, vector<16xi32>], vector<16xf32>,
        %parallel_loop3A_240 = arith.constant 0 : i32
        %parallel_loop3A_241 = arith.addi %parallel_loop3A_240, %parallel_loop3A_234 : i32
        %parallel_loop3A_242 = arith.constant 0 : i32
        %parallel_loop3A_243 = arith.addi %mul3A_200, %parallel_loop3A_242 : i32
        %parallel_loop3A_244 = arith.index_cast %parallel_loop3A_241 : i32 to index
        %parallel_loop3A_245 = arith.index_cast %parallel_loop3A_243 : i32 to index
        %parallel_loop3A_246 = tpu.vector_load %arg8[%parallel_loop3A_244, %parallel_loop3A_245] {strides = array<i32>} : memref<32x1024xf32, #tpu.memory_space<vmem>>, vector<16xf32>,
        tpu.vector_store %arg8[%parallel_loop3A_244, %parallel_loop3A_245], %parallel_loop3A_239 {strides = array<i32>} : memref<32x1024xf32, #tpu.memory_space<vmem>>, vector<16xf32>,
        %parallel_loop3A_247 = tpu.vector_load_idx %arg6[%parallel_loop3A_238, %get3A_207] : memref<16x1024xf32, #tpu.memory_space<vmem>>[vector<16xi32>, vector<16xi32>], vector<16xf32>,
        %parallel_loop3A_248 = arith.constant 0 : i32
        %parallel_loop3A_249 = arith.addi %parallel_loop3A_248, %parallel_loop3A_234 : i32
        %parallel_loop3A_250 = arith.constant 16 : i32
        %parallel_loop3A_251 = arith.addi %mul3A_200, %parallel_loop3A_250 : i32
        %parallel_loop3A_252 = arith.index_cast %parallel_loop3A_249 : i32 to index
        %parallel_loop3A_253 = arith.index_cast %parallel_loop3A_251 : i32 to index
        %parallel_loop3A_254 = tpu.vector_load %arg8[%parallel_loop3A_252, %parallel_loop3A_253] {strides = array<i32>} : memref<32x1024xf32, #tpu.memory_space<vmem>>, vector<16xf32>,
        tpu.vector_store %arg8[%parallel_loop3A_252, %parallel_loop3A_253], %parallel_loop3A_247 {strides = array<i32>} : memref<32x1024xf32, #tpu.memory_space<vmem>>, vector<16xf32>,
        %parallel_loop3A_255 = tpu.vector_load_idx %arg6[%parallel_loop3A_238, %get3A_211] : memref<16x1024xf32, #tpu.memory_space<vmem>>[vector<16xi32>, vector<16xi32>], vector<16xf32>,
        %parallel_loop3A_256 = arith.constant 0 : i32
        %parallel_loop3A_257 = arith.addi %parallel_loop3A_256, %parallel_loop3A_234 : i32
        %parallel_loop3A_258 = arith.constant 32 : i32
        %parallel_loop3A_259 = arith.addi %mul3A_200, %parallel_loop3A_258 : i32
        %parallel_loop3A_260 = arith.index_cast %parallel_loop3A_257 : i32 to index
        %parallel_loop3A_261 = arith.index_cast %parallel_loop3A_259 : i32 to index
        %parallel_loop3A_262 = tpu.vector_load %arg8[%parallel_loop3A_260, %parallel_loop3A_261] {strides = array<i32>} : memref<32x1024xf32, #tpu.memory_space<vmem>>, vector<16xf32>,
        tpu.vector_store %arg8[%parallel_loop3A_260, %parallel_loop3A_261], %parallel_loop3A_255 {strides = array<i32>} : memref<32x1024xf32, #tpu.memory_space<vmem>>, vector<16xf32>,
        %parallel_loop3A_263 = tpu.vector_load_idx %arg6[%parallel_loop3A_238, %get3A_215] : memref<16x1024xf32, #tpu.memory_space<vmem>>[vector<16xi32>, vector<16xi32>], vector<16xf32>,
        %parallel_loop3A_264 = arith.constant 0 : i32
        %parallel_loop3A_265 = arith.addi %parallel_loop3A_264, %parallel_loop3A_234 : i32
        %parallel_loop3A_266 = arith.constant 48 : i32
        %parallel_loop3A_267 = arith.addi %mul3A_200, %parallel_loop3A_266 : i32
        %parallel_loop3A_268 = arith.index_cast %parallel_loop3A_265 : i32 to index
        %parallel_loop3A_269 = arith.index_cast %parallel_loop3A_267 : i32 to index
        %parallel_loop3A_270 = tpu.vector_load %arg8[%parallel_loop3A_268, %parallel_loop3A_269] {strides = array<i32>} : memref<32x1024xf32, #tpu.memory_space<vmem>>, vector<16xf32>,
        tpu.vector_store %arg8[%parallel_loop3A_268, %parallel_loop3A_269], %parallel_loop3A_263 {strides = array<i32>} : memref<32x1024xf32, #tpu.memory_space<vmem>>, vector<16xf32>,
        %parallel_loop3A_271 = tpu.vector_load_idx %arg6[%parallel_loop3A_238, %get3A_219] : memref<16x1024xf32, #tpu.memory_space<vmem>>[vector<16xi32>, vector<16xi32>], vector<16xf32>,
        %parallel_loop3A_272 = arith.constant 0 : i32
        %parallel_loop3A_273 = arith.addi %parallel_loop3A_272, %parallel_loop3A_234 : i32
        %parallel_loop3A_274 = arith.constant 64 : i32
        %parallel_loop3A_275 = arith.addi %mul3A_200, %parallel_loop3A_274 : i32
        %parallel_loop3A_276 = arith.index_cast %parallel_loop3A_273 : i32 to index
        %parallel_loop3A_277 = arith.index_cast %parallel_loop3A_275 : i32 to index
        %parallel_loop3A_278 = tpu.vector_load %arg8[%parallel_loop3A_276, %parallel_loop3A_277] {strides = array<i32>} : memref<32x1024xf32, #tpu.memory_space<vmem>>, vector<16xf32>,
        tpu.vector_store %arg8[%parallel_loop3A_276, %parallel_loop3A_277], %parallel_loop3A_271 {strides = array<i32>} : memref<32x1024xf32, #tpu.memory_space<vmem>>, vector<16xf32>,
        %parallel_loop3A_279 = tpu.vector_load_idx %arg6[%parallel_loop3A_238, %get3A_223] : memref<16x1024xf32, #tpu.memory_space<vmem>>[vector<16xi32>, vector<16xi32>], vector<16xf32>,
        %parallel_loop3A_280 = arith.constant 0 : i32
        %parallel_loop3A_281 = arith.addi %parallel_loop3A_280, %parallel_loop3A_234 : i32
        %parallel_loop3A_282 = arith.constant 80 : i32
        %parallel_loop3A_283 = arith.addi %mul3A_200, %parallel_loop3A_282 : i32
        %parallel_loop3A_284 = arith.index_cast %parallel_loop3A_281 : i32 to index
        %parallel_loop3A_285 = arith.index_cast %parallel_loop3A_283 : i32 to index
        %parallel_loop3A_286 = tpu.vector_load %arg8[%parallel_loop3A_284, %parallel_loop3A_285] {strides = array<i32>} : memref<32x1024xf32, #tpu.memory_space<vmem>>, vector<16xf32>,
        tpu.vector_store %arg8[%parallel_loop3A_284, %parallel_loop3A_285], %parallel_loop3A_279 {strides = array<i32>} : memref<32x1024xf32, #tpu.memory_space<vmem>>, vector<16xf32>,
        %parallel_loop3A_287 = tpu.vector_load_idx %arg6[%parallel_loop3A_238, %get3A_227] : memref<16x1024xf32, #tpu.memory_space<vmem>>[vector<16xi32>, vector<16xi32>], vector<16xf32>,
        %parallel_loop3A_288 = arith.constant 0 : i32
        %parallel_loop3A_289 = arith.addi %parallel_loop3A_288, %parallel_loop3A_234 : i32
        %parallel_loop3A_290 = arith.constant 96 : i32
        %parallel_loop3A_291 = arith.addi %mul3A_200, %parallel_loop3A_290 : i32
        %parallel_loop3A_292 = arith.index_cast %parallel_loop3A_289 : i32 to index
        %parallel_loop3A_293 = arith.index_cast %parallel_loop3A_291 : i32 to index
        %parallel_loop3A_294 = tpu.vector_load %arg8[%parallel_loop3A_292, %parallel_loop3A_293] {strides = array<i32>} : memref<32x1024xf32, #tpu.memory_space<vmem>>, vector<16xf32>,
        tpu.vector_store %arg8[%parallel_loop3A_292, %parallel_loop3A_293], %parallel_loop3A_287 {strides = array<i32>} : memref<32x1024xf32, #tpu.memory_space<vmem>>, vector<16xf32>,
        %parallel_loop3A_295 = tpu.vector_load_idx %arg6[%parallel_loop3A_238, %get3A_231] : memref<16x1024xf32, #tpu.memory_space<vmem>>[vector<16xi32>, vector<16xi32>], vector<16xf32>,
        %parallel_loop3A_296 = arith.constant 0 : i32
        %parallel_loop3A_297 = arith.addi %parallel_loop3A_296, %parallel_loop3A_234 : i32
        %parallel_loop3A_298 = arith.constant 112 : i32
        %parallel_loop3A_299 = arith.addi %mul3A_200, %parallel_loop3A_298 : i32
        %parallel_loop3A_300 = arith.index_cast %parallel_loop3A_297 : i32 to index
        %parallel_loop3A_301 = arith.index_cast %parallel_loop3A_299 : i32 to index
        %parallel_loop3A_302 = tpu.vector_load %arg8[%parallel_loop3A_300, %parallel_loop3A_301] {strides = array<i32>} : memref<32x1024xf32, #tpu.memory_space<vmem>>, vector<16xf32>,
        tpu.vector_store %arg8[%parallel_loop3A_300, %parallel_loop3A_301], %parallel_loop3A_295 {strides = array<i32>} : memref<32x1024xf32, #tpu.memory_space<vmem>>, vector<16xf32>,
      } {sc.loop_unroll_factor = 2 : i64, sc.parallel_access}
    }
    %scan3A_119 = arith.constant 8 : i32
    %add3A_120 = arith.constant 480 : i32
    %add3A_121 = arith.addi %mul3A_2, %add3A_120 : i32
    %dma_start3A_122 = arith.constant 0 : i32
    %dma_start3A_123 = tpu.memref_slice %arg2[%add3A_121, %dma_start3A_122] : memref<16384x1024xf32, #tpu.memory_space<hbm>> -> memref<16x1024xf32, #tpu.memory_space<hbm>>
    %dma_start3A_124 = arith.constant 0 : i32
    %dma_start3A_125 = tpu.memref_slice %arg2[%add3A_121, %dma_start3A_124] : memref<16384x1024xf32, #tpu.memory_space<hbm>> -> memref<16x1024xf32, #tpu.memory_space<hbm>>
    tpu.enqueue_dma source(%dma_start3A_125 : memref<16x1024xf32, #tpu.memory_space<hbm>>) target(%arg6 : memref<16x1024xf32, #tpu.memory_space<vmem>>) target_semaphore(%arg10 : memref<!tpu.dma_semaphore, #tpu.memory_space<semaphore_mem>>)
    %add3A_126 = arith.constant 464 : i32
    %add3A_127 = arith.addi %mul3A_2, %add3A_126 : i32
    %dma_wait3A_128 = arith.constant 0 : i32
    %dma_wait3A_129 = tpu.memref_slice %arg2[%add3A_127, %dma_wait3A_128] : memref<16384x1024xf32, #tpu.memory_space<hbm>> -> memref<16x1024xf32, #tpu.memory_space<hbm>>
    %dma_wait3A_130 = arith.constant 0 : i32
    %dma_wait3A_131 = tpu.memref_slice %arg2[%add3A_127, %dma_wait3A_130] : memref<16384x1024xf32, #tpu.memory_space<hbm>> -> memref<16x1024xf32, #tpu.memory_space<hbm>>
    tpu.wait_dma2 semaphore(%arg10 : memref<!tpu.dma_semaphore, #tpu.memory_space<semaphore_mem>>) src(%dma_wait3A_131 : memref<16x1024xf32, #tpu.memory_space<hbm>>) dst(%arg7 : memref<16x1024xf32, #tpu.memory_space<vmem>>)
    %scan3A_132 = arith.constant 0 : i32
    %scan3A_133 = arith.constant 0 : i32
    %scan3A_134 = arith.constant 8 : i32
    %scan3A_135 = arith.addi %scan3A_133, %scan3A_134 : i32
    %scan3A_136 = arith.constant 1 : i32
    scf.for %scan3A_198 = %scan3A_133 to %scan3A_135 step %scan3A_136  : i32 {
      %mul3A_199 = arith.constant 128 : i32
      %mul3A_200 = arith.muli %scan3A_198, %mul3A_199 : i32
      %add3A_201 = arith.constant 0 : i32
      %add3A_202 = arith.addi %mul3A_200, %add3A_201 : i32
      %get3A = arith.index_cast %add3A_202 : i32 to index
      %get3A_203 = tpu.vector_load %arg5[%get3A] {strides = array<i32>} : memref<1024xi32, #tpu.memory_space<vmem>>, vector<16xi32>,
      %add3A_204 = arith.constant 16 : i32
      %add3A_205 = arith.addi %mul3A_200, %add3A_204 : i32
      %get3A_206 = arith.index_cast %add3A_205 : i32 to index
      %get3A_207 = tpu.vector_load %arg5[%get3A_206] {strides = array<i32>} : memref<1024xi32, #tpu.memory_space<vmem>>, vector<16xi32>,
      %add3A_208 = arith.constant 32 : i32
      %add3A_209 = arith.addi %mul3A_200, %add3A_208 : i32
      %get3A_210 = arith.index_cast %add3A_209 : i32 to index
      %get3A_211 = tpu.vector_load %arg5[%get3A_210] {strides = array<i32>} : memref<1024xi32, #tpu.memory_space<vmem>>, vector<16xi32>,
      %add3A_212 = arith.constant 48 : i32
      %add3A_213 = arith.addi %mul3A_200, %add3A_212 : i32
      %get3A_214 = arith.index_cast %add3A_213 : i32 to index
      %get3A_215 = tpu.vector_load %arg5[%get3A_214] {strides = array<i32>} : memref<1024xi32, #tpu.memory_space<vmem>>, vector<16xi32>,
      %add3A_216 = arith.constant 64 : i32
      %add3A_217 = arith.addi %mul3A_200, %add3A_216 : i32
      %get3A_218 = arith.index_cast %add3A_217 : i32 to index
      %get3A_219 = tpu.vector_load %arg5[%get3A_218] {strides = array<i32>} : memref<1024xi32, #tpu.memory_space<vmem>>, vector<16xi32>,
      %add3A_220 = arith.constant 80 : i32
      %add3A_221 = arith.addi %mul3A_200, %add3A_220 : i32
      %get3A_222 = arith.index_cast %add3A_221 : i32 to index
      %get3A_223 = tpu.vector_load %arg5[%get3A_222] {strides = array<i32>} : memref<1024xi32, #tpu.memory_space<vmem>>, vector<16xi32>,
      %add3A_224 = arith.constant 96 : i32
      %add3A_225 = arith.addi %mul3A_200, %add3A_224 : i32
      %get3A_226 = arith.index_cast %add3A_225 : i32 to index
      %get3A_227 = tpu.vector_load %arg5[%get3A_226] {strides = array<i32>} : memref<1024xi32, #tpu.memory_space<vmem>>, vector<16xi32>,
      %add3A_228 = arith.constant 112 : i32
      %add3A_229 = arith.addi %mul3A_200, %add3A_228 : i32
      %get3A_230 = arith.index_cast %add3A_229 : i32 to index
      %get3A_231 = tpu.vector_load %arg5[%get3A_230] {strides = array<i32>} : memref<1024xi32, #tpu.memory_space<vmem>>, vector<16xi32>,
      %parallel_loop3A = arith.constant 0 : i32
      %parallel_loop3A_232 = arith.constant 16 : i32
      %parallel_loop3A_233 = arith.constant 1 : i32
      scf.for %parallel_loop3A_234 = %parallel_loop3A to %parallel_loop3A_232 step %parallel_loop3A_233  : i32 {
        %parallel_loop3A_235 = arith.constant 0 : i32
        %parallel_loop3A_236 = vector.broadcast %parallel_loop3A_235 : i32 to vector<16xi32>
        %parallel_loop3A_237 = vector.broadcast %parallel_loop3A_234 : i32 to vector<16xi32>
        %parallel_loop3A_238 = arith.addi %parallel_loop3A_236, %parallel_loop3A_237 : vector<16xi32>
        %parallel_loop3A_239 = tpu.vector_load_idx %arg7[%parallel_loop3A_238, %get3A_203] : memref<16x1024xf32, #tpu.memory_space<vmem>>[vector<16xi32>, vector<16xi32>], vector<16xf32>,
        %parallel_loop3A_240 = arith.constant 16 : i32
        %parallel_loop3A_241 = arith.addi %parallel_loop3A_240, %parallel_loop3A_234 : i32
        %parallel_loop3A_242 = arith.constant 0 : i32
        %parallel_loop3A_243 = arith.addi %mul3A_200, %parallel_loop3A_242 : i32
        %parallel_loop3A_244 = arith.index_cast %parallel_loop3A_241 : i32 to index
        %parallel_loop3A_245 = arith.index_cast %parallel_loop3A_243 : i32 to index
        %parallel_loop3A_246 = tpu.vector_load %arg8[%parallel_loop3A_244, %parallel_loop3A_245] {strides = array<i32>} : memref<32x1024xf32, #tpu.memory_space<vmem>>, vector<16xf32>,
        tpu.vector_store %arg8[%parallel_loop3A_244, %parallel_loop3A_245], %parallel_loop3A_239 {strides = array<i32>} : memref<32x1024xf32, #tpu.memory_space<vmem>>, vector<16xf32>,
        %parallel_loop3A_247 = tpu.vector_load_idx %arg7[%parallel_loop3A_238, %get3A_207] : memref<16x1024xf32, #tpu.memory_space<vmem>>[vector<16xi32>, vector<16xi32>], vector<16xf32>,
        %parallel_loop3A_248 = arith.constant 16 : i32
        %parallel_loop3A_249 = arith.addi %parallel_loop3A_248, %parallel_loop3A_234 : i32
        %parallel_loop3A_250 = arith.constant 16 : i32
        %parallel_loop3A_251 = arith.addi %mul3A_200, %parallel_loop3A_250 : i32
        %parallel_loop3A_252 = arith.index_cast %parallel_loop3A_249 : i32 to index
        %parallel_loop3A_253 = arith.index_cast %parallel_loop3A_251 : i32 to index
        %parallel_loop3A_254 = tpu.vector_load %arg8[%parallel_loop3A_252, %parallel_loop3A_253] {strides = array<i32>} : memref<32x1024xf32, #tpu.memory_space<vmem>>, vector<16xf32>,
        tpu.vector_store %arg8[%parallel_loop3A_252, %parallel_loop3A_253], %parallel_loop3A_247 {strides = array<i32>} : memref<32x1024xf32, #tpu.memory_space<vmem>>, vector<16xf32>,
        %parallel_loop3A_255 = tpu.vector_load_idx %arg7[%parallel_loop3A_238, %get3A_211] : memref<16x1024xf32, #tpu.memory_space<vmem>>[vector<16xi32>, vector<16xi32>], vector<16xf32>,
        %parallel_loop3A_256 = arith.constant 16 : i32
        %parallel_loop3A_257 = arith.addi %parallel_loop3A_256, %parallel_loop3A_234 : i32
        %parallel_loop3A_258 = arith.constant 32 : i32
        %parallel_loop3A_259 = arith.addi %mul3A_200, %parallel_loop3A_258 : i32
        %parallel_loop3A_260 = arith.index_cast %parallel_loop3A_257 : i32 to index
        %parallel_loop3A_261 = arith.index_cast %parallel_loop3A_259 : i32 to index
        %parallel_loop3A_262 = tpu.vector_load %arg8[%parallel_loop3A_260, %parallel_loop3A_261] {strides = array<i32>} : memref<32x1024xf32, #tpu.memory_space<vmem>>, vector<16xf32>,
        tpu.vector_store %arg8[%parallel_loop3A_260, %parallel_loop3A_261], %parallel_loop3A_255 {strides = array<i32>} : memref<32x1024xf32, #tpu.memory_space<vmem>>, vector<16xf32>,
        %parallel_loop3A_263 = tpu.vector_load_idx %arg7[%parallel_loop3A_238, %get3A_215] : memref<16x1024xf32, #tpu.memory_space<vmem>>[vector<16xi32>, vector<16xi32>], vector<16xf32>,
        %parallel_loop3A_264 = arith.constant 16 : i32
        %parallel_loop3A_265 = arith.addi %parallel_loop3A_264, %parallel_loop3A_234 : i32
        %parallel_loop3A_266 = arith.constant 48 : i32
        %parallel_loop3A_267 = arith.addi %mul3A_200, %parallel_loop3A_266 : i32
        %parallel_loop3A_268 = arith.index_cast %parallel_loop3A_265 : i32 to index
        %parallel_loop3A_269 = arith.index_cast %parallel_loop3A_267 : i32 to index
        %parallel_loop3A_270 = tpu.vector_load %arg8[%parallel_loop3A_268, %parallel_loop3A_269] {strides = array<i32>} : memref<32x1024xf32, #tpu.memory_space<vmem>>, vector<16xf32>,
        tpu.vector_store %arg8[%parallel_loop3A_268, %parallel_loop3A_269], %parallel_loop3A_263 {strides = array<i32>} : memref<32x1024xf32, #tpu.memory_space<vmem>>, vector<16xf32>,
        %parallel_loop3A_271 = tpu.vector_load_idx %arg7[%parallel_loop3A_238, %get3A_219] : memref<16x1024xf32, #tpu.memory_space<vmem>>[vector<16xi32>, vector<16xi32>], vector<16xf32>,
        %parallel_loop3A_272 = arith.constant 16 : i32
        %parallel_loop3A_273 = arith.addi %parallel_loop3A_272, %parallel_loop3A_234 : i32
        %parallel_loop3A_274 = arith.constant 64 : i32
        %parallel_loop3A_275 = arith.addi %mul3A_200, %parallel_loop3A_274 : i32
        %parallel_loop3A_276 = arith.index_cast %parallel_loop3A_273 : i32 to index
        %parallel_loop3A_277 = arith.index_cast %parallel_loop3A_275 : i32 to index
        %parallel_loop3A_278 = tpu.vector_load %arg8[%parallel_loop3A_276, %parallel_loop3A_277] {strides = array<i32>} : memref<32x1024xf32, #tpu.memory_space<vmem>>, vector<16xf32>,
        tpu.vector_store %arg8[%parallel_loop3A_276, %parallel_loop3A_277], %parallel_loop3A_271 {strides = array<i32>} : memref<32x1024xf32, #tpu.memory_space<vmem>>, vector<16xf32>,
        %parallel_loop3A_279 = tpu.vector_load_idx %arg7[%parallel_loop3A_238, %get3A_223] : memref<16x1024xf32, #tpu.memory_space<vmem>>[vector<16xi32>, vector<16xi32>], vector<16xf32>,
        %parallel_loop3A_280 = arith.constant 16 : i32
        %parallel_loop3A_281 = arith.addi %parallel_loop3A_280, %parallel_loop3A_234 : i32
        %parallel_loop3A_282 = arith.constant 80 : i32
        %parallel_loop3A_283 = arith.addi %mul3A_200, %parallel_loop3A_282 : i32
        %parallel_loop3A_284 = arith.index_cast %parallel_loop3A_281 : i32 to index
        %parallel_loop3A_285 = arith.index_cast %parallel_loop3A_283 : i32 to index
        %parallel_loop3A_286 = tpu.vector_load %arg8[%parallel_loop3A_284, %parallel_loop3A_285] {strides = array<i32>} : memref<32x1024xf32, #tpu.memory_space<vmem>>, vector<16xf32>,
        tpu.vector_store %arg8[%parallel_loop3A_284, %parallel_loop3A_285], %parallel_loop3A_279 {strides = array<i32>} : memref<32x1024xf32, #tpu.memory_space<vmem>>, vector<16xf32>,
        %parallel_loop3A_287 = tpu.vector_load_idx %arg7[%parallel_loop3A_238, %get3A_227] : memref<16x1024xf32, #tpu.memory_space<vmem>>[vector<16xi32>, vector<16xi32>], vector<16xf32>,
        %parallel_loop3A_288 = arith.constant 16 : i32
        %parallel_loop3A_289 = arith.addi %parallel_loop3A_288, %parallel_loop3A_234 : i32
        %parallel_loop3A_290 = arith.constant 96 : i32
        %parallel_loop3A_291 = arith.addi %mul3A_200, %parallel_loop3A_290 : i32
        %parallel_loop3A_292 = arith.index_cast %parallel_loop3A_289 : i32 to index
        %parallel_loop3A_293 = arith.index_cast %parallel_loop3A_291 : i32 to index
        %parallel_loop3A_294 = tpu.vector_load %arg8[%parallel_loop3A_292, %parallel_loop3A_293] {strides = array<i32>} : memref<32x1024xf32, #tpu.memory_space<vmem>>, vector<16xf32>,
        tpu.vector_store %arg8[%parallel_loop3A_292, %parallel_loop3A_293], %parallel_loop3A_287 {strides = array<i32>} : memref<32x1024xf32, #tpu.memory_space<vmem>>, vector<16xf32>,
        %parallel_loop3A_295 = tpu.vector_load_idx %arg7[%parallel_loop3A_238, %get3A_231] : memref<16x1024xf32, #tpu.memory_space<vmem>>[vector<16xi32>, vector<16xi32>], vector<16xf32>,
        %parallel_loop3A_296 = arith.constant 16 : i32
        %parallel_loop3A_297 = arith.addi %parallel_loop3A_296, %parallel_loop3A_234 : i32
        %parallel_loop3A_298 = arith.constant 112 : i32
        %parallel_loop3A_299 = arith.addi %mul3A_200, %parallel_loop3A_298 : i32
        %parallel_loop3A_300 = arith.index_cast %parallel_loop3A_297 : i32 to index
        %parallel_loop3A_301 = arith.index_cast %parallel_loop3A_299 : i32 to index
        %parallel_loop3A_302 = tpu.vector_load %arg8[%parallel_loop3A_300, %parallel_loop3A_301] {strides = array<i32>} : memref<32x1024xf32, #tpu.memory_space<vmem>>, vector<16xf32>,
        tpu.vector_store %arg8[%parallel_loop3A_300, %parallel_loop3A_301], %parallel_loop3A_295 {strides = array<i32>} : memref<32x1024xf32, #tpu.memory_space<vmem>>, vector<16xf32>,
      } {sc.loop_unroll_factor = 2 : i64, sc.parallel_access}
    }
    %scan3A_137 = arith.constant 8 : i32
    %add3A_138 = arith.constant 448 : i32
    %add3A_139 = arith.addi %mul3A_2, %add3A_138 : i32
    %dma_start3A_140 = arith.constant 0 : i32
    %dma_start3A_141 = tpu.memref_slice %arg4[%add3A_139, %dma_start3A_140] : memref<16384x1024xf32, #tpu.memory_space<hbm>> -> memref<32x1024xf32, #tpu.memory_space<hbm>>
    %dma_start3A_142 = arith.constant 0 : i32
    %dma_start3A_143 = tpu.memref_slice %arg4[%add3A_139, %dma_start3A_142] : memref<16384x1024xf32, #tpu.memory_space<hbm>> -> memref<32x1024xf32, #tpu.memory_space<hbm>>
    tpu.enqueue_dma source(%arg8 : memref<32x1024xf32, #tpu.memory_space<vmem>>) target(%dma_start3A_143 : memref<32x1024xf32, #tpu.memory_space<hbm>>) target_semaphore(%arg11 : memref<!tpu.dma_semaphore, #tpu.memory_space<semaphore_mem>>)
    %add3A_144 = arith.constant 496 : i32
    %add3A_145 = arith.addi %mul3A_2, %add3A_144 : i32
    %dma_start3A_146 = arith.constant 0 : i32
    %dma_start3A_147 = tpu.memref_slice %arg2[%add3A_145, %dma_start3A_146] : memref<16384x1024xf32, #tpu.memory_space<hbm>> -> memref<16x1024xf32, #tpu.memory_space<hbm>>
    %dma_start3A_148 = arith.constant 0 : i32
    %dma_start3A_149 = tpu.memref_slice %arg2[%add3A_145, %dma_start3A_148] : memref<16384x1024xf32, #tpu.memory_space<hbm>> -> memref<16x1024xf32, #tpu.memory_space<hbm>>
    tpu.enqueue_dma source(%dma_start3A_149 : memref<16x1024xf32, #tpu.memory_space<hbm>>) target(%arg7 : memref<16x1024xf32, #tpu.memory_space<vmem>>) target_semaphore(%arg10 : memref<!tpu.dma_semaphore, #tpu.memory_space<semaphore_mem>>)
    %add3A_150 = arith.constant 480 : i32
    %add3A_151 = arith.addi %mul3A_2, %add3A_150 : i32
    %dma_wait3A_152 = arith.constant 0 : i32
    %dma_wait3A_153 = tpu.memref_slice %arg2[%add3A_151, %dma_wait3A_152] : memref<16384x1024xf32, #tpu.memory_space<hbm>> -> memref<16x1024xf32, #tpu.memory_space<hbm>>
    %dma_wait3A_154 = arith.constant 0 : i32
    %dma_wait3A_155 = tpu.memref_slice %arg2[%add3A_151, %dma_wait3A_154] : memref<16384x1024xf32, #tpu.memory_space<hbm>> -> memref<16x1024xf32, #tpu.memory_space<hbm>>
    tpu.wait_dma2 semaphore(%arg10 : memref<!tpu.dma_semaphore, #tpu.memory_space<semaphore_mem>>) src(%dma_wait3A_155 : memref<16x1024xf32, #tpu.memory_space<hbm>>) dst(%arg6 : memref<16x1024xf32, #tpu.memory_space<vmem>>)
    %add3A_156 = arith.constant 416 : i32
    %add3A_157 = arith.addi %mul3A_2, %add3A_156 : i32
    %dma_wait3A_158 = arith.constant 0 : i32
    %dma_wait3A_159 = tpu.memref_slice %arg4[%add3A_157, %dma_wait3A_158] : memref<16384x1024xf32, #tpu.memory_space<hbm>> -> memref<32x1024xf32, #tpu.memory_space<hbm>>
    %dma_wait3A_160 = arith.constant 0 : i32
    %dma_wait3A_161 = tpu.memref_slice %arg4[%add3A_157, %dma_wait3A_160] : memref<16384x1024xf32, #tpu.memory_space<hbm>> -> memref<32x1024xf32, #tpu.memory_space<hbm>>
    tpu.wait_dma2 semaphore(%arg11 : memref<!tpu.dma_semaphore, #tpu.memory_space<semaphore_mem>>) src(%arg9 : memref<32x1024xf32, #tpu.memory_space<vmem>>) dst(%dma_wait3A_161 : memref<32x1024xf32, #tpu.memory_space<hbm>>)
    %scan3A_162 = arith.constant 0 : i32
    %scan3A_163 = arith.constant 0 : i32
    %scan3A_164 = arith.constant 8 : i32
    %scan3A_165 = arith.addi %scan3A_163, %scan3A_164 : i32
    %scan3A_166 = arith.constant 1 : i32
    scf.for %scan3A_198 = %scan3A_163 to %scan3A_165 step %scan3A_166  : i32 {
      %mul3A_199 = arith.constant 128 : i32
      %mul3A_200 = arith.muli %scan3A_198, %mul3A_199 : i32
      %add3A_201 = arith.constant 0 : i32
      %add3A_202 = arith.addi %mul3A_200, %add3A_201 : i32
      %get3A = arith.index_cast %add3A_202 : i32 to index
      %get3A_203 = tpu.vector_load %arg5[%get3A] {strides = array<i32>} : memref<1024xi32, #tpu.memory_space<vmem>>, vector<16xi32>,
      %add3A_204 = arith.constant 16 : i32
      %add3A_205 = arith.addi %mul3A_200, %add3A_204 : i32
      %get3A_206 = arith.index_cast %add3A_205 : i32 to index
      %get3A_207 = tpu.vector_load %arg5[%get3A_206] {strides = array<i32>} : memref<1024xi32, #tpu.memory_space<vmem>>, vector<16xi32>,
      %add3A_208 = arith.constant 32 : i32
      %add3A_209 = arith.addi %mul3A_200, %add3A_208 : i32
      %get3A_210 = arith.index_cast %add3A_209 : i32 to index
      %get3A_211 = tpu.vector_load %arg5[%get3A_210] {strides = array<i32>} : memref<1024xi32, #tpu.memory_space<vmem>>, vector<16xi32>,
      %add3A_212 = arith.constant 48 : i32
      %add3A_213 = arith.addi %mul3A_200, %add3A_212 : i32
      %get3A_214 = arith.index_cast %add3A_213 : i32 to index
      %get3A_215 = tpu.vector_load %arg5[%get3A_214] {strides = array<i32>} : memref<1024xi32, #tpu.memory_space<vmem>>, vector<16xi32>,
      %add3A_216 = arith.constant 64 : i32
      %add3A_217 = arith.addi %mul3A_200, %add3A_216 : i32
      %get3A_218 = arith.index_cast %add3A_217 : i32 to index
      %get3A_219 = tpu.vector_load %arg5[%get3A_218] {strides = array<i32>} : memref<1024xi32, #tpu.memory_space<vmem>>, vector<16xi32>,
      %add3A_220 = arith.constant 80 : i32
      %add3A_221 = arith.addi %mul3A_200, %add3A_220 : i32
      %get3A_222 = arith.index_cast %add3A_221 : i32 to index
      %get3A_223 = tpu.vector_load %arg5[%get3A_222] {strides = array<i32>} : memref<1024xi32, #tpu.memory_space<vmem>>, vector<16xi32>,
      %add3A_224 = arith.constant 96 : i32
      %add3A_225 = arith.addi %mul3A_200, %add3A_224 : i32
      %get3A_226 = arith.index_cast %add3A_225 : i32 to index
      %get3A_227 = tpu.vector_load %arg5[%get3A_226] {strides = array<i32>} : memref<1024xi32, #tpu.memory_space<vmem>>, vector<16xi32>,
      %add3A_228 = arith.constant 112 : i32
      %add3A_229 = arith.addi %mul3A_200, %add3A_228 : i32
      %get3A_230 = arith.index_cast %add3A_229 : i32 to index
      %get3A_231 = tpu.vector_load %arg5[%get3A_230] {strides = array<i32>} : memref<1024xi32, #tpu.memory_space<vmem>>, vector<16xi32>,
      %parallel_loop3A = arith.constant 0 : i32
      %parallel_loop3A_232 = arith.constant 16 : i32
      %parallel_loop3A_233 = arith.constant 1 : i32
      scf.for %parallel_loop3A_234 = %parallel_loop3A to %parallel_loop3A_232 step %parallel_loop3A_233  : i32 {
        %parallel_loop3A_235 = arith.constant 0 : i32
        %parallel_loop3A_236 = vector.broadcast %parallel_loop3A_235 : i32 to vector<16xi32>
        %parallel_loop3A_237 = vector.broadcast %parallel_loop3A_234 : i32 to vector<16xi32>
        %parallel_loop3A_238 = arith.addi %parallel_loop3A_236, %parallel_loop3A_237 : vector<16xi32>
        %parallel_loop3A_239 = tpu.vector_load_idx %arg6[%parallel_loop3A_238, %get3A_203] : memref<16x1024xf32, #tpu.memory_space<vmem>>[vector<16xi32>, vector<16xi32>], vector<16xf32>,
        %parallel_loop3A_240 = arith.constant 0 : i32
        %parallel_loop3A_241 = arith.addi %parallel_loop3A_240, %parallel_loop3A_234 : i32
        %parallel_loop3A_242 = arith.constant 0 : i32
        %parallel_loop3A_243 = arith.addi %mul3A_200, %parallel_loop3A_242 : i32
        %parallel_loop3A_244 = arith.index_cast %parallel_loop3A_241 : i32 to index
        %parallel_loop3A_245 = arith.index_cast %parallel_loop3A_243 : i32 to index
        %parallel_loop3A_246 = tpu.vector_load %arg9[%parallel_loop3A_244, %parallel_loop3A_245] {strides = array<i32>} : memref<32x1024xf32, #tpu.memory_space<vmem>>, vector<16xf32>,
        tpu.vector_store %arg9[%parallel_loop3A_244, %parallel_loop3A_245], %parallel_loop3A_239 {strides = array<i32>} : memref<32x1024xf32, #tpu.memory_space<vmem>>, vector<16xf32>,
        %parallel_loop3A_247 = tpu.vector_load_idx %arg6[%parallel_loop3A_238, %get3A_207] : memref<16x1024xf32, #tpu.memory_space<vmem>>[vector<16xi32>, vector<16xi32>], vector<16xf32>,
        %parallel_loop3A_248 = arith.constant 0 : i32
        %parallel_loop3A_249 = arith.addi %parallel_loop3A_248, %parallel_loop3A_234 : i32
        %parallel_loop3A_250 = arith.constant 16 : i32
        %parallel_loop3A_251 = arith.addi %mul3A_200, %parallel_loop3A_250 : i32
        %parallel_loop3A_252 = arith.index_cast %parallel_loop3A_249 : i32 to index
        %parallel_loop3A_253 = arith.index_cast %parallel_loop3A_251 : i32 to index
        %parallel_loop3A_254 = tpu.vector_load %arg9[%parallel_loop3A_252, %parallel_loop3A_253] {strides = array<i32>} : memref<32x1024xf32, #tpu.memory_space<vmem>>, vector<16xf32>,
        tpu.vector_store %arg9[%parallel_loop3A_252, %parallel_loop3A_253], %parallel_loop3A_247 {strides = array<i32>} : memref<32x1024xf32, #tpu.memory_space<vmem>>, vector<16xf32>,
        %parallel_loop3A_255 = tpu.vector_load_idx %arg6[%parallel_loop3A_238, %get3A_211] : memref<16x1024xf32, #tpu.memory_space<vmem>>[vector<16xi32>, vector<16xi32>], vector<16xf32>,
        %parallel_loop3A_256 = arith.constant 0 : i32
        %parallel_loop3A_257 = arith.addi %parallel_loop3A_256, %parallel_loop3A_234 : i32
        %parallel_loop3A_258 = arith.constant 32 : i32
        %parallel_loop3A_259 = arith.addi %mul3A_200, %parallel_loop3A_258 : i32
        %parallel_loop3A_260 = arith.index_cast %parallel_loop3A_257 : i32 to index
        %parallel_loop3A_261 = arith.index_cast %parallel_loop3A_259 : i32 to index
        %parallel_loop3A_262 = tpu.vector_load %arg9[%parallel_loop3A_260, %parallel_loop3A_261] {strides = array<i32>} : memref<32x1024xf32, #tpu.memory_space<vmem>>, vector<16xf32>,
        tpu.vector_store %arg9[%parallel_loop3A_260, %parallel_loop3A_261], %parallel_loop3A_255 {strides = array<i32>} : memref<32x1024xf32, #tpu.memory_space<vmem>>, vector<16xf32>,
        %parallel_loop3A_263 = tpu.vector_load_idx %arg6[%parallel_loop3A_238, %get3A_215] : memref<16x1024xf32, #tpu.memory_space<vmem>>[vector<16xi32>, vector<16xi32>], vector<16xf32>,
        %parallel_loop3A_264 = arith.constant 0 : i32
        %parallel_loop3A_265 = arith.addi %parallel_loop3A_264, %parallel_loop3A_234 : i32
        %parallel_loop3A_266 = arith.constant 48 : i32
        %parallel_loop3A_267 = arith.addi %mul3A_200, %parallel_loop3A_266 : i32
        %parallel_loop3A_268 = arith.index_cast %parallel_loop3A_265 : i32 to index
        %parallel_loop3A_269 = arith.index_cast %parallel_loop3A_267 : i32 to index
        %parallel_loop3A_270 = tpu.vector_load %arg9[%parallel_loop3A_268, %parallel_loop3A_269] {strides = array<i32>} : memref<32x1024xf32, #tpu.memory_space<vmem>>, vector<16xf32>,
        tpu.vector_store %arg9[%parallel_loop3A_268, %parallel_loop3A_269], %parallel_loop3A_263 {strides = array<i32>} : memref<32x1024xf32, #tpu.memory_space<vmem>>, vector<16xf32>,
        %parallel_loop3A_271 = tpu.vector_load_idx %arg6[%parallel_loop3A_238, %get3A_219] : memref<16x1024xf32, #tpu.memory_space<vmem>>[vector<16xi32>, vector<16xi32>], vector<16xf32>,
        %parallel_loop3A_272 = arith.constant 0 : i32
        %parallel_loop3A_273 = arith.addi %parallel_loop3A_272, %parallel_loop3A_234 : i32
        %parallel_loop3A_274 = arith.constant 64 : i32
        %parallel_loop3A_275 = arith.addi %mul3A_200, %parallel_loop3A_274 : i32
        %parallel_loop3A_276 = arith.index_cast %parallel_loop3A_273 : i32 to index
        %parallel_loop3A_277 = arith.index_cast %parallel_loop3A_275 : i32 to index
        %parallel_loop3A_278 = tpu.vector_load %arg9[%parallel_loop3A_276, %parallel_loop3A_277] {strides = array<i32>} : memref<32x1024xf32, #tpu.memory_space<vmem>>, vector<16xf32>,
        tpu.vector_store %arg9[%parallel_loop3A_276, %parallel_loop3A_277], %parallel_loop3A_271 {strides = array<i32>} : memref<32x1024xf32, #tpu.memory_space<vmem>>, vector<16xf32>,
        %parallel_loop3A_279 = tpu.vector_load_idx %arg6[%parallel_loop3A_238, %get3A_223] : memref<16x1024xf32, #tpu.memory_space<vmem>>[vector<16xi32>, vector<16xi32>], vector<16xf32>,
        %parallel_loop3A_280 = arith.constant 0 : i32
        %parallel_loop3A_281 = arith.addi %parallel_loop3A_280, %parallel_loop3A_234 : i32
        %parallel_loop3A_282 = arith.constant 80 : i32
        %parallel_loop3A_283 = arith.addi %mul3A_200, %parallel_loop3A_282 : i32
        %parallel_loop3A_284 = arith.index_cast %parallel_loop3A_281 : i32 to index
        %parallel_loop3A_285 = arith.index_cast %parallel_loop3A_283 : i32 to index
        %parallel_loop3A_286 = tpu.vector_load %arg9[%parallel_loop3A_284, %parallel_loop3A_285] {strides = array<i32>} : memref<32x1024xf32, #tpu.memory_space<vmem>>, vector<16xf32>,
        tpu.vector_store %arg9[%parallel_loop3A_284, %parallel_loop3A_285], %parallel_loop3A_279 {strides = array<i32>} : memref<32x1024xf32, #tpu.memory_space<vmem>>, vector<16xf32>,
        %parallel_loop3A_287 = tpu.vector_load_idx %arg6[%parallel_loop3A_238, %get3A_227] : memref<16x1024xf32, #tpu.memory_space<vmem>>[vector<16xi32>, vector<16xi32>], vector<16xf32>,
        %parallel_loop3A_288 = arith.constant 0 : i32
        %parallel_loop3A_289 = arith.addi %parallel_loop3A_288, %parallel_loop3A_234 : i32
        %parallel_loop3A_290 = arith.constant 96 : i32
        %parallel_loop3A_291 = arith.addi %mul3A_200, %parallel_loop3A_290 : i32
        %parallel_loop3A_292 = arith.index_cast %parallel_loop3A_289 : i32 to index
        %parallel_loop3A_293 = arith.index_cast %parallel_loop3A_291 : i32 to index
        %parallel_loop3A_294 = tpu.vector_load %arg9[%parallel_loop3A_292, %parallel_loop3A_293] {strides = array<i32>} : memref<32x1024xf32, #tpu.memory_space<vmem>>, vector<16xf32>,
        tpu.vector_store %arg9[%parallel_loop3A_292, %parallel_loop3A_293], %parallel_loop3A_287 {strides = array<i32>} : memref<32x1024xf32, #tpu.memory_space<vmem>>, vector<16xf32>,
        %parallel_loop3A_295 = tpu.vector_load_idx %arg6[%parallel_loop3A_238, %get3A_231] : memref<16x1024xf32, #tpu.memory_space<vmem>>[vector<16xi32>, vector<16xi32>], vector<16xf32>,
        %parallel_loop3A_296 = arith.constant 0 : i32
        %parallel_loop3A_297 = arith.addi %parallel_loop3A_296, %parallel_loop3A_234 : i32
        %parallel_loop3A_298 = arith.constant 112 : i32
        %parallel_loop3A_299 = arith.addi %mul3A_200, %parallel_loop3A_298 : i32
        %parallel_loop3A_300 = arith.index_cast %parallel_loop3A_297 : i32 to index
        %parallel_loop3A_301 = arith.index_cast %parallel_loop3A_299 : i32 to index
        %parallel_loop3A_302 = tpu.vector_load %arg9[%parallel_loop3A_300, %parallel_loop3A_301] {strides = array<i32>} : memref<32x1024xf32, #tpu.memory_space<vmem>>, vector<16xf32>,
        tpu.vector_store %arg9[%parallel_loop3A_300, %parallel_loop3A_301], %parallel_loop3A_295 {strides = array<i32>} : memref<32x1024xf32, #tpu.memory_space<vmem>>, vector<16xf32>,
      } {sc.loop_unroll_factor = 2 : i64, sc.parallel_access}
    }
    %scan3A_167 = arith.constant 8 : i32
    %add3A_168 = arith.constant 496 : i32
    %add3A_169 = arith.addi %mul3A_2, %add3A_168 : i32
    %dma_wait3A_170 = arith.constant 0 : i32
    %dma_wait3A_171 = tpu.memref_slice %arg2[%add3A_169, %dma_wait3A_170] : memref<16384x1024xf32, #tpu.memory_space<hbm>> -> memref<16x1024xf32, #tpu.memory_space<hbm>>
    %dma_wait3A_172 = arith.constant 0 : i32
    %dma_wait3A_173 = tpu.memref_slice %arg2[%add3A_169, %dma_wait3A_172] : memref<16384x1024xf32, #tpu.memory_space<hbm>> -> memref<16x1024xf32, #tpu.memory_space<hbm>>
    tpu.wait_dma2 semaphore(%arg10 : memref<!tpu.dma_semaphore, #tpu.memory_space<semaphore_mem>>) src(%dma_wait3A_173 : memref<16x1024xf32, #tpu.memory_space<hbm>>) dst(%arg7 : memref<16x1024xf32, #tpu.memory_space<vmem>>)
    %scan3A_174 = arith.constant 0 : i32
    %scan3A_175 = arith.constant 0 : i32
    %scan3A_176 = arith.constant 8 : i32
    %scan3A_177 = arith.addi %scan3A_175, %scan3A_176 : i32
    %scan3A_178 = arith.constant 1 : i32
    scf.for %scan3A_198 = %scan3A_175 to %scan3A_177 step %scan3A_178  : i32 {
      %mul3A_199 = arith.constant 128 : i32
      %mul3A_200 = arith.muli %scan3A_198, %mul3A_199 : i32
      %add3A_201 = arith.constant 0 : i32
      %add3A_202 = arith.addi %mul3A_200, %add3A_201 : i32
      %get3A = arith.index_cast %add3A_202 : i32 to index
      %get3A_203 = tpu.vector_load %arg5[%get3A] {strides = array<i32>} : memref<1024xi32, #tpu.memory_space<vmem>>, vector<16xi32>,
      %add3A_204 = arith.constant 16 : i32
      %add3A_205 = arith.addi %mul3A_200, %add3A_204 : i32
      %get3A_206 = arith.index_cast %add3A_205 : i32 to index
      %get3A_207 = tpu.vector_load %arg5[%get3A_206] {strides = array<i32>} : memref<1024xi32, #tpu.memory_space<vmem>>, vector<16xi32>,
      %add3A_208 = arith.constant 32 : i32
      %add3A_209 = arith.addi %mul3A_200, %add3A_208 : i32
      %get3A_210 = arith.index_cast %add3A_209 : i32 to index
      %get3A_211 = tpu.vector_load %arg5[%get3A_210] {strides = array<i32>} : memref<1024xi32, #tpu.memory_space<vmem>>, vector<16xi32>,
      %add3A_212 = arith.constant 48 : i32
      %add3A_213 = arith.addi %mul3A_200, %add3A_212 : i32
      %get3A_214 = arith.index_cast %add3A_213 : i32 to index
      %get3A_215 = tpu.vector_load %arg5[%get3A_214] {strides = array<i32>} : memref<1024xi32, #tpu.memory_space<vmem>>, vector<16xi32>,
      %add3A_216 = arith.constant 64 : i32
      %add3A_217 = arith.addi %mul3A_200, %add3A_216 : i32
      %get3A_218 = arith.index_cast %add3A_217 : i32 to index
      %get3A_219 = tpu.vector_load %arg5[%get3A_218] {strides = array<i32>} : memref<1024xi32, #tpu.memory_space<vmem>>, vector<16xi32>,
      %add3A_220 = arith.constant 80 : i32
      %add3A_221 = arith.addi %mul3A_200, %add3A_220 : i32
      %get3A_222 = arith.index_cast %add3A_221 : i32 to index
      %get3A_223 = tpu.vector_load %arg5[%get3A_222] {strides = array<i32>} : memref<1024xi32, #tpu.memory_space<vmem>>, vector<16xi32>,
      %add3A_224 = arith.constant 96 : i32
      %add3A_225 = arith.addi %mul3A_200, %add3A_224 : i32
      %get3A_226 = arith.index_cast %add3A_225 : i32 to index
      %get3A_227 = tpu.vector_load %arg5[%get3A_226] {strides = array<i32>} : memref<1024xi32, #tpu.memory_space<vmem>>, vector<16xi32>,
      %add3A_228 = arith.constant 112 : i32
      %add3A_229 = arith.addi %mul3A_200, %add3A_228 : i32
      %get3A_230 = arith.index_cast %add3A_229 : i32 to index
      %get3A_231 = tpu.vector_load %arg5[%get3A_230] {strides = array<i32>} : memref<1024xi32, #tpu.memory_space<vmem>>, vector<16xi32>,
      %parallel_loop3A = arith.constant 0 : i32
      %parallel_loop3A_232 = arith.constant 16 : i32
      %parallel_loop3A_233 = arith.constant 1 : i32
      scf.for %parallel_loop3A_234 = %parallel_loop3A to %parallel_loop3A_232 step %parallel_loop3A_233  : i32 {
        %parallel_loop3A_235 = arith.constant 0 : i32
        %parallel_loop3A_236 = vector.broadcast %parallel_loop3A_235 : i32 to vector<16xi32>
        %parallel_loop3A_237 = vector.broadcast %parallel_loop3A_234 : i32 to vector<16xi32>
        %parallel_loop3A_238 = arith.addi %parallel_loop3A_236, %parallel_loop3A_237 : vector<16xi32>
        %parallel_loop3A_239 = tpu.vector_load_idx %arg7[%parallel_loop3A_238, %get3A_203] : memref<16x1024xf32, #tpu.memory_space<vmem>>[vector<16xi32>, vector<16xi32>], vector<16xf32>,
        %parallel_loop3A_240 = arith.constant 16 : i32
        %parallel_loop3A_241 = arith.addi %parallel_loop3A_240, %parallel_loop3A_234 : i32
        %parallel_loop3A_242 = arith.constant 0 : i32
        %parallel_loop3A_243 = arith.addi %mul3A_200, %parallel_loop3A_242 : i32
        %parallel_loop3A_244 = arith.index_cast %parallel_loop3A_241 : i32 to index
        %parallel_loop3A_245 = arith.index_cast %parallel_loop3A_243 : i32 to index
        %parallel_loop3A_246 = tpu.vector_load %arg9[%parallel_loop3A_244, %parallel_loop3A_245] {strides = array<i32>} : memref<32x1024xf32, #tpu.memory_space<vmem>>, vector<16xf32>,
        tpu.vector_store %arg9[%parallel_loop3A_244, %parallel_loop3A_245], %parallel_loop3A_239 {strides = array<i32>} : memref<32x1024xf32, #tpu.memory_space<vmem>>, vector<16xf32>,
        %parallel_loop3A_247 = tpu.vector_load_idx %arg7[%parallel_loop3A_238, %get3A_207] : memref<16x1024xf32, #tpu.memory_space<vmem>>[vector<16xi32>, vector<16xi32>], vector<16xf32>,
        %parallel_loop3A_248 = arith.constant 16 : i32
        %parallel_loop3A_249 = arith.addi %parallel_loop3A_248, %parallel_loop3A_234 : i32
        %parallel_loop3A_250 = arith.constant 16 : i32
        %parallel_loop3A_251 = arith.addi %mul3A_200, %parallel_loop3A_250 : i32
        %parallel_loop3A_252 = arith.index_cast %parallel_loop3A_249 : i32 to index
        %parallel_loop3A_253 = arith.index_cast %parallel_loop3A_251 : i32 to index
        %parallel_loop3A_254 = tpu.vector_load %arg9[%parallel_loop3A_252, %parallel_loop3A_253] {strides = array<i32>} : memref<32x1024xf32, #tpu.memory_space<vmem>>, vector<16xf32>,
        tpu.vector_store %arg9[%parallel_loop3A_252, %parallel_loop3A_253], %parallel_loop3A_247 {strides = array<i32>} : memref<32x1024xf32, #tpu.memory_space<vmem>>, vector<16xf32>,
        %parallel_loop3A_255 = tpu.vector_load_idx %arg7[%parallel_loop3A_238, %get3A_211] : memref<16x1024xf32, #tpu.memory_space<vmem>>[vector<16xi32>, vector<16xi32>], vector<16xf32>,
        %parallel_loop3A_256 = arith.constant 16 : i32
        %parallel_loop3A_257 = arith.addi %parallel_loop3A_256, %parallel_loop3A_234 : i32
        %parallel_loop3A_258 = arith.constant 32 : i32
        %parallel_loop3A_259 = arith.addi %mul3A_200, %parallel_loop3A_258 : i32
        %parallel_loop3A_260 = arith.index_cast %parallel_loop3A_257 : i32 to index
        %parallel_loop3A_261 = arith.index_cast %parallel_loop3A_259 : i32 to index
        %parallel_loop3A_262 = tpu.vector_load %arg9[%parallel_loop3A_260, %parallel_loop3A_261] {strides = array<i32>} : memref<32x1024xf32, #tpu.memory_space<vmem>>, vector<16xf32>,
        tpu.vector_store %arg9[%parallel_loop3A_260, %parallel_loop3A_261], %parallel_loop3A_255 {strides = array<i32>} : memref<32x1024xf32, #tpu.memory_space<vmem>>, vector<16xf32>,
        %parallel_loop3A_263 = tpu.vector_load_idx %arg7[%parallel_loop3A_238, %get3A_215] : memref<16x1024xf32, #tpu.memory_space<vmem>>[vector<16xi32>, vector<16xi32>], vector<16xf32>,
        %parallel_loop3A_264 = arith.constant 16 : i32
        %parallel_loop3A_265 = arith.addi %parallel_loop3A_264, %parallel_loop3A_234 : i32
        %parallel_loop3A_266 = arith.constant 48 : i32
        %parallel_loop3A_267 = arith.addi %mul3A_200, %parallel_loop3A_266 : i32
        %parallel_loop3A_268 = arith.index_cast %parallel_loop3A_265 : i32 to index
        %parallel_loop3A_269 = arith.index_cast %parallel_loop3A_267 : i32 to index
        %parallel_loop3A_270 = tpu.vector_load %arg9[%parallel_loop3A_268, %parallel_loop3A_269] {strides = array<i32>} : memref<32x1024xf32, #tpu.memory_space<vmem>>, vector<16xf32>,
        tpu.vector_store %arg9[%parallel_loop3A_268, %parallel_loop3A_269], %parallel_loop3A_263 {strides = array<i32>} : memref<32x1024xf32, #tpu.memory_space<vmem>>, vector<16xf32>,
        %parallel_loop3A_271 = tpu.vector_load_idx %arg7[%parallel_loop3A_238, %get3A_219] : memref<16x1024xf32, #tpu.memory_space<vmem>>[vector<16xi32>, vector<16xi32>], vector<16xf32>,
        %parallel_loop3A_272 = arith.constant 16 : i32
        %parallel_loop3A_273 = arith.addi %parallel_loop3A_272, %parallel_loop3A_234 : i32
        %parallel_loop3A_274 = arith.constant 64 : i32
        %parallel_loop3A_275 = arith.addi %mul3A_200, %parallel_loop3A_274 : i32
        %parallel_loop3A_276 = arith.index_cast %parallel_loop3A_273 : i32 to index
        %parallel_loop3A_277 = arith.index_cast %parallel_loop3A_275 : i32 to index
        %parallel_loop3A_278 = tpu.vector_load %arg9[%parallel_loop3A_276, %parallel_loop3A_277] {strides = array<i32>} : memref<32x1024xf32, #tpu.memory_space<vmem>>, vector<16xf32>,
        tpu.vector_store %arg9[%parallel_loop3A_276, %parallel_loop3A_277], %parallel_loop3A_271 {strides = array<i32>} : memref<32x1024xf32, #tpu.memory_space<vmem>>, vector<16xf32>,
        %parallel_loop3A_279 = tpu.vector_load_idx %arg7[%parallel_loop3A_238, %get3A_223] : memref<16x1024xf32, #tpu.memory_space<vmem>>[vector<16xi32>, vector<16xi32>], vector<16xf32>,
        %parallel_loop3A_280 = arith.constant 16 : i32
        %parallel_loop3A_281 = arith.addi %parallel_loop3A_280, %parallel_loop3A_234 : i32
        %parallel_loop3A_282 = arith.constant 80 : i32
        %parallel_loop3A_283 = arith.addi %mul3A_200, %parallel_loop3A_282 : i32
        %parallel_loop3A_284 = arith.index_cast %parallel_loop3A_281 : i32 to index
        %parallel_loop3A_285 = arith.index_cast %parallel_loop3A_283 : i32 to index
        %parallel_loop3A_286 = tpu.vector_load %arg9[%parallel_loop3A_284, %parallel_loop3A_285] {strides = array<i32>} : memref<32x1024xf32, #tpu.memory_space<vmem>>, vector<16xf32>,
        tpu.vector_store %arg9[%parallel_loop3A_284, %parallel_loop3A_285], %parallel_loop3A_279 {strides = array<i32>} : memref<32x1024xf32, #tpu.memory_space<vmem>>, vector<16xf32>,
        %parallel_loop3A_287 = tpu.vector_load_idx %arg7[%parallel_loop3A_238, %get3A_227] : memref<16x1024xf32, #tpu.memory_space<vmem>>[vector<16xi32>, vector<16xi32>], vector<16xf32>,
        %parallel_loop3A_288 = arith.constant 16 : i32
        %parallel_loop3A_289 = arith.addi %parallel_loop3A_288, %parallel_loop3A_234 : i32
        %parallel_loop3A_290 = arith.constant 96 : i32
        %parallel_loop3A_291 = arith.addi %mul3A_200, %parallel_loop3A_290 : i32
        %parallel_loop3A_292 = arith.index_cast %parallel_loop3A_289 : i32 to index
        %parallel_loop3A_293 = arith.index_cast %parallel_loop3A_291 : i32 to index
        %parallel_loop3A_294 = tpu.vector_load %arg9[%parallel_loop3A_292, %parallel_loop3A_293] {strides = array<i32>} : memref<32x1024xf32, #tpu.memory_space<vmem>>, vector<16xf32>,
        tpu.vector_store %arg9[%parallel_loop3A_292, %parallel_loop3A_293], %parallel_loop3A_287 {strides = array<i32>} : memref<32x1024xf32, #tpu.memory_space<vmem>>, vector<16xf32>,
        %parallel_loop3A_295 = tpu.vector_load_idx %arg7[%parallel_loop3A_238, %get3A_231] : memref<16x1024xf32, #tpu.memory_space<vmem>>[vector<16xi32>, vector<16xi32>], vector<16xf32>,
        %parallel_loop3A_296 = arith.constant 16 : i32
        %parallel_loop3A_297 = arith.addi %parallel_loop3A_296, %parallel_loop3A_234 : i32
        %parallel_loop3A_298 = arith.constant 112 : i32
        %parallel_loop3A_299 = arith.addi %mul3A_200, %parallel_loop3A_298 : i32
        %parallel_loop3A_300 = arith.index_cast %parallel_loop3A_297 : i32 to index
        %parallel_loop3A_301 = arith.index_cast %parallel_loop3A_299 : i32 to index
        %parallel_loop3A_302 = tpu.vector_load %arg9[%parallel_loop3A_300, %parallel_loop3A_301] {strides = array<i32>} : memref<32x1024xf32, #tpu.memory_space<vmem>>, vector<16xf32>,
        tpu.vector_store %arg9[%parallel_loop3A_300, %parallel_loop3A_301], %parallel_loop3A_295 {strides = array<i32>} : memref<32x1024xf32, #tpu.memory_space<vmem>>, vector<16xf32>,
      } {sc.loop_unroll_factor = 2 : i64, sc.parallel_access}
    }
    %scan3A_179 = arith.constant 8 : i32
    %add3A_180 = arith.constant 480 : i32
    %add3A_181 = arith.addi %mul3A_2, %add3A_180 : i32
    %dma_start3A_182 = arith.constant 0 : i32
    %dma_start3A_183 = tpu.memref_slice %arg4[%add3A_181, %dma_start3A_182] : memref<16384x1024xf32, #tpu.memory_space<hbm>> -> memref<32x1024xf32, #tpu.memory_space<hbm>>
    %dma_start3A_184 = arith.constant 0 : i32
    %dma_start3A_185 = tpu.memref_slice %arg4[%add3A_181, %dma_start3A_184] : memref<16384x1024xf32, #tpu.memory_space<hbm>> -> memref<32x1024xf32, #tpu.memory_space<hbm>>
    tpu.enqueue_dma source(%arg9 : memref<32x1024xf32, #tpu.memory_space<vmem>>) target(%dma_start3A_185 : memref<32x1024xf32, #tpu.memory_space<hbm>>) target_semaphore(%arg11 : memref<!tpu.dma_semaphore, #tpu.memory_space<semaphore_mem>>)
    %add3A_186 = arith.constant 448 : i32
    %add3A_187 = arith.addi %mul3A_2, %add3A_186 : i32
    %dma_wait3A_188 = arith.constant 0 : i32
    %dma_wait3A_189 = tpu.memref_slice %arg4[%add3A_187, %dma_wait3A_188] : memref<16384x1024xf32, #tpu.memory_space<hbm>> -> memref<32x1024xf32, #tpu.memory_space<hbm>>
    %dma_wait3A_190 = arith.constant 0 : i32
    %dma_wait3A_191 = tpu.memref_slice %arg4[%add3A_187, %dma_wait3A_190] : memref<16384x1024xf32, #tpu.memory_space<hbm>> -> memref<32x1024xf32, #tpu.memory_space<hbm>>
    tpu.wait_dma2 semaphore(%arg11 : memref<!tpu.dma_semaphore, #tpu.memory_space<semaphore_mem>>) src(%arg8 : memref<32x1024xf32, #tpu.memory_space<vmem>>) dst(%dma_wait3A_191 : memref<32x1024xf32, #tpu.memory_space<hbm>>)
    %add3A_192 = arith.constant 480 : i32
    %add3A_193 = arith.addi %mul3A_2, %add3A_192 : i32
    %dma_wait3A_194 = arith.constant 0 : i32
    %dma_wait3A_195 = tpu.memref_slice %arg4[%add3A_193, %dma_wait3A_194] : memref<16384x1024xf32, #tpu.memory_space<hbm>> -> memref<32x1024xf32, #tpu.memory_space<hbm>>
    %dma_wait3A_196 = arith.constant 0 : i32
    %dma_wait3A_197 = tpu.memref_slice %arg4[%add3A_193, %dma_wait3A_196] : memref<16384x1024xf32, #tpu.memory_space<hbm>> -> memref<32x1024xf32, #tpu.memory_space<hbm>>
    tpu.wait_dma2 semaphore(%arg11 : memref<!tpu.dma_semaphore, #tpu.memory_space<semaphore_mem>>) src(%arg9 : memref<32x1024xf32, #tpu.memory_space<vmem>>) dst(%dma_wait3A_197 : memref<32x1024xf32, #tpu.memory_space<hbm>>)
    return
  }
}

</mosaic_0001>

<sc_bundles>
// kernel: _run.3.cloned.1.call-start
scs
__scs_entry_jumppad:
0x0: {  	(pc) =	sbr.rel $0x88, $3  }
0x1: {  	(tag) =	ssettag $0x0;
	lr =	simm.s32 $0x1  }
0x2: {  	[smem:$0x3FA0] =	sst lr;
	_ =	strace $0xD0000000  }
0x3: {  	_ = 	snop  }
0x4: {  	_ = 	snop  }
0x5: {  	_ = 	snop  }
0x6: {  	_ = 	snop  }
0x7: {  	_ = 	snop  }
__scs_overlays_trampoline_lowered:
0x8: {  	[smem:$0x3FAF] =	sst s0  }
0x9: {  	[smem:$0x3FB0] =	sst s1  }
0xa: {  	[smem:$0x3FB1] =	sst s2  }
0xb: {  	[smem:$0x3FB2] =	sst s3  }
0xc: {  	[smem:$0x3FB3] =	sst s4  }
0xd: {  	[smem:$0x3FB4] =	sst s5  }
0xe: {  	[smem:$0x3FB5] =	sst s6  }
0xf: {  	[smem:$0x3FB6] =	sst s7  }
0x10: {  	[smem:$0x3FB7] =	sst s8  }
0x11: {  	[smem:$0x3FB8] =	sst s9;
	s0 =	simm.s32 @!p0 $0x0  }
0x12: {  	s1 =	sld [smem:$0x3F9E];
	s0 =	simm.s32 @p0 $0x1  }
0x13: {  	[smem:$0x3FB9] =	sst s0;
	s0 =	simm.s32 @!p1 $0x0  }
0x14: {  	s2 =	sld [smem:$0x3F9D];
	s0 =	simm.s32 @p1 $0x1  }
0x15: {  	[smem:$0x3FBA] =	sst s0;
	s0 =	simm.s32 @!p2 $0x0  }
0x16: {  	s3 =	sld [smem:$0x3FDB];
	s0 =	simm.s32 @p2 $0x1  }
0x17: {  	s4 =	simm.s32 $0x1BF5;
	[smem:$0x3FBC] =	sst s0  }
0x18: {  	s0 =	sld [smem:$0x3F9F];
	_ =	swait.ge [sflag:s4], $0x0  }
0x19: {  	s7 =	sld [smem:$0x3FA0]  }
0x1a: {  	s8 =	sadd.s32 $0xFFFFE003, lr  }
0x1b: {  	s9 =	sadd.s32 $0xFFFFFEF7, lr;
	s5 =	simm.s32 $0xFFFFFFFF;
	p2 =	slt.u32 s8, $0xFFFFF086  }
0x1c: {  	p1 =	slt.u32 s9, $0xF7A;
	s5 =	simm.s32 @!p2 $0x0  }
0x1d: {  	s5 =	simm.s32 @p1 $0x1;
	p0 =	seq.s32 s7, s2  }
0x1e: {  	s7 =	smul.u32 @!p0 $0xF7A, s2;
	p2 =	seq.s32 @!p0 s5, $0x0  }
0x1f: {  	s9 =	smul.u32 $0xF7A, s1;
	s8 =	simm.s32 @!p0 $0x1BF5;
	p2 =	por !p2, p0  }
0x20: {  	[sflag:s8] =	ssyncset.s32 @!p0 $0xFFFFF086;
	s6 =	sadd.s32 @!p0 s3, s7;
	s7 =	simm.s32 @!p0 $0x108  }
0x21: {  	s3 =	sadd.s32 s3, s9;
	s6 =	sadd.s32 @!p0 $0x88, s6;
	s7 =	simm.s32 @p2 $0x1082  }
0x22: {  	[simem:s7], [sflag:s8] =	dma.local @!p0 [hbm:s6], $0xF7A  }
0x23: {  	s9 =	sor.u32 $0xD0000000, s2;
	s6 =	simm.s32 $0x108;
	_ =	swait.ge @!p0 [sflag:s8], $0x0  }
0x24: {  	s3 =	sadd.s32 $0x88, s3;
	s6 =	simm.s32 @!p1 $0x1082;
	[sflag:s4] =	ssyncset.s32 $0xFFFFF086  }
0x25: {  	[simem:s6], [sflag:s4] =	dma.local [hbm:s3], $0xF7A  }
0x26: {  	[smem:$0x3FA0] =	sst s1;
	(tag) =	ssettag s2;
	_ =	strace s9  }
0x27: {  	s1 =	sld [smem:$0x3FB0]  }
0x28: {  	s2 =	sld [smem:$0x3FB1]  }
0x29: {  	s4 =	sld [smem:$0x3FB3]  }
0x2a: {  	p0 =	seq.s32 s5, $0x0;
	s5 =	sld [smem:$0x3FB4]  }
0x2b: {  	s6 =	sld [smem:$0x3FB5]  }
0x2c: {  	s7 =	sld [smem:$0x3FB6]  }
0x2d: {  	s3 =	simm.s32 $0x108;
	s8 =	sld [smem:$0x3FB7]  }
0x2e: {  	s3 =	simm.s32 @!p0 $0x1082;
	s9 =	sld [smem:$0x3FB8]  }
0x2f: {  	lr =	sadd.s32 s0, s3;
	s0 =	sld [smem:$0x3FAF]  }
0x30: {  	s3 =	sld [smem:$0x3FB2]  }
0x31: {  	[smem:$0x3FBB] =	sst s10  }
0x32: {  	s10 =	sld [smem:$0x3FB9];
	_ =	sdelay $0x3  }
0x33: {  	p0 =	seq.s32 s10, $0x1;
	s10 =	sld [smem:$0x3FBB];
	_ =	sdelay $0x3  }
0x34: {  	[smem:$0x3FBB] =	sst s10  }
0x35: {  	s10 =	sld [smem:$0x3FBA];
	_ =	sdelay $0x3  }
0x36: {  	p1 =	seq.s32 s10, $0x1;
	s10 =	sld [smem:$0x3FBB];
	_ =	sdelay $0x3  }
0x37: {  	[smem:$0x3FBB] =	sst s10  }
0x38: {  	s10 =	sld [smem:$0x3FBC]  }
0x39: {  	_ = 	snop;
	(pc) =	sbr.ind lr, $3  }
0x3a: {  	_ = 	snop  }
0x3b: {  	_ = 	snop  }
0x3c: {  	p2 =	seq.s32 s10, $0x1;
	s10 =	sld [smem:$0x3FBB]  }
0x3d: {  	_ =	shalt  }
0x3e: {  	_ =	shalt  }
0x3f: {  	_ =	shalt  }
0x40: {  	_ =	shalt  }
0x41: {  	_ =	shalt  }
0x42: {  	_ =	shalt  }
0x43: {  	_ =	shalt  }
0x44: {  	_ =	shalt  }
0x45: {  	_ =	shalt  }
0x46: {  	_ =	shalt  }
0x47: {  	_ =	shalt  }
0x48: {  	_ =	shalt  }
0x49: {  	_ =	shalt  }
0x4a: {  	_ =	shalt  }
0x4b: {  	_ =	shalt  }
0x4c: {  	_ =	shalt  }
0x4d: {  	_ =	shalt  }
0x4e: {  	_ =	shalt  }
0x4f: {  	_ =	shalt  }
0x50: {  	_ =	shalt  }
0x51: {  	_ =	shalt  }
0x52: {  	_ =	shalt  }
0x53: {  	_ =	shalt  }
0x54: {  	_ =	shalt  }
0x55: {  	_ =	shalt  }
0x56: {  	_ =	shalt  }
0x57: {  	_ =	shalt  }
0x58: {  	_ =	shalt  }
0x59: {  	_ =	shalt  }
0x5a: {  	_ =	shalt  }
0x5b: {  	_ =	shalt  }
0x5c: {  	_ =	shalt  }
0x5d: {  	_ =	shalt  }
0x5e: {  	_ =	shalt  }
0x5f: {  	_ =	shalt  }
0x60: {  	_ =	shalt  }
0x61: {  	_ =	shalt  }
0x62: {  	_ =	shalt  }
0x63: {  	_ =	shalt  }
0x64: {  	_ =	shalt  }
0x65: {  	_ =	shalt  }
0x66: {  	_ =	shalt  }
0x67: {  	_ =	shalt  }
0x68: {  	_ =	shalt  }
0x69: {  	_ =	shalt  }
0x6a: {  	_ =	shalt  }
0x6b: {  	_ =	shalt  }
0x6c: {  	_ =	shalt  }
0x6d: {  	_ =	shalt  }
0x6e: {  	_ =	shalt  }
0x6f: {  	_ =	shalt  }
0x70: {  	_ =	shalt  }
0x71: {  	_ =	shalt  }
0x72: {  	_ =	shalt  }
0x73: {  	_ =	shalt  }
0x74: {  	_ =	shalt  }
0x75: {  	_ =	shalt  }
0x76: {  	_ =	shalt  }
0x77: {  	_ =	shalt  }
0x78: {  	_ =	shalt  }
0x79: {  	_ =	shalt  }
0x7a: {  	_ =	shalt  }
0x7b: {  	_ =	shalt  }
0x7c: {  	_ =	shalt  }
0x7d: {  	_ =	shalt  }
0x7e: {  	_ =	shalt  }
0x7f: {  	_ =	shalt  }
0x80: {  	_ =	shalt  }
0x81: {  	_ =	shalt  }
0x82: {  	_ =	shalt  }
0x83: {  	_ =	shalt  }
0x84: {  	_ =	shalt  }
0x85: {  	_ =	shalt  }
0x86: {  	_ =	shalt  }
0x87: {  	_ =	shalt  }
.Lfunc_end0:
.L_simem_size_0:
called_computation_lowered:
.L_overlay_start_0:
0x88: {  	s2 =	sld [smem:$0x3FD9]  }
0x89: {  	s3 =	sld [smem:$0x3FFE];
	_ =	sdelay $0x1  }
0x8a: {  	s1 =	srdreg.scid  }
0x8b: {  	s0 =	sand.u32 $0x1, s1  }
0x8c: {  	s17 =	sshll.u32 s0, $0xA;
	s2 =	sadd.s32 s3, s2  }
0x8d: {  	s2 =	sadd.s32 s2, s17  }
0x8e: {  	[smem:$0x3FC7] =	sst s2  }
0x8f: {  	_ = 	snop  }
0x90: {  	s2 =	sld [smem:$0x3FC9]  }
0x91: {  	s18 =	sld [smem:$0x3FD0];
	(tm) =	ssettm $0x1  }
0x92: {  	s4 =	sld [smem:$0x3FFB];
	_ =	sdelay $0x3  }
0x93: {  	_ =	strace s4  }
0x94: {  	s4 =	sld [smem:$0x3FFC];
	_ =	sdelay $0x3  }
0x95: {  	_ =	strace s4  }
0x96: {  	s4 =	sld [smem:$0x3FFD];
	_ =	sdelay $0x3  }
0x97: {  	_ =	strace s4  }
0x98: {  	_ =	strace $0x8FFFFFFF  }
0x99: {  	s19 =	sld [smem:$0x3FDB];
	_ =	sdelay $0x1  }
0x9a: {  	s5 =	simm.s32 $_scs_section_size  }
0x9b: {  	s6 =	simm.s32 $_size__tile_overlayer_lowered;
	s7 =	simm.s32 $_tile_overlayer_lowered  }
0x9c: {  	s22 =	simm.s32 $0x1BFF;
	s21 =	sshll.u32 s7, $0x1;
	s4 =	sadd.s32 s5, s19  }
0x9d: {  	s8 =	simm.s32 $0x0;
	s20 =	sshll.u32 s6, $0x1;
	s6 =	sadd.s32 s21, s4  }
0x9e: {  	[timem:s8], [sflag:s22] =	dma.local [hbm:s6], s20  }
0x9f: {  	_ =	swait.ge [sflag:s22], s20  }
0xa0: {  	s5 =	ssub.s32 $0x0, s20;
	[sflag:s22] =	ssyncset.done $0x0  }
0xa1: {  	[sflag:s22] =	ssyncadd.s32 s5;
	_ =	sdelay $0x1  }
0xa2: {  	s23 =	simm.s32 $0x1B8B  }
0xa3: {  	_ =	swait.ge [sflag:s23], $0x1  }
0xa4: {  	[sflag:s23] =	ssyncset.done $0x0  }
0xa5: {  	s25 =	simm.s32 $0x1B8E;
	s24 =	sld [smem:$0x3FFE];
	[sflag:s23] =	ssyncadd.s32 $0xFFFFFFFF  }
0xa6: {  	s26 =	simm.s32 $execute0_lowered;
	[smem:$0x3FD2] =	sst s25  }
0xa7: {  	s6 =	sshll.u32 s26, $0x1;
	_ =	strace $0x80000046;
	[dreg:$0x1] =	wrdreg $0xFFFFFFFF  }
0xa8: {  	s28 =	simm.s32 $_size_execute0_lowered;
	s4 =	sadd.s32 s4, s6;
	[dreg:$0x0] =	wrdreg $0x0  }
0xa9: {  	s6 =	sshll.u32 s28, $0x1;
	[dreg:$0x2] =	wrdreg s4  }
0xaa: {  	[dreg:$0x3] =	wrdreg s6  }
0xab: {  	[dreg:$0x4] =	wrdreg $0xC0  }
0xac: {  	_ =	task [dreg:s8], $0x5FFFF  }
0xad: {  	[dreg:$0x1] =	wrdreg $0xFFFFFFFF  }
0xae: {  	[dreg:$0x0] =	wrdreg $0x60  }
0xaf: {  	[dreg:$0x2] =	wrdreg s2  }
0xb0: {  	[dreg:$0x3] =	wrdreg s24  }
0xb1: {  	[dreg:$0x4] =	wrdreg s18  }
0xb2: {  	[dreg:$0x5] =	wrdreg $0x9  }
0xb3: {  	_ =	task.clear_ibuf [dreg:s8], $0x6FFFF;
	_ =	strace $0x90000046  }
0xb4: {  	s29 =	simm.s32 $0x9;
	_ =	strace $0x80000048  }
0xb5: {  	_ =	swait.ge [sflag:s29], $0x1  }
0xb6: {  	[sflag:s29] =	ssyncadd.s32 $0xFFFFFFFF  }
0xb7: {  	_ =	strace $0x90000048  }
0xb8: {  	_ =	sfence  }
0xb9: {  	s30 =	sld [smem:$0x0];
	_ =	sdelay $0x2  }
0xba: {  	s31 =	sshll.u32 s1, $0xD;
	s1 =	sshrl.u32 s1, $0x2  }
0xbb: {  	s3 =	sand.u32 $0x4000, s31;
	s1 =	sadd.s32 s1, s30  }
0xbc: {  	s0 =	sor.u32 s3, s0;
	s1 =	sshll.u32 s1, $0x11  }
0xbd: {  	s0 =	sor.u32 s1, s0  }
0xbe: {  	s0 =	sadd.s32 $0x8F2B, s0  }
0xbf: {  	[sflag:s0] =	ssyncadd.remote.s32 $0x1  }
0xc0: {  	_ =	sfence.sel $0xFFFF  }
0xc1: {  	[dreg:$0x0] =	wrdreg $0xFFFFFFFF;
	(pc) =	sbr.abs _section_cstart, $3  }
0xc2: {  	[dreg:$0x1] =	wrdreg $0xFFFFFFFF  }
0xc3: {  	_ =	task.clear_ibuf [dreg:s8], $0x2FFFF;
	_ =	strace $0x9FFFFFFF  }
0xc4: {  	(tm) =	ssettm $0x7FFFFFFF  }
0xc5: {  	_ =	shalt  }
tec
execute0_lowered:
.L_overlay_start_1:
0x0: {  	(tag) =	ssettag $0x1  }
0x1: {  	s1 =	rddreg [dreg:$0x0]  }
0x2: {  	s0 =	rddreg [dreg:$0x1]  }
0x3: {  	s2 =	rddreg [dreg:$0x2]  }
0x4: {  	s4 =	srdreg.scid;
	s3 =	simm.s32 $0x0;
	s6 =	stileid.u32  }
0x5: {  	s5 =	sand.u32 $0x1, s4;
	[smem:$0x7FF] =	sst s3;
	s17 =	sshll.u32 s6, $0xA  }
0x6: {  	s0 =	sadd.s32 $0x400, s0;
	s18 =	sshll.u32 s5, $0x9;
	s19 =	ssub.s32 $0x2, s5  }
0x7: {  	_ =	strace $0x80000047;
	s4 =	sor.u32 s18, s17;
	s7 =	sshrl.u32 s19, $0x1  }
0x8: {  	[dreg:$0x4] =	wrdreg s0;
	s20 =	sshll.u32 s4, $0x7;
	s0 =	ssub.s32 s19, s7  }
0x9: {  	s6 =	sadd.s32 s1, s20;
	s0 =	smax.u32 s0, $0x1  }
0xa: {  	s8 =	sor.u32 $0x1000, s20;
	s21 =	sadd.s32 $0x800, s6;
	[dreg:$0xf] =	wrdreg s0  }
0xb: {  	s22 =	sadd.s32 s1, s8;
	[dreg:$0x5] =	wrdreg s21  }
0xc: {  	s23 =	sadd.s32 $0x1800, s6;
	[dreg:$0x6] =	wrdreg s22  }
0xd: {  	s24 =	sadd.s32 $0x2000, s6;
	[dreg:$0x7] =	wrdreg s23  }
0xe: {  	s25 =	sadd.s32 s2, s8;
	[dreg:$0x8] =	wrdreg s24  }
0xf: {  	s5 =	sor.u32 $0xF000, s20;
	s26 =	sadd.s32 $0x2800, s6;
	[dreg:$0x9] =	wrdreg s25  }
0x10: {  	s9 =	sadd.s32 s2, s20;
	s29 =	sadd.s32 s1, s5;
	[dreg:$0xa] =	wrdreg s26  }
0x11: {  	s28 =	simm.s32 $0x2;
	s30 =	sadd.s32 $0xE000, s9;
	[dreg:$0xb] =	wrdreg s29  }
0x12: {  	s14 =	sor.u32 $0x40, s4;
	s31 =	sadd.s32 $0xF800, s6;
	[dreg:$0xc] =	wrdreg s30  }
0x13: {  	s15 =	sor.u32 $0x50, s4;
	s2 =	sadd.s32 s2, s5;
	[dreg:$0xd] =	wrdreg s31  }
0x14: {  	[dreg:$0xe] =	wrdreg s2;
	s22 =	simm.s32 $0x400;
	s23 =	simm.s32 $0x4400  }
0x15: {  	s24 =	simm.s32 $0x1;
	s26 =	simm.s32 $0x10400;
	s2 =	simm.s32 $0x0  }
.LBB2_1:
0x16: {  	[dreg:$0x10] =	wrdreg s2  }
0x17: {  	s0 =	rddreg [dreg:$0x4];
	s30 =	simm.s32 $0x3  }
0x18: {  	[tilespmem:s3], [sflag:$0x3] =	stream.linear.gather [hbm4b:s0+s3], $0x400, $0x38;
	[tilespmem:$0x18400] =	vst v63  }
0x19: {  	_ =	swait.ge [sflag:s30], $0x400  }
0x1a: {  	[sflag:s30] =	ssyncset.done $0x0  }
0x1b: {  	[sflag:s30] =	ssyncadd.s32 $0xFFFFFC00  }
0x1c: {  	[tilespmem:s22], [sflag:$0x1] =	stream.linear.gather [hbm4b:s6+s3], $0x4000, $0x38;
	[tilespmem:$0x18400] =	vst v63  }
0x1d: {  	s31 =	rddreg [dreg:$0x5]  }
0x1e: {  	[tilespmem:s23], [sflag:$0x1] =	stream.linear.gather [hbm4b:s31+s3], $0x4000, $0x38;
	[tilespmem:$0x18400] =	vst v63  }
0x1f: {  	_ =	swait.ge [sflag:s24], $0x4000  }
0x20: {  	[sflag:s24] =	ssyncset.done $0x0  }
0x21: {  	s0 =	simm.s32 $0x0;
	[sflag:s24] =	ssyncadd.s32 $0xFFFFC000  }
.LBB2_2:
0x22: {  	s2 =	sshll.u32 s0, $0x7  }
0x23: {  	s2 =	sand.u32 $0x3FFFFF80, s2  }
0x24: {  	v0 =	vld [tilespmem:s2+$0x0]  }
0x25: {  	v1 =	vld [tilespmem:s2+$0x10]  }
0x26: {  	v2 =	vld [tilespmem:s2+$0x20]  }
0x27: {  	v3 =	vld [tilespmem:s2+$0x30]  }
0x28: {  	v4 =	vld [tilespmem:s2+$0x40]  }
0x29: {  	s20 =	simm.s32 $0x0;
	s30 =	simm.s32 $0x2;
	v5 =	vld [tilespmem:s2+$0x50]  }
0x2a: {  	v25 =	vmov s20;
	v54 =	vmov s30;
	v11 =	vand.u32 $0x7F, v0  }
0x2b: {  	v16 =	vld [tilespmem:s2+$0x60];
	v0 =	vshll.u32 v0, $0x3;
	v6 =	vshll.u32 v1, $0x3;
	v12 =	vand.u32 $0x7F, v1  }
0x2c: {  	v9 =	vand.u32 $0x7F, v2;
	v1 =	vshll.u32 v3, $0x3;
	v7 =	vand.u32 $0x7F, v3  }
0x2d: {  	v15 =	vand.u32 $0xFFFFFC00, v0;
	v14 =	vand.u32 $0xFFFFFC00, v6;
	v0 =	vshll.u32 v2, $0x3  }
0x2e: {  	s19 =	simm.s32 $0x1;
	v17 =	vld [tilespmem:s2+$0x70];
	v10 =	vand.u32 $0xFFFFFC00, v1;
	v6 =	vand.u32 $0x7F, v4;
	v1 =	vshll.u32 v5, $0x3  }
0x2f: {  	v2 =	vmov s19;
	v13 =	vand.u32 $0xFFFFFC00, v0;
	v0 =	vshll.u32 v4, $0x3  }
0x30: {  	v4 =	vand.u32 $0x7F, v5;
	v5 =	vand.u32 $0xFFFFFC00, v1;
	v1 =	vand.u32 $0x7F, v16  }
0x31: {  	v18 =	vshll.u32 v2, $0x7;
	v8 =	vand.u32 $0xFFFFFC00, v0;
	v0 =	vshll.u32 v16, $0x3  }
0x32: {  	v16 =	vshll.u32 v2, $0xA;
	v18 =	vand.u32 $0x380, v18;
	v3 =	vand.u32 $0xFFFFFC00, v0  }
0x33: {  	v0 =	vand.u32 $0x7F, v17;
	v17 =	vshll.u32 v17, $0x3;
	v16 =	vand.u32 $0x2000, v16  }
0x34: {  	v2 =	vand.u32 $0xFFFFFC00, v17;
	v17 =	vadd.s32 v15, v16;
	v19 =	vadd.s32 v13, v16  }
0x35: {  	v20 =	vadd.s32 v14, v16;
	v23 =	vadd.s32 v10, v16;
	v24 =	vadd.s32 v5, v16  }
0x36: {  	v17 =	vor.u32 v18, v17;
	v21 =	vadd.s32 v2, v16;
	v20 =	vor.u32 v18, v20  }
0x37: {  	v19 =	vor.u32 v18, v19;
	v23 =	vor.u32 v18, v23;
	v24 =	vor.u32 v18, v24  }
0x38: {  	v17 =	vor.u32 v11, v17;
	v21 =	vor.u32 v18, v21;
	v22 =	vor.u32 v12, v20  }
0x39: {  	v19 =	vor.u32 v9, v19;
	v26 =	vor.u32 v7, v23;
	v23 =	vshll.u32 v25, $0x7  }
0x3a: {  	v20 =	vor.u32 v0, v21;
	v21 =	vadd.s32 v8, v16;
	v16 =	vadd.s32 v3, v16  }
0x3b: {  	v21 =	vor.u32 v18, v21;
	v18 =	vor.u32 v18, v16;
	v16 =	vshll.u32 v25, $0xA  }
0x3c: {  	s5 =	simm.s32 $0x3;
	v24 =	vor.u32 v4, v24;
	v27 =	vand.u32 $0x300, v23;
	v25 =	vand.u32 $0x2000, v16  }
0x3d: {  	v16 =	vmov s5;
	v23 =	vadd.s32 v15, v25;
	v28 =	vadd.s32 v8, v25  }
0x3e: {  	v29 =	vshll.u32 v16, $0xA;
	v30 =	vadd.s32 v14, v25;
	v31 =	vadd.s32 v10, v25  }
0x3f: {  	s21 =	sshll.u32 s0, $0xA;
	v32 =	vadd.s32 v13, v25;
	v16 =	vshll.u32 v16, $0x7;
	v17 =	vld.idx.msk [tilespmem:v17+s22+$0x0], $0xffff;
	v23 =	vor.u32 v27, v23  }
0x40: {  	s5 =	sand.u32 $0x3FFFFC00, s21;
	v30 =	vor.u32 v27, v30;
	v29 =	vand.u32 $0x2000, v29;
	v34 =	vand.u32 $0x380, v16  }
0x41: {  	s25 =	simm.s32 $0x80;
	s2 =	sand.u32 $0x2000, s20;
	s8 =	sadd.s32 $0x8400, s5;
	v31 =	vor.u32 v27, v31;
	v28 =	vor.u32 v27, v28;
	v33 =	vor.u32 v11, v23  }
0x42: {  	s29 =	sand.u32 $0x380, s25;
	s7 =	sadd.s32 s2, s8;
	v23 =	vadd.s32 v15, v29;
	v16 =	vadd.s32 v13, v29;
	v35 =	vadd.s32 v14, v29  }
0x43: {  	s2 =	sadd.s32 s29, s7;
	v30 =	vor.u32 v12, v30;
	v31 =	vor.u32 v7, v31;
	v23 =	vor.u32 v34, v23  }
0x44: {  	v36 =	vor.u32 v11, v23;
	v23 =	vor.u32 v34, v35;
	[tilespmem:s2+$0x0] =	vst v17;
	v17 =	vadd.s32 v2, v29  }
0x45: {  	v35 =	vor.u32 v12, v23;
	v23 =	vor.u32 v34, v16;
	v17 =	vor.u32 v34, v17  }
0x46: {  	v37 =	vor.u32 v9, v23;
	v22 =	vld.idx.msk [tilespmem:v22+s22+$0x0], $0xffff;
	v16 =	vor.u32 v0, v17;
	v17 =	vadd.s32 v8, v29  }
0x47: {  	v23 =	vadd.s32 v10, v29;
	v38 =	vor.u32 v34, v17;
	v17 =	vadd.s32 v5, v29  }
0x48: {  	v28 =	vor.u32 v6, v28;
	v39 =	vor.u32 v34, v23;
	v41 =	vor.u32 v34, v17  }
0x49: {  	v17 =	vadd.s32 v3, v29;
	v29 =	vor.u32 v27, v32;
	v38 =	vor.u32 v6, v38  }
0x4a: {  	v36 =	vld.idx.msk [tilespmem:v36+s22+$0x0], $0xffff;
	v52 =	vor.u32 v34, v17;
	v17 =	vadd.s32 v3, v25;
	v29 =	vor.u32 v9, v29  }
0x4b: {  	[tilespmem:s2+$0x10] =	vst v22;
	v22 =	vadd.s32 v5, v25;
	v23 =	vor.u32 v27, v17;
	v17 =	vld.idx.msk [tilespmem:v33+s22+$0x0], $0xffff;
	v33 =	vshll.u32 v54, $0x7  }
0x4c: {  	s31 =	simm.s32 $0x0;
	s10 =	simm.s32 $0x800;
	v53 =	vor.u32 v27, v22;
	v22 =	vor.u32 v6, v21;
	v21 =	vadd.s32 v2, v25  }
0x4d: {  	s11 =	simm.s32 $0x5;
	s12 =	simm.s32 $0x180;
	s10 =	sand.u32 $0x2000, s10;
	v19 =	vld.idx.msk [tilespmem:v19+s22+$0x0], $0xffff;
	v27 =	vor.u32 v27, v21;
	v21 =	vor.u32 v1, v18;
	v18 =	vshll.u32 v54, $0xA  }
0x4e: {  	s13 =	sand.u32 $0x380, s12;
	s5 =	sand.u32 $0x300, s31;
	s10 =	sadd.s32 s10, s8;
	v25 =	vor.u32 v7, v39;
	v33 =	vand.u32 $0x300, v33;
	v55 =	vand.u32 $0x2000, v18  }
0x4f: {  	s7 =	sadd.s32 s5, s7;
	s5 =	sadd.s32 s13, s10;
	v32 =	vor.u32 v4, v53;
	v18 =	vmov s11;
	v40 =	vadd.s32 v8, v55  }
0x50: {  	[tilespmem:s5+$0x0] =	vst v36;
	v42 =	vadd.s32 v14, v55;
	v43 =	vadd.s32 v10, v55;
	v56 =	vadd.s32 v13, v55  }
0x51: {  	[tilespmem:s7+$0x0] =	vst v17;
	v42 =	vor.u32 v33, v42;
	v43 =	vor.u32 v33, v43;
	v36 =	vor.u32 v33, v56  }
0x52: {  	v17 =	vshll.u32 v18, $0xA;
	v40 =	vor.u32 v33, v40;
	[tilespmem:s2+$0x20] =	vst v19;
	v19 =	vadd.s32 v15, v55;
	v30 =	vld.idx.msk [tilespmem:v30+s22+$0x0], $0xffff  }
0x53: {  	v44 =	vand.u32 $0x2000, v17;
	v17 =	vshll.u32 v18, $0x7;
	v18 =	vld.idx.msk [tilespmem:v35+s22+$0x0], $0xffff;
	v42 =	vor.u32 v12, v42  }
0x54: {  	v36 =	vor.u32 v9, v36;
	v63 =	vor.u32 v7, v43;
	v26 =	vld.idx.msk [tilespmem:v26+s22+$0x0], $0xffff;
	v19 =	vor.u32 v33, v19  }
0x55: {  	v57 =	vadd.s32 v15, v44;
	v45 =	vand.u32 $0x380, v17;
	v17 =	vadd.s32 v13, v44  }
0x56: {  	v46 =	vadd.s32 v14, v44;
	v47 =	vadd.s32 v2, v44;
	v19 =	vor.u32 v11, v19  }
0x57: {  	v35 =	vor.u32 v45, v57;
	v46 =	vor.u32 v45, v46;
	v58 =	vor.u32 v45, v17;
	[tilespmem:s7+$0x10] =	vst v30  }
0x58: {  	v35 =	vor.u32 v11, v35;
	v46 =	vor.u32 v12, v46;
	v30 =	vadd.s32 v8, v44;
	[tilespmem:s5+$0x10] =	vst v18  }
0x59: {  	v18 =	vadd.s32 v10, v44;
	[tilespmem:s2+$0x30] =	vst v26;
	v26 =	vor.u32 v45, v47;
	v37 =	vld.idx.msk [tilespmem:v37+s22+$0x0], $0xffff  }
0x5a: {  	v47 =	vor.u32 v45, v30;
	v30 =	vadd.s32 v5, v44;
	v48 =	vor.u32 v45, v18;
	v29 =	vld.idx.msk [tilespmem:v29+s22+$0x0], $0xffff  }
0x5b: {  	v18 =	vadd.s32 v3, v44;
	v17 =	vor.u32 v0, v26;
	v26 =	vor.u32 v9, v58;
	v59 =	vld.idx.msk [tilespmem:v19+s22+$0x0], $0xffff  }
0x5c: {  	v30 =	vor.u32 v45, v30;
	v19 =	vadd.s32 v5, v55;
	v49 =	vor.u32 v45, v18;
	v60 =	vld.idx.msk [tilespmem:v22+s22+$0x0], $0xffff  }
0x5d: {  	s16 =	simm.s32 $0x100;
	v18 =	vadd.s32 v3, v55;
	v22 =	vadd.s32 v2, v55;
	v50 =	vor.u32 v33, v19;
	v35 =	vld.idx.msk [tilespmem:v35+s22+$0x0], $0xffff  }
0x5e: {  	s17 =	simm.s32 $0x4;
	s13 =	simm.s32 $0x1000;
	s11 =	sand.u32 $0x300, s16;
	v18 =	vor.u32 v33, v18;
	v19 =	vor.u32 v0, v27;
	v27 =	vor.u32 v7, v48;
	[tilespmem:s5+$0x20] =	vst v37  }
0x5f: {  	s19 =	simm.s32 $0x280;
	s18 =	sand.u32 $0x2000, s13;
	s10 =	sadd.s32 s11, s10;
	v39 =	vor.u32 v33, v22;
	v22 =	vor.u32 v1, v52;
	[tilespmem:s7+$0x20] =	vst v29;
	v29 =	vmov s17;
	v25 =	vld.idx.msk [tilespmem:v25+s22+$0x0], $0xffff  }
0x60: {  	s21 =	sand.u32 $0x380, s19;
	s20 =	sadd.s32 s18, s8;
	v48 =	vor.u32 v4, v41;
	[tilespmem:s10+$0x0] =	vst v59;
	v31 =	vld.idx.msk [tilespmem:v31+s22+$0x0], $0xffff;
	v61 =	vshll.u32 v29, $0xA;
	v29 =	vshll.u32 v29, $0x7  }
0x61: {  	s25 =	simm.s32 $0x7;
	s11 =	sadd.s32 s21, s20;
	v30 =	vor.u32 v4, v30;
	[tilespmem:s2+$0x40] =	vst v60;
	v62 =	vld.idx.msk [tilespmem:v42+s22+$0x0], $0xffff;
	v42 =	vand.u32 $0x2000, v61;
	v44 =	vand.u32 $0x300, v29  }
0x62: {  	[tilespmem:s11+$0x0] =	vst v35;
	v29 =	vmov s25;
	v35 =	vor.u32 v4, v50;
	v33 =	vadd.s32 v15, v42  }
0x63: {  	v24 =	vld.idx.msk [tilespmem:v24+s22+$0x0], $0xffff;
	v57 =	vadd.s32 v8, v42;
	v59 =	vshll.u32 v29, $0xA;
	v60 =	vadd.s32 v14, v42  }
0x64: {  	v58 =	vld.idx.msk [tilespmem:v46+s22+$0x0], $0xffff;
	v61 =	vadd.s32 v13, v42;
	v29 =	vshll.u32 v29, $0x7;
	v33 =	vor.u32 v44, v33  }
0x65: {  	v45 =	vor.u32 v44, v60;
	v46 =	vor.u32 v44, v61;
	v41 =	vor.u32 v44, v57;
	[tilespmem:s5+$0x30] =	vst v25  }
0x66: {  	v45 =	vor.u32 v12, v45;
	v25 =	vadd.s32 v10, v42;
	[tilespmem:s7+$0x30] =	vst v31;
	v31 =	vand.u32 $0x2000, v59;
	v38 =	vld.idx.msk [tilespmem:v38+s22+$0x0], $0xffff  }
0x67: {  	v52 =	vand.u32 $0x380, v29;
	[tilespmem:s10+$0x10] =	vst v62;
	v62 =	vor.u32 v11, v33;
	v51 =	vld.idx.msk [tilespmem:v28+s22+$0x0], $0xffff;
	v28 =	vadd.s32 v15, v31  }
0x68: {  	[tilespmem:s2+$0x50] =	vst v24;
	v24 =	vadd.s32 v13, v31;
	v29 =	vadd.s32 v14, v31;
	v33 =	vor.u32 v1, v23  }
0x69: {  	v23 =	vadd.s32 v8, v31;
	v37 =	vor.u32 v44, v25;
	v28 =	vor.u32 v52, v28;
	v53 =	vld.idx.msk [tilespmem:v21+s22+$0x0], $0xffff  }
0x6a: {  	v21 =	vadd.s32 v2, v31;
	[tilespmem:s11+$0x10] =	vst v58;
	v24 =	vor.u32 v52, v24;
	v54 =	vor.u32 v11, v28  }
0x6b: {  	v28 =	vor.u32 v52, v29;
	v26 =	vld.idx.msk [tilespmem:v26+s22+$0x0], $0xffff;
	v29 =	vor.u32 v52, v23;
	v23 =	vadd.s32 v5, v31  }
0x6c: {  	v55 =	vld.idx.msk [tilespmem:v36+s22+$0x0], $0xffff;
	v34 =	vor.u32 v12, v28;
	v28 =	vor.u32 v9, v24;
	v24 =	vadd.s32 v10, v31  }
0x6d: {  	v21 =	vor.u32 v52, v21;
	v25 =	vor.u32 v52, v24;
	v24 =	vor.u32 v52, v23  }
0x6e: {  	v23 =	vadd.s32 v3, v31;
	v31 =	vadd.s32 v5, v42;
	v43 =	vld.idx.msk [tilespmem:v62+s22+$0x0], $0xffff;
	[tilespmem:s7+$0x40] =	vst v51  }
0x6f: {  	[tilespmem:s5+$0x40] =	vst v38;
	v36 =	vor.u32 v44, v31;
	v31 =	vadd.s32 v3, v42;
	v51 =	vld.idx.msk [tilespmem:v32+s22+$0x0], $0xffff  }
0x70: {  	s29 =	simm.s32 $0x200;
	v21 =	vor.u32 v0, v21;
	v31 =	vor.u32 v44, v31;
	v54 =	vld.idx.msk [tilespmem:v54+s22+$0x0], $0xffff;
	[tilespmem:s11+$0x20] =	vst v26  }
0x71: {  	s13 =	sand.u32 $0x300, s29;
	s17 =	simm.s32 $0x1800;
	v32 =	vor.u32 v7, v25;
	[tilespmem:s10+$0x20] =	vst v55;
	v26 =	vadd.s32 v2, v42;
	v42 =	vld.idx.msk [tilespmem:v27+s22+$0x0], $0xffff  }
0x72: {  	s12 =	sadd.s32 s13, s20;
	s16 =	simm.s32 $0x380;
	s30 =	sand.u32 $0x2000, s17;
	[tilespmem:s2+$0x60] =	vst v53;
	v27 =	vor.u32 v0, v39;
	v25 =	vor.u32 v44, v26;
	v44 =	vld.idx.msk [tilespmem:v63+s22+$0x0], $0xffff  }
0x73: {  	s19 =	simm.s32 $0x6;
	s31 =	sand.u32 $0x380, s16;
	s18 =	sadd.s32 s30, s8;
	v39 =	vor.u32 v9, v46;
	v46 =	vor.u32 v6, v40;
	v40 =	vld.idx.msk [tilespmem:v20+s22+$0x0], $0xffff;
	[tilespmem:s12+$0x0] =	vst v43  }
0x74: {  	s13 =	sadd.s32 s31, s18;
	v23 =	vor.u32 v52, v23;
	v38 =	vor.u32 v6, v47;
	v63 =	vmov s19;
	v45 =	vld.idx.msk [tilespmem:v45+s22+$0x0], $0xffff;
	[tilespmem:s7+$0x50] =	vst v51  }
0x75: {  	v26 =	vor.u32 v1, v49;
	s19 =	simm.s32 $0x8;
	v47 =	vshll.u32 v63, $0xA;
	v43 =	vld.idx.msk [tilespmem:v48+s22+$0x0], $0xffff;
	v48 =	vshll.u32 v63, $0x7;
	[tilespmem:s13+$0x0] =	vst v54  }
.LBB2_3:
0x76: {  	s21 =	sadd.s32 $0x1, s19;
	v47 =	vand.u32 $0x2000, v47;
	v48 =	vand.u32 $0x300, v48  }
0x77: {  	p0 =	slt.u32 s19, $0xE;
	v49 =	vor.u32 v7, v37;
	v33 =	vld.idx.msk [tilespmem:v33+s22+$0x0], $0xffff;
	v20 =	vmovc v17;
	v17 =	vmovc v21;
	v50 =	vmov v36;
	v51 =	vmov v41;
	s20 =	smov.u32 s19;
	s19 =	sadd.s32 $0x2, s19  }
0x78: {  	v21 =	vmov s21;
	v36 =	vadd.s32 v15, v47;
	v41 =	vadd.s32 v8, v47;
	v34 =	vld.idx.msk [tilespmem:v34+s22+$0x0], $0xffff;
	[tilespmem:s11+$0x30] =	vst v42  }
0x79: {  	v42 =	vadd.s32 v14, v47;
	v52 =	vadd.s32 v10, v47;
	v37 =	vshll.u32 v21, $0xA;
	[tilespmem:s12+$0x10] =	vst v45;
	v38 =	vld.idx.msk [tilespmem:v38+s22+$0x0], $0xffff  }
0x7a: {  	v36 =	vor.u32 v48, v36;
	v42 =	vor.u32 v48, v42;
	v45 =	vadd.s32 v13, v47;
	[tilespmem:s10+$0x30] =	vst v44  }
0x7b: {  	v21 =	vshll.u32 v21, $0x7;
	v44 =	vand.u32 $0x2000, v37;
	v36 =	vor.u32 v11, v36;
	v46 =	vld.idx.msk [tilespmem:v46+s22+$0x0], $0xffff;
	[tilespmem:s5+$0x50] =	vst v43  }
0x7c: {  	v37 =	vadd.s32 v15, v44;
	v43 =	vand.u32 $0x380, v21;
	v21 =	vadd.s32 v13, v44;
	v53 =	vld.idx.msk [tilespmem:v22+s22+$0x0], $0xffff;
	[tilespmem:s2+$0x70] =	vst v40;
	s2 =	smov.u32 s5;
	s5 =	smov.u32 s11;
	s11 =	smov.u32 s13  }
0x7d: {  	v22 =	vor.u32 v43, v37;
	v37 =	vadd.s32 v14, v44;
	v40 =	vadd.s32 v2, v44;
	[tilespmem:s7+$0x60] =	vst v33  }
0x7e: {  	v22 =	vor.u32 v11, v22;
	v33 =	vor.u32 v43, v37;
	v37 =	vor.u32 v43, v40;
	[tilespmem:s11+$0x10] =	vst v34  }
0x7f: {  	v34 =	vor.u32 v12, v33;
	v33 =	vor.u32 v43, v21;
	v21 =	vor.u32 v0, v37;
	v40 =	vld.idx.msk [tilespmem:v19+s22+$0x0], $0xffff  }
0x80: {  	v19 =	vadd.s32 v10, v44;
	v54 =	vld.idx.msk [tilespmem:v28+s22+$0x0], $0xffff;
	v28 =	vor.u32 v9, v33;
	v33 =	vor.u32 v1, v18  }
0x81: {  	v56 =	vor.u32 v12, v42;
	v37 =	vadd.s32 v8, v44;
	v18 =	vmov v31;
	v55 =	vld.idx.msk [tilespmem:v36+s22+$0x0], $0xffff;
	[tilespmem:s5+$0x40] =	vst v38  }
0x82: {  	v57 =	vor.u32 v43, v37;
	v37 =	vor.u32 v48, v52;
	v31 =	vadd.s32 v5, v44;
	v39 =	vld.idx.msk [tilespmem:v39+s22+$0x0], $0xffff  }
0x83: {  	s13 =	sadd.s32 $0xFFFFFF80, s16;
	v58 =	vor.u32 v43, v31;
	v52 =	vld.idx.msk [tilespmem:v22+s22+$0x0], $0xffff;
	v22 =	vor.u32 v43, v19;
	[tilespmem:s10+$0x40] =	vst v46;
	v19 =	vmov v27  }
0x84: {  	s13 =	sand.u32 $0x300, s13;
	v31 =	vadd.s32 v5, v47;
	v27 =	vadd.s32 v3, v44;
	v44 =	vor.u32 v48, v45;
	v59 =	vld.idx.msk [tilespmem:v35+s22+$0x0], $0xffff  }
0x85: {  	s17 =	sadd.s32 $0x800, s17;
	s21 =	sadd.s32 s13, s18;
	v36 =	vor.u32 v48, v31;
	v35 =	vor.u32 v43, v27;
	v27 =	vadd.s32 v3, v47;
	[tilespmem:s7+$0x70] =	vst v40;
	s7 =	smov.u32 s10  }
0x86: {  	v41 =	vor.u32 v48, v41;
	s16 =	sadd.s32 $0x100, s16;
	s13 =	sand.u32 $0x2000, s17;
	v38 =	vor.u32 v6, v29;
	v31 =	vor.u32 v48, v27;
	s10 =	smov.u32 s12;
	[tilespmem:s11+$0x20] =	vst v54  }
.Ltmp0:
0x87: {  	s18 =	sadd.s32 s13, s8;
	v29 =	vmov v57;
	s12 =	sand.u32 $0x380, s16;
	v40 =	vadd.s32 v2, v47;
	v27 =	vor.u32 v0, v25;
	[tilespmem:s21+$0x0] =	vst v55;
	v42 =	vld.idx.msk [tilespmem:v32+s22+$0x0], $0xffff;
	(pc) =	sbr.rel @p0 .LBB2_3-.Ltmp0, $4  }
0x88: {  	s13 =	sadd.s32 s12, s18;
	v25 =	vor.u32 v48, v40;
	s12 =	smov.u32 s21;
	v32 =	vor.u32 v7, v22;
	v22 =	vmov v26;
	v45 =	vld.idx.msk [tilespmem:v56+s22+$0x0], $0xffff;
	[tilespmem:s10+$0x20] =	vst v39  }
0x89: {  	v26 =	vor.u32 v1, v23;
	v23 =	vmov v35;
	v39 =	vor.u32 v9, v44;
	[tilespmem:s13+$0x0] =	vst v52;
	v44 =	vld.idx.msk [tilespmem:v49+s22+$0x0], $0xffff  }
0x8a: {  	v40 =	vmov s20;
	v35 =	vor.u32 v4, v50;
	v43 =	vld.idx.msk [tilespmem:v30+s22+$0x0], $0xffff;
	v30 =	vor.u32 v4, v24;
	[tilespmem:s2+$0x60] =	vst v53;
	v24 =	vmovc v58  }
0x8b: {  	v46 =	vor.u32 v6, v51;
	v47 =	vshll.u32 v40, $0xA;
	v48 =	vshll.u32 v40, $0x7;
	[tilespmem:s7+$0x50] =	vst v59;
	v40 =	vld.idx.msk [tilespmem:v16+s22+$0x0], $0xffff;
	v16 =	vmovc v20  }
0x8c: {  	v20 =	vand.u32 $0x2000, v47  }
0x8d: {  	v47 =	vand.u32 $0x300, v48;
	v15 =	vadd.s32 v15, v20  }
0x8e: {  	v15 =	vor.u32 v47, v15  }
0x8f: {  	v11 =	vor.u32 v11, v15;
	_ =	sdelay $0x3  }
0x90: {  	v14 =	vadd.s32 v14, v20  }
0x91: {  	v14 =	vor.u32 v47, v14;
	v11 =	vld.idx.msk [tilespmem:v11+s22+$0x0], $0xffff  }
0x92: {  	v12 =	vor.u32 v12, v14  }
0x93: {  	s8 =	sadd.s32 $0xFFFFFF80, s16  }
0x94: {  	s8 =	sand.u32 $0x300, s8  }
0x95: {  	s8 =	sadd.s32 s8, s18  }
0x96: {  	v57 =	vld.idx.msk [tilespmem:v34+s22+$0x0], $0xffff;
	v13 =	vadd.s32 v13, v20;
	[tilespmem:s8+$0x0] =	vst v11  }
0x97: {  	v58 =	vor.u32 v47, v13;
	v12 =	vld.idx.msk [tilespmem:v12+s22+$0x0], $0xffff  }
0x98: {  	v9 =	vor.u32 v9, v58;
	_ =	sdelay $0x1  }
0x99: {  	[tilespmem:s12+$0x10] =	vst v45  }
0x9a: {  	v59 =	vld.idx.msk [tilespmem:v39+s22+$0x0], $0xffff;
	[tilespmem:s13+$0x10] =	vst v57  }
0x9b: {  	v60 =	vor.u32 v7, v37;
	v10 =	vadd.s32 v10, v20;
	v14 =	vld.idx.msk [tilespmem:v28+s22+$0x0], $0xffff;
	[tilespmem:s8+$0x10] =	vst v12  }
0x9c: {  	v10 =	vor.u32 v47, v10;
	v9 =	vld.idx.msk [tilespmem:v9+s22+$0x0], $0xffff  }
0x9d: {  	v61 =	vor.u32 v7, v10  }
0x9e: {  	[tilespmem:s11+$0x30] =	vst v42  }
0x9f: {  	[tilespmem:s12+$0x20] =	vst v59  }
0xa0: {  	v62 =	vld.idx.msk [tilespmem:v60+s22+$0x0], $0xffff;
	[tilespmem:s13+$0x20] =	vst v14  }
0xa1: {  	v8 =	vadd.s32 v8, v20;
	v28 =	vor.u32 v6, v41;
	v63 =	vld.idx.msk [tilespmem:v32+s22+$0x0], $0xffff;
	[tilespmem:s8+$0x20] =	vst v9  }
0xa2: {  	[tilespmem:s10+$0x30] =	vst v44;
	v8 =	vor.u32 v47, v8;
	v32 =	vor.u32 v6, v29;
	v7 =	vld.idx.msk [tilespmem:v61+s22+$0x0], $0xffff  }
0xa3: {  	v34 =	vld.idx.msk [tilespmem:v33+s22+$0x0], $0xffff;
	[tilespmem:s5+$0x50] =	vst v43;
	v37 =	vor.u32 v6, v8  }
0xa4: {  	[tilespmem:s2+$0x70] =	vst v40;
	v41 =	vld.idx.msk [tilespmem:v38+s22+$0x0], $0xffff  }
0xa5: {  	v39 =	vld.idx.msk [tilespmem:v46+s22+$0x0], $0xffff;
	[tilespmem:s12+$0x30] =	vst v62  }
0xa6: {  	v10 =	vld.idx.msk [tilespmem:v28+s22+$0x0], $0xffff;
	[tilespmem:s13+$0x30] =	vst v63  }
0xa7: {  	v42 =	vor.u32 v4, v36;
	v5 =	vadd.s32 v5, v20;
	v9 =	vld.idx.msk [tilespmem:v32+s22+$0x0], $0xffff;
	[tilespmem:s8+$0x30] =	vst v7  }
0xa8: {  	v5 =	vor.u32 v47, v5;
	v43 =	vor.u32 v4, v24;
	[tilespmem:s7+$0x60] =	vst v34;
	v6 =	vld.idx.msk [tilespmem:v37+s22+$0x0], $0xffff  }
0xa9: {  	v45 =	vor.u32 v4, v5;
	v53 =	vld.idx.msk [tilespmem:v22+s22+$0x0], $0xffff;
	[tilespmem:s11+$0x40] =	vst v41  }
0xaa: {  	[tilespmem:s10+$0x40] =	vst v39;
	v49 =	vld.idx.msk [tilespmem:v30+s22+$0x0], $0xffff  }
0xab: {  	v46 =	vld.idx.msk [tilespmem:v35+s22+$0x0], $0xffff;
	[tilespmem:s12+$0x40] =	vst v10  }
0xac: {  	v48 =	vor.u32 v1, v18;
	v50 =	vld.idx.msk [tilespmem:v42+s22+$0x0], $0xffff;
	[tilespmem:s13+$0x40] =	vst v9  }
0xad: {  	v51 =	vor.u32 v1, v31;
	v3 =	vadd.s32 v3, v20;
	v7 =	vld.idx.msk [tilespmem:v43+s22+$0x0], $0xffff;
	[tilespmem:s8+$0x40] =	vst v6  }
0xae: {  	v52 =	vor.u32 v1, v23;
	v3 =	vor.u32 v47, v3;
	[tilespmem:s5+$0x60] =	vst v53;
	v4 =	vld.idx.msk [tilespmem:v45+s22+$0x0], $0xffff  }
0xaf: {  	v54 =	vor.u32 v1, v3;
	v44 =	vld.idx.msk [tilespmem:v19+s22+$0x0], $0xffff;
	[tilespmem:s11+$0x50] =	vst v49  }
0xb0: {  	[tilespmem:s10+$0x50] =	vst v46;
	v56 =	vld.idx.msk [tilespmem:v26+s22+$0x0], $0xffff  }
0xb1: {  	v55 =	vld.idx.msk [tilespmem:v48+s22+$0x0], $0xffff;
	[tilespmem:s12+$0x50] =	vst v50  }
0xb2: {  	v57 =	vld.idx.msk [tilespmem:v51+s22+$0x0], $0xffff;
	[tilespmem:s13+$0x50] =	vst v7  }
0xb3: {  	v2 =	vadd.s32 v2, v20;
	v58 =	vor.u32 v0, v25;
	v6 =	vld.idx.msk [tilespmem:v52+s22+$0x0], $0xffff;
	[tilespmem:s8+$0x50] =	vst v4  }
0xb4: {  	v2 =	vor.u32 v47, v2;
	[tilespmem:s7+$0x70] =	vst v44;
	v1 =	vld.idx.msk [tilespmem:v54+s22+$0x0], $0xffff  }
0xb5: {  	v60 =	vor.u32 v0, v2;
	v59 =	vld.idx.msk [tilespmem:v16+s22+$0x0], $0xffff;
	[tilespmem:s11+$0x60] =	vst v56  }
0xb6: {  	[tilespmem:s10+$0x60] =	vst v55;
	v62 =	vld.idx.msk [tilespmem:v17+s22+$0x0], $0xffff  }
0xb7: {  	v61 =	vld.idx.msk [tilespmem:v27+s22+$0x0], $0xffff;
	[tilespmem:s12+$0x60] =	vst v57  }
0xb8: {  	v63 =	vld.idx.msk [tilespmem:v58+s22+$0x0], $0xffff;
	[tilespmem:s13+$0x60] =	vst v6  }
0xb9: {  	s0 =	sadd.s32 $0x1, s0;
	v6 =	vld.idx.msk [tilespmem:v21+s22+$0x0], $0xffff;
	[tilespmem:s8+$0x60] =	vst v1  }
0xba: {  	p0 =	sne.s32 s0, $0x8;
	[tilespmem:s5+$0x70] =	vst v59;
	v0 =	vld.idx.msk [tilespmem:v60+s22+$0x0], $0xffff  }
.Ltmp1:
0xbb: {  	[tilespmem:s11+$0x70] =	vst v62;
	(pc) =	sbr.rel @p0 .LBB2_2-.Ltmp1, $4  }
0xbc: {  	[tilespmem:s10+$0x70] =	vst v61  }
0xbd: {  	[tilespmem:s12+$0x70] =	vst v63  }
0xbe: {  	[tilespmem:s13+$0x70] =	vst v6  }
0xbf: {  	[tilespmem:s8+$0x70] =	vst v0  }
0xc0: {  	s0 =	simm.s32 $0x0;
	s2 =	rddreg [dreg:$0x6]  }
0xc1: {  	[tilespmem:s22], [sflag:$0x1] =	stream.linear.gather [hbm4b:s2+s0], $0x4000, $0x38;
	[tilespmem:$0x18400] =	vst v63  }
0xc2: {  	_ =	swait.ge [sflag:s24], $0x4000  }
0xc3: {  	[sflag:s24] =	ssyncset.done $0x0  }
0xc4: {  	s2 =	simm.s32 $0x0;
	[sflag:s24] =	ssyncadd.s32 $0xFFFFC000  }
.LBB2_6:
0xc5: {  	s5 =	sshll.u32 s2, $0x7  }
0xc6: {  	s5 =	sand.u32 $0x3FFFFF80, s5  }
0xc7: {  	v0 =	vld [tilespmem:s5+$0x0];
	_ =	sdelay $0x2  }
0xc8: {  	s7 =	simm.s32 $0x1  }
0xc9: {  	v1 =	vmov s7  }
0xca: {  	v3 =	vshll.u32 v1, $0xA;
	v2 =	vshll.u32 v0, $0x3  }
0xcb: {  	v4 =	vld [tilespmem:s5+$0x10];
	v1 =	vshll.u32 v1, $0x7;
	v20 =	vand.u32 $0x2000, v3;
	v12 =	vand.u32 $0xFFFFFC00, v2  }
0xcc: {  	v26 =	vand.u32 $0x380, v1;
	v1 =	vadd.s32 v12, v20  }
0xcd: {  	v14 =	vand.u32 $0x7F, v0;
	v0 =	vmov s0;
	v1 =	vor.u32 v26, v1  }
0xce: {  	v2 =	vshll.u32 v0, $0xA;
	v1 =	vor.u32 v14, v1  }
0xcf: {  	v0 =	vshll.u32 v0, $0x7;
	v25 =	vand.u32 $0x2000, v2  }
0xd0: {  	v5 =	vld [tilespmem:s5+$0x30];
	v3 =	vshll.u32 v4, $0x3;
	v24 =	vand.u32 $0x300, v0;
	v0 =	vadd.s32 v12, v25  }
0xd1: {  	v17 =	vand.u32 $0xFFFFFC00, v3;
	v2 =	vld [tilespmem:s5+$0x20];
	v0 =	vor.u32 v24, v0  }
0xd2: {  	v3 =	vadd.s32 v17, v20;
	v0 =	vor.u32 v14, v0  }
0xd3: {  	v16 =	vand.u32 $0x7F, v4;
	v3 =	vor.u32 v26, v3;
	v1 =	vld.idx.msk [tilespmem:v1+s23+$0x0], $0xffff  }
0xd4: {  	s10 =	sshll.u32 s2, $0xA;
	s8 =	simm.s32 $0x4400;
	v7 =	vld [tilespmem:s5+$0x40];
	v4 =	vor.u32 v16, v3  }
0xd5: {  	s11 =	sadd.s32 $0x8400, s10;
	s7 =	sand.u32 $0x6000, s8;
	s8 =	simm.s32 $0x880;
	v8 =	vld [tilespmem:s5+$0x50];
	v6 =	vand.u32 $0x7F, v5  }
0xd6: {  	v9 =	vld [tilespmem:s5+$0x60];
	s12 =	sand.u32 $0x380, s8;
	s7 =	sadd.s32 s7, s11;
	v3 =	vadd.s32 v17, v25;
	v11 =	vand.u32 $0x7F, v2;
	v2 =	vshll.u32 v2, $0x3  }
0xd7: {  	s13 =	simm.s32 $0x2;
	s16 =	sadd.s32 s12, s7;
	v18 =	vand.u32 $0xFFFFFC00, v2;
	v2 =	vor.u32 v24, v3;
	v3 =	vshll.u32 v5, $0x3;
	v0 =	vld.idx.msk [tilespmem:v0+s23+$0x0], $0xffff  }
0xd8: {  	v27 =	vld [tilespmem:s5+$0x70];
	v5 =	vmov s13;
	v2 =	vor.u32 v16, v2;
	[tilespmem:s16+$0x0] =	vst v1;
	v1 =	vadd.s32 v18, v20  }
0xd9: {  	s17 =	sand.u32 $0x2000, s0;
	v10 =	vand.u32 $0xFFFFFC00, v3;
	v3 =	vand.u32 $0x7F, v7;
	v4 =	vld.idx.msk [tilespmem:v4+s23+$0x0], $0xffff;
	v1 =	vor.u32 v26, v1  }
0xda: {  	s18 =	sand.u32 $0x300, s0;
	s7 =	sadd.s32 s10, s17;
	v7 =	vshll.u32 v7, $0x3;
	v13 =	vshll.u32 v5, $0x7;
	v1 =	vor.u32 v11, v1  }
0xdb: {  	s19 =	simm.s32 $0x3;
	s8 =	sadd.s32 s18, s7;
	v15 =	vadd.s32 v18, v25;
	v5 =	vshll.u32 v5, $0xA;
	v21 =	vadd.s32 v10, v20  }
0xdc: {  	[tilespmem:s8+$0xC400] =	vst v0;
	v0 =	vand.u32 $0x300, v13;
	v13 =	vor.u32 v24, v15;
	v15 =	vmov s19  }
0xdd: {  	v19 =	vld.idx.msk [tilespmem:v2+s23+$0x0], $0xffff;
	v2 =	vand.u32 $0x2000, v5;
	v5 =	vshll.u32 v15, $0xA;
	v15 =	vshll.u32 v15, $0x7  }
0xde: {  	v13 =	vor.u32 v11, v13;
	v5 =	vand.u32 $0x2000, v5;
	[tilespmem:s16+$0x10] =	vst v4;
	v4 =	vand.u32 $0x380, v15  }
0xdf: {  	v15 =	vor.u32 v26, v21;
	v21 =	vadd.s32 v12, v2;
	v22 =	vld.idx.msk [tilespmem:v1+s23+$0x0], $0xffff;
	v1 =	vadd.s32 v12, v5  }
0xe0: {  	v23 =	vor.u32 v6, v15;
	v15 =	vand.u32 $0xFFFFFC00, v7;
	v7 =	vor.u32 v0, v21  }
0xe1: {  	v1 =	vor.u32 v4, v1;
	v28 =	vor.u32 v14, v7  }
0xe2: {  	v30 =	vadd.s32 v17, v2;
	v33 =	vadd.s32 v18, v2;
	v21 =	vor.u32 v14, v1  }
0xe3: {  	s25 =	simm.s32 $0x5;
	v53 =	vadd.s32 v10, v2;
	v29 =	vadd.s32 v17, v5;
	[tilespmem:s8+$0xC410] =	vst v19;
	v19 =	vadd.s32 v10, v25  }
0xe4: {  	v50 =	vmov s25;
	v30 =	vor.u32 v0, v30;
	v13 =	vld.idx.msk [tilespmem:v13+s23+$0x0], $0xffff;
	v19 =	vor.u32 v24, v19;
	[tilespmem:s16+$0x20] =	vst v22  }
0xe5: {  	v35 =	vadd.s32 v18, v5;
	v19 =	vor.u32 v6, v19;
	v22 =	vadd.s32 v15, v20;
	v23 =	vld.idx.msk [tilespmem:v23+s23+$0x0], $0xffff  }
0xe6: {  	v33 =	vor.u32 v0, v33;
	v30 =	vor.u32 v16, v30;
	v22 =	vor.u32 v26, v22;
	v28 =	vld.idx.msk [tilespmem:v28+s23+$0x0], $0xffff  }
0xe7: {  	s20 =	simm.s32 $0x4;
	s21 =	simm.s32 $0x800;
	s12 =	simm.s32 $0x4C00;
	v29 =	vor.u32 v4, v29;
	v7 =	vand.u32 $0x7F, v8;
	v21 =	vld.idx.msk [tilespmem:v21+s23+$0x0], $0xffff;
	v22 =	vor.u32 v3, v22  }
0xe8: {  	s17 =	simm.s32 $0x100;
	s7 =	sand.u32 $0x2000, s21;
	s12 =	sand.u32 $0x6000, s12;
	v29 =	vor.u32 v16, v29;
	v31 =	vadd.s32 v15, v25;
	v1 =	vshll.u32 v8, $0x3  }
0xe9: {  	s17 =	sand.u32 $0x300, s17;
	s7 =	sadd.s32 s10, s7;
	s13 =	simm.s32 $0x980;
	v8 =	vand.u32 $0xFFFFFC00, v1;
	v1 =	vand.u32 $0x7F, v9;
	v9 =	vshll.u32 v9, $0x3;
	[tilespmem:s8+$0xC420] =	vst v13  }
0xea: {  	s12 =	sadd.s32 s12, s11;
	s7 =	sadd.s32 s17, s7;
	s13 =	sand.u32 $0x380, s13;
	v33 =	vor.u32 v11, v33;
	v9 =	vand.u32 $0xFFFFFC00, v9;
	v13 =	vor.u32 v24, v31;
	v19 =	vld.idx.msk [tilespmem:v19+s23+$0x0], $0xffff;
	[tilespmem:s16+$0x30] =	vst v23  }
0xeb: {  	s5 =	sadd.s32 s13, s12;
	v34 =	vadd.s32 v8, v20;
	v32 =	vor.u32 v3, v13;
	v13 =	vmov s20;
	[tilespmem:s7+$0xC400] =	vst v28  }
0xec: {  	v63 =	vadd.s32 v8, v2;
	v34 =	vor.u32 v26, v34;
	v23 =	vshll.u32 v13, $0x7;
	[tilespmem:s5+$0x0] =	vst v21;
	v21 =	vld.idx.msk [tilespmem:v22+s23+$0x0], $0xffff  }
0xed: {  	v54 =	vadd.s32 v9, v25;
	v22 =	vshll.u32 v13, $0xA;
	v13 =	vand.u32 $0x300, v23;
	v30 =	vld.idx.msk [tilespmem:v30+s23+$0x0], $0xffff  }
0xee: {  	v23 =	vor.u32 v4, v35;
	v28 =	vld.idx.msk [tilespmem:v29+s23+$0x0], $0xffff;
	v29 =	vor.u32 v7, v34;
	v22 =	vand.u32 $0x2000, v22  }
0xef: {  	[tilespmem:s8+$0xC430] =	vst v19;
	v49 =	vor.u32 v11, v23;
	v23 =	vadd.s32 v8, v25;
	v19 =	vadd.s32 v12, v22  }
0xf0: {  	v34 =	vor.u32 v0, v53;
	v23 =	vor.u32 v24, v23;
	v19 =	vor.u32 v13, v19  }
0xf1: {  	v32 =	vld.idx.msk [tilespmem:v32+s23+$0x0], $0xffff;
	v37 =	vor.u32 v7, v23;
	v36 =	vor.u32 v14, v19;
	v19 =	vshll.u32 v50, $0x7;
	[tilespmem:s16+$0x40] =	vst v21  }
0xf2: {  	v23 =	vshll.u32 v50, $0xA;
	v21 =	vand.u32 $0x380, v19;
	v19 =	vadd.s32 v9, v20;
	[tilespmem:s7+$0xC410] =	vst v30  }
0xf3: {  	v23 =	vand.u32 $0x2000, v23;
	v30 =	vadd.s32 v10, v5;
	[tilespmem:s5+$0x10] =	vst v28;
	v28 =	vld.idx.msk [tilespmem:v29+s23+$0x0], $0xffff;
	v19 =	vor.u32 v26, v19  }
0xf4: {  	v51 =	vadd.s32 v12, v23;
	v30 =	vor.u32 v4, v30;
	v29 =	vld.idx.msk [tilespmem:v49+s23+$0x0], $0xffff;
	v52 =	vor.u32 v1, v19  }
0xf5: {  	v57 =	vadd.s32 v17, v23;
	v62 =	vadd.s32 v18, v23;
	v30 =	vor.u32 v6, v30  }
0xf6: {  	v31 =	vshll.u32 v27, $0x3;
	v33 =	vld.idx.msk [tilespmem:v33+s23+$0x0], $0xffff;
	[tilespmem:s8+$0xC440] =	vst v32;
	v32 =	vor.u32 v24, v54;
	v19 =	vor.u32 v21, v51  }
0xf7: {  	v32 =	vor.u32 v1, v32;
	v38 =	vor.u32 v14, v19;
	v37 =	vld.idx.msk [tilespmem:v37+s23+$0x0], $0xffff;
	v19 =	vand.u32 $0xFFFFFC00, v31  }
0xf8: {  	v31 =	vor.u32 v6, v34;
	v55 =	vld.idx.msk [tilespmem:v36+s23+$0x0], $0xffff;
	v56 =	vadd.s32 v19, v20;
	[tilespmem:s16+$0x50] =	vst v28  }
0xf9: {  	v20 =	vand.u32 $0x7F, v27;
	v26 =	vor.u32 v26, v56;
	[tilespmem:s5+$0x20] =	vst v29;
	v27 =	vld.idx.msk [tilespmem:v52+s23+$0x0], $0xffff;
	v29 =	vadd.s32 v15, v5  }
0xfa: {  	v28 =	vadd.s32 v17, v22;
	v36 =	vor.u32 v20, v26;
	v30 =	vld.idx.msk [tilespmem:v30+s23+$0x0], $0xffff;
	v29 =	vor.u32 v4, v29  }
0xfb: {  	s29 =	simm.s32 $0x6;
	s18 =	simm.s32 $0x200;
	v25 =	vadd.s32 v19, v25;
	v28 =	vor.u32 v13, v28;
	v29 =	vor.u32 v3, v29  }
0xfc: {  	s30 =	simm.s32 $0x5400;
	s21 =	sand.u32 $0x300, s18;
	s17 =	simm.s32 $0x1000;
	[tilespmem:s7+$0xC420] =	vst v33;
	v26 =	vor.u32 v21, v57;
	v58 =	vld.idx.msk [tilespmem:v38+s23+$0x0], $0xffff;
	v28 =	vor.u32 v16, v28  }
0xfd: {  	s13 =	sand.u32 $0x6000, s30;
	s19 =	sand.u32 $0x2000, s17;
	s20 =	simm.s32 $0xA80;
	v60 =	vor.u32 v16, v26;
	v26 =	vadd.s32 v15, v2;
	v59 =	vld.idx.msk [tilespmem:v31+s23+$0x0], $0xffff;
	[tilespmem:s8+$0xC450] =	vst v37  }
0xfe: {  	s13 =	sadd.s32 s13, s11;
	s19 =	sadd.s32 s10, s19;
	s20 =	sand.u32 $0x380, s20;
	v24 =	vor.u32 v24, v25;
	v26 =	vor.u32 v0, v26;
	v37 =	vld.idx.msk [tilespmem:v32+s23+$0x0], $0xffff;
	[tilespmem:s16+$0x60] =	vst v27  }
0xff: {  	s12 =	sadd.s32 s20, s13;
	s13 =	sadd.s32 s21, s19;
	v25 =	vmov s29;
	v39 =	vor.u32 v3, v26;
	v26 =	vadd.s32 v9, v2;
	[tilespmem:s5+$0x30] =	vst v30;
	v40 =	vld.idx.msk [tilespmem:v36+s23+$0x0], $0xffff  }
0x100: {  	v61 =	vshll.u32 v25, $0xA;
	[tilespmem:s13+$0xC400] =	vst v55;
	v27 =	vor.u32 v20, v24;
	v31 =	vld.idx.msk [tilespmem:v29+s23+$0x0], $0xffff;
	v29 =	vadd.s32 v8, v5  }
0x101: {  	v24 =	vshll.u32 v25, $0x7;
	v30 =	vadd.s32 v18, v22;
	[tilespmem:s12+$0x0] =	vst v58;
	v33 =	vld.idx.msk [tilespmem:v28+s23+$0x0], $0xffff;
	v29 =	vor.u32 v4, v29  }
0x102: {  	v25 =	vand.u32 $0x300, v24;
	v28 =	vor.u32 v21, v62;
	v32 =	vld.idx.msk [tilespmem:v60+s23+$0x0], $0xffff;
	v35 =	vor.u32 v7, v29  }
0x103: {  	[tilespmem:s7+$0xC430] =	vst v59;
	v24 =	vand.u32 $0x2000, v61;
	v34 =	vor.u32 v11, v28;
	v29 =	vor.u32 v13, v30  }
0x104: {  	s31 =	simm.s32 $0x7;
	[tilespmem:s8+$0xC460] =	vst v37;
	v28 =	vadd.s32 v12, v24;
	v30 =	vld.idx.msk [tilespmem:v39+s23+$0x0], $0xffff;
	v36 =	vor.u32 v11, v29  }
0x105: {  	s19 =	simm.s32 $0x8;
	v37 =	vor.u32 v0, v63;
	v38 =	vor.u32 v25, v28;
	v29 =	vld.idx.msk [tilespmem:v27+s23+$0x0], $0xffff;
	v27 =	vmov s31;
	[tilespmem:s16+$0x70] =	vst v40  }
.LBB2_7:
0x106: {  	p0 =	slt.u32 s19, $0xE;
	v28 =	vor.u32 v14, v38;
	v38 =	vshll.u32 v27, $0x7;
	v37 =	vor.u32 v7, v37;
	[tilespmem:s5+$0x40] =	vst v31  }
0x107: {  	v27 =	vshll.u32 v27, $0xA;
	v31 =	vand.u32 $0x380, v38;
	[tilespmem:s12+$0x10] =	vst v32;
	v32 =	vld.idx.msk [tilespmem:v35+s23+$0x0], $0xffff;
	v35 =	vadd.s32 v9, v5  }
0x108: {  	v27 =	vand.u32 $0x2000, v27;
	[tilespmem:s13+$0xC410] =	vst v33;
	v33 =	vld.idx.msk [tilespmem:v34+s23+$0x0], $0xffff;
	v34 =	vadd.s32 v10, v23;
	v35 =	vor.u32 v4, v35  }
0x109: {  	v38 =	vadd.s32 v12, v27;
	v36 =	vld.idx.msk [tilespmem:v36+s23+$0x0], $0xffff;
	v34 =	vor.u32 v21, v34;
	v35 =	vor.u32 v1, v35  }
0x10a: {  	v39 =	vadd.s32 v10, v22;
	v38 =	vor.u32 v31, v38;
	v34 =	vor.u32 v6, v34;
	[tilespmem:s7+$0xC440] =	vst v30  }
0x10b: {  	v30 =	vor.u32 v14, v38;
	v38 =	vor.u32 v13, v39;
	v37 =	vld.idx.msk [tilespmem:v37+s23+$0x0], $0xffff;
	[tilespmem:s8+$0xC470] =	vst v29;
	s8 =	smov.u32 s7;
	s7 =	smov.u32 s13  }
0x10c: {  	v26 =	vor.u32 v0, v26;
	v29 =	vor.u32 v6, v38  }
0x10d: {  	v26 =	vor.u32 v1, v26;
	v28 =	vld.idx.msk [tilespmem:v28+s23+$0x0], $0xffff;
	[tilespmem:s5+$0x50] =	vst v32  }
0x10e: {  	v32 =	vadd.s32 v17, v24;
	[tilespmem:s12+$0x20] =	vst v33;
	v33 =	vld.idx.msk [tilespmem:v35+s23+$0x0], $0xffff;
	v35 =	vadd.s32 v19, v5;
	v5 =	vmov v23  }
0x10f: {  	[tilespmem:s7+$0xC420] =	vst v36;
	v34 =	vld.idx.msk [tilespmem:v34+s23+$0x0], $0xffff;
	v23 =	vadd.s32 v15, v5;
	v35 =	vor.u32 v4, v35;
	v4 =	vmov v21  }
0x110: {  	v39 =	vadd.s32 v17, v27;
	v30 =	vld.idx.msk [tilespmem:v30+s23+$0x0], $0xffff;
	v23 =	vor.u32 v4, v23;
	v35 =	vor.u32 v20, v35  }
0x111: {  	s17 =	sadd.s32 $0x800, s17;
	v36 =	vor.u32 v31, v39;
	v21 =	vmov v31;
	v29 =	vld.idx.msk [tilespmem:v29+s23+$0x0], $0xffff;
	v38 =	vor.u32 v3, v23;
	[tilespmem:s8+$0xC450] =	vst v37  }
0x112: {  	s18 =	sadd.s32 $0x100, s18;
	s16 =	sadd.s32 $0x4400, s17;
	s13 =	sand.u32 $0x2000, s17;
	v39 =	vor.u32 v25, v32;
	v31 =	vadd.s32 v15, v22;
	v32 =	vor.u32 v16, v36;
	v36 =	vld.idx.msk [tilespmem:v26+s23+$0x0], $0xffff  }
0x113: {  	v41 =	vadd.s32 v19, v2;
	s20 =	sadd.s32 $0x880, s18;
	s16 =	sand.u32 $0x6000, s16;
	s13 =	sadd.s32 s10, s13;
	v37 =	vor.u32 v16, v39;
	v26 =	vor.u32 v13, v31;
	v23 =	vmovc v27  }
0x114: {  	s21 =	sand.u32 $0x300, s18;
	s20 =	sand.u32 $0x380, s20;
	s16 =	sadd.s32 s16, s11;
	v31 =	vor.u32 v0, v41;
	v0 =	vmovc v13;
	v13 =	vmov v25;
	v27 =	vor.u32 v3, v26;
	[tilespmem:s5+$0x60] =	vst v33  }
0x115: {  	v2 =	vmovc v22;
	s16 =	sadd.s32 s20, s16;
	s13 =	sadd.s32 s21, s13;
	v25 =	vmov s19;
	v26 =	vadd.s32 v9, v22;
	v39 =	vor.u32 v20, v31;
	[tilespmem:s12+$0x30] =	vst v34;
	v40 =	vld.idx.msk [tilespmem:v35+s23+$0x0], $0xffff  }
0x116: {  	v22 =	vshll.u32 v25, $0x7;
	v34 =	vadd.s32 v18, v24;
	[tilespmem:s16+$0x0] =	vst v30;
	v31 =	vld.idx.msk [tilespmem:v38+s23+$0x0], $0xffff;
	v30 =	vadd.s32 v8, v5  }
.Ltmp2:
0x117: {  	v38 =	vshll.u32 v25, $0xA;
	[tilespmem:s13+$0xC400] =	vst v28;
	v32 =	vld.idx.msk [tilespmem:v32+s23+$0x0], $0xffff;
	v28 =	vadd.s32 v18, v23;
	v30 =	vor.u32 v4, v30;
	(pc) =	sbr.rel @p0 .LBB2_7-.Ltmp2, $4  }
0x118: {  	v25 =	vand.u32 $0x300, v22;
	v33 =	vld.idx.msk [tilespmem:v37+s23+$0x0], $0xffff;
	v22 =	vor.u32 v21, v28;
	[tilespmem:s7+$0xC430] =	vst v29;
	v35 =	vor.u32 v7, v30  }
0x119: {  	v28 =	vand.u32 $0x2000, v38;
	v29 =	vor.u32 v13, v34;
	v34 =	vor.u32 v11, v22;
	v30 =	vld.idx.msk [tilespmem:v27+s23+$0x0], $0xffff;
	[tilespmem:s8+$0xC460] =	vst v36  }
0x11a: {  	s20 =	sadd.s32 $0x1, s19;
	v37 =	vadd.s32 v8, v2;
	v41 =	vadd.s32 v12, v28;
	v36 =	vor.u32 v11, v29;
	v29 =	vld.idx.msk [tilespmem:v39+s23+$0x0], $0xffff  }
0x11b: {  	s19 =	sadd.s32 $0x2, s19;
	v27 =	vmov s20;
	v37 =	vor.u32 v0, v37;
	v38 =	vor.u32 v25, v41;
	[tilespmem:s5+$0x70] =	vst v40;
	v22 =	vmovc v24;
	v24 =	vmovc v28;
	s5 =	smov.u32 s12;
	s12 =	smov.u32 s16  }
0x11c: {  	v28 =	vshll.u32 v27, $0xA  }
0x11d: {  	v42 =	vshll.u32 v27, $0x7;
	v28 =	vand.u32 $0x2000, v28  }
0x11e: {  	v27 =	vand.u32 $0x380, v42;
	v12 =	vadd.s32 v12, v28  }
0x11f: {  	v12 =	vor.u32 v27, v12  }
0x120: {  	v12 =	vor.u32 v14, v12  }
0x121: {  	v43 =	vor.u32 v14, v38;
	_ =	sdelay $0x2  }
0x122: {  	v44 =	vadd.s32 v17, v28  }
0x123: {  	v45 =	vadd.s32 v17, v24;
	s16 =	sadd.s32 $0x800, s17;
	v38 =	vor.u32 v27, v44;
	v12 =	vld.idx.msk [tilespmem:v12+s23+$0x0], $0xffff  }
0x124: {  	s18 =	sadd.s32 $0x100, s18;
	s17 =	sadd.s32 $0x4400, s16;
	v17 =	vor.u32 v25, v45;
	v38 =	vor.u32 v16, v38;
	v14 =	vld.idx.msk [tilespmem:v43+s23+$0x0], $0xffff  }
0x125: {  	s19 =	sadd.s32 $0x880, s18;
	s17 =	sand.u32 $0x6000, s17;
	v46 =	vor.u32 v16, v17  }
0x126: {  	s16 =	sand.u32 $0x2000, s16;
	s30 =	sand.u32 $0x380, s19;
	s11 =	sadd.s32 s17, s11  }
0x127: {  	s31 =	sand.u32 $0x300, s18;
	s10 =	sadd.s32 s10, s16;
	s11 =	sadd.s32 s30, s11  }
0x128: {  	v47 =	vor.u32 v7, v37;
	v48 =	vadd.s32 v18, v28;
	s10 =	sadd.s32 s31, s10;
	[tilespmem:s11+$0x0] =	vst v12  }
0x129: {  	v49 =	vadd.s32 v18, v24;
	[tilespmem:s10+$0xC400] =	vst v14;
	v12 =	vor.u32 v27, v48;
	v50 =	vld.idx.msk [tilespmem:v38+s23+$0x0], $0xffff  }
0x12a: {  	v51 =	vadd.s32 v10, v23;
	v18 =	vor.u32 v25, v49;
	v16 =	vld.idx.msk [tilespmem:v46+s23+$0x0], $0xffff;
	v12 =	vor.u32 v11, v12  }
0x12b: {  	[tilespmem:s5+$0x40] =	vst v31;
	v54 =	vadd.s32 v10, v22;
	v55 =	vadd.s32 v9, v5;
	v52 =	vor.u32 v11, v18  }
0x12c: {  	[tilespmem:s12+$0x10] =	vst v32;
	v58 =	vadd.s32 v10, v24;
	v62 =	vadd.s32 v15, v23;
	v63 =	vadd.s32 v15, v22  }
0x12d: {  	[tilespmem:s13+$0xC410] =	vst v33;
	v53 =	vld.idx.msk [tilespmem:v34+s23+$0x0], $0xffff;
	v32 =	vor.u32 v21, v51;
	v33 =	vor.u32 v13, v54  }
0x12e: {  	v56 =	vld.idx.msk [tilespmem:v36+s23+$0x0], $0xffff;
	v32 =	vor.u32 v6, v32;
	v57 =	vadd.s32 v10, v28;
	[tilespmem:s11+$0x10] =	vst v50  }
0x12f: {  	v33 =	vor.u32 v6, v33;
	v14 =	vor.u32 v27, v57;
	[tilespmem:s10+$0xC410] =	vst v16;
	v12 =	vld.idx.msk [tilespmem:v12+s23+$0x0], $0xffff  }
0x130: {  	v37 =	vadd.s32 v15, v24;
	v10 =	vor.u32 v25, v58;
	v14 =	vor.u32 v6, v14;
	v11 =	vld.idx.msk [tilespmem:v52+s23+$0x0], $0xffff  }
0x131: {  	v39 =	vadd.s32 v8, v23;
	v34 =	vor.u32 v4, v55;
	[tilespmem:s7+$0xC440] =	vst v30;
	v60 =	vor.u32 v6, v10  }
0x132: {  	v2 =	vadd.s32 v19, v2;
	v31 =	vld.idx.msk [tilespmem:v35+s23+$0x0], $0xffff;
	v59 =	vor.u32 v1, v34;
	[tilespmem:s12+$0x20] =	vst v53  }
0x133: {  	v30 =	vor.u32 v13, v63;
	v18 =	vor.u32 v21, v62;
	[tilespmem:s13+$0xC420] =	vst v56;
	v61 =	vld.idx.msk [tilespmem:v32+s23+$0x0], $0xffff  }
0x134: {  	v35 =	vadd.s32 v15, v28;
	v18 =	vor.u32 v3, v18;
	v34 =	vld.idx.msk [tilespmem:v33+s23+$0x0], $0xffff;
	[tilespmem:s11+$0x20] =	vst v12  }
0x135: {  	v30 =	vor.u32 v3, v30;
	[tilespmem:s10+$0xC420] =	vst v11;
	v12 =	vor.u32 v27, v35;
	v36 =	vld.idx.msk [tilespmem:v14+s23+$0x0], $0xffff  }
0x136: {  	v42 =	vor.u32 v21, v39;
	v6 =	vld.idx.msk [tilespmem:v60+s23+$0x0], $0xffff;
	v12 =	vor.u32 v3, v12;
	v14 =	vor.u32 v25, v37  }
0x137: {  	v51 =	vadd.s32 v9, v22;
	v54 =	vadd.s32 v9, v24;
	[tilespmem:s8+$0xC470] =	vst v29;
	v40 =	vor.u32 v3, v14  }
0x138: {  	v45 =	vadd.s32 v8, v28;
	v58 =	vadd.s32 v19, v23;
	v17 =	vld.idx.msk [tilespmem:v47+s23+$0x0], $0xffff;
	[tilespmem:s12+$0x30] =	vst v61  }
0x139: {  	v10 =	vor.u32 v7, v42;
	v43 =	vadd.s32 v8, v22;
	v18 =	vld.idx.msk [tilespmem:v18+s23+$0x0], $0xffff;
	[tilespmem:s13+$0xC430] =	vst v34  }
0x13a: {  	v46 =	vadd.s32 v8, v24;
	v44 =	vld.idx.msk [tilespmem:v30+s23+$0x0], $0xffff;
	v16 =	vor.u32 v13, v43;
	[tilespmem:s11+$0x30] =	vst v36  }
0x13b: {  	v16 =	vor.u32 v7, v16;
	v11 =	vor.u32 v27, v45;
	[tilespmem:s10+$0xC430] =	vst v6;
	v12 =	vld.idx.msk [tilespmem:v12+s23+$0x0], $0xffff  }
0x13c: {  	v62 =	vadd.s32 v19, v24;
	v48 =	vor.u32 v7, v11;
	v6 =	vor.u32 v25, v46;
	v3 =	vld.idx.msk [tilespmem:v40+s23+$0x0], $0xffff  }
0x13d: {  	v47 =	vadd.s32 v19, v5;
	[tilespmem:s5+$0x50] =	vst v31;
	v53 =	vadd.s32 v9, v28;
	v6 =	vor.u32 v7, v6  }
0x13e: {  	v41 =	vld.idx.msk [tilespmem:v59+s23+$0x0], $0xffff;
	v38 =	vor.u32 v0, v26;
	[tilespmem:s12+$0x40] =	vst v18;
	v50 =	vadd.s32 v9, v23  }
0x13f: {  	v15 =	vor.u32 v1, v38;
	v10 =	vld.idx.msk [tilespmem:v10+s23+$0x0], $0xffff;
	[tilespmem:s13+$0xC440] =	vst v44;
	v5 =	vor.u32 v21, v50  }
0x140: {  	v5 =	vor.u32 v1, v5;
	v52 =	vld.idx.msk [tilespmem:v16+s23+$0x0], $0xffff;
	v7 =	vor.u32 v13, v51;
	[tilespmem:s11+$0x40] =	vst v12  }
0x141: {  	v7 =	vor.u32 v1, v7;
	v12 =	vor.u32 v27, v53;
	[tilespmem:s10+$0xC440] =	vst v3;
	v8 =	vld.idx.msk [tilespmem:v48+s23+$0x0], $0xffff  }
0x142: {  	v49 =	vor.u32 v4, v47;
	v9 =	vor.u32 v25, v54;
	v55 =	vor.u32 v1, v12;
	v6 =	vld.idx.msk [tilespmem:v6+s23+$0x0], $0xffff  }
0x143: {  	[tilespmem:s7+$0xC450] =	vst v17;
	v57 =	vor.u32 v0, v2;
	v2 =	vor.u32 v21, v58;
	v59 =	vor.u32 v1, v9  }
0x144: {  	v4 =	vor.u32 v20, v49;
	v2 =	vor.u32 v20, v2;
	v56 =	vld.idx.msk [tilespmem:v15+s23+$0x0], $0xffff;
	[tilespmem:s12+$0x50] =	vst v10  }
0x145: {  	v0 =	vor.u32 v20, v57;
	v60 =	vadd.s32 v19, v22;
	v5 =	vld.idx.msk [tilespmem:v5+s23+$0x0], $0xffff;
	[tilespmem:s13+$0xC450] =	vst v52  }
0x146: {  	v61 =	vadd.s32 v19, v28;
	v9 =	vor.u32 v13, v60;
	v7 =	vld.idx.msk [tilespmem:v7+s23+$0x0], $0xffff;
	[tilespmem:s11+$0x50] =	vst v8  }
0x147: {  	v9 =	vor.u32 v20, v9;
	v8 =	vor.u32 v27, v61;
	[tilespmem:s10+$0xC450] =	vst v6;
	v3 =	vld.idx.msk [tilespmem:v55+s23+$0x0], $0xffff  }
0x148: {  	[tilespmem:s5+$0x60] =	vst v41;
	v6 =	vor.u32 v25, v62;
	v8 =	vor.u32 v20, v8;
	v1 =	vld.idx.msk [tilespmem:v59+s23+$0x0], $0xffff  }
0x149: {  	v4 =	vld.idx.msk [tilespmem:v4+s23+$0x0], $0xffff;
	[tilespmem:s7+$0xC460] =	vst v56;
	v6 =	vor.u32 v20, v6  }
0x14a: {  	v0 =	vld.idx.msk [tilespmem:v0+s23+$0x0], $0xffff;
	[tilespmem:s12+$0x60] =	vst v5  }
0x14b: {  	v2 =	vld.idx.msk [tilespmem:v2+s23+$0x0], $0xffff;
	[tilespmem:s13+$0xC460] =	vst v7  }
0x14c: {  	v63 =	vld.idx.msk [tilespmem:v9+s23+$0x0], $0xffff;
	[tilespmem:s11+$0x60] =	vst v3  }
0x14d: {  	s2 =	sadd.s32 $0x1, s2;
	[tilespmem:s10+$0xC460] =	vst v1;
	v3 =	vld.idx.msk [tilespmem:v8+s23+$0x0], $0xffff  }
0x14e: {  	p0 =	sne.s32 s2, $0x8;
	[tilespmem:s5+$0x70] =	vst v4;
	v1 =	vld.idx.msk [tilespmem:v6+s23+$0x0], $0xffff  }
.Ltmp3:
0x14f: {  	[tilespmem:s7+$0xC470] =	vst v0;
	(pc) =	sbr.rel @p0 .LBB2_6-.Ltmp3, $4  }
0x150: {  	[tilespmem:s12+$0x70] =	vst v2  }
0x151: {  	[tilespmem:s13+$0xC470] =	vst v63  }
0x152: {  	[tilespmem:s11+$0x70] =	vst v3  }
0x153: {  	[tilespmem:s10+$0xC470] =	vst v1  }
0x154: {  	s0 =	simm.s32 $0x0;
	s2 =	simm.s32 $0x8400  }
0x155: {  	[hbm4b:s9+s0] =	stream.linear.scatter [tilespmem:s2], [sflag:$0x2], $0x8000, $0x38;
	[tilespmem:$0x18400] =	vst v63  }
0x156: {  	s31 =	rddreg [dreg:$0x7]  }
0x157: {  	[tilespmem:s23], [sflag:$0x1] =	stream.linear.gather [hbm4b:s31+s0], $0x4000, $0x38;
	[tilespmem:$0x18400] =	vst v63  }
0x158: {  	_ =	swait.ge [sflag:s24], $0x4000  }
0x159: {  	[sflag:s24] =	ssyncset.done $0x0  }
0x15a: {  	s2 =	simm.s32 $0x0;
	[sflag:s24] =	ssyncadd.s32 $0xFFFFC000  }
.LBB2_10:
0x15b: {  	s5 =	sshll.u32 s2, $0x7  }
0x15c: {  	s5 =	sand.u32 $0x3FFFFF80, s5  }
0x15d: {  	v0 =	vld [tilespmem:s5+$0x0]  }
0x15e: {  	v1 =	vld [tilespmem:s5+$0x10]  }
0x15f: {  	v2 =	vld [tilespmem:s5+$0x20]  }
0x160: {  	v3 =	vld [tilespmem:s5+$0x30]  }
0x161: {  	v4 =	vld [tilespmem:s5+$0x40]  }
0x162: {  	s8 =	simm.s32 $0x2;
	v5 =	vld [tilespmem:s5+$0x50]  }
0x163: {  	v25 =	vmov s0;
	v54 =	vmov s8;
	v11 =	vand.u32 $0x7F, v0  }
0x164: {  	v16 =	vld [tilespmem:s5+$0x60];
	v0 =	vshll.u32 v0, $0x3;
	v6 =	vshll.u32 v1, $0x3;
	v12 =	vand.u32 $0x7F, v1  }
0x165: {  	v9 =	vand.u32 $0x7F, v2;
	v1 =	vshll.u32 v3, $0x3;
	v7 =	vand.u32 $0x7F, v3  }
0x166: {  	v15 =	vand.u32 $0xFFFFFC00, v0;
	v14 =	vand.u32 $0xFFFFFC00, v6;
	v0 =	vshll.u32 v2, $0x3  }
0x167: {  	s21 =	simm.s32 $0x1;
	v17 =	vld [tilespmem:s5+$0x70];
	v10 =	vand.u32 $0xFFFFFC00, v1;
	v6 =	vand.u32 $0x7F, v4;
	v1 =	vshll.u32 v5, $0x3  }
0x168: {  	v2 =	vmov s21;
	v13 =	vand.u32 $0xFFFFFC00, v0;
	v0 =	vshll.u32 v4, $0x3  }
0x169: {  	v4 =	vand.u32 $0x7F, v5;
	v5 =	vand.u32 $0xFFFFFC00, v1;
	v1 =	vand.u32 $0x7F, v16  }
0x16a: {  	v18 =	vshll.u32 v2, $0x7;
	v8 =	vand.u32 $0xFFFFFC00, v0;
	v0 =	vshll.u32 v16, $0x3  }
0x16b: {  	v16 =	vshll.u32 v2, $0xA;
	v18 =	vand.u32 $0x380, v18;
	v3 =	vand.u32 $0xFFFFFC00, v0  }
0x16c: {  	v0 =	vand.u32 $0x7F, v17;
	v17 =	vshll.u32 v17, $0x3;
	v16 =	vand.u32 $0x2000, v16  }
0x16d: {  	v2 =	vand.u32 $0xFFFFFC00, v17;
	v17 =	vadd.s32 v15, v16;
	v19 =	vadd.s32 v13, v16  }
0x16e: {  	v20 =	vadd.s32 v14, v16;
	v23 =	vadd.s32 v10, v16;
	v24 =	vadd.s32 v5, v16  }
0x16f: {  	v17 =	vor.u32 v18, v17;
	v21 =	vadd.s32 v2, v16;
	v20 =	vor.u32 v18, v20  }
0x170: {  	v19 =	vor.u32 v18, v19;
	v23 =	vor.u32 v18, v23;
	v24 =	vor.u32 v18, v24  }
0x171: {  	v17 =	vor.u32 v11, v17;
	v21 =	vor.u32 v18, v21;
	v22 =	vor.u32 v12, v20  }
0x172: {  	v19 =	vor.u32 v9, v19;
	v26 =	vor.u32 v7, v23;
	v23 =	vshll.u32 v25, $0x7  }
0x173: {  	v20 =	vor.u32 v0, v21;
	v21 =	vadd.s32 v8, v16;
	v16 =	vadd.s32 v3, v16  }
0x174: {  	v21 =	vor.u32 v18, v21;
	v18 =	vor.u32 v18, v16;
	v16 =	vshll.u32 v25, $0xA  }
0x175: {  	s25 =	simm.s32 $0x3;
	v24 =	vor.u32 v4, v24;
	v27 =	vand.u32 $0x300, v23;
	v25 =	vand.u32 $0x2000, v16  }
0x176: {  	v16 =	vmov s25;
	v23 =	vadd.s32 v15, v25;
	v28 =	vadd.s32 v8, v25  }
0x177: {  	v29 =	vshll.u32 v16, $0xA;
	v30 =	vadd.s32 v14, v25;
	v31 =	vadd.s32 v10, v25  }
0x178: {  	s29 =	sshll.u32 s2, $0xA;
	v32 =	vadd.s32 v13, v25;
	v16 =	vshll.u32 v16, $0x7;
	v17 =	vld.idx.msk [tilespmem:v17+s22+$0x0], $0xffff;
	v23 =	vor.u32 v27, v23  }
0x179: {  	s5 =	sand.u32 $0x3FFFFC00, s29;
	v30 =	vor.u32 v27, v30;
	v29 =	vand.u32 $0x2000, v29;
	v34 =	vand.u32 $0x380, v16  }
0x17a: {  	s30 =	simm.s32 $0x80;
	s7 =	sand.u32 $0x2000, s0;
	s10 =	sadd.s32 $0x10400, s5;
	v31 =	vor.u32 v27, v31;
	v28 =	vor.u32 v27, v28;
	v33 =	vor.u32 v11, v23  }
0x17b: {  	s5 =	sand.u32 $0x380, s30;
	s7 =	sadd.s32 s7, s10;
	v23 =	vadd.s32 v15, v29;
	v16 =	vadd.s32 v13, v29;
	v35 =	vadd.s32 v14, v29  }
0x17c: {  	s5 =	sadd.s32 s5, s7;
	v30 =	vor.u32 v12, v30;
	v31 =	vor.u32 v7, v31;
	v23 =	vor.u32 v34, v23  }
0x17d: {  	v36 =	vor.u32 v11, v23;
	v23 =	vor.u32 v34, v35;
	[tilespmem:s5+$0x0] =	vst v17;
	v17 =	vadd.s32 v2, v29  }
0x17e: {  	v35 =	vor.u32 v12, v23;
	v23 =	vor.u32 v34, v16;
	v17 =	vor.u32 v34, v17  }
0x17f: {  	v37 =	vor.u32 v9, v23;
	v22 =	vld.idx.msk [tilespmem:v22+s22+$0x0], $0xffff;
	v16 =	vor.u32 v0, v17;
	v17 =	vadd.s32 v8, v29  }
0x180: {  	v23 =	vadd.s32 v10, v29;
	v38 =	vor.u32 v34, v17;
	v17 =	vadd.s32 v5, v29  }
0x181: {  	v28 =	vor.u32 v6, v28;
	v39 =	vor.u32 v34, v23;
	v41 =	vor.u32 v34, v17  }
0x182: {  	v17 =	vadd.s32 v3, v29;
	v29 =	vor.u32 v27, v32;
	v38 =	vor.u32 v6, v38  }
0x183: {  	v36 =	vld.idx.msk [tilespmem:v36+s22+$0x0], $0xffff;
	v52 =	vor.u32 v34, v17;
	v17 =	vadd.s32 v3, v25;
	v29 =	vor.u32 v9, v29  }
0x184: {  	[tilespmem:s5+$0x10] =	vst v22;
	v22 =	vadd.s32 v5, v25;
	v23 =	vor.u32 v27, v17;
	v17 =	vld.idx.msk [tilespmem:v33+s22+$0x0], $0xffff;
	v33 =	vshll.u32 v54, $0x7  }
0x185: {  	s31 =	simm.s32 $0x0;
	s11 =	simm.s32 $0x800;
	v53 =	vor.u32 v27, v22;
	v22 =	vor.u32 v6, v21;
	v21 =	vadd.s32 v2, v25  }
0x186: {  	s12 =	simm.s32 $0x5;
	s13 =	simm.s32 $0x180;
	s11 =	sand.u32 $0x2000, s11;
	v19 =	vld.idx.msk [tilespmem:v19+s22+$0x0], $0xffff;
	v27 =	vor.u32 v27, v21;
	v21 =	vor.u32 v1, v18;
	v18 =	vshll.u32 v54, $0xA  }
0x187: {  	s8 =	sand.u32 $0x300, s31;
	s13 =	sand.u32 $0x380, s13;
	s11 =	sadd.s32 s11, s10;
	v25 =	vor.u32 v7, v39;
	v33 =	vand.u32 $0x300, v33;
	v55 =	vand.u32 $0x2000, v18  }
0x188: {  	s8 =	sadd.s32 s8, s7;
	s7 =	sadd.s32 s13, s11;
	v32 =	vor.u32 v4, v53;
	v18 =	vmov s12;
	v40 =	vadd.s32 v8, v55  }
0x189: {  	[tilespmem:s7+$0x0] =	vst v36;
	v42 =	vadd.s32 v14, v55;
	v43 =	vadd.s32 v10, v55;
	v56 =	vadd.s32 v13, v55  }
0x18a: {  	[tilespmem:s8+$0x0] =	vst v17;
	v42 =	vor.u32 v33, v42;
	v43 =	vor.u32 v33, v43;
	v36 =	vor.u32 v33, v56  }
0x18b: {  	v17 =	vshll.u32 v18, $0xA;
	v40 =	vor.u32 v33, v40;
	[tilespmem:s5+$0x20] =	vst v19;
	v19 =	vadd.s32 v15, v55;
	v30 =	vld.idx.msk [tilespmem:v30+s22+$0x0], $0xffff  }
0x18c: {  	v44 =	vand.u32 $0x2000, v17;
	v17 =	vshll.u32 v18, $0x7;
	v18 =	vld.idx.msk [tilespmem:v35+s22+$0x0], $0xffff;
	v42 =	vor.u32 v12, v42  }
0x18d: {  	v36 =	vor.u32 v9, v36;
	v63 =	vor.u32 v7, v43;
	v26 =	vld.idx.msk [tilespmem:v26+s22+$0x0], $0xffff;
	v19 =	vor.u32 v33, v19  }
0x18e: {  	v57 =	vadd.s32 v15, v44;
	v45 =	vand.u32 $0x380, v17;
	v17 =	vadd.s32 v13, v44  }
0x18f: {  	v46 =	vadd.s32 v14, v44;
	v47 =	vadd.s32 v2, v44;
	v19 =	vor.u32 v11, v19  }
0x190: {  	v35 =	vor.u32 v45, v57;
	v46 =	vor.u32 v45, v46;
	v58 =	vor.u32 v45, v17;
	[tilespmem:s8+$0x10] =	vst v30  }
0x191: {  	v35 =	vor.u32 v11, v35;
	v46 =	vor.u32 v12, v46;
	v30 =	vadd.s32 v8, v44;
	[tilespmem:s7+$0x10] =	vst v18  }
0x192: {  	v18 =	vadd.s32 v10, v44;
	[tilespmem:s5+$0x30] =	vst v26;
	v26 =	vor.u32 v45, v47;
	v37 =	vld.idx.msk [tilespmem:v37+s22+$0x0], $0xffff  }
0x193: {  	v47 =	vor.u32 v45, v30;
	v30 =	vadd.s32 v5, v44;
	v48 =	vor.u32 v45, v18;
	v29 =	vld.idx.msk [tilespmem:v29+s22+$0x0], $0xffff  }
0x194: {  	v18 =	vadd.s32 v3, v44;
	v17 =	vor.u32 v0, v26;
	v26 =	vor.u32 v9, v58;
	v59 =	vld.idx.msk [tilespmem:v19+s22+$0x0], $0xffff  }
0x195: {  	v30 =	vor.u32 v45, v30;
	v19 =	vadd.s32 v5, v55;
	v49 =	vor.u32 v45, v18;
	v60 =	vld.idx.msk [tilespmem:v22+s22+$0x0], $0xffff  }
0x196: {  	s16 =	simm.s32 $0x100;
	v18 =	vadd.s32 v3, v55;
	v22 =	vadd.s32 v2, v55;
	v50 =	vor.u32 v33, v19;
	v35 =	vld.idx.msk [tilespmem:v35+s22+$0x0], $0xffff  }
0x197: {  	s17 =	simm.s32 $0x4;
	s12 =	sand.u32 $0x300, s16;
	s16 =	simm.s32 $0x1000;
	v18 =	vor.u32 v33, v18;
	v19 =	vor.u32 v0, v27;
	v27 =	vor.u32 v7, v48;
	[tilespmem:s7+$0x20] =	vst v37  }
0x198: {  	s19 =	simm.s32 $0x280;
	s11 =	sadd.s32 s12, s11;
	s18 =	sand.u32 $0x2000, s16;
	v39 =	vor.u32 v33, v22;
	v22 =	vor.u32 v1, v52;
	[tilespmem:s8+$0x20] =	vst v29;
	v29 =	vmov s17;
	v25 =	vld.idx.msk [tilespmem:v25+s22+$0x0], $0xffff  }
0x199: {  	s21 =	sand.u32 $0x380, s19;
	s20 =	sadd.s32 s18, s10;
	v48 =	vor.u32 v4, v41;
	[tilespmem:s11+$0x0] =	vst v59;
	v31 =	vld.idx.msk [tilespmem:v31+s22+$0x0], $0xffff;
	v61 =	vshll.u32 v29, $0xA;
	v29 =	vshll.u32 v29, $0x7  }
0x19a: {  	s25 =	simm.s32 $0x7;
	s12 =	sadd.s32 s21, s20;
	v30 =	vor.u32 v4, v30;
	[tilespmem:s5+$0x40] =	vst v60;
	v62 =	vld.idx.msk [tilespmem:v42+s22+$0x0], $0xffff;
	v42 =	vand.u32 $0x2000, v61;
	v44 =	vand.u32 $0x300, v29  }
0x19b: {  	[tilespmem:s12+$0x0] =	vst v35;
	v29 =	vmov s25;
	v35 =	vor.u32 v4, v50;
	v33 =	vadd.s32 v15, v42  }
0x19c: {  	v24 =	vld.idx.msk [tilespmem:v24+s22+$0x0], $0xffff;
	v57 =	vadd.s32 v8, v42;
	v59 =	vshll.u32 v29, $0xA;
	v60 =	vadd.s32 v14, v42  }
0x19d: {  	v58 =	vld.idx.msk [tilespmem:v46+s22+$0x0], $0xffff;
	v61 =	vadd.s32 v13, v42;
	v29 =	vshll.u32 v29, $0x7;
	v33 =	vor.u32 v44, v33  }
0x19e: {  	v45 =	vor.u32 v44, v60;
	v46 =	vor.u32 v44, v61;
	v41 =	vor.u32 v44, v57;
	[tilespmem:s7+$0x30] =	vst v25  }
0x19f: {  	v45 =	vor.u32 v12, v45;
	v25 =	vadd.s32 v10, v42;
	[tilespmem:s8+$0x30] =	vst v31;
	v31 =	vand.u32 $0x2000, v59;
	v38 =	vld.idx.msk [tilespmem:v38+s22+$0x0], $0xffff  }
0x1a0: {  	v52 =	vand.u32 $0x380, v29;
	[tilespmem:s11+$0x10] =	vst v62;
	v62 =	vor.u32 v11, v33;
	v51 =	vld.idx.msk [tilespmem:v28+s22+$0x0], $0xffff;
	v28 =	vadd.s32 v15, v31  }
0x1a1: {  	[tilespmem:s5+$0x50] =	vst v24;
	v24 =	vadd.s32 v13, v31;
	v29 =	vadd.s32 v14, v31;
	v33 =	vor.u32 v1, v23  }
0x1a2: {  	v23 =	vadd.s32 v8, v31;
	v37 =	vor.u32 v44, v25;
	v28 =	vor.u32 v52, v28;
	v53 =	vld.idx.msk [tilespmem:v21+s22+$0x0], $0xffff  }
0x1a3: {  	v21 =	vadd.s32 v2, v31;
	[tilespmem:s12+$0x10] =	vst v58;
	v24 =	vor.u32 v52, v24;
	v54 =	vor.u32 v11, v28  }
0x1a4: {  	v28 =	vor.u32 v52, v29;
	v26 =	vld.idx.msk [tilespmem:v26+s22+$0x0], $0xffff;
	v29 =	vor.u32 v52, v23;
	v23 =	vadd.s32 v5, v31  }
0x1a5: {  	v55 =	vld.idx.msk [tilespmem:v36+s22+$0x0], $0xffff;
	v34 =	vor.u32 v12, v28;
	v28 =	vor.u32 v9, v24;
	v24 =	vadd.s32 v10, v31  }
0x1a6: {  	v21 =	vor.u32 v52, v21;
	v25 =	vor.u32 v52, v24;
	v24 =	vor.u32 v52, v23  }
0x1a7: {  	v23 =	vadd.s32 v3, v31;
	v31 =	vadd.s32 v5, v42;
	v43 =	vld.idx.msk [tilespmem:v62+s22+$0x0], $0xffff;
	[tilespmem:s8+$0x40] =	vst v51  }
0x1a8: {  	[tilespmem:s7+$0x40] =	vst v38;
	v36 =	vor.u32 v44, v31;
	v31 =	vadd.s32 v3, v42;
	v51 =	vld.idx.msk [tilespmem:v32+s22+$0x0], $0xffff  }
0x1a9: {  	s29 =	simm.s32 $0x200;
	v21 =	vor.u32 v0, v21;
	v31 =	vor.u32 v44, v31;
	v54 =	vld.idx.msk [tilespmem:v54+s22+$0x0], $0xffff;
	[tilespmem:s12+$0x20] =	vst v26  }
0x1aa: {  	s16 =	sand.u32 $0x300, s29;
	s18 =	simm.s32 $0x1800;
	v32 =	vor.u32 v7, v25;
	[tilespmem:s11+$0x20] =	vst v55;
	v26 =	vadd.s32 v2, v42;
	v42 =	vld.idx.msk [tilespmem:v27+s22+$0x0], $0xffff  }
0x1ab: {  	s13 =	sadd.s32 s16, s20;
	s30 =	sand.u32 $0x2000, s18;
	s17 =	simm.s32 $0x380;
	[tilespmem:s5+$0x60] =	vst v53;
	v27 =	vor.u32 v0, v39;
	v25 =	vor.u32 v44, v26;
	v44 =	vld.idx.msk [tilespmem:v63+s22+$0x0], $0xffff  }
0x1ac: {  	s20 =	simm.s32 $0x6;
	s19 =	sadd.s32 s30, s10;
	s31 =	sand.u32 $0x380, s17;
	v39 =	vor.u32 v9, v46;
	v46 =	vor.u32 v6, v40;
	v40 =	vld.idx.msk [tilespmem:v20+s22+$0x0], $0xffff;
	[tilespmem:s13+$0x0] =	vst v43  }
0x1ad: {  	s16 =	sadd.s32 s31, s19;
	v23 =	vor.u32 v52, v23;
	v38 =	vor.u32 v6, v47;
	v63 =	vmov s20;
	v45 =	vld.idx.msk [tilespmem:v45+s22+$0x0], $0xffff;
	[tilespmem:s8+$0x50] =	vst v51  }
0x1ae: {  	v26 =	vor.u32 v1, v49;
	s20 =	simm.s32 $0x8;
	v47 =	vshll.u32 v63, $0xA;
	v43 =	vld.idx.msk [tilespmem:v48+s22+$0x0], $0xffff;
	v48 =	vshll.u32 v63, $0x7;
	[tilespmem:s16+$0x0] =	vst v54  }
.LBB2_11:
0x1af: {  	s29 =	sadd.s32 $0x1, s20;
	v47 =	vand.u32 $0x2000, v47;
	v48 =	vand.u32 $0x300, v48  }
0x1b0: {  	p0 =	slt.u32 s20, $0xE;
	v49 =	vor.u32 v7, v37;
	v33 =	vld.idx.msk [tilespmem:v33+s22+$0x0], $0xffff;
	v20 =	vmovc v17;
	v17 =	vmovc v21;
	v50 =	vmov v36;
	v51 =	vmov v41;
	s21 =	smov.u32 s20;
	s20 =	sadd.s32 $0x2, s20  }
0x1b1: {  	v21 =	vmov s29;
	v36 =	vadd.s32 v15, v47;
	v41 =	vadd.s32 v8, v47;
	v34 =	vld.idx.msk [tilespmem:v34+s22+$0x0], $0xffff;
	[tilespmem:s12+$0x30] =	vst v42  }
0x1b2: {  	v42 =	vadd.s32 v14, v47;
	v52 =	vadd.s32 v10, v47;
	v37 =	vshll.u32 v21, $0xA;
	[tilespmem:s13+$0x10] =	vst v45;
	v38 =	vld.idx.msk [tilespmem:v38+s22+$0x0], $0xffff  }
0x1b3: {  	v36 =	vor.u32 v48, v36;
	v42 =	vor.u32 v48, v42;
	v45 =	vadd.s32 v13, v47;
	[tilespmem:s11+$0x30] =	vst v44  }
0x1b4: {  	v21 =	vshll.u32 v21, $0x7;
	v44 =	vand.u32 $0x2000, v37;
	v36 =	vor.u32 v11, v36;
	v46 =	vld.idx.msk [tilespmem:v46+s22+$0x0], $0xffff;
	[tilespmem:s7+$0x50] =	vst v43  }
0x1b5: {  	v37 =	vadd.s32 v15, v44;
	v43 =	vand.u32 $0x380, v21;
	v21 =	vadd.s32 v13, v44;
	v53 =	vld.idx.msk [tilespmem:v22+s22+$0x0], $0xffff;
	[tilespmem:s5+$0x70] =	vst v40;
	s5 =	smov.u32 s7;
	s7 =	smov.u32 s12;
	s12 =	smov.u32 s16  }
0x1b6: {  	v22 =	vor.u32 v43, v37;
	v37 =	vadd.s32 v14, v44;
	v40 =	vadd.s32 v2, v44;
	[tilespmem:s8+$0x60] =	vst v33  }
0x1b7: {  	v22 =	vor.u32 v11, v22;
	v33 =	vor.u32 v43, v37;
	v37 =	vor.u32 v43, v40;
	[tilespmem:s12+$0x10] =	vst v34  }
0x1b8: {  	v34 =	vor.u32 v12, v33;
	v33 =	vor.u32 v43, v21;
	v21 =	vor.u32 v0, v37;
	v40 =	vld.idx.msk [tilespmem:v19+s22+$0x0], $0xffff  }
0x1b9: {  	v19 =	vadd.s32 v10, v44;
	v54 =	vld.idx.msk [tilespmem:v28+s22+$0x0], $0xffff;
	v28 =	vor.u32 v9, v33;
	v33 =	vor.u32 v1, v18  }
0x1ba: {  	v56 =	vor.u32 v12, v42;
	v37 =	vadd.s32 v8, v44;
	v18 =	vmov v31;
	v55 =	vld.idx.msk [tilespmem:v36+s22+$0x0], $0xffff;
	[tilespmem:s7+$0x40] =	vst v38  }
0x1bb: {  	v57 =	vor.u32 v43, v37;
	v37 =	vor.u32 v48, v52;
	v31 =	vadd.s32 v5, v44;
	v39 =	vld.idx.msk [tilespmem:v39+s22+$0x0], $0xffff  }
0x1bc: {  	s16 =	sadd.s32 $0xFFFFFF80, s17;
	v58 =	vor.u32 v43, v31;
	v52 =	vld.idx.msk [tilespmem:v22+s22+$0x0], $0xffff;
	v22 =	vor.u32 v43, v19;
	[tilespmem:s11+$0x40] =	vst v46;
	v19 =	vmov v27  }
0x1bd: {  	s16 =	sand.u32 $0x300, s16;
	v31 =	vadd.s32 v5, v47;
	v27 =	vadd.s32 v3, v44;
	v44 =	vor.u32 v48, v45;
	v59 =	vld.idx.msk [tilespmem:v35+s22+$0x0], $0xffff  }
0x1be: {  	s18 =	sadd.s32 $0x800, s18;
	s29 =	sadd.s32 s16, s19;
	v36 =	vor.u32 v48, v31;
	v35 =	vor.u32 v43, v27;
	v27 =	vadd.s32 v3, v47;
	[tilespmem:s8+$0x70] =	vst v40;
	s8 =	smov.u32 s11  }
0x1bf: {  	v41 =	vor.u32 v48, v41;
	s17 =	sadd.s32 $0x100, s17;
	s16 =	sand.u32 $0x2000, s18;
	v38 =	vor.u32 v6, v29;
	v31 =	vor.u32 v48, v27;
	s11 =	smov.u32 s13;
	[tilespmem:s12+$0x20] =	vst v54  }
.Ltmp4:
0x1c0: {  	s19 =	sadd.s32 s16, s10;
	v29 =	vmov v57;
	s13 =	sand.u32 $0x380, s17;
	v40 =	vadd.s32 v2, v47;
	v27 =	vor.u32 v0, v25;
	[tilespmem:s29+$0x0] =	vst v55;
	v42 =	vld.idx.msk [tilespmem:v32+s22+$0x0], $0xffff;
	(pc) =	sbr.rel @p0 .LBB2_11-.Ltmp4, $4  }
0x1c1: {  	s16 =	sadd.s32 s13, s19;
	v25 =	vor.u32 v48, v40;
	s13 =	smov.u32 s29;
	v32 =	vor.u32 v7, v22;
	v22 =	vmov v26;
	v45 =	vld.idx.msk [tilespmem:v56+s22+$0x0], $0xffff;
	[tilespmem:s11+$0x20] =	vst v39  }
0x1c2: {  	v26 =	vor.u32 v1, v23;
	v23 =	vmov v35;
	v39 =	vor.u32 v9, v44;
	[tilespmem:s16+$0x0] =	vst v52;
	v44 =	vld.idx.msk [tilespmem:v49+s22+$0x0], $0xffff  }
0x1c3: {  	v40 =	vmov s21;
	v35 =	vor.u32 v4, v50;
	v43 =	vld.idx.msk [tilespmem:v30+s22+$0x0], $0xffff;
	v30 =	vor.u32 v4, v24;
	[tilespmem:s5+$0x60] =	vst v53;
	v24 =	vmovc v58  }
0x1c4: {  	v46 =	vor.u32 v6, v51;
	v47 =	vshll.u32 v40, $0xA;
	v48 =	vshll.u32 v40, $0x7;
	[tilespmem:s8+$0x50] =	vst v59;
	v40 =	vld.idx.msk [tilespmem:v16+s22+$0x0], $0xffff;
	v16 =	vmovc v20  }
0x1c5: {  	v20 =	vand.u32 $0x2000, v47  }
0x1c6: {  	v47 =	vand.u32 $0x300, v48;
	v15 =	vadd.s32 v15, v20  }
0x1c7: {  	v15 =	vor.u32 v47, v15  }
0x1c8: {  	v11 =	vor.u32 v11, v15;
	_ =	sdelay $0x3  }
0x1c9: {  	v14 =	vadd.s32 v14, v20  }
0x1ca: {  	v14 =	vor.u32 v47, v14;
	v11 =	vld.idx.msk [tilespmem:v11+s22+$0x0], $0xffff  }
0x1cb: {  	v12 =	vor.u32 v12, v14  }
0x1cc: {  	s10 =	sadd.s32 $0xFFFFFF80, s17  }
0x1cd: {  	s10 =	sand.u32 $0x300, s10  }
0x1ce: {  	s10 =	sadd.s32 s10, s19  }
0x1cf: {  	v57 =	vld.idx.msk [tilespmem:v34+s22+$0x0], $0xffff;
	v13 =	vadd.s32 v13, v20;
	[tilespmem:s10+$0x0] =	vst v11  }
0x1d0: {  	v58 =	vor.u32 v47, v13;
	v12 =	vld.idx.msk [tilespmem:v12+s22+$0x0], $0xffff  }
0x1d1: {  	v9 =	vor.u32 v9, v58;
	_ =	sdelay $0x1  }
0x1d2: {  	[tilespmem:s13+$0x10] =	vst v45  }
0x1d3: {  	v59 =	vld.idx.msk [tilespmem:v39+s22+$0x0], $0xffff;
	[tilespmem:s16+$0x10] =	vst v57  }
0x1d4: {  	v60 =	vor.u32 v7, v37;
	v10 =	vadd.s32 v10, v20;
	v14 =	vld.idx.msk [tilespmem:v28+s22+$0x0], $0xffff;
	[tilespmem:s10+$0x10] =	vst v12  }
0x1d5: {  	v10 =	vor.u32 v47, v10;
	v9 =	vld.idx.msk [tilespmem:v9+s22+$0x0], $0xffff  }
0x1d6: {  	v61 =	vor.u32 v7, v10  }
0x1d7: {  	[tilespmem:s12+$0x30] =	vst v42  }
0x1d8: {  	[tilespmem:s13+$0x20] =	vst v59  }
0x1d9: {  	v62 =	vld.idx.msk [tilespmem:v60+s22+$0x0], $0xffff;
	[tilespmem:s16+$0x20] =	vst v14  }
0x1da: {  	v8 =	vadd.s32 v8, v20;
	v28 =	vor.u32 v6, v41;
	v63 =	vld.idx.msk [tilespmem:v32+s22+$0x0], $0xffff;
	[tilespmem:s10+$0x20] =	vst v9  }
0x1db: {  	[tilespmem:s11+$0x30] =	vst v44;
	v8 =	vor.u32 v47, v8;
	v32 =	vor.u32 v6, v29;
	v7 =	vld.idx.msk [tilespmem:v61+s22+$0x0], $0xffff  }
0x1dc: {  	v34 =	vld.idx.msk [tilespmem:v33+s22+$0x0], $0xffff;
	[tilespmem:s7+$0x50] =	vst v43;
	v37 =	vor.u32 v6, v8  }
0x1dd: {  	[tilespmem:s5+$0x70] =	vst v40;
	v41 =	vld.idx.msk [tilespmem:v38+s22+$0x0], $0xffff  }
0x1de: {  	v39 =	vld.idx.msk [tilespmem:v46+s22+$0x0], $0xffff;
	[tilespmem:s13+$0x30] =	vst v62  }
0x1df: {  	v10 =	vld.idx.msk [tilespmem:v28+s22+$0x0], $0xffff;
	[tilespmem:s16+$0x30] =	vst v63  }
0x1e0: {  	v42 =	vor.u32 v4, v36;
	v5 =	vadd.s32 v5, v20;
	v9 =	vld.idx.msk [tilespmem:v32+s22+$0x0], $0xffff;
	[tilespmem:s10+$0x30] =	vst v7  }
0x1e1: {  	v5 =	vor.u32 v47, v5;
	v43 =	vor.u32 v4, v24;
	[tilespmem:s8+$0x60] =	vst v34;
	v6 =	vld.idx.msk [tilespmem:v37+s22+$0x0], $0xffff  }
0x1e2: {  	v45 =	vor.u32 v4, v5;
	v53 =	vld.idx.msk [tilespmem:v22+s22+$0x0], $0xffff;
	[tilespmem:s12+$0x40] =	vst v41  }
0x1e3: {  	[tilespmem:s11+$0x40] =	vst v39;
	v49 =	vld.idx.msk [tilespmem:v30+s22+$0x0], $0xffff  }
0x1e4: {  	v46 =	vld.idx.msk [tilespmem:v35+s22+$0x0], $0xffff;
	[tilespmem:s13+$0x40] =	vst v10  }
0x1e5: {  	v48 =	vor.u32 v1, v18;
	v50 =	vld.idx.msk [tilespmem:v42+s22+$0x0], $0xffff;
	[tilespmem:s16+$0x40] =	vst v9  }
0x1e6: {  	v51 =	vor.u32 v1, v31;
	v3 =	vadd.s32 v3, v20;
	v7 =	vld.idx.msk [tilespmem:v43+s22+$0x0], $0xffff;
	[tilespmem:s10+$0x40] =	vst v6  }
0x1e7: {  	v52 =	vor.u32 v1, v23;
	v3 =	vor.u32 v47, v3;
	[tilespmem:s7+$0x60] =	vst v53;
	v4 =	vld.idx.msk [tilespmem:v45+s22+$0x0], $0xffff  }
0x1e8: {  	v54 =	vor.u32 v1, v3;
	v44 =	vld.idx.msk [tilespmem:v19+s22+$0x0], $0xffff;
	[tilespmem:s12+$0x50] =	vst v49  }
0x1e9: {  	[tilespmem:s11+$0x50] =	vst v46;
	v56 =	vld.idx.msk [tilespmem:v26+s22+$0x0], $0xffff  }
0x1ea: {  	v55 =	vld.idx.msk [tilespmem:v48+s22+$0x0], $0xffff;
	[tilespmem:s13+$0x50] =	vst v50  }
0x1eb: {  	v57 =	vld.idx.msk [tilespmem:v51+s22+$0x0], $0xffff;
	[tilespmem:s16+$0x50] =	vst v7  }
0x1ec: {  	v2 =	vadd.s32 v2, v20;
	v58 =	vor.u32 v0, v25;
	v6 =	vld.idx.msk [tilespmem:v52+s22+$0x0], $0xffff;
	[tilespmem:s10+$0x50] =	vst v4  }
0x1ed: {  	v2 =	vor.u32 v47, v2;
	[tilespmem:s8+$0x70] =	vst v44;
	v1 =	vld.idx.msk [tilespmem:v54+s22+$0x0], $0xffff  }
0x1ee: {  	v60 =	vor.u32 v0, v2;
	v59 =	vld.idx.msk [tilespmem:v16+s22+$0x0], $0xffff;
	[tilespmem:s12+$0x60] =	vst v56  }
0x1ef: {  	[tilespmem:s11+$0x60] =	vst v55;
	v62 =	vld.idx.msk [tilespmem:v17+s22+$0x0], $0xffff  }
0x1f0: {  	v61 =	vld.idx.msk [tilespmem:v27+s22+$0x0], $0xffff;
	[tilespmem:s13+$0x60] =	vst v57  }
0x1f1: {  	v63 =	vld.idx.msk [tilespmem:v58+s22+$0x0], $0xffff;
	[tilespmem:s16+$0x60] =	vst v6  }
0x1f2: {  	s2 =	sadd.s32 $0x1, s2;
	v6 =	vld.idx.msk [tilespmem:v21+s22+$0x0], $0xffff;
	[tilespmem:s10+$0x60] =	vst v1  }
0x1f3: {  	p0 =	sne.s32 s2, $0x8;
	[tilespmem:s7+$0x70] =	vst v59;
	v0 =	vld.idx.msk [tilespmem:v60+s22+$0x0], $0xffff  }
.Ltmp5:
0x1f4: {  	[tilespmem:s12+$0x70] =	vst v62;
	(pc) =	sbr.rel @p0 .LBB2_10-.Ltmp5, $4  }
0x1f5: {  	[tilespmem:s11+$0x70] =	vst v61  }
0x1f6: {  	[tilespmem:s13+$0x70] =	vst v63  }
0x1f7: {  	[tilespmem:s16+$0x70] =	vst v6  }
0x1f8: {  	[tilespmem:s10+$0x70] =	vst v0  }
0x1f9: {  	s0 =	simm.s32 $0x0;
	s2 =	rddreg [dreg:$0x8]  }
0x1fa: {  	[tilespmem:s22], [sflag:$0x1] =	stream.linear.gather [hbm4b:s2+s0], $0x4000, $0x38;
	[tilespmem:$0x18400] =	vst v63  }
0x1fb: {  	_ =	swait.ge [sflag:s24], $0x4000  }
0x1fc: {  	[sflag:s24] =	ssyncset.done $0x0  }
0x1fd: {  	s2 =	simm.s32 $0x0;
	[sflag:s24] =	ssyncadd.s32 $0xFFFFC000  }
.LBB2_14:
0x1fe: {  	s5 =	sshll.u32 s2, $0x7  }
0x1ff: {  	s5 =	sand.u32 $0x3FFFFF80, s5  }
0x200: {  	v0 =	vld [tilespmem:s5+$0x0];
	_ =	sdelay $0x2  }
0x201: {  	s7 =	simm.s32 $0x1  }
0x202: {  	v1 =	vmov s7  }
0x203: {  	v3 =	vshll.u32 v1, $0xA;
	v2 =	vshll.u32 v0, $0x3  }
0x204: {  	v4 =	vld [tilespmem:s5+$0x10];
	v1 =	vshll.u32 v1, $0x7;
	v20 =	vand.u32 $0x2000, v3;
	v12 =	vand.u32 $0xFFFFFC00, v2  }
0x205: {  	v26 =	vand.u32 $0x380, v1;
	v1 =	vadd.s32 v12, v20  }
0x206: {  	v14 =	vand.u32 $0x7F, v0;
	v0 =	vmov s0;
	v1 =	vor.u32 v26, v1  }
0x207: {  	v2 =	vshll.u32 v0, $0xA;
	v1 =	vor.u32 v14, v1  }
0x208: {  	v0 =	vshll.u32 v0, $0x7;
	v25 =	vand.u32 $0x2000, v2  }
0x209: {  	v3 =	vshll.u32 v4, $0x3;
	v24 =	vand.u32 $0x300, v0;
	v0 =	vadd.s32 v12, v25  }
0x20a: {  	v17 =	vand.u32 $0xFFFFFC00, v3;
	v2 =	vld [tilespmem:s5+$0x20];
	v0 =	vor.u32 v24, v0  }
0x20b: {  	v5 =	vld [tilespmem:s5+$0x30];
	v3 =	vadd.s32 v17, v20;
	v0 =	vor.u32 v14, v0  }
0x20c: {  	s8 =	sshll.u32 s2, $0xA;
	v16 =	vand.u32 $0x7F, v4;
	v3 =	vor.u32 v26, v3;
	v1 =	vld.idx.msk [tilespmem:v1+s23+$0x0], $0xffff  }
0x20d: {  	s30 =	simm.s32 $0x4400;
	s18 =	simm.s32 $0x3;
	s19 =	simm.s32 $0x4;
	v7 =	vld [tilespmem:s5+$0x40];
	v4 =	vor.u32 v16, v3  }
0x20e: {  	s11 =	simm.s32 $0x880;
	s10 =	sadd.s32 $0x10400, s8;
	s7 =	sand.u32 $0x6000, s30;
	v19 =	vmov s18;
	v32 =	vmov s19;
	v8 =	vld [tilespmem:s5+$0x50]  }
0x20f: {  	s21 =	simm.s32 $0x5;
	s31 =	sand.u32 $0x380, s11;
	v9 =	vld [tilespmem:s5+$0x60];
	s7 =	sadd.s32 s7, s10;
	v3 =	vadd.s32 v17, v25;
	v11 =	vand.u32 $0x7F, v2;
	v2 =	vshll.u32 v2, $0x3  }
0x210: {  	v52 =	vmov s21;
	s16 =	sadd.s32 s31, s7;
	v18 =	vand.u32 $0xFFFFFC00, v2;
	v2 =	vor.u32 v24, v3;
	v0 =	vld.idx.msk [tilespmem:v0+s23+$0x0], $0xffff  }
0x211: {  	s11 =	simm.s32 $0x2;
	v27 =	vld [tilespmem:s5+$0x70];
	v6 =	vand.u32 $0x7F, v5;
	v2 =	vor.u32 v16, v2;
	[tilespmem:s16+$0x0] =	vst v1;
	v1 =	vadd.s32 v18, v20  }
0x212: {  	s12 =	sand.u32 $0x2000, s0;
	v3 =	vshll.u32 v5, $0x3;
	v5 =	vmov s11;
	v4 =	vld.idx.msk [tilespmem:v4+s23+$0x0], $0xffff;
	v1 =	vor.u32 v26, v1  }
0x213: {  	s13 =	sand.u32 $0x300, s0;
	s7 =	sadd.s32 s8, s12;
	v10 =	vand.u32 $0xFFFFFC00, v3;
	v15 =	vadd.s32 v18, v25;
	v13 =	vor.u32 v11, v1  }
0x214: {  	s17 =	sadd.s32 s13, s7;
	v3 =	vand.u32 $0x7F, v7;
	v7 =	vshll.u32 v7, $0x3;
	v15 =	vor.u32 v24, v15  }
0x215: {  	v21 =	vor.u32 v11, v15;
	[tilespmem:s17+$0x14400] =	vst v0;
	v1 =	vshll.u32 v5, $0x7;
	v5 =	vshll.u32 v5, $0xA  }
0x216: {  	v2 =	vld.idx.msk [tilespmem:v2+s23+$0x0], $0xffff;
	v0 =	vand.u32 $0x300, v1;
	v1 =	vand.u32 $0x2000, v5;
	v5 =	vshll.u32 v19, $0xA  }
0x217: {  	v15 =	vshll.u32 v19, $0x7;
	v19 =	vadd.s32 v10, v20;
	v5 =	vand.u32 $0x2000, v5;
	[tilespmem:s16+$0x10] =	vst v4  }
0x218: {  	v19 =	vor.u32 v26, v19;
	v4 =	vand.u32 $0x380, v15;
	v15 =	vadd.s32 v12, v5;
	v13 =	vld.idx.msk [tilespmem:v13+s23+$0x0], $0xffff  }
0x219: {  	v22 =	vadd.s32 v12, v1;
	v19 =	vor.u32 v6, v19;
	v23 =	vor.u32 v4, v15  }
0x21a: {  	s11 =	sadd.s32 $0x14400, s17;
	v15 =	vand.u32 $0xFFFFFC00, v7;
	v7 =	vor.u32 v0, v22;
	v22 =	vor.u32 v14, v23  }
0x21b: {  	[tilespmem:s11+$0x10] =	vst v2;
	v2 =	vadd.s32 v10, v25;
	v23 =	vshll.u32 v8, $0x3;
	v28 =	vor.u32 v14, v7  }
0x21c: {  	v7 =	vand.u32 $0x7F, v8;
	v21 =	vld.idx.msk [tilespmem:v21+s23+$0x0], $0xffff;
	v8 =	vand.u32 $0xFFFFFC00, v23;
	v23 =	vor.u32 v24, v2  }
0x21d: {  	v30 =	vadd.s32 v17, v1;
	v23 =	vor.u32 v6, v23;
	[tilespmem:s16+$0x20] =	vst v13;
	v13 =	vadd.s32 v15, v20  }
0x21e: {  	v33 =	vadd.s32 v18, v1;
	v29 =	vadd.s32 v17, v5;
	v19 =	vld.idx.msk [tilespmem:v19+s23+$0x0], $0xffff;
	v13 =	vor.u32 v26, v13  }
0x21f: {  	v54 =	vadd.s32 v10, v1;
	v29 =	vor.u32 v4, v29;
	v22 =	vld.idx.msk [tilespmem:v22+s23+$0x0], $0xffff;
	v13 =	vor.u32 v3, v13  }
0x220: {  	s20 =	simm.s32 $0x800;
	s12 =	simm.s32 $0x4C00;
	v30 =	vor.u32 v0, v30;
	v50 =	vadd.s32 v18, v5;
	v29 =	vor.u32 v16, v29;
	v28 =	vld.idx.msk [tilespmem:v28+s23+$0x0], $0xffff  }
0x221: {  	s7 =	sand.u32 $0x2000, s20;
	s12 =	sand.u32 $0x6000, s12;
	s13 =	simm.s32 $0x980;
	v2 =	vand.u32 $0x7F, v9;
	v9 =	vshll.u32 v9, $0x3;
	[tilespmem:s11+$0x20] =	vst v21;
	v21 =	vor.u32 v16, v30  }
0x222: {  	s13 =	sand.u32 $0x380, s13;
	s12 =	sadd.s32 s12, s10;
	s17 =	simm.s32 $0x100;
	v31 =	vadd.s32 v15, v25;
	v9 =	vand.u32 $0xFFFFFC00, v9;
	v34 =	vadd.s32 v8, v20;
	v23 =	vld.idx.msk [tilespmem:v23+s23+$0x0], $0xffff  }
0x223: {  	s7 =	sadd.s32 s8, s7;
	s5 =	sadd.s32 s13, s12;
	s17 =	sand.u32 $0x300, s17;
	v63 =	vadd.s32 v8, v1;
	v34 =	vor.u32 v26, v34;
	v30 =	vor.u32 v24, v31;
	[tilespmem:s16+$0x30] =	vst v19  }
0x224: {  	s7 =	sadd.s32 s17, s7;
	v30 =	vor.u32 v3, v30;
	v19 =	vshll.u32 v32, $0x7;
	[tilespmem:s5+$0x0] =	vst v22;
	v22 =	vshll.u32 v32, $0xA;
	v35 =	vld.idx.msk [tilespmem:v13+s23+$0x0], $0xffff  }
0x225: {  	[tilespmem:s7+$0x14400] =	vst v28;
	v28 =	vld.idx.msk [tilespmem:v29+s23+$0x0], $0xffff;
	v13 =	vand.u32 $0x300, v19;
	v19 =	vor.u32 v4, v50;
	v29 =	vor.u32 v7, v34  }
0x226: {  	v51 =	vld.idx.msk [tilespmem:v21+s23+$0x0], $0xffff;
	v22 =	vand.u32 $0x2000, v22;
	v21 =	vor.u32 v0, v33;
	v19 =	vor.u32 v11, v19  }
0x227: {  	v34 =	vshll.u32 v52, $0xA;
	[tilespmem:s11+$0x30] =	vst v23;
	v23 =	vadd.s32 v12, v22;
	v33 =	vor.u32 v11, v21  }
0x228: {  	v21 =	vadd.s32 v8, v25;
	v61 =	vadd.s32 v18, v22;
	v23 =	vor.u32 v13, v23  }
0x229: {  	v30 =	vld.idx.msk [tilespmem:v30+s23+$0x0], $0xffff;
	v21 =	vor.u32 v24, v21;
	v36 =	vor.u32 v14, v23;
	v23 =	vshll.u32 v52, $0x7;
	[tilespmem:s16+$0x40] =	vst v35  }
0x22a: {  	v37 =	vor.u32 v7, v21;
	v21 =	vand.u32 $0x380, v23;
	[tilespmem:s5+$0x10] =	vst v28;
	v28 =	vld.idx.msk [tilespmem:v29+s23+$0x0], $0xffff;
	v29 =	vadd.s32 v9, v20  }
0x22b: {  	v23 =	vand.u32 $0x2000, v34;
	v53 =	vld.idx.msk [tilespmem:v19+s23+$0x0], $0xffff;
	v19 =	vadd.s32 v10, v5;
	v29 =	vor.u32 v26, v29  }
0x22c: {  	s7 =	sadd.s32 $0x14400, s7;
	v34 =	vadd.s32 v12, v23;
	v19 =	vor.u32 v4, v19;
	v29 =	vor.u32 v2, v29  }
0x22d: {  	[tilespmem:s7+$0x10] =	vst v51;
	v35 =	vor.u32 v0, v54;
	v34 =	vor.u32 v21, v34;
	v38 =	vor.u32 v6, v19  }
0x22e: {  	v31 =	vshll.u32 v27, $0x3;
	v33 =	vld.idx.msk [tilespmem:v33+s23+$0x0], $0xffff;
	[tilespmem:s11+$0x40] =	vst v30;
	v30 =	vadd.s32 v9, v25;
	v34 =	vor.u32 v14, v34  }
0x22f: {  	v57 =	vadd.s32 v17, v23;
	v37 =	vld.idx.msk [tilespmem:v37+s23+$0x0], $0xffff;
	v19 =	vand.u32 $0xFFFFFC00, v31;
	v30 =	vor.u32 v24, v30  }
0x230: {  	v31 =	vor.u32 v6, v35;
	v30 =	vor.u32 v2, v30;
	v56 =	vadd.s32 v19, v20;
	[tilespmem:s16+$0x50] =	vst v28  }
0x231: {  	v20 =	vand.u32 $0x7F, v27;
	v26 =	vor.u32 v26, v56;
	[tilespmem:s5+$0x20] =	vst v53;
	v27 =	vld.idx.msk [tilespmem:v29+s23+$0x0], $0xffff;
	v29 =	vadd.s32 v15, v5  }
0x232: {  	v62 =	vadd.s32 v18, v23;
	v58 =	vor.u32 v20, v26;
	v32 =	vld.idx.msk [tilespmem:v38+s23+$0x0], $0xffff;
	v29 =	vor.u32 v4, v29  }
0x233: {  	v28 =	vadd.s32 v17, v22;
	v26 =	vor.u32 v21, v57;
	v59 =	vld.idx.msk [tilespmem:v34+s23+$0x0], $0xffff;
	v29 =	vor.u32 v3, v29  }
0x234: {  	s25 =	simm.s32 $0x6;
	s29 =	simm.s32 $0x5400;
	s18 =	simm.s32 $0x200;
	v55 =	vld.idx.msk [tilespmem:v36+s23+$0x0], $0xffff;
	[tilespmem:s7+$0x20] =	vst v33;
	v28 =	vor.u32 v13, v28;
	v36 =	vor.u32 v16, v26  }
0x235: {  	s20 =	simm.s32 $0xA80;
	s13 =	sand.u32 $0x6000, s29;
	s17 =	simm.s32 $0x1000;
	v26 =	vadd.s32 v15, v1;
	v60 =	vld.idx.msk [tilespmem:v31+s23+$0x0], $0xffff;
	[tilespmem:s11+$0x50] =	vst v37;
	v28 =	vor.u32 v16, v28  }
0x236: {  	s20 =	sand.u32 $0x380, s20;
	s13 =	sadd.s32 s13, s10;
	s19 =	sand.u32 $0x2000, s17;
	v25 =	vadd.s32 v19, v25;
	v26 =	vor.u32 v0, v26;
	v37 =	vld.idx.msk [tilespmem:v30+s23+$0x0], $0xffff;
	[tilespmem:s16+$0x60] =	vst v27  }
0x237: {  	s21 =	sand.u32 $0x300, s18;
	s12 =	sadd.s32 s20, s13;
	s19 =	sadd.s32 s8, s19;
	v24 =	vor.u32 v24, v25;
	v25 =	vmov s25;
	v30 =	vor.u32 v3, v26;
	[tilespmem:s5+$0x30] =	vst v32;
	v39 =	vld.idx.msk [tilespmem:v58+s23+$0x0], $0xffff  }
0x238: {  	s30 =	sadd.s32 s21, s19;
	v40 =	vshll.u32 v25, $0xA;
	[tilespmem:s12+$0x0] =	vst v59;
	v27 =	vor.u32 v20, v24;
	v31 =	vld.idx.msk [tilespmem:v29+s23+$0x0], $0xffff;
	v29 =	vadd.s32 v8, v5  }
0x239: {  	[tilespmem:s30+$0x14400] =	vst v55;
	v26 =	vadd.s32 v9, v1;
	v24 =	vshll.u32 v25, $0x7;
	v32 =	vld.idx.msk [tilespmem:v36+s23+$0x0], $0xffff;
	v29 =	vor.u32 v4, v29  }
0x23a: {  	v33 =	vld.idx.msk [tilespmem:v28+s23+$0x0], $0xffff;
	v28 =	vor.u32 v21, v62;
	v25 =	vand.u32 $0x300, v24;
	v35 =	vor.u32 v7, v29  }
0x23b: {  	[tilespmem:s7+$0x30] =	vst v60;
	v24 =	vand.u32 $0x2000, v40;
	v34 =	vor.u32 v11, v28;
	v29 =	vor.u32 v13, v61  }
0x23c: {  	s31 =	simm.s32 $0x7;
	v30 =	vld.idx.msk [tilespmem:v30+s23+$0x0], $0xffff;
	[tilespmem:s11+$0x60] =	vst v37;
	v28 =	vadd.s32 v12, v24;
	v36 =	vor.u32 v11, v29  }
0x23d: {  	s19 =	simm.s32 $0x8;
	s13 =	sadd.s32 $0x14400, s30;
	v37 =	vor.u32 v0, v63;
	v38 =	vor.u32 v25, v28;
	v29 =	vld.idx.msk [tilespmem:v27+s23+$0x0], $0xffff;
	v27 =	vmov s31;
	[tilespmem:s16+$0x70] =	vst v39  }
.LBB2_15:
0x23e: {  	p0 =	slt.u32 s19, $0xE;
	v28 =	vor.u32 v14, v38;
	v38 =	vshll.u32 v27, $0x7;
	v37 =	vor.u32 v7, v37;
	[tilespmem:s5+$0x40] =	vst v31  }
0x23f: {  	v27 =	vshll.u32 v27, $0xA;
	v31 =	vand.u32 $0x380, v38;
	[tilespmem:s12+$0x10] =	vst v32;
	v32 =	vld.idx.msk [tilespmem:v35+s23+$0x0], $0xffff;
	v35 =	vadd.s32 v9, v5  }
0x240: {  	v27 =	vand.u32 $0x2000, v27;
	[tilespmem:s13+$0x10] =	vst v33;
	v33 =	vld.idx.msk [tilespmem:v34+s23+$0x0], $0xffff;
	v34 =	vadd.s32 v10, v23;
	v35 =	vor.u32 v4, v35  }
0x241: {  	v38 =	vadd.s32 v12, v27;
	v36 =	vld.idx.msk [tilespmem:v36+s23+$0x0], $0xffff;
	v34 =	vor.u32 v21, v34;
	v35 =	vor.u32 v2, v35  }
0x242: {  	v39 =	vadd.s32 v10, v22;
	v38 =	vor.u32 v31, v38;
	v34 =	vor.u32 v6, v34;
	[tilespmem:s7+$0x40] =	vst v30  }
0x243: {  	v30 =	vor.u32 v14, v38;
	v38 =	vor.u32 v13, v39;
	v37 =	vld.idx.msk [tilespmem:v37+s23+$0x0], $0xffff;
	[tilespmem:s11+$0x70] =	vst v29;
	s11 =	smov.u32 s7;
	s7 =	smov.u32 s13  }
0x244: {  	v26 =	vor.u32 v0, v26;
	v29 =	vor.u32 v6, v38  }
0x245: {  	v26 =	vor.u32 v2, v26;
	v28 =	vld.idx.msk [tilespmem:v28+s23+$0x0], $0xffff;
	[tilespmem:s5+$0x50] =	vst v32  }
0x246: {  	v32 =	vadd.s32 v17, v24;
	[tilespmem:s12+$0x20] =	vst v33;
	v33 =	vld.idx.msk [tilespmem:v35+s23+$0x0], $0xffff;
	v35 =	vadd.s32 v19, v5;
	v5 =	vmov v23  }
0x247: {  	[tilespmem:s7+$0x20] =	vst v36;
	v34 =	vld.idx.msk [tilespmem:v34+s23+$0x0], $0xffff;
	v23 =	vadd.s32 v15, v5;
	v35 =	vor.u32 v4, v35;
	v4 =	vmov v21  }
0x248: {  	v39 =	vadd.s32 v17, v27;
	v30 =	vld.idx.msk [tilespmem:v30+s23+$0x0], $0xffff;
	v23 =	vor.u32 v4, v23;
	v35 =	vor.u32 v20, v35  }
0x249: {  	s17 =	sadd.s32 $0x800, s17;
	v36 =	vor.u32 v31, v39;
	v21 =	vmov v31;
	v29 =	vld.idx.msk [tilespmem:v29+s23+$0x0], $0xffff;
	v38 =	vor.u32 v3, v23;
	[tilespmem:s11+$0x50] =	vst v37  }
0x24a: {  	s18 =	sadd.s32 $0x100, s18;
	s16 =	sadd.s32 $0x4400, s17;
	s13 =	sand.u32 $0x2000, s17;
	v39 =	vor.u32 v25, v32;
	v31 =	vadd.s32 v15, v22;
	v32 =	vor.u32 v16, v36;
	v36 =	vld.idx.msk [tilespmem:v26+s23+$0x0], $0xffff  }
0x24b: {  	v41 =	vadd.s32 v19, v1;
	s20 =	sadd.s32 $0x880, s18;
	s16 =	sand.u32 $0x6000, s16;
	s13 =	sadd.s32 s8, s13;
	v37 =	vor.u32 v16, v39;
	v26 =	vor.u32 v13, v31;
	v23 =	vmovc v27  }
0x24c: {  	s21 =	sand.u32 $0x300, s18;
	s20 =	sand.u32 $0x380, s20;
	s16 =	sadd.s32 s16, s10;
	v31 =	vor.u32 v0, v41;
	v0 =	vmovc v13;
	v13 =	vmov v25;
	v27 =	vor.u32 v3, v26;
	[tilespmem:s5+$0x60] =	vst v33  }
0x24d: {  	v1 =	vmovc v22;
	s16 =	sadd.s32 s20, s16;
	s21 =	sadd.s32 s21, s13;
	v25 =	vmov s19;
	v26 =	vadd.s32 v9, v22;
	v39 =	vor.u32 v20, v31;
	[tilespmem:s12+$0x30] =	vst v34;
	v40 =	vld.idx.msk [tilespmem:v35+s23+$0x0], $0xffff  }
0x24e: {  	s13 =	sadd.s32 $0x14400, s21;
	v22 =	vshll.u32 v25, $0x7;
	v34 =	vadd.s32 v18, v24;
	[tilespmem:s16+$0x0] =	vst v30;
	v31 =	vld.idx.msk [tilespmem:v38+s23+$0x0], $0xffff;
	v30 =	vadd.s32 v8, v5  }
.Ltmp6:
0x24f: {  	v38 =	vshll.u32 v25, $0xA;
	[tilespmem:s21+$0x14400] =	vst v28;
	v32 =	vld.idx.msk [tilespmem:v32+s23+$0x0], $0xffff;
	v28 =	vadd.s32 v18, v23;
	v30 =	vor.u32 v4, v30;
	(pc) =	sbr.rel @p0 .LBB2_15-.Ltmp6, $4  }
0x250: {  	v25 =	vand.u32 $0x300, v22;
	v33 =	vld.idx.msk [tilespmem:v37+s23+$0x0], $0xffff;
	v22 =	vor.u32 v21, v28;
	[tilespmem:s7+$0x30] =	vst v29;
	v35 =	vor.u32 v7, v30  }
0x251: {  	v28 =	vand.u32 $0x2000, v38;
	v29 =	vor.u32 v13, v34;
	v34 =	vor.u32 v11, v22;
	v30 =	vld.idx.msk [tilespmem:v27+s23+$0x0], $0xffff;
	[tilespmem:s11+$0x60] =	vst v36  }
0x252: {  	s20 =	sadd.s32 $0x1, s19;
	v37 =	vadd.s32 v8, v1;
	v41 =	vadd.s32 v12, v28;
	v36 =	vor.u32 v11, v29;
	v29 =	vld.idx.msk [tilespmem:v39+s23+$0x0], $0xffff  }
0x253: {  	s19 =	sadd.s32 $0x2, s19;
	v27 =	vmov s20;
	v37 =	vor.u32 v0, v37;
	v38 =	vor.u32 v25, v41;
	[tilespmem:s5+$0x70] =	vst v40;
	v22 =	vmovc v24;
	v24 =	vmovc v28;
	s5 =	smov.u32 s12;
	s12 =	smov.u32 s16  }
0x254: {  	v28 =	vshll.u32 v27, $0xA  }
0x255: {  	v42 =	vshll.u32 v27, $0x7;
	v28 =	vand.u32 $0x2000, v28  }
0x256: {  	v27 =	vand.u32 $0x380, v42;
	v12 =	vadd.s32 v12, v28  }
0x257: {  	v12 =	vor.u32 v27, v12  }
0x258: {  	v12 =	vor.u32 v14, v12  }
0x259: {  	v43 =	vor.u32 v14, v38;
	_ =	sdelay $0x2  }
0x25a: {  	v44 =	vadd.s32 v17, v28  }
0x25b: {  	v45 =	vadd.s32 v17, v24;
	s16 =	sadd.s32 $0x800, s17;
	v38 =	vor.u32 v27, v44;
	v12 =	vld.idx.msk [tilespmem:v12+s23+$0x0], $0xffff  }
0x25c: {  	s18 =	sadd.s32 $0x100, s18;
	s17 =	sadd.s32 $0x4400, s16;
	v17 =	vor.u32 v25, v45;
	v38 =	vor.u32 v16, v38;
	v14 =	vld.idx.msk [tilespmem:v43+s23+$0x0], $0xffff  }
0x25d: {  	s19 =	sadd.s32 $0x880, s18;
	s17 =	sand.u32 $0x6000, s17;
	v46 =	vor.u32 v16, v17  }
0x25e: {  	s16 =	sand.u32 $0x2000, s16;
	s29 =	sand.u32 $0x380, s19;
	s10 =	sadd.s32 s17, s10  }
0x25f: {  	s18 =	sand.u32 $0x300, s18;
	s16 =	sadd.s32 s8, s16;
	s30 =	sadd.s32 s29, s10  }
0x260: {  	v47 =	vor.u32 v7, v37;
	v48 =	vadd.s32 v18, v28;
	s31 =	sadd.s32 s18, s16;
	[tilespmem:s30+$0x0] =	vst v12  }
0x261: {  	v49 =	vadd.s32 v18, v24;
	[tilespmem:s31+$0x14400] =	vst v14;
	v12 =	vor.u32 v27, v48;
	v50 =	vld.idx.msk [tilespmem:v38+s23+$0x0], $0xffff  }
0x262: {  	v51 =	vadd.s32 v10, v23;
	v18 =	vor.u32 v25, v49;
	v16 =	vld.idx.msk [tilespmem:v46+s23+$0x0], $0xffff;
	v12 =	vor.u32 v11, v12  }
0x263: {  	[tilespmem:s5+$0x40] =	vst v31;
	v54 =	vadd.s32 v10, v22;
	v55 =	vadd.s32 v9, v5;
	v52 =	vor.u32 v11, v18  }
0x264: {  	[tilespmem:s12+$0x10] =	vst v32;
	v58 =	vadd.s32 v10, v24;
	v62 =	vadd.s32 v15, v23;
	v63 =	vadd.s32 v15, v22  }
0x265: {  	[tilespmem:s13+$0x10] =	vst v33;
	v53 =	vld.idx.msk [tilespmem:v34+s23+$0x0], $0xffff;
	v32 =	vor.u32 v21, v51;
	v33 =	vor.u32 v13, v54  }
0x266: {  	v56 =	vld.idx.msk [tilespmem:v36+s23+$0x0], $0xffff;
	v32 =	vor.u32 v6, v32;
	v57 =	vadd.s32 v10, v28;
	s10 =	sadd.s32 $0x14400, s31;
	[tilespmem:s30+$0x10] =	vst v50  }
0x267: {  	v33 =	vor.u32 v6, v33;
	v14 =	vor.u32 v27, v57;
	[tilespmem:s10+$0x10] =	vst v16;
	v12 =	vld.idx.msk [tilespmem:v12+s23+$0x0], $0xffff  }
0x268: {  	v37 =	vadd.s32 v15, v24;
	v10 =	vor.u32 v25, v58;
	v14 =	vor.u32 v6, v14;
	v11 =	vld.idx.msk [tilespmem:v52+s23+$0x0], $0xffff  }
0x269: {  	v39 =	vadd.s32 v8, v23;
	v34 =	vor.u32 v4, v55;
	[tilespmem:s7+$0x40] =	vst v30;
	v60 =	vor.u32 v6, v10  }
0x26a: {  	v1 =	vadd.s32 v19, v1;
	v31 =	vld.idx.msk [tilespmem:v35+s23+$0x0], $0xffff;
	v59 =	vor.u32 v2, v34;
	[tilespmem:s12+$0x20] =	vst v53  }
0x26b: {  	v30 =	vor.u32 v13, v63;
	v18 =	vor.u32 v21, v62;
	[tilespmem:s13+$0x20] =	vst v56;
	v61 =	vld.idx.msk [tilespmem:v32+s23+$0x0], $0xffff  }
0x26c: {  	v35 =	vadd.s32 v15, v28;
	v18 =	vor.u32 v3, v18;
	v34 =	vld.idx.msk [tilespmem:v33+s23+$0x0], $0xffff;
	[tilespmem:s30+$0x20] =	vst v12  }
0x26d: {  	v30 =	vor.u32 v3, v30;
	[tilespmem:s10+$0x20] =	vst v11;
	v12 =	vor.u32 v27, v35;
	v36 =	vld.idx.msk [tilespmem:v14+s23+$0x0], $0xffff  }
0x26e: {  	v42 =	vor.u32 v21, v39;
	v6 =	vld.idx.msk [tilespmem:v60+s23+$0x0], $0xffff;
	v12 =	vor.u32 v3, v12;
	v14 =	vor.u32 v25, v37  }
0x26f: {  	v51 =	vadd.s32 v9, v22;
	v54 =	vadd.s32 v9, v24;
	[tilespmem:s11+$0x70] =	vst v29;
	v40 =	vor.u32 v3, v14  }
0x270: {  	v45 =	vadd.s32 v8, v28;
	v58 =	vadd.s32 v19, v23;
	v17 =	vld.idx.msk [tilespmem:v47+s23+$0x0], $0xffff;
	[tilespmem:s12+$0x30] =	vst v61  }
0x271: {  	v10 =	vor.u32 v7, v42;
	v43 =	vadd.s32 v8, v22;
	v18 =	vld.idx.msk [tilespmem:v18+s23+$0x0], $0xffff;
	[tilespmem:s13+$0x30] =	vst v34  }
0x272: {  	v46 =	vadd.s32 v8, v24;
	v44 =	vld.idx.msk [tilespmem:v30+s23+$0x0], $0xffff;
	v16 =	vor.u32 v13, v43;
	[tilespmem:s30+$0x30] =	vst v36  }
0x273: {  	v16 =	vor.u32 v7, v16;
	v11 =	vor.u32 v27, v45;
	[tilespmem:s10+$0x30] =	vst v6;
	v12 =	vld.idx.msk [tilespmem:v12+s23+$0x0], $0xffff  }
0x274: {  	v62 =	vadd.s32 v19, v24;
	v48 =	vor.u32 v7, v11;
	v6 =	vor.u32 v25, v46;
	v3 =	vld.idx.msk [tilespmem:v40+s23+$0x0], $0xffff  }
0x275: {  	v47 =	vadd.s32 v19, v5;
	[tilespmem:s5+$0x50] =	vst v31;
	v53 =	vadd.s32 v9, v28;
	v6 =	vor.u32 v7, v6  }
0x276: {  	v41 =	vld.idx.msk [tilespmem:v59+s23+$0x0], $0xffff;
	v38 =	vor.u32 v0, v26;
	[tilespmem:s12+$0x40] =	vst v18;
	v50 =	vadd.s32 v9, v23  }
0x277: {  	v15 =	vor.u32 v2, v38;
	v10 =	vld.idx.msk [tilespmem:v10+s23+$0x0], $0xffff;
	[tilespmem:s13+$0x40] =	vst v44;
	v5 =	vor.u32 v21, v50  }
0x278: {  	v5 =	vor.u32 v2, v5;
	v52 =	vld.idx.msk [tilespmem:v16+s23+$0x0], $0xffff;
	v7 =	vor.u32 v13, v51;
	[tilespmem:s30+$0x40] =	vst v12  }
0x279: {  	v7 =	vor.u32 v2, v7;
	v12 =	vor.u32 v27, v53;
	[tilespmem:s10+$0x40] =	vst v3;
	v8 =	vld.idx.msk [tilespmem:v48+s23+$0x0], $0xffff  }
0x27a: {  	v49 =	vor.u32 v4, v47;
	v9 =	vor.u32 v25, v54;
	v55 =	vor.u32 v2, v12;
	v6 =	vld.idx.msk [tilespmem:v6+s23+$0x0], $0xffff  }
0x27b: {  	[tilespmem:s7+$0x50] =	vst v17;
	v57 =	vor.u32 v0, v1;
	v1 =	vor.u32 v21, v58;
	v59 =	vor.u32 v2, v9  }
0x27c: {  	v4 =	vor.u32 v20, v49;
	v1 =	vor.u32 v20, v1;
	v56 =	vld.idx.msk [tilespmem:v15+s23+$0x0], $0xffff;
	[tilespmem:s12+$0x50] =	vst v10  }
0x27d: {  	v0 =	vor.u32 v20, v57;
	v60 =	vadd.s32 v19, v22;
	v5 =	vld.idx.msk [tilespmem:v5+s23+$0x0], $0xffff;
	[tilespmem:s13+$0x50] =	vst v52  }
0x27e: {  	v61 =	vadd.s32 v19, v28;
	v9 =	vor.u32 v13, v60;
	v7 =	vld.idx.msk [tilespmem:v7+s23+$0x0], $0xffff;
	[tilespmem:s30+$0x50] =	vst v8  }
0x27f: {  	v9 =	vor.u32 v20, v9;
	v8 =	vor.u32 v27, v61;
	[tilespmem:s10+$0x50] =	vst v6;
	v3 =	vld.idx.msk [tilespmem:v55+s23+$0x0], $0xffff  }
0x280: {  	[tilespmem:s5+$0x60] =	vst v41;
	v6 =	vor.u32 v25, v62;
	v8 =	vor.u32 v20, v8;
	v2 =	vld.idx.msk [tilespmem:v59+s23+$0x0], $0xffff  }
0x281: {  	v4 =	vld.idx.msk [tilespmem:v4+s23+$0x0], $0xffff;
	[tilespmem:s7+$0x60] =	vst v56;
	v6 =	vor.u32 v20, v6  }
0x282: {  	v0 =	vld.idx.msk [tilespmem:v0+s23+$0x0], $0xffff;
	[tilespmem:s12+$0x60] =	vst v5  }
0x283: {  	v1 =	vld.idx.msk [tilespmem:v1+s23+$0x0], $0xffff;
	[tilespmem:s13+$0x60] =	vst v7  }
0x284: {  	v63 =	vld.idx.msk [tilespmem:v9+s23+$0x0], $0xffff;
	[tilespmem:s30+$0x60] =	vst v3  }
0x285: {  	s2 =	sadd.s32 $0x1, s2;
	[tilespmem:s10+$0x60] =	vst v2;
	v3 =	vld.idx.msk [tilespmem:v8+s23+$0x0], $0xffff  }
0x286: {  	p0 =	sne.s32 s2, $0x8;
	[tilespmem:s5+$0x70] =	vst v4;
	v2 =	vld.idx.msk [tilespmem:v6+s23+$0x0], $0xffff  }
.Ltmp7:
0x287: {  	[tilespmem:s7+$0x70] =	vst v0;
	(pc) =	sbr.rel @p0 .LBB2_14-.Ltmp7, $4  }
0x288: {  	[tilespmem:s12+$0x70] =	vst v1  }
0x289: {  	[tilespmem:s13+$0x70] =	vst v63  }
0x28a: {  	[tilespmem:s30+$0x70] =	vst v3  }
0x28b: {  	[tilespmem:s10+$0x70] =	vst v2  }
0x28c: {  	s0 =	rddreg [dreg:$0x9]  }
0x28d: {  	[hbm4b:s0+s3] =	stream.linear.scatter [tilespmem:s26], [sflag:$0x2], $0x8000, $0x38;
	[tilespmem:$0x18400] =	vst v63  }
0x28e: {  	s31 =	rddreg [dreg:$0xa];
	s30 =	simm.s32 $0x1  }
0x28f: {  	[tilespmem:s23], [sflag:$0x1] =	stream.linear.gather [hbm4b:s31+s3], $0x4000, $0x38;
	[tilespmem:$0x18400] =	vst v63  }
.LBB2_18:
0x290: {  	_ =	swait.ge [sflag:s24], $0x4000  }
0x291: {  	[sflag:s24] =	ssyncset.done $0x0  }
0x292: {  	[sflag:s24] =	ssyncadd.s32 $0xFFFFC000  }
0x293: {  	_ =	swait.ge [sflag:s28], $0x8000  }
0x294: {  	[sflag:s28] =	ssyncset.done $0x0  }
0x295: {  	s0 =	simm.s32 $0x0;
	s2 =	simm.s32 $0x0;
	[sflag:s28] =	ssyncadd.s32 $0xFFFF8000  }
.LBB2_19:
0x296: {  	s5 =	sshll.u32 s2, $0x7  }
0x297: {  	s5 =	sand.u32 $0x3FFFFF80, s5  }
0x298: {  	v0 =	vld [tilespmem:s5+$0x0]  }
0x299: {  	v1 =	vld [tilespmem:s5+$0x10]  }
0x29a: {  	v2 =	vld [tilespmem:s5+$0x20]  }
0x29b: {  	v3 =	vld [tilespmem:s5+$0x30]  }
0x29c: {  	v4 =	vld [tilespmem:s5+$0x40]  }
0x29d: {  	s8 =	simm.s32 $0x2;
	v5 =	vld [tilespmem:s5+$0x50]  }
0x29e: {  	v25 =	vmov s0;
	v54 =	vmov s8;
	v11 =	vand.u32 $0x7F, v0  }
0x29f: {  	v16 =	vld [tilespmem:s5+$0x60];
	v0 =	vshll.u32 v0, $0x3;
	v6 =	vshll.u32 v1, $0x3;
	v12 =	vand.u32 $0x7F, v1  }
0x2a0: {  	v9 =	vand.u32 $0x7F, v2;
	v1 =	vshll.u32 v3, $0x3;
	v7 =	vand.u32 $0x7F, v3  }
0x2a1: {  	v15 =	vand.u32 $0xFFFFFC00, v0;
	v14 =	vand.u32 $0xFFFFFC00, v6;
	v0 =	vshll.u32 v2, $0x3  }
0x2a2: {  	s16 =	simm.s32 $0x1;
	v17 =	vld [tilespmem:s5+$0x70];
	v10 =	vand.u32 $0xFFFFFC00, v1;
	v6 =	vand.u32 $0x7F, v4;
	v1 =	vshll.u32 v5, $0x3  }
0x2a3: {  	v2 =	vmov s16;
	v13 =	vand.u32 $0xFFFFFC00, v0;
	v0 =	vshll.u32 v4, $0x3  }
0x2a4: {  	v4 =	vand.u32 $0x7F, v5;
	v5 =	vand.u32 $0xFFFFFC00, v1;
	v1 =	vand.u32 $0x7F, v16  }
0x2a5: {  	v18 =	vshll.u32 v2, $0x7;
	v8 =	vand.u32 $0xFFFFFC00, v0;
	v0 =	vshll.u32 v16, $0x3  }
0x2a6: {  	v16 =	vshll.u32 v2, $0xA;
	v18 =	vand.u32 $0x380, v18;
	v3 =	vand.u32 $0xFFFFFC00, v0  }
0x2a7: {  	v0 =	vand.u32 $0x7F, v17;
	v17 =	vshll.u32 v17, $0x3;
	v16 =	vand.u32 $0x2000, v16  }
0x2a8: {  	v2 =	vand.u32 $0xFFFFFC00, v17;
	v17 =	vadd.s32 v15, v16;
	v19 =	vadd.s32 v13, v16  }
0x2a9: {  	v20 =	vadd.s32 v14, v16;
	v23 =	vadd.s32 v10, v16;
	v24 =	vadd.s32 v5, v16  }
0x2aa: {  	v17 =	vor.u32 v18, v17;
	v21 =	vadd.s32 v2, v16;
	v20 =	vor.u32 v18, v20  }
0x2ab: {  	v19 =	vor.u32 v18, v19;
	v23 =	vor.u32 v18, v23;
	v24 =	vor.u32 v18, v24  }
0x2ac: {  	v17 =	vor.u32 v11, v17;
	v21 =	vor.u32 v18, v21;
	v22 =	vor.u32 v12, v20  }
0x2ad: {  	v19 =	vor.u32 v9, v19;
	v26 =	vor.u32 v7, v23;
	v23 =	vshll.u32 v25, $0x7  }
0x2ae: {  	v20 =	vor.u32 v0, v21;
	v21 =	vadd.s32 v8, v16;
	v16 =	vadd.s32 v3, v16  }
0x2af: {  	v21 =	vor.u32 v18, v21;
	v18 =	vor.u32 v18, v16;
	v16 =	vshll.u32 v25, $0xA  }
0x2b0: {  	s17 =	simm.s32 $0x3;
	v24 =	vor.u32 v4, v24;
	v27 =	vand.u32 $0x300, v23;
	v25 =	vand.u32 $0x2000, v16  }
0x2b1: {  	v16 =	vmov s17;
	v23 =	vadd.s32 v15, v25;
	v28 =	vadd.s32 v8, v25  }
0x2b2: {  	v29 =	vshll.u32 v16, $0xA;
	v30 =	vadd.s32 v14, v25;
	v31 =	vadd.s32 v10, v25  }
0x2b3: {  	s18 =	sshll.u32 s2, $0xA;
	v32 =	vadd.s32 v13, v25;
	v16 =	vshll.u32 v16, $0x7;
	v17 =	vld.idx.msk [tilespmem:v17+s22+$0x0], $0xffff;
	v23 =	vor.u32 v27, v23  }
0x2b4: {  	s5 =	sand.u32 $0x3FFFFC00, s18;
	v30 =	vor.u32 v27, v30;
	v29 =	vand.u32 $0x2000, v29;
	v34 =	vand.u32 $0x380, v16  }
0x2b5: {  	s19 =	simm.s32 $0x80;
	s7 =	sand.u32 $0x2000, s0;
	s10 =	sadd.s32 $0x8400, s5;
	v31 =	vor.u32 v27, v31;
	v28 =	vor.u32 v27, v28;
	v33 =	vor.u32 v11, v23  }
0x2b6: {  	s5 =	sand.u32 $0x380, s19;
	s7 =	sadd.s32 s7, s10;
	v23 =	vadd.s32 v15, v29;
	v16 =	vadd.s32 v13, v29;
	v35 =	vadd.s32 v14, v29  }
0x2b7: {  	s5 =	sadd.s32 s5, s7;
	v30 =	vor.u32 v12, v30;
	v31 =	vor.u32 v7, v31;
	v23 =	vor.u32 v34, v23  }
0x2b8: {  	v36 =	vor.u32 v11, v23;
	v23 =	vor.u32 v34, v35;
	[tilespmem:s5+$0x0] =	vst v17;
	v17 =	vadd.s32 v2, v29  }
0x2b9: {  	v35 =	vor.u32 v12, v23;
	v23 =	vor.u32 v34, v16;
	v17 =	vor.u32 v34, v17  }
0x2ba: {  	v37 =	vor.u32 v9, v23;
	v22 =	vld.idx.msk [tilespmem:v22+s22+$0x0], $0xffff;
	v16 =	vor.u32 v0, v17;
	v17 =	vadd.s32 v8, v29  }
0x2bb: {  	v23 =	vadd.s32 v10, v29;
	v38 =	vor.u32 v34, v17;
	v17 =	vadd.s32 v5, v29  }
0x2bc: {  	v28 =	vor.u32 v6, v28;
	v39 =	vor.u32 v34, v23;
	v41 =	vor.u32 v34, v17  }
0x2bd: {  	v17 =	vadd.s32 v3, v29;
	v29 =	vor.u32 v27, v32;
	v38 =	vor.u32 v6, v38  }
0x2be: {  	v36 =	vld.idx.msk [tilespmem:v36+s22+$0x0], $0xffff;
	v52 =	vor.u32 v34, v17;
	v17 =	vadd.s32 v3, v25;
	v29 =	vor.u32 v9, v29  }
0x2bf: {  	[tilespmem:s5+$0x10] =	vst v22;
	v22 =	vadd.s32 v5, v25;
	v23 =	vor.u32 v27, v17;
	v17 =	vld.idx.msk [tilespmem:v33+s22+$0x0], $0xffff;
	v33 =	vshll.u32 v54, $0x7  }
0x2c0: {  	s20 =	simm.s32 $0x0;
	s11 =	simm.s32 $0x800;
	v53 =	vor.u32 v27, v22;
	v22 =	vor.u32 v6, v21;
	v21 =	vadd.s32 v2, v25  }
0x2c1: {  	s12 =	simm.s32 $0x5;
	s13 =	simm.s32 $0x180;
	s21 =	sand.u32 $0x2000, s11;
	v19 =	vld.idx.msk [tilespmem:v19+s22+$0x0], $0xffff;
	v27 =	vor.u32 v27, v21;
	v21 =	vor.u32 v1, v18;
	v18 =	vshll.u32 v54, $0xA  }
0x2c2: {  	s8 =	sand.u32 $0x300, s20;
	s25 =	sand.u32 $0x380, s13;
	s11 =	sadd.s32 s21, s10;
	v25 =	vor.u32 v7, v39;
	v33 =	vand.u32 $0x300, v33;
	v55 =	vand.u32 $0x2000, v18  }
0x2c3: {  	s8 =	sadd.s32 s8, s7;
	s7 =	sadd.s32 s25, s11;
	v32 =	vor.u32 v4, v53;
	v18 =	vmov s12;
	v40 =	vadd.s32 v8, v55  }
0x2c4: {  	[tilespmem:s7+$0x0] =	vst v36;
	v42 =	vadd.s32 v14, v55;
	v43 =	vadd.s32 v10, v55;
	v56 =	vadd.s32 v13, v55  }
0x2c5: {  	[tilespmem:s8+$0x0] =	vst v17;
	v42 =	vor.u32 v33, v42;
	v43 =	vor.u32 v33, v43;
	v36 =	vor.u32 v33, v56  }
0x2c6: {  	v17 =	vshll.u32 v18, $0xA;
	v40 =	vor.u32 v33, v40;
	[tilespmem:s5+$0x20] =	vst v19;
	v19 =	vadd.s32 v15, v55;
	v30 =	vld.idx.msk [tilespmem:v30+s22+$0x0], $0xffff  }
0x2c7: {  	v44 =	vand.u32 $0x2000, v17;
	v17 =	vshll.u32 v18, $0x7;
	v18 =	vld.idx.msk [tilespmem:v35+s22+$0x0], $0xffff;
	v42 =	vor.u32 v12, v42  }
0x2c8: {  	v36 =	vor.u32 v9, v36;
	v63 =	vor.u32 v7, v43;
	v26 =	vld.idx.msk [tilespmem:v26+s22+$0x0], $0xffff;
	v19 =	vor.u32 v33, v19  }
0x2c9: {  	v57 =	vadd.s32 v15, v44;
	v45 =	vand.u32 $0x380, v17;
	v17 =	vadd.s32 v13, v44  }
0x2ca: {  	v46 =	vadd.s32 v14, v44;
	v47 =	vadd.s32 v2, v44;
	v19 =	vor.u32 v11, v19  }
0x2cb: {  	v35 =	vor.u32 v45, v57;
	v46 =	vor.u32 v45, v46;
	v58 =	vor.u32 v45, v17;
	[tilespmem:s8+$0x10] =	vst v30  }
0x2cc: {  	v35 =	vor.u32 v11, v35;
	v46 =	vor.u32 v12, v46;
	v30 =	vadd.s32 v8, v44;
	[tilespmem:s7+$0x10] =	vst v18  }
0x2cd: {  	v18 =	vadd.s32 v10, v44;
	[tilespmem:s5+$0x30] =	vst v26;
	v26 =	vor.u32 v45, v47;
	v37 =	vld.idx.msk [tilespmem:v37+s22+$0x0], $0xffff  }
0x2ce: {  	v47 =	vor.u32 v45, v30;
	v30 =	vadd.s32 v5, v44;
	v48 =	vor.u32 v45, v18;
	v29 =	vld.idx.msk [tilespmem:v29+s22+$0x0], $0xffff  }
0x2cf: {  	v18 =	vadd.s32 v3, v44;
	v17 =	vor.u32 v0, v26;
	v26 =	vor.u32 v9, v58;
	v59 =	vld.idx.msk [tilespmem:v19+s22+$0x0], $0xffff  }
0x2d0: {  	v30 =	vor.u32 v45, v30;
	v19 =	vadd.s32 v5, v55;
	v49 =	vor.u32 v45, v18;
	v60 =	vld.idx.msk [tilespmem:v22+s22+$0x0], $0xffff  }
0x2d1: {  	s29 =	simm.s32 $0x100;
	v18 =	vadd.s32 v3, v55;
	v22 =	vadd.s32 v2, v55;
	v50 =	vor.u32 v33, v19;
	v35 =	vld.idx.msk [tilespmem:v35+s22+$0x0], $0xffff  }
0x2d2: {  	s31 =	simm.s32 $0x4;
	s16 =	simm.s32 $0x1000;
	s12 =	sand.u32 $0x300, s29;
	v18 =	vor.u32 v33, v18;
	v19 =	vor.u32 v0, v27;
	v27 =	vor.u32 v7, v48;
	[tilespmem:s7+$0x20] =	vst v37  }
0x2d3: {  	s18 =	simm.s32 $0x280;
	s17 =	sand.u32 $0x2000, s16;
	s11 =	sadd.s32 s12, s11;
	v39 =	vor.u32 v33, v22;
	v22 =	vor.u32 v1, v52;
	[tilespmem:s8+$0x20] =	vst v29;
	v29 =	vmov s31;
	v25 =	vld.idx.msk [tilespmem:v25+s22+$0x0], $0xffff  }
0x2d4: {  	s20 =	sand.u32 $0x380, s18;
	s19 =	sadd.s32 s17, s10;
	v48 =	vor.u32 v4, v41;
	[tilespmem:s11+$0x0] =	vst v59;
	v31 =	vld.idx.msk [tilespmem:v31+s22+$0x0], $0xffff;
	v61 =	vshll.u32 v29, $0xA;
	v29 =	vshll.u32 v29, $0x7  }
0x2d5: {  	s21 =	simm.s32 $0x7;
	s12 =	sadd.s32 s20, s19;
	v30 =	vor.u32 v4, v30;
	[tilespmem:s5+$0x40] =	vst v60;
	v62 =	vld.idx.msk [tilespmem:v42+s22+$0x0], $0xffff;
	v42 =	vand.u32 $0x2000, v61;
	v44 =	vand.u32 $0x300, v29  }
0x2d6: {  	[tilespmem:s12+$0x0] =	vst v35;
	v29 =	vmov s21;
	v35 =	vor.u32 v4, v50;
	v33 =	vadd.s32 v15, v42  }
0x2d7: {  	v24 =	vld.idx.msk [tilespmem:v24+s22+$0x0], $0xffff;
	v57 =	vadd.s32 v8, v42;
	v59 =	vshll.u32 v29, $0xA;
	v60 =	vadd.s32 v14, v42  }
0x2d8: {  	v58 =	vld.idx.msk [tilespmem:v46+s22+$0x0], $0xffff;
	v61 =	vadd.s32 v13, v42;
	v29 =	vshll.u32 v29, $0x7;
	v33 =	vor.u32 v44, v33  }
0x2d9: {  	v45 =	vor.u32 v44, v60;
	v46 =	vor.u32 v44, v61;
	v41 =	vor.u32 v44, v57;
	[tilespmem:s7+$0x30] =	vst v25  }
0x2da: {  	v45 =	vor.u32 v12, v45;
	v25 =	vadd.s32 v10, v42;
	[tilespmem:s8+$0x30] =	vst v31;
	v31 =	vand.u32 $0x2000, v59;
	v38 =	vld.idx.msk [tilespmem:v38+s22+$0x0], $0xffff  }
0x2db: {  	v52 =	vand.u32 $0x380, v29;
	[tilespmem:s11+$0x10] =	vst v62;
	v62 =	vor.u32 v11, v33;
	v51 =	vld.idx.msk [tilespmem:v28+s22+$0x0], $0xffff;
	v28 =	vadd.s32 v15, v31  }
0x2dc: {  	[tilespmem:s5+$0x50] =	vst v24;
	v24 =	vadd.s32 v13, v31;
	v29 =	vadd.s32 v14, v31;
	v33 =	vor.u32 v1, v23  }
0x2dd: {  	v23 =	vadd.s32 v8, v31;
	v37 =	vor.u32 v44, v25;
	v28 =	vor.u32 v52, v28;
	v53 =	vld.idx.msk [tilespmem:v21+s22+$0x0], $0xffff  }
0x2de: {  	v21 =	vadd.s32 v2, v31;
	[tilespmem:s12+$0x10] =	vst v58;
	v24 =	vor.u32 v52, v24;
	v54 =	vor.u32 v11, v28  }
0x2df: {  	v28 =	vor.u32 v52, v29;
	v26 =	vld.idx.msk [tilespmem:v26+s22+$0x0], $0xffff;
	v29 =	vor.u32 v52, v23;
	v23 =	vadd.s32 v5, v31  }
0x2e0: {  	v55 =	vld.idx.msk [tilespmem:v36+s22+$0x0], $0xffff;
	v34 =	vor.u32 v12, v28;
	v28 =	vor.u32 v9, v24;
	v24 =	vadd.s32 v10, v31  }
0x2e1: {  	v21 =	vor.u32 v52, v21;
	v25 =	vor.u32 v52, v24;
	v24 =	vor.u32 v52, v23  }
0x2e2: {  	v23 =	vadd.s32 v3, v31;
	v31 =	vadd.s32 v5, v42;
	v43 =	vld.idx.msk [tilespmem:v62+s22+$0x0], $0xffff;
	[tilespmem:s8+$0x40] =	vst v51  }
0x2e3: {  	[tilespmem:s7+$0x40] =	vst v38;
	v36 =	vor.u32 v44, v31;
	v31 =	vadd.s32 v3, v42;
	v51 =	vld.idx.msk [tilespmem:v32+s22+$0x0], $0xffff  }
0x2e4: {  	s25 =	simm.s32 $0x200;
	v21 =	vor.u32 v0, v21;
	v31 =	vor.u32 v44, v31;
	v54 =	vld.idx.msk [tilespmem:v54+s22+$0x0], $0xffff;
	[tilespmem:s12+$0x20] =	vst v26  }
0x2e5: {  	s18 =	simm.s32 $0x1800;
	s16 =	sand.u32 $0x300, s25;
	v32 =	vor.u32 v7, v25;
	[tilespmem:s11+$0x20] =	vst v55;
	v26 =	vadd.s32 v2, v42;
	v42 =	vld.idx.msk [tilespmem:v27+s22+$0x0], $0xffff  }
0x2e6: {  	s17 =	simm.s32 $0x380;
	s13 =	sadd.s32 s16, s19;
	s29 =	sand.u32 $0x2000, s18;
	[tilespmem:s5+$0x60] =	vst v53;
	v27 =	vor.u32 v0, v39;
	v25 =	vor.u32 v44, v26;
	v44 =	vld.idx.msk [tilespmem:v63+s22+$0x0], $0xffff  }
0x2e7: {  	s19 =	sadd.s32 s29, s10;
	s20 =	simm.s32 $0x6;
	s31 =	sand.u32 $0x380, s17;
	v39 =	vor.u32 v9, v46;
	v46 =	vor.u32 v6, v40;
	v40 =	vld.idx.msk [tilespmem:v20+s22+$0x0], $0xffff;
	[tilespmem:s13+$0x0] =	vst v43  }
0x2e8: {  	s16 =	sadd.s32 s31, s19;
	v23 =	vor.u32 v52, v23;
	v38 =	vor.u32 v6, v47;
	v63 =	vmov s20;
	v45 =	vld.idx.msk [tilespmem:v45+s22+$0x0], $0xffff;
	[tilespmem:s8+$0x50] =	vst v51  }
0x2e9: {  	v26 =	vor.u32 v1, v49;
	s20 =	simm.s32 $0x8;
	v47 =	vshll.u32 v63, $0xA;
	v43 =	vld.idx.msk [tilespmem:v48+s22+$0x0], $0xffff;
	v48 =	vshll.u32 v63, $0x7;
	[tilespmem:s16+$0x0] =	vst v54  }
.LBB2_20:
0x2ea: {  	s29 =	sadd.s32 $0x1, s20;
	v47 =	vand.u32 $0x2000, v47;
	v48 =	vand.u32 $0x300, v48  }
0x2eb: {  	p0 =	slt.u32 s20, $0xE;
	v49 =	vor.u32 v7, v37;
	v33 =	vld.idx.msk [tilespmem:v33+s22+$0x0], $0xffff;
	v20 =	vmovc v17;
	v17 =	vmovc v21;
	v50 =	vmov v36;
	v51 =	vmov v41;
	s21 =	smov.u32 s20;
	s20 =	sadd.s32 $0x2, s20  }
0x2ec: {  	v21 =	vmov s29;
	v36 =	vadd.s32 v15, v47;
	v41 =	vadd.s32 v8, v47;
	v34 =	vld.idx.msk [tilespmem:v34+s22+$0x0], $0xffff;
	[tilespmem:s12+$0x30] =	vst v42  }
0x2ed: {  	v42 =	vadd.s32 v14, v47;
	v52 =	vadd.s32 v10, v47;
	v37 =	vshll.u32 v21, $0xA;
	[tilespmem:s13+$0x10] =	vst v45;
	v38 =	vld.idx.msk [tilespmem:v38+s22+$0x0], $0xffff  }
0x2ee: {  	v36 =	vor.u32 v48, v36;
	v42 =	vor.u32 v48, v42;
	v45 =	vadd.s32 v13, v47;
	[tilespmem:s11+$0x30] =	vst v44  }
0x2ef: {  	v21 =	vshll.u32 v21, $0x7;
	v44 =	vand.u32 $0x2000, v37;
	v36 =	vor.u32 v11, v36;
	v46 =	vld.idx.msk [tilespmem:v46+s22+$0x0], $0xffff;
	[tilespmem:s7+$0x50] =	vst v43  }
0x2f0: {  	v37 =	vadd.s32 v15, v44;
	v43 =	vand.u32 $0x380, v21;
	v21 =	vadd.s32 v13, v44;
	v53 =	vld.idx.msk [tilespmem:v22+s22+$0x0], $0xffff;
	[tilespmem:s5+$0x70] =	vst v40;
	s5 =	smov.u32 s7;
	s7 =	smov.u32 s12;
	s12 =	smov.u32 s16  }
0x2f1: {  	v22 =	vor.u32 v43, v37;
	v37 =	vadd.s32 v14, v44;
	v40 =	vadd.s32 v2, v44;
	[tilespmem:s8+$0x60] =	vst v33  }
0x2f2: {  	v22 =	vor.u32 v11, v22;
	v33 =	vor.u32 v43, v37;
	v37 =	vor.u32 v43, v40;
	[tilespmem:s12+$0x10] =	vst v34  }
0x2f3: {  	v34 =	vor.u32 v12, v33;
	v33 =	vor.u32 v43, v21;
	v21 =	vor.u32 v0, v37;
	v40 =	vld.idx.msk [tilespmem:v19+s22+$0x0], $0xffff  }
0x2f4: {  	v19 =	vadd.s32 v10, v44;
	v54 =	vld.idx.msk [tilespmem:v28+s22+$0x0], $0xffff;
	v28 =	vor.u32 v9, v33;
	v33 =	vor.u32 v1, v18  }
0x2f5: {  	v56 =	vor.u32 v12, v42;
	v37 =	vadd.s32 v8, v44;
	v18 =	vmov v31;
	v55 =	vld.idx.msk [tilespmem:v36+s22+$0x0], $0xffff;
	[tilespmem:s7+$0x40] =	vst v38  }
0x2f6: {  	v57 =	vor.u32 v43, v37;
	v37 =	vor.u32 v48, v52;
	v31 =	vadd.s32 v5, v44;
	v39 =	vld.idx.msk [tilespmem:v39+s22+$0x0], $0xffff  }
0x2f7: {  	s16 =	sadd.s32 $0xFFFFFF80, s17;
	v58 =	vor.u32 v43, v31;
	v52 =	vld.idx.msk [tilespmem:v22+s22+$0x0], $0xffff;
	v22 =	vor.u32 v43, v19;
	[tilespmem:s11+$0x40] =	vst v46;
	v19 =	vmov v27  }
0x2f8: {  	s16 =	sand.u32 $0x300, s16;
	v31 =	vadd.s32 v5, v47;
	v27 =	vadd.s32 v3, v44;
	v44 =	vor.u32 v48, v45;
	v59 =	vld.idx.msk [tilespmem:v35+s22+$0x0], $0xffff  }
0x2f9: {  	s18 =	sadd.s32 $0x800, s18;
	s29 =	sadd.s32 s16, s19;
	v36 =	vor.u32 v48, v31;
	v35 =	vor.u32 v43, v27;
	v27 =	vadd.s32 v3, v47;
	[tilespmem:s8+$0x70] =	vst v40;
	s8 =	smov.u32 s11  }
0x2fa: {  	v41 =	vor.u32 v48, v41;
	s17 =	sadd.s32 $0x100, s17;
	s16 =	sand.u32 $0x2000, s18;
	v38 =	vor.u32 v6, v29;
	v31 =	vor.u32 v48, v27;
	s11 =	smov.u32 s13;
	[tilespmem:s12+$0x20] =	vst v54  }
.Ltmp8:
0x2fb: {  	s19 =	sadd.s32 s16, s10;
	v29 =	vmov v57;
	s13 =	sand.u32 $0x380, s17;
	v40 =	vadd.s32 v2, v47;
	v27 =	vor.u32 v0, v25;
	[tilespmem:s29+$0x0] =	vst v55;
	v42 =	vld.idx.msk [tilespmem:v32+s22+$0x0], $0xffff;
	(pc) =	sbr.rel @p0 .LBB2_20-.Ltmp8, $4  }
0x2fc: {  	s16 =	sadd.s32 s13, s19;
	v25 =	vor.u32 v48, v40;
	s13 =	smov.u32 s29;
	v32 =	vor.u32 v7, v22;
	v22 =	vmov v26;
	v45 =	vld.idx.msk [tilespmem:v56+s22+$0x0], $0xffff;
	[tilespmem:s11+$0x20] =	vst v39  }
0x2fd: {  	v26 =	vor.u32 v1, v23;
	v23 =	vmov v35;
	v39 =	vor.u32 v9, v44;
	[tilespmem:s16+$0x0] =	vst v52;
	v44 =	vld.idx.msk [tilespmem:v49+s22+$0x0], $0xffff  }
0x2fe: {  	v40 =	vmov s21;
	v35 =	vor.u32 v4, v50;
	v43 =	vld.idx.msk [tilespmem:v30+s22+$0x0], $0xffff;
	v30 =	vor.u32 v4, v24;
	[tilespmem:s5+$0x60] =	vst v53;
	v24 =	vmovc v58  }
0x2ff: {  	v46 =	vor.u32 v6, v51;
	v47 =	vshll.u32 v40, $0xA;
	v48 =	vshll.u32 v40, $0x7;
	[tilespmem:s8+$0x50] =	vst v59;
	v40 =	vld.idx.msk [tilespmem:v16+s22+$0x0], $0xffff;
	v16 =	vmovc v20  }
0x300: {  	v20 =	vand.u32 $0x2000, v47  }
0x301: {  	v47 =	vand.u32 $0x300, v48;
	v15 =	vadd.s32 v15, v20  }
0x302: {  	v15 =	vor.u32 v47, v15  }
0x303: {  	v11 =	vor.u32 v11, v15;
	_ =	sdelay $0x3  }
0x304: {  	v14 =	vadd.s32 v14, v20  }
0x305: {  	v14 =	vor.u32 v47, v14;
	v11 =	vld.idx.msk [tilespmem:v11+s22+$0x0], $0xffff  }
0x306: {  	v12 =	vor.u32 v12, v14  }
0x307: {  	s10 =	sadd.s32 $0xFFFFFF80, s17  }
0x308: {  	s10 =	sand.u32 $0x300, s10  }
0x309: {  	s10 =	sadd.s32 s10, s19  }
0x30a: {  	v57 =	vld.idx.msk [tilespmem:v34+s22+$0x0], $0xffff;
	v13 =	vadd.s32 v13, v20;
	[tilespmem:s10+$0x0] =	vst v11  }
0x30b: {  	v58 =	vor.u32 v47, v13;
	v12 =	vld.idx.msk [tilespmem:v12+s22+$0x0], $0xffff  }
0x30c: {  	v9 =	vor.u32 v9, v58;
	_ =	sdelay $0x1  }
0x30d: {  	[tilespmem:s13+$0x10] =	vst v45  }
0x30e: {  	v59 =	vld.idx.msk [tilespmem:v39+s22+$0x0], $0xffff;
	[tilespmem:s16+$0x10] =	vst v57  }
0x30f: {  	v60 =	vor.u32 v7, v37;
	v10 =	vadd.s32 v10, v20;
	v14 =	vld.idx.msk [tilespmem:v28+s22+$0x0], $0xffff;
	[tilespmem:s10+$0x10] =	vst v12  }
0x310: {  	v10 =	vor.u32 v47, v10;
	v9 =	vld.idx.msk [tilespmem:v9+s22+$0x0], $0xffff  }
0x311: {  	v61 =	vor.u32 v7, v10  }
0x312: {  	[tilespmem:s12+$0x30] =	vst v42  }
0x313: {  	[tilespmem:s13+$0x20] =	vst v59  }
0x314: {  	v62 =	vld.idx.msk [tilespmem:v60+s22+$0x0], $0xffff;
	[tilespmem:s16+$0x20] =	vst v14  }
0x315: {  	v8 =	vadd.s32 v8, v20;
	v28 =	vor.u32 v6, v41;
	v63 =	vld.idx.msk [tilespmem:v32+s22+$0x0], $0xffff;
	[tilespmem:s10+$0x20] =	vst v9  }
0x316: {  	[tilespmem:s11+$0x30] =	vst v44;
	v8 =	vor.u32 v47, v8;
	v32 =	vor.u32 v6, v29;
	v7 =	vld.idx.msk [tilespmem:v61+s22+$0x0], $0xffff  }
0x317: {  	v34 =	vld.idx.msk [tilespmem:v33+s22+$0x0], $0xffff;
	[tilespmem:s7+$0x50] =	vst v43;
	v37 =	vor.u32 v6, v8  }
0x318: {  	[tilespmem:s5+$0x70] =	vst v40;
	v41 =	vld.idx.msk [tilespmem:v38+s22+$0x0], $0xffff  }
0x319: {  	v39 =	vld.idx.msk [tilespmem:v46+s22+$0x0], $0xffff;
	[tilespmem:s13+$0x30] =	vst v62  }
0x31a: {  	v10 =	vld.idx.msk [tilespmem:v28+s22+$0x0], $0xffff;
	[tilespmem:s16+$0x30] =	vst v63  }
0x31b: {  	v42 =	vor.u32 v4, v36;
	v5 =	vadd.s32 v5, v20;
	v9 =	vld.idx.msk [tilespmem:v32+s22+$0x0], $0xffff;
	[tilespmem:s10+$0x30] =	vst v7  }
0x31c: {  	v5 =	vor.u32 v47, v5;
	v43 =	vor.u32 v4, v24;
	[tilespmem:s8+$0x60] =	vst v34;
	v6 =	vld.idx.msk [tilespmem:v37+s22+$0x0], $0xffff  }
0x31d: {  	v45 =	vor.u32 v4, v5;
	v53 =	vld.idx.msk [tilespmem:v22+s22+$0x0], $0xffff;
	[tilespmem:s12+$0x40] =	vst v41  }
0x31e: {  	[tilespmem:s11+$0x40] =	vst v39;
	v49 =	vld.idx.msk [tilespmem:v30+s22+$0x0], $0xffff  }
0x31f: {  	v46 =	vld.idx.msk [tilespmem:v35+s22+$0x0], $0xffff;
	[tilespmem:s13+$0x40] =	vst v10  }
0x320: {  	v48 =	vor.u32 v1, v18;
	v50 =	vld.idx.msk [tilespmem:v42+s22+$0x0], $0xffff;
	[tilespmem:s16+$0x40] =	vst v9  }
0x321: {  	v51 =	vor.u32 v1, v31;
	v3 =	vadd.s32 v3, v20;
	v7 =	vld.idx.msk [tilespmem:v43+s22+$0x0], $0xffff;
	[tilespmem:s10+$0x40] =	vst v6  }
0x322: {  	v52 =	vor.u32 v1, v23;
	v3 =	vor.u32 v47, v3;
	[tilespmem:s7+$0x60] =	vst v53;
	v4 =	vld.idx.msk [tilespmem:v45+s22+$0x0], $0xffff  }
0x323: {  	v54 =	vor.u32 v1, v3;
	v44 =	vld.idx.msk [tilespmem:v19+s22+$0x0], $0xffff;
	[tilespmem:s12+$0x50] =	vst v49  }
0x324: {  	[tilespmem:s11+$0x50] =	vst v46;
	v56 =	vld.idx.msk [tilespmem:v26+s22+$0x0], $0xffff  }
0x325: {  	v55 =	vld.idx.msk [tilespmem:v48+s22+$0x0], $0xffff;
	[tilespmem:s13+$0x50] =	vst v50  }
0x326: {  	v57 =	vld.idx.msk [tilespmem:v51+s22+$0x0], $0xffff;
	[tilespmem:s16+$0x50] =	vst v7  }
0x327: {  	v2 =	vadd.s32 v2, v20;
	v58 =	vor.u32 v0, v25;
	v6 =	vld.idx.msk [tilespmem:v52+s22+$0x0], $0xffff;
	[tilespmem:s10+$0x50] =	vst v4  }
0x328: {  	v2 =	vor.u32 v47, v2;
	[tilespmem:s8+$0x70] =	vst v44;
	v1 =	vld.idx.msk [tilespmem:v54+s22+$0x0], $0xffff  }
0x329: {  	v60 =	vor.u32 v0, v2;
	v59 =	vld.idx.msk [tilespmem:v16+s22+$0x0], $0xffff;
	[tilespmem:s12+$0x60] =	vst v56  }
0x32a: {  	[tilespmem:s11+$0x60] =	vst v55;
	v62 =	vld.idx.msk [tilespmem:v17+s22+$0x0], $0xffff  }
0x32b: {  	v61 =	vld.idx.msk [tilespmem:v27+s22+$0x0], $0xffff;
	[tilespmem:s13+$0x60] =	vst v57  }
0x32c: {  	v63 =	vld.idx.msk [tilespmem:v58+s22+$0x0], $0xffff;
	[tilespmem:s16+$0x60] =	vst v6  }
0x32d: {  	s2 =	sadd.s32 $0x1, s2;
	v6 =	vld.idx.msk [tilespmem:v21+s22+$0x0], $0xffff;
	[tilespmem:s10+$0x60] =	vst v1  }
0x32e: {  	p0 =	sne.s32 s2, $0x8;
	[tilespmem:s7+$0x70] =	vst v59;
	v0 =	vld.idx.msk [tilespmem:v60+s22+$0x0], $0xffff  }
.Ltmp9:
0x32f: {  	[tilespmem:s12+$0x70] =	vst v62;
	(pc) =	sbr.rel @p0 .LBB2_19-.Ltmp9, $4  }
0x330: {  	[tilespmem:s11+$0x70] =	vst v61  }
0x331: {  	[tilespmem:s13+$0x70] =	vst v63  }
0x332: {  	[tilespmem:s16+$0x70] =	vst v6  }
0x333: {  	[tilespmem:s10+$0x70] =	vst v0  }
0x334: {  	s31 =	sshll.u32 s30, $0x6  }
0x335: {  	s0 =	sadd.s32 s31, s4  }
0x336: {  	s0 =	sshll.u32 s0, $0x7  }
0x337: {  	s0 =	sadd.s32 s1, s0  }
0x338: {  	s2 =	sadd.s32 $0x1000, s0;
	s0 =	simm.s32 $0x0  }
0x339: {  	[tilespmem:s22], [sflag:$0x1] =	stream.linear.gather [hbm4b:s2+s0], $0x4000, $0x38;
	[tilespmem:$0x18400] =	vst v63  }
0x33a: {  	_ =	swait.ge [sflag:s24], $0x4000  }
0x33b: {  	[sflag:s24] =	ssyncset.done $0x0  }
0x33c: {  	s2 =	simm.s32 $0x0;
	[sflag:s24] =	ssyncadd.s32 $0xFFFFC000  }
.LBB2_23:
0x33d: {  	s5 =	sshll.u32 s2, $0x7  }
0x33e: {  	s5 =	sand.u32 $0x3FFFFF80, s5  }
0x33f: {  	v0 =	vld [tilespmem:s5+$0x0];
	_ =	sdelay $0x2  }
0x340: {  	s7 =	simm.s32 $0x1  }
0x341: {  	v1 =	vmov s7  }
0x342: {  	v3 =	vshll.u32 v1, $0xA;
	v2 =	vshll.u32 v0, $0x3  }
0x343: {  	v4 =	vld [tilespmem:s5+$0x10];
	v1 =	vshll.u32 v1, $0x7;
	v20 =	vand.u32 $0x2000, v3;
	v12 =	vand.u32 $0xFFFFFC00, v2  }
0x344: {  	v26 =	vand.u32 $0x380, v1;
	v1 =	vadd.s32 v12, v20  }
0x345: {  	v14 =	vand.u32 $0x7F, v0;
	v0 =	vmov s0;
	v1 =	vor.u32 v26, v1  }
0x346: {  	v2 =	vshll.u32 v0, $0xA;
	v1 =	vor.u32 v14, v1  }
0x347: {  	v0 =	vshll.u32 v0, $0x7;
	v25 =	vand.u32 $0x2000, v2  }
0x348: {  	v5 =	vld [tilespmem:s5+$0x30];
	v3 =	vshll.u32 v4, $0x3;
	v24 =	vand.u32 $0x300, v0;
	v0 =	vadd.s32 v12, v25  }
0x349: {  	v17 =	vand.u32 $0xFFFFFC00, v3;
	v2 =	vld [tilespmem:s5+$0x20];
	v0 =	vor.u32 v24, v0  }
0x34a: {  	v3 =	vadd.s32 v17, v20;
	v0 =	vor.u32 v14, v0  }
0x34b: {  	v16 =	vand.u32 $0x7F, v4;
	v3 =	vor.u32 v26, v3;
	v1 =	vld.idx.msk [tilespmem:v1+s23+$0x0], $0xffff  }
0x34c: {  	s10 =	sshll.u32 s2, $0xA;
	s8 =	simm.s32 $0x4400;
	v7 =	vld [tilespmem:s5+$0x40];
	v4 =	vor.u32 v16, v3  }
0x34d: {  	s11 =	sadd.s32 $0x8400, s10;
	s7 =	sand.u32 $0x6000, s8;
	s8 =	simm.s32 $0x880;
	v8 =	vld [tilespmem:s5+$0x50];
	v6 =	vand.u32 $0x7F, v5  }
0x34e: {  	v9 =	vld [tilespmem:s5+$0x60];
	s12 =	sand.u32 $0x380, s8;
	s7 =	sadd.s32 s7, s11;
	v3 =	vadd.s32 v17, v25;
	v11 =	vand.u32 $0x7F, v2;
	v2 =	vshll.u32 v2, $0x3  }
0x34f: {  	s13 =	simm.s32 $0x2;
	s16 =	sadd.s32 s12, s7;
	v18 =	vand.u32 $0xFFFFFC00, v2;
	v2 =	vor.u32 v24, v3;
	v3 =	vshll.u32 v5, $0x3;
	v0 =	vld.idx.msk [tilespmem:v0+s23+$0x0], $0xffff  }
0x350: {  	v27 =	vld [tilespmem:s5+$0x70];
	v5 =	vmov s13;
	v2 =	vor.u32 v16, v2;
	[tilespmem:s16+$0x0] =	vst v1;
	v1 =	vadd.s32 v18, v20  }
0x351: {  	s17 =	sand.u32 $0x2000, s0;
	v10 =	vand.u32 $0xFFFFFC00, v3;
	v3 =	vand.u32 $0x7F, v7;
	v4 =	vld.idx.msk [tilespmem:v4+s23+$0x0], $0xffff;
	v1 =	vor.u32 v26, v1  }
0x352: {  	s18 =	sand.u32 $0x300, s0;
	s7 =	sadd.s32 s10, s17;
	v7 =	vshll.u32 v7, $0x3;
	v13 =	vshll.u32 v5, $0x7;
	v1 =	vor.u32 v11, v1  }
0x353: {  	s19 =	simm.s32 $0x3;
	s8 =	sadd.s32 s18, s7;
	v15 =	vadd.s32 v18, v25;
	v5 =	vshll.u32 v5, $0xA;
	v21 =	vadd.s32 v10, v20  }
0x354: {  	[tilespmem:s8+$0xC400] =	vst v0;
	v0 =	vand.u32 $0x300, v13;
	v13 =	vor.u32 v24, v15;
	v15 =	vmov s19  }
0x355: {  	v19 =	vld.idx.msk [tilespmem:v2+s23+$0x0], $0xffff;
	v2 =	vand.u32 $0x2000, v5;
	v5 =	vshll.u32 v15, $0xA;
	v15 =	vshll.u32 v15, $0x7  }
0x356: {  	v13 =	vor.u32 v11, v13;
	v5 =	vand.u32 $0x2000, v5;
	[tilespmem:s16+$0x10] =	vst v4;
	v4 =	vand.u32 $0x380, v15  }
0x357: {  	v15 =	vor.u32 v26, v21;
	v21 =	vadd.s32 v12, v2;
	v22 =	vld.idx.msk [tilespmem:v1+s23+$0x0], $0xffff;
	v1 =	vadd.s32 v12, v5  }
0x358: {  	v23 =	vor.u32 v6, v15;
	v15 =	vand.u32 $0xFFFFFC00, v7;
	v7 =	vor.u32 v0, v21  }
0x359: {  	v1 =	vor.u32 v4, v1;
	v28 =	vor.u32 v14, v7  }
0x35a: {  	v30 =	vadd.s32 v17, v2;
	v33 =	vadd.s32 v18, v2;
	v21 =	vor.u32 v14, v1  }
0x35b: {  	s25 =	simm.s32 $0x5;
	v53 =	vadd.s32 v10, v2;
	v29 =	vadd.s32 v17, v5;
	[tilespmem:s8+$0xC410] =	vst v19;
	v19 =	vadd.s32 v10, v25  }
0x35c: {  	v50 =	vmov s25;
	v30 =	vor.u32 v0, v30;
	v13 =	vld.idx.msk [tilespmem:v13+s23+$0x0], $0xffff;
	v19 =	vor.u32 v24, v19;
	[tilespmem:s16+$0x20] =	vst v22  }
0x35d: {  	v35 =	vadd.s32 v18, v5;
	v19 =	vor.u32 v6, v19;
	v22 =	vadd.s32 v15, v20;
	v23 =	vld.idx.msk [tilespmem:v23+s23+$0x0], $0xffff  }
0x35e: {  	v33 =	vor.u32 v0, v33;
	v30 =	vor.u32 v16, v30;
	v22 =	vor.u32 v26, v22;
	v28 =	vld.idx.msk [tilespmem:v28+s23+$0x0], $0xffff  }
0x35f: {  	s20 =	simm.s32 $0x4;
	s21 =	simm.s32 $0x800;
	s12 =	simm.s32 $0x4C00;
	v29 =	vor.u32 v4, v29;
	v7 =	vand.u32 $0x7F, v8;
	v21 =	vld.idx.msk [tilespmem:v21+s23+$0x0], $0xffff;
	v22 =	vor.u32 v3, v22  }
0x360: {  	s17 =	simm.s32 $0x100;
	s7 =	sand.u32 $0x2000, s21;
	s12 =	sand.u32 $0x6000, s12;
	v29 =	vor.u32 v16, v29;
	v31 =	vadd.s32 v15, v25;
	v1 =	vshll.u32 v8, $0x3  }
0x361: {  	s17 =	sand.u32 $0x300, s17;
	s7 =	sadd.s32 s10, s7;
	s13 =	simm.s32 $0x980;
	v8 =	vand.u32 $0xFFFFFC00, v1;
	v1 =	vand.u32 $0x7F, v9;
	v9 =	vshll.u32 v9, $0x3;
	[tilespmem:s8+$0xC420] =	vst v13  }
0x362: {  	s12 =	sadd.s32 s12, s11;
	s7 =	sadd.s32 s17, s7;
	s13 =	sand.u32 $0x380, s13;
	v33 =	vor.u32 v11, v33;
	v9 =	vand.u32 $0xFFFFFC00, v9;
	v13 =	vor.u32 v24, v31;
	v19 =	vld.idx.msk [tilespmem:v19+s23+$0x0], $0xffff;
	[tilespmem:s16+$0x30] =	vst v23  }
0x363: {  	s5 =	sadd.s32 s13, s12;
	v34 =	vadd.s32 v8, v20;
	v32 =	vor.u32 v3, v13;
	v13 =	vmov s20;
	[tilespmem:s7+$0xC400] =	vst v28  }
0x364: {  	v63 =	vadd.s32 v8, v2;
	v34 =	vor.u32 v26, v34;
	v23 =	vshll.u32 v13, $0x7;
	[tilespmem:s5+$0x0] =	vst v21;
	v21 =	vld.idx.msk [tilespmem:v22+s23+$0x0], $0xffff  }
0x365: {  	v54 =	vadd.s32 v9, v25;
	v22 =	vshll.u32 v13, $0xA;
	v13 =	vand.u32 $0x300, v23;
	v30 =	vld.idx.msk [tilespmem:v30+s23+$0x0], $0xffff  }
0x366: {  	v23 =	vor.u32 v4, v35;
	v28 =	vld.idx.msk [tilespmem:v29+s23+$0x0], $0xffff;
	v29 =	vor.u32 v7, v34;
	v22 =	vand.u32 $0x2000, v22  }
0x367: {  	[tilespmem:s8+$0xC430] =	vst v19;
	v49 =	vor.u32 v11, v23;
	v23 =	vadd.s32 v8, v25;
	v19 =	vadd.s32 v12, v22  }
0x368: {  	v34 =	vor.u32 v0, v53;
	v23 =	vor.u32 v24, v23;
	v19 =	vor.u32 v13, v19  }
0x369: {  	v32 =	vld.idx.msk [tilespmem:v32+s23+$0x0], $0xffff;
	v37 =	vor.u32 v7, v23;
	v36 =	vor.u32 v14, v19;
	v19 =	vshll.u32 v50, $0x7;
	[tilespmem:s16+$0x40] =	vst v21  }
0x36a: {  	v23 =	vshll.u32 v50, $0xA;
	v21 =	vand.u32 $0x380, v19;
	v19 =	vadd.s32 v9, v20;
	[tilespmem:s7+$0xC410] =	vst v30  }
0x36b: {  	v23 =	vand.u32 $0x2000, v23;
	v30 =	vadd.s32 v10, v5;
	[tilespmem:s5+$0x10] =	vst v28;
	v28 =	vld.idx.msk [tilespmem:v29+s23+$0x0], $0xffff;
	v19 =	vor.u32 v26, v19  }
0x36c: {  	v51 =	vadd.s32 v12, v23;
	v30 =	vor.u32 v4, v30;
	v29 =	vld.idx.msk [tilespmem:v49+s23+$0x0], $0xffff;
	v52 =	vor.u32 v1, v19  }
0x36d: {  	v57 =	vadd.s32 v17, v23;
	v62 =	vadd.s32 v18, v23;
	v30 =	vor.u32 v6, v30  }
0x36e: {  	v31 =	vshll.u32 v27, $0x3;
	v33 =	vld.idx.msk [tilespmem:v33+s23+$0x0], $0xffff;
	[tilespmem:s8+$0xC440] =	vst v32;
	v32 =	vor.u32 v24, v54;
	v19 =	vor.u32 v21, v51  }
0x36f: {  	v32 =	vor.u32 v1, v32;
	v38 =	vor.u32 v14, v19;
	v37 =	vld.idx.msk [tilespmem:v37+s23+$0x0], $0xffff;
	v19 =	vand.u32 $0xFFFFFC00, v31  }
0x370: {  	v31 =	vor.u32 v6, v34;
	v55 =	vld.idx.msk [tilespmem:v36+s23+$0x0], $0xffff;
	v56 =	vadd.s32 v19, v20;
	[tilespmem:s16+$0x50] =	vst v28  }
0x371: {  	v20 =	vand.u32 $0x7F, v27;
	v26 =	vor.u32 v26, v56;
	[tilespmem:s5+$0x20] =	vst v29;
	v27 =	vld.idx.msk [tilespmem:v52+s23+$0x0], $0xffff;
	v29 =	vadd.s32 v15, v5  }
0x372: {  	v28 =	vadd.s32 v17, v22;
	v36 =	vor.u32 v20, v26;
	v30 =	vld.idx.msk [tilespmem:v30+s23+$0x0], $0xffff;
	v29 =	vor.u32 v4, v29  }
0x373: {  	s29 =	simm.s32 $0x6;
	s18 =	simm.s32 $0x200;
	v25 =	vadd.s32 v19, v25;
	v28 =	vor.u32 v13, v28;
	v29 =	vor.u32 v3, v29  }
0x374: {  	s25 =	simm.s32 $0x5400;
	s21 =	sand.u32 $0x300, s18;
	s17 =	simm.s32 $0x1000;
	[tilespmem:s7+$0xC420] =	vst v33;
	v26 =	vor.u32 v21, v57;
	v58 =	vld.idx.msk [tilespmem:v38+s23+$0x0], $0xffff;
	v28 =	vor.u32 v16, v28  }
0x375: {  	s13 =	sand.u32 $0x6000, s25;
	s19 =	sand.u32 $0x2000, s17;
	s20 =	simm.s32 $0xA80;
	v60 =	vor.u32 v16, v26;
	v26 =	vadd.s32 v15, v2;
	v59 =	vld.idx.msk [tilespmem:v31+s23+$0x0], $0xffff;
	[tilespmem:s8+$0xC450] =	vst v37  }
0x376: {  	s13 =	sadd.s32 s13, s11;
	s19 =	sadd.s32 s10, s19;
	s20 =	sand.u32 $0x380, s20;
	v24 =	vor.u32 v24, v25;
	v26 =	vor.u32 v0, v26;
	v37 =	vld.idx.msk [tilespmem:v32+s23+$0x0], $0xffff;
	[tilespmem:s16+$0x60] =	vst v27  }
0x377: {  	s12 =	sadd.s32 s20, s13;
	s13 =	sadd.s32 s21, s19;
	v25 =	vmov s29;
	v39 =	vor.u32 v3, v26;
	v26 =	vadd.s32 v9, v2;
	[tilespmem:s5+$0x30] =	vst v30;
	v40 =	vld.idx.msk [tilespmem:v36+s23+$0x0], $0xffff  }
0x378: {  	v61 =	vshll.u32 v25, $0xA;
	[tilespmem:s13+$0xC400] =	vst v55;
	v27 =	vor.u32 v20, v24;
	v31 =	vld.idx.msk [tilespmem:v29+s23+$0x0], $0xffff;
	v29 =	vadd.s32 v8, v5  }
0x379: {  	v24 =	vshll.u32 v25, $0x7;
	v30 =	vadd.s32 v18, v22;
	[tilespmem:s12+$0x0] =	vst v58;
	v33 =	vld.idx.msk [tilespmem:v28+s23+$0x0], $0xffff;
	v29 =	vor.u32 v4, v29  }
0x37a: {  	v25 =	vand.u32 $0x300, v24;
	v28 =	vor.u32 v21, v62;
	v32 =	vld.idx.msk [tilespmem:v60+s23+$0x0], $0xffff;
	v35 =	vor.u32 v7, v29  }
0x37b: {  	[tilespmem:s7+$0xC430] =	vst v59;
	v24 =	vand.u32 $0x2000, v61;
	v34 =	vor.u32 v11, v28;
	v29 =	vor.u32 v13, v30  }
0x37c: {  	s29 =	simm.s32 $0x7;
	[tilespmem:s8+$0xC460] =	vst v37;
	v28 =	vadd.s32 v12, v24;
	v30 =	vld.idx.msk [tilespmem:v39+s23+$0x0], $0xffff;
	v36 =	vor.u32 v11, v29  }
0x37d: {  	s19 =	simm.s32 $0x8;
	v37 =	vor.u32 v0, v63;
	v38 =	vor.u32 v25, v28;
	v29 =	vld.idx.msk [tilespmem:v27+s23+$0x0], $0xffff;
	v27 =	vmov s29;
	[tilespmem:s16+$0x70] =	vst v40  }
.LBB2_24:
0x37e: {  	p0 =	slt.u32 s19, $0xE;
	v28 =	vor.u32 v14, v38;
	v38 =	vshll.u32 v27, $0x7;
	v37 =	vor.u32 v7, v37;
	[tilespmem:s5+$0x40] =	vst v31  }
0x37f: {  	v27 =	vshll.u32 v27, $0xA;
	v31 =	vand.u32 $0x380, v38;
	[tilespmem:s12+$0x10] =	vst v32;
	v32 =	vld.idx.msk [tilespmem:v35+s23+$0x0], $0xffff;
	v35 =	vadd.s32 v9, v5  }
0x380: {  	v27 =	vand.u32 $0x2000, v27;
	[tilespmem:s13+$0xC410] =	vst v33;
	v33 =	vld.idx.msk [tilespmem:v34+s23+$0x0], $0xffff;
	v34 =	vadd.s32 v10, v23;
	v35 =	vor.u32 v4, v35  }
0x381: {  	v38 =	vadd.s32 v12, v27;
	v36 =	vld.idx.msk [tilespmem:v36+s23+$0x0], $0xffff;
	v34 =	vor.u32 v21, v34;
	v35 =	vor.u32 v1, v35  }
0x382: {  	v39 =	vadd.s32 v10, v22;
	v38 =	vor.u32 v31, v38;
	v34 =	vor.u32 v6, v34;
	[tilespmem:s7+$0xC440] =	vst v30  }
0x383: {  	v30 =	vor.u32 v14, v38;
	v38 =	vor.u32 v13, v39;
	v37 =	vld.idx.msk [tilespmem:v37+s23+$0x0], $0xffff;
	[tilespmem:s8+$0xC470] =	vst v29;
	s8 =	smov.u32 s7;
	s7 =	smov.u32 s13  }
0x384: {  	v26 =	vor.u32 v0, v26;
	v29 =	vor.u32 v6, v38  }
0x385: {  	v26 =	vor.u32 v1, v26;
	v28 =	vld.idx.msk [tilespmem:v28+s23+$0x0], $0xffff;
	[tilespmem:s5+$0x50] =	vst v32  }
0x386: {  	v32 =	vadd.s32 v17, v24;
	[tilespmem:s12+$0x20] =	vst v33;
	v33 =	vld.idx.msk [tilespmem:v35+s23+$0x0], $0xffff;
	v35 =	vadd.s32 v19, v5;
	v5 =	vmov v23  }
0x387: {  	[tilespmem:s7+$0xC420] =	vst v36;
	v34 =	vld.idx.msk [tilespmem:v34+s23+$0x0], $0xffff;
	v23 =	vadd.s32 v15, v5;
	v35 =	vor.u32 v4, v35;
	v4 =	vmov v21  }
0x388: {  	v39 =	vadd.s32 v17, v27;
	v30 =	vld.idx.msk [tilespmem:v30+s23+$0x0], $0xffff;
	v23 =	vor.u32 v4, v23;
	v35 =	vor.u32 v20, v35  }
0x389: {  	s17 =	sadd.s32 $0x800, s17;
	v36 =	vor.u32 v31, v39;
	v21 =	vmov v31;
	v29 =	vld.idx.msk [tilespmem:v29+s23+$0x0], $0xffff;
	v38 =	vor.u32 v3, v23;
	[tilespmem:s8+$0xC450] =	vst v37  }
0x38a: {  	s18 =	sadd.s32 $0x100, s18;
	s16 =	sadd.s32 $0x4400, s17;
	s13 =	sand.u32 $0x2000, s17;
	v39 =	vor.u32 v25, v32;
	v31 =	vadd.s32 v15, v22;
	v32 =	vor.u32 v16, v36;
	v36 =	vld.idx.msk [tilespmem:v26+s23+$0x0], $0xffff  }
0x38b: {  	v41 =	vadd.s32 v19, v2;
	s20 =	sadd.s32 $0x880, s18;
	s16 =	sand.u32 $0x6000, s16;
	s13 =	sadd.s32 s10, s13;
	v37 =	vor.u32 v16, v39;
	v26 =	vor.u32 v13, v31;
	v23 =	vmovc v27  }
0x38c: {  	s21 =	sand.u32 $0x300, s18;
	s20 =	sand.u32 $0x380, s20;
	s16 =	sadd.s32 s16, s11;
	v31 =	vor.u32 v0, v41;
	v0 =	vmovc v13;
	v13 =	vmov v25;
	v27 =	vor.u32 v3, v26;
	[tilespmem:s5+$0x60] =	vst v33  }
0x38d: {  	v2 =	vmovc v22;
	s16 =	sadd.s32 s20, s16;
	s13 =	sadd.s32 s21, s13;
	v25 =	vmov s19;
	v26 =	vadd.s32 v9, v22;
	v39 =	vor.u32 v20, v31;
	[tilespmem:s12+$0x30] =	vst v34;
	v40 =	vld.idx.msk [tilespmem:v35+s23+$0x0], $0xffff  }
0x38e: {  	v22 =	vshll.u32 v25, $0x7;
	v34 =	vadd.s32 v18, v24;
	[tilespmem:s16+$0x0] =	vst v30;
	v31 =	vld.idx.msk [tilespmem:v38+s23+$0x0], $0xffff;
	v30 =	vadd.s32 v8, v5  }
.Ltmp10:
0x38f: {  	v38 =	vshll.u32 v25, $0xA;
	[tilespmem:s13+$0xC400] =	vst v28;
	v32 =	vld.idx.msk [tilespmem:v32+s23+$0x0], $0xffff;
	v28 =	vadd.s32 v18, v23;
	v30 =	vor.u32 v4, v30;
	(pc) =	sbr.rel @p0 .LBB2_24-.Ltmp10, $4  }
0x390: {  	v25 =	vand.u32 $0x300, v22;
	v33 =	vld.idx.msk [tilespmem:v37+s23+$0x0], $0xffff;
	v22 =	vor.u32 v21, v28;
	[tilespmem:s7+$0xC430] =	vst v29;
	v35 =	vor.u32 v7, v30  }
0x391: {  	v28 =	vand.u32 $0x2000, v38;
	v29 =	vor.u32 v13, v34;
	v34 =	vor.u32 v11, v22;
	v30 =	vld.idx.msk [tilespmem:v27+s23+$0x0], $0xffff;
	[tilespmem:s8+$0xC460] =	vst v36  }
0x392: {  	s20 =	sadd.s32 $0x1, s19;
	v37 =	vadd.s32 v8, v2;
	v41 =	vadd.s32 v12, v28;
	v36 =	vor.u32 v11, v29;
	v29 =	vld.idx.msk [tilespmem:v39+s23+$0x0], $0xffff  }
0x393: {  	s19 =	sadd.s32 $0x2, s19;
	v27 =	vmov s20;
	v37 =	vor.u32 v0, v37;
	v38 =	vor.u32 v25, v41;
	[tilespmem:s5+$0x70] =	vst v40;
	v22 =	vmovc v24;
	v24 =	vmovc v28;
	s5 =	smov.u32 s12;
	s12 =	smov.u32 s16  }
0x394: {  	v28 =	vshll.u32 v27, $0xA  }
0x395: {  	v42 =	vshll.u32 v27, $0x7;
	v28 =	vand.u32 $0x2000, v28  }
0x396: {  	v27 =	vand.u32 $0x380, v42;
	v12 =	vadd.s32 v12, v28  }
0x397: {  	v12 =	vor.u32 v27, v12  }
0x398: {  	v12 =	vor.u32 v14, v12  }
0x399: {  	v43 =	vor.u32 v14, v38;
	_ =	sdelay $0x2  }
0x39a: {  	v44 =	vadd.s32 v17, v28  }
0x39b: {  	v45 =	vadd.s32 v17, v24;
	s16 =	sadd.s32 $0x800, s17;
	v38 =	vor.u32 v27, v44;
	v12 =	vld.idx.msk [tilespmem:v12+s23+$0x0], $0xffff  }
0x39c: {  	s18 =	sadd.s32 $0x100, s18;
	s17 =	sadd.s32 $0x4400, s16;
	v17 =	vor.u32 v25, v45;
	v38 =	vor.u32 v16, v38;
	v14 =	vld.idx.msk [tilespmem:v43+s23+$0x0], $0xffff  }
0x39d: {  	s19 =	sadd.s32 $0x880, s18;
	s17 =	sand.u32 $0x6000, s17;
	v46 =	vor.u32 v16, v17  }
0x39e: {  	s16 =	sand.u32 $0x2000, s16;
	s25 =	sand.u32 $0x380, s19;
	s11 =	sadd.s32 s17, s11  }
0x39f: {  	s29 =	sand.u32 $0x300, s18;
	s10 =	sadd.s32 s10, s16;
	s11 =	sadd.s32 s25, s11  }
0x3a0: {  	v47 =	vor.u32 v7, v37;
	v48 =	vadd.s32 v18, v28;
	s10 =	sadd.s32 s29, s10;
	[tilespmem:s11+$0x0] =	vst v12  }
0x3a1: {  	v49 =	vadd.s32 v18, v24;
	[tilespmem:s10+$0xC400] =	vst v14;
	v12 =	vor.u32 v27, v48;
	v50 =	vld.idx.msk [tilespmem:v38+s23+$0x0], $0xffff  }
0x3a2: {  	v51 =	vadd.s32 v10, v23;
	v18 =	vor.u32 v25, v49;
	v16 =	vld.idx.msk [tilespmem:v46+s23+$0x0], $0xffff;
	v12 =	vor.u32 v11, v12  }
0x3a3: {  	[tilespmem:s5+$0x40] =	vst v31;
	v54 =	vadd.s32 v10, v22;
	v55 =	vadd.s32 v9, v5;
	v52 =	vor.u32 v11, v18  }
0x3a4: {  	[tilespmem:s12+$0x10] =	vst v32;
	v58 =	vadd.s32 v10, v24;
	v62 =	vadd.s32 v15, v23;
	v63 =	vadd.s32 v15, v22  }
0x3a5: {  	[tilespmem:s13+$0xC410] =	vst v33;
	v53 =	vld.idx.msk [tilespmem:v34+s23+$0x0], $0xffff;
	v32 =	vor.u32 v21, v51;
	v33 =	vor.u32 v13, v54  }
0x3a6: {  	v56 =	vld.idx.msk [tilespmem:v36+s23+$0x0], $0xffff;
	v32 =	vor.u32 v6, v32;
	v57 =	vadd.s32 v10, v28;
	[tilespmem:s11+$0x10] =	vst v50  }
0x3a7: {  	v33 =	vor.u32 v6, v33;
	v14 =	vor.u32 v27, v57;
	[tilespmem:s10+$0xC410] =	vst v16;
	v12 =	vld.idx.msk [tilespmem:v12+s23+$0x0], $0xffff  }
0x3a8: {  	v37 =	vadd.s32 v15, v24;
	v10 =	vor.u32 v25, v58;
	v14 =	vor.u32 v6, v14;
	v11 =	vld.idx.msk [tilespmem:v52+s23+$0x0], $0xffff  }
0x3a9: {  	v39 =	vadd.s32 v8, v23;
	v34 =	vor.u32 v4, v55;
	[tilespmem:s7+$0xC440] =	vst v30;
	v60 =	vor.u32 v6, v10  }
0x3aa: {  	v2 =	vadd.s32 v19, v2;
	v31 =	vld.idx.msk [tilespmem:v35+s23+$0x0], $0xffff;
	v59 =	vor.u32 v1, v34;
	[tilespmem:s12+$0x20] =	vst v53  }
0x3ab: {  	v30 =	vor.u32 v13, v63;
	v18 =	vor.u32 v21, v62;
	[tilespmem:s13+$0xC420] =	vst v56;
	v61 =	vld.idx.msk [tilespmem:v32+s23+$0x0], $0xffff  }
0x3ac: {  	v35 =	vadd.s32 v15, v28;
	v18 =	vor.u32 v3, v18;
	v34 =	vld.idx.msk [tilespmem:v33+s23+$0x0], $0xffff;
	[tilespmem:s11+$0x20] =	vst v12  }
0x3ad: {  	v30 =	vor.u32 v3, v30;
	[tilespmem:s10+$0xC420] =	vst v11;
	v12 =	vor.u32 v27, v35;
	v36 =	vld.idx.msk [tilespmem:v14+s23+$0x0], $0xffff  }
0x3ae: {  	v42 =	vor.u32 v21, v39;
	v6 =	vld.idx.msk [tilespmem:v60+s23+$0x0], $0xffff;
	v12 =	vor.u32 v3, v12;
	v14 =	vor.u32 v25, v37  }
0x3af: {  	v51 =	vadd.s32 v9, v22;
	v54 =	vadd.s32 v9, v24;
	[tilespmem:s8+$0xC470] =	vst v29;
	v40 =	vor.u32 v3, v14  }
0x3b0: {  	v45 =	vadd.s32 v8, v28;
	v58 =	vadd.s32 v19, v23;
	v17 =	vld.idx.msk [tilespmem:v47+s23+$0x0], $0xffff;
	[tilespmem:s12+$0x30] =	vst v61  }
0x3b1: {  	v10 =	vor.u32 v7, v42;
	v43 =	vadd.s32 v8, v22;
	v18 =	vld.idx.msk [tilespmem:v18+s23+$0x0], $0xffff;
	[tilespmem:s13+$0xC430] =	vst v34  }
0x3b2: {  	v46 =	vadd.s32 v8, v24;
	v44 =	vld.idx.msk [tilespmem:v30+s23+$0x0], $0xffff;
	v16 =	vor.u32 v13, v43;
	[tilespmem:s11+$0x30] =	vst v36  }
0x3b3: {  	v16 =	vor.u32 v7, v16;
	v11 =	vor.u32 v27, v45;
	[tilespmem:s10+$0xC430] =	vst v6;
	v12 =	vld.idx.msk [tilespmem:v12+s23+$0x0], $0xffff  }
0x3b4: {  	v62 =	vadd.s32 v19, v24;
	v48 =	vor.u32 v7, v11;
	v6 =	vor.u32 v25, v46;
	v3 =	vld.idx.msk [tilespmem:v40+s23+$0x0], $0xffff  }
0x3b5: {  	v47 =	vadd.s32 v19, v5;
	[tilespmem:s5+$0x50] =	vst v31;
	v53 =	vadd.s32 v9, v28;
	v6 =	vor.u32 v7, v6  }
0x3b6: {  	v41 =	vld.idx.msk [tilespmem:v59+s23+$0x0], $0xffff;
	v38 =	vor.u32 v0, v26;
	[tilespmem:s12+$0x40] =	vst v18;
	v50 =	vadd.s32 v9, v23  }
0x3b7: {  	v15 =	vor.u32 v1, v38;
	v10 =	vld.idx.msk [tilespmem:v10+s23+$0x0], $0xffff;
	[tilespmem:s13+$0xC440] =	vst v44;
	v5 =	vor.u32 v21, v50  }
0x3b8: {  	v5 =	vor.u32 v1, v5;
	v52 =	vld.idx.msk [tilespmem:v16+s23+$0x0], $0xffff;
	v7 =	vor.u32 v13, v51;
	[tilespmem:s11+$0x40] =	vst v12  }
0x3b9: {  	v7 =	vor.u32 v1, v7;
	v12 =	vor.u32 v27, v53;
	[tilespmem:s10+$0xC440] =	vst v3;
	v8 =	vld.idx.msk [tilespmem:v48+s23+$0x0], $0xffff  }
0x3ba: {  	v49 =	vor.u32 v4, v47;
	v9 =	vor.u32 v25, v54;
	v55 =	vor.u32 v1, v12;
	v6 =	vld.idx.msk [tilespmem:v6+s23+$0x0], $0xffff  }
0x3bb: {  	[tilespmem:s7+$0xC450] =	vst v17;
	v57 =	vor.u32 v0, v2;
	v2 =	vor.u32 v21, v58;
	v59 =	vor.u32 v1, v9  }
0x3bc: {  	v4 =	vor.u32 v20, v49;
	v2 =	vor.u32 v20, v2;
	v56 =	vld.idx.msk [tilespmem:v15+s23+$0x0], $0xffff;
	[tilespmem:s12+$0x50] =	vst v10  }
0x3bd: {  	v0 =	vor.u32 v20, v57;
	v60 =	vadd.s32 v19, v22;
	v5 =	vld.idx.msk [tilespmem:v5+s23+$0x0], $0xffff;
	[tilespmem:s13+$0xC450] =	vst v52  }
0x3be: {  	v61 =	vadd.s32 v19, v28;
	v9 =	vor.u32 v13, v60;
	v7 =	vld.idx.msk [tilespmem:v7+s23+$0x0], $0xffff;
	[tilespmem:s11+$0x50] =	vst v8  }
0x3bf: {  	v9 =	vor.u32 v20, v9;
	v8 =	vor.u32 v27, v61;
	[tilespmem:s10+$0xC450] =	vst v6;
	v3 =	vld.idx.msk [tilespmem:v55+s23+$0x0], $0xffff  }
0x3c0: {  	[tilespmem:s5+$0x60] =	vst v41;
	v6 =	vor.u32 v25, v62;
	v8 =	vor.u32 v20, v8;
	v1 =	vld.idx.msk [tilespmem:v59+s23+$0x0], $0xffff  }
0x3c1: {  	v4 =	vld.idx.msk [tilespmem:v4+s23+$0x0], $0xffff;
	[tilespmem:s7+$0xC460] =	vst v56;
	v6 =	vor.u32 v20, v6  }
0x3c2: {  	v0 =	vld.idx.msk [tilespmem:v0+s23+$0x0], $0xffff;
	[tilespmem:s12+$0x60] =	vst v5  }
0x3c3: {  	v2 =	vld.idx.msk [tilespmem:v2+s23+$0x0], $0xffff;
	[tilespmem:s13+$0xC460] =	vst v7  }
0x3c4: {  	v63 =	vld.idx.msk [tilespmem:v9+s23+$0x0], $0xffff;
	[tilespmem:s11+$0x60] =	vst v3  }
0x3c5: {  	s2 =	sadd.s32 $0x1, s2;
	[tilespmem:s10+$0xC460] =	vst v1;
	v3 =	vld.idx.msk [tilespmem:v8+s23+$0x0], $0xffff  }
0x3c6: {  	p0 =	sne.s32 s2, $0x8;
	[tilespmem:s5+$0x70] =	vst v4;
	v1 =	vld.idx.msk [tilespmem:v6+s23+$0x0], $0xffff  }
.Ltmp11:
0x3c7: {  	[tilespmem:s7+$0xC470] =	vst v0;
	(pc) =	sbr.rel @p0 .LBB2_23-.Ltmp11, $4  }
0x3c8: {  	[tilespmem:s12+$0x70] =	vst v2  }
0x3c9: {  	[tilespmem:s13+$0xC470] =	vst v63  }
0x3ca: {  	[tilespmem:s11+$0x70] =	vst v3  }
0x3cb: {  	[tilespmem:s10+$0xC470] =	vst v1  }
0x3cc: {  	s0 =	sshll.u32 s30, $0xD;
	s2 =	simm.s32 $0x0  }
0x3cd: {  	s7 =	simm.s32 $0x8400;
	s5 =	sadd.s32 s0, s9;
	s0 =	sor.u32 $0x1800, s0  }
0x3ce: {  	[hbm4b:s5+s2] =	stream.linear.scatter [tilespmem:s7], [sflag:$0x2], $0x8000, $0x38;
	[tilespmem:$0x18400] =	vst v63  }
0x3cf: {  	s29 =	sadd.s32 s0, s6  }
0x3d0: {  	[tilespmem:s23], [sflag:$0x1] =	stream.linear.gather [hbm4b:s29+s2], $0x4000, $0x38;
	[tilespmem:$0x18400] =	vst v63  }
0x3d1: {  	_ =	swait.ge [sflag:s24], $0x4000  }
0x3d2: {  	[sflag:s24] =	ssyncset.done $0x0  }
0x3d3: {  	[sflag:s24] =	ssyncadd.s32 $0xFFFFC000  }
0x3d4: {  	_ =	swait.ge [sflag:s28], $0x8000  }
0x3d5: {  	[sflag:s28] =	ssyncset.done $0x0  }
0x3d6: {  	s5 =	simm.s32 $0x0;
	[sflag:s28] =	ssyncadd.s32 $0xFFFF8000  }
.LBB2_27:
0x3d7: {  	s7 =	sshll.u32 s5, $0x7  }
0x3d8: {  	s7 =	sand.u32 $0x3FFFFF80, s7  }
0x3d9: {  	v0 =	vld [tilespmem:s7+$0x0]  }
0x3da: {  	v1 =	vld [tilespmem:s7+$0x10]  }
0x3db: {  	v2 =	vld [tilespmem:s7+$0x20]  }
0x3dc: {  	v3 =	vld [tilespmem:s7+$0x30]  }
0x3dd: {  	v4 =	vld [tilespmem:s7+$0x40]  }
0x3de: {  	s10 =	simm.s32 $0x2;
	v5 =	vld [tilespmem:s7+$0x50]  }
0x3df: {  	v25 =	vmov s2;
	v54 =	vmov s10;
	v11 =	vand.u32 $0x7F, v0  }
0x3e0: {  	v16 =	vld [tilespmem:s7+$0x60];
	v0 =	vshll.u32 v0, $0x3;
	v6 =	vshll.u32 v1, $0x3;
	v12 =	vand.u32 $0x7F, v1  }
0x3e1: {  	v9 =	vand.u32 $0x7F, v2;
	v1 =	vshll.u32 v3, $0x3;
	v7 =	vand.u32 $0x7F, v3  }
0x3e2: {  	v15 =	vand.u32 $0xFFFFFC00, v0;
	v14 =	vand.u32 $0xFFFFFC00, v6;
	v0 =	vshll.u32 v2, $0x3  }
0x3e3: {  	s11 =	simm.s32 $0x1;
	v17 =	vld [tilespmem:s7+$0x70];
	v10 =	vand.u32 $0xFFFFFC00, v1;
	v6 =	vand.u32 $0x7F, v4;
	v1 =	vshll.u32 v5, $0x3  }
0x3e4: {  	v2 =	vmov s11;
	v13 =	vand.u32 $0xFFFFFC00, v0;
	v0 =	vshll.u32 v4, $0x3  }
0x3e5: {  	v4 =	vand.u32 $0x7F, v5;
	v5 =	vand.u32 $0xFFFFFC00, v1;
	v1 =	vand.u32 $0x7F, v16  }
0x3e6: {  	v18 =	vshll.u32 v2, $0x7;
	v8 =	vand.u32 $0xFFFFFC00, v0;
	v0 =	vshll.u32 v16, $0x3  }
0x3e7: {  	v16 =	vshll.u32 v2, $0xA;
	v18 =	vand.u32 $0x380, v18;
	v3 =	vand.u32 $0xFFFFFC00, v0  }
0x3e8: {  	v0 =	vand.u32 $0x7F, v17;
	v17 =	vshll.u32 v17, $0x3;
	v16 =	vand.u32 $0x2000, v16  }
0x3e9: {  	v2 =	vand.u32 $0xFFFFFC00, v17;
	v17 =	vadd.s32 v15, v16;
	v19 =	vadd.s32 v13, v16  }
0x3ea: {  	v20 =	vadd.s32 v14, v16;
	v23 =	vadd.s32 v10, v16;
	v24 =	vadd.s32 v5, v16  }
0x3eb: {  	v17 =	vor.u32 v18, v17;
	v21 =	vadd.s32 v2, v16;
	v20 =	vor.u32 v18, v20  }
0x3ec: {  	v19 =	vor.u32 v18, v19;
	v23 =	vor.u32 v18, v23;
	v24 =	vor.u32 v18, v24  }
0x3ed: {  	v17 =	vor.u32 v11, v17;
	v21 =	vor.u32 v18, v21;
	v22 =	vor.u32 v12, v20  }
0x3ee: {  	v19 =	vor.u32 v9, v19;
	v26 =	vor.u32 v7, v23;
	v23 =	vshll.u32 v25, $0x7  }
0x3ef: {  	v20 =	vor.u32 v0, v21;
	v21 =	vadd.s32 v8, v16;
	v16 =	vadd.s32 v3, v16  }
0x3f0: {  	v21 =	vor.u32 v18, v21;
	v18 =	vor.u32 v18, v16;
	v16 =	vshll.u32 v25, $0xA  }
0x3f1: {  	s12 =	simm.s32 $0x3;
	v24 =	vor.u32 v4, v24;
	v27 =	vand.u32 $0x300, v23;
	v25 =	vand.u32 $0x2000, v16  }
0x3f2: {  	v16 =	vmov s12;
	v23 =	vadd.s32 v15, v25;
	v28 =	vadd.s32 v8, v25  }
0x3f3: {  	v29 =	vshll.u32 v16, $0xA;
	v30 =	vadd.s32 v14, v25;
	v31 =	vadd.s32 v10, v25  }
0x3f4: {  	s13 =	sshll.u32 s5, $0xA;
	v32 =	vadd.s32 v13, v25;
	v16 =	vshll.u32 v16, $0x7;
	v17 =	vld.idx.msk [tilespmem:v17+s22+$0x0], $0xffff;
	v23 =	vor.u32 v27, v23  }
0x3f5: {  	s7 =	sand.u32 $0x3FFFFC00, s13;
	v30 =	vor.u32 v27, v30;
	v29 =	vand.u32 $0x2000, v29;
	v34 =	vand.u32 $0x380, v16  }
0x3f6: {  	s16 =	simm.s32 $0x80;
	s8 =	sand.u32 $0x2000, s2;
	s11 =	sadd.s32 $0x10400, s7;
	v31 =	vor.u32 v27, v31;
	v28 =	vor.u32 v27, v28;
	v33 =	vor.u32 v11, v23  }
0x3f7: {  	s7 =	sand.u32 $0x380, s16;
	s8 =	sadd.s32 s8, s11;
	v23 =	vadd.s32 v15, v29;
	v16 =	vadd.s32 v13, v29;
	v35 =	vadd.s32 v14, v29  }
0x3f8: {  	s7 =	sadd.s32 s7, s8;
	v30 =	vor.u32 v12, v30;
	v31 =	vor.u32 v7, v31;
	v23 =	vor.u32 v34, v23  }
0x3f9: {  	v36 =	vor.u32 v11, v23;
	v23 =	vor.u32 v34, v35;
	[tilespmem:s7+$0x0] =	vst v17;
	v17 =	vadd.s32 v2, v29  }
0x3fa: {  	v35 =	vor.u32 v12, v23;
	v23 =	vor.u32 v34, v16;
	v17 =	vor.u32 v34, v17  }
0x3fb: {  	v37 =	vor.u32 v9, v23;
	v22 =	vld.idx.msk [tilespmem:v22+s22+$0x0], $0xffff;
	v16 =	vor.u32 v0, v17;
	v17 =	vadd.s32 v8, v29  }
0x3fc: {  	v23 =	vadd.s32 v10, v29;
	v38 =	vor.u32 v34, v17;
	v17 =	vadd.s32 v5, v29  }
0x3fd: {  	v28 =	vor.u32 v6, v28;
	v39 =	vor.u32 v34, v23;
	v41 =	vor.u32 v34, v17  }
0x3fe: {  	v17 =	vadd.s32 v3, v29;
	v29 =	vor.u32 v27, v32;
	v38 =	vor.u32 v6, v38  }
0x3ff: {  	v36 =	vld.idx.msk [tilespmem:v36+s22+$0x0], $0xffff;
	v52 =	vor.u32 v34, v17;
	v17 =	vadd.s32 v3, v25;
	v29 =	vor.u32 v9, v29  }
0x400: {  	[tilespmem:s7+$0x10] =	vst v22;
	v22 =	vadd.s32 v5, v25;
	v23 =	vor.u32 v27, v17;
	v17 =	vld.idx.msk [tilespmem:v33+s22+$0x0], $0xffff;
	v33 =	vshll.u32 v54, $0x7  }
0x401: {  	s17 =	simm.s32 $0x0;
	s12 =	simm.s32 $0x800;
	v53 =	vor.u32 v27, v22;
	v22 =	vor.u32 v6, v21;
	v21 =	vadd.s32 v2, v25  }
0x402: {  	s10 =	sand.u32 $0x300, s17;
	s16 =	simm.s32 $0x180;
	s18 =	sand.u32 $0x2000, s12;
	v19 =	vld.idx.msk [tilespmem:v19+s22+$0x0], $0xffff;
	v27 =	vor.u32 v27, v21;
	v21 =	vor.u32 v1, v18;
	v18 =	vshll.u32 v54, $0xA  }
0x403: {  	s13 =	simm.s32 $0x5;
	s19 =	sand.u32 $0x380, s16;
	s12 =	sadd.s32 s18, s11;
	v25 =	vor.u32 v7, v39;
	v33 =	vand.u32 $0x300, v33;
	v55 =	vand.u32 $0x2000, v18  }
0x404: {  	s10 =	sadd.s32 s10, s8;
	s8 =	sadd.s32 s19, s12;
	v32 =	vor.u32 v4, v53;
	v18 =	vmov s13;
	v40 =	vadd.s32 v8, v55  }
0x405: {  	[tilespmem:s8+$0x0] =	vst v36;
	v42 =	vadd.s32 v14, v55;
	v43 =	vadd.s32 v10, v55;
	v56 =	vadd.s32 v13, v55  }
0x406: {  	[tilespmem:s10+$0x0] =	vst v17;
	v42 =	vor.u32 v33, v42;
	v43 =	vor.u32 v33, v43;
	v36 =	vor.u32 v33, v56  }
0x407: {  	v17 =	vshll.u32 v18, $0xA;
	v40 =	vor.u32 v33, v40;
	[tilespmem:s7+$0x20] =	vst v19;
	v19 =	vadd.s32 v15, v55;
	v30 =	vld.idx.msk [tilespmem:v30+s22+$0x0], $0xffff  }
0x408: {  	v44 =	vand.u32 $0x2000, v17;
	v17 =	vshll.u32 v18, $0x7;
	v18 =	vld.idx.msk [tilespmem:v35+s22+$0x0], $0xffff;
	v42 =	vor.u32 v12, v42  }
0x409: {  	v36 =	vor.u32 v9, v36;
	v63 =	vor.u32 v7, v43;
	v26 =	vld.idx.msk [tilespmem:v26+s22+$0x0], $0xffff;
	v19 =	vor.u32 v33, v19  }
0x40a: {  	v57 =	vadd.s32 v15, v44;
	v45 =	vand.u32 $0x380, v17;
	v17 =	vadd.s32 v13, v44  }
0x40b: {  	v46 =	vadd.s32 v14, v44;
	v47 =	vadd.s32 v2, v44;
	v19 =	vor.u32 v11, v19  }
0x40c: {  	v35 =	vor.u32 v45, v57;
	v46 =	vor.u32 v45, v46;
	v58 =	vor.u32 v45, v17;
	[tilespmem:s10+$0x10] =	vst v30  }
0x40d: {  	v35 =	vor.u32 v11, v35;
	v46 =	vor.u32 v12, v46;
	v30 =	vadd.s32 v8, v44;
	[tilespmem:s8+$0x10] =	vst v18  }
0x40e: {  	v18 =	vadd.s32 v10, v44;
	[tilespmem:s7+$0x30] =	vst v26;
	v26 =	vor.u32 v45, v47;
	v37 =	vld.idx.msk [tilespmem:v37+s22+$0x0], $0xffff  }
0x40f: {  	v47 =	vor.u32 v45, v30;
	v30 =	vadd.s32 v5, v44;
	v48 =	vor.u32 v45, v18;
	v29 =	vld.idx.msk [tilespmem:v29+s22+$0x0], $0xffff  }
0x410: {  	v18 =	vadd.s32 v3, v44;
	v17 =	vor.u32 v0, v26;
	v26 =	vor.u32 v9, v58;
	v59 =	vld.idx.msk [tilespmem:v19+s22+$0x0], $0xffff  }
0x411: {  	v30 =	vor.u32 v45, v30;
	v19 =	vadd.s32 v5, v55;
	v49 =	vor.u32 v45, v18;
	v60 =	vld.idx.msk [tilespmem:v22+s22+$0x0], $0xffff  }
0x412: {  	s20 =	simm.s32 $0x100;
	v18 =	vadd.s32 v3, v55;
	v22 =	vadd.s32 v2, v55;
	v50 =	vor.u32 v33, v19;
	v35 =	vld.idx.msk [tilespmem:v35+s22+$0x0], $0xffff  }
0x413: {  	s21 =	simm.s32 $0x4;
	s17 =	simm.s32 $0x1000;
	s13 =	sand.u32 $0x300, s20;
	v18 =	vor.u32 v33, v18;
	v19 =	vor.u32 v0, v27;
	v27 =	vor.u32 v7, v48;
	[tilespmem:s8+$0x20] =	vst v37  }
0x414: {  	s29 =	simm.s32 $0x280;
	s25 =	sand.u32 $0x2000, s17;
	s12 =	sadd.s32 s13, s12;
	v39 =	vor.u32 v33, v22;
	v22 =	vor.u32 v1, v52;
	[tilespmem:s10+$0x20] =	vst v29;
	v29 =	vmov s21;
	v25 =	vld.idx.msk [tilespmem:v25+s22+$0x0], $0xffff  }
0x415: {  	s18 =	sadd.s32 s25, s11;
	s19 =	sand.u32 $0x380, s29;
	v48 =	vor.u32 v4, v41;
	[tilespmem:s12+$0x0] =	vst v59;
	v31 =	vld.idx.msk [tilespmem:v31+s22+$0x0], $0xffff;
	v61 =	vshll.u32 v29, $0xA;
	v29 =	vshll.u32 v29, $0x7  }
0x416: {  	s20 =	simm.s32 $0x7;
	s13 =	sadd.s32 s19, s18;
	v30 =	vor.u32 v4, v30;
	[tilespmem:s7+$0x40] =	vst v60;
	v62 =	vld.idx.msk [tilespmem:v42+s22+$0x0], $0xffff;
	v42 =	vand.u32 $0x2000, v61;
	v44 =	vand.u32 $0x300, v29  }
0x417: {  	[tilespmem:s13+$0x0] =	vst v35;
	v29 =	vmov s20;
	v35 =	vor.u32 v4, v50;
	v33 =	vadd.s32 v15, v42  }
0x418: {  	v24 =	vld.idx.msk [tilespmem:v24+s22+$0x0], $0xffff;
	v57 =	vadd.s32 v8, v42;
	v59 =	vshll.u32 v29, $0xA;
	v60 =	vadd.s32 v14, v42  }
0x419: {  	v58 =	vld.idx.msk [tilespmem:v46+s22+$0x0], $0xffff;
	v61 =	vadd.s32 v13, v42;
	v29 =	vshll.u32 v29, $0x7;
	v33 =	vor.u32 v44, v33  }
0x41a: {  	v45 =	vor.u32 v44, v60;
	v46 =	vor.u32 v44, v61;
	v41 =	vor.u32 v44, v57;
	[tilespmem:s8+$0x30] =	vst v25  }
0x41b: {  	v45 =	vor.u32 v12, v45;
	v25 =	vadd.s32 v10, v42;
	[tilespmem:s10+$0x30] =	vst v31;
	v31 =	vand.u32 $0x2000, v59;
	v38 =	vld.idx.msk [tilespmem:v38+s22+$0x0], $0xffff  }
0x41c: {  	v52 =	vand.u32 $0x380, v29;
	[tilespmem:s12+$0x10] =	vst v62;
	v62 =	vor.u32 v11, v33;
	v51 =	vld.idx.msk [tilespmem:v28+s22+$0x0], $0xffff;
	v28 =	vadd.s32 v15, v31  }
0x41d: {  	[tilespmem:s7+$0x50] =	vst v24;
	v24 =	vadd.s32 v13, v31;
	v29 =	vadd.s32 v14, v31;
	v33 =	vor.u32 v1, v23  }
0x41e: {  	v23 =	vadd.s32 v8, v31;
	v37 =	vor.u32 v44, v25;
	v28 =	vor.u32 v52, v28;
	v53 =	vld.idx.msk [tilespmem:v21+s22+$0x0], $0xffff  }
0x41f: {  	v21 =	vadd.s32 v2, v31;
	[tilespmem:s13+$0x10] =	vst v58;
	v24 =	vor.u32 v52, v24;
	v54 =	vor.u32 v11, v28  }
0x420: {  	v28 =	vor.u32 v52, v29;
	v26 =	vld.idx.msk [tilespmem:v26+s22+$0x0], $0xffff;
	v29 =	vor.u32 v52, v23;
	v23 =	vadd.s32 v5, v31  }
0x421: {  	v55 =	vld.idx.msk [tilespmem:v36+s22+$0x0], $0xffff;
	v34 =	vor.u32 v12, v28;
	v28 =	vor.u32 v9, v24;
	v24 =	vadd.s32 v10, v31  }
0x422: {  	v21 =	vor.u32 v52, v21;
	v25 =	vor.u32 v52, v24;
	v24 =	vor.u32 v52, v23  }
0x423: {  	v23 =	vadd.s32 v3, v31;
	v31 =	vadd.s32 v5, v42;
	v43 =	vld.idx.msk [tilespmem:v62+s22+$0x0], $0xffff;
	[tilespmem:s10+$0x40] =	vst v51  }
0x424: {  	[tilespmem:s8+$0x40] =	vst v38;
	v36 =	vor.u32 v44, v31;
	v31 =	vadd.s32 v3, v42;
	v51 =	vld.idx.msk [tilespmem:v32+s22+$0x0], $0xffff  }
0x425: {  	s21 =	simm.s32 $0x200;
	v21 =	vor.u32 v0, v21;
	v31 =	vor.u32 v44, v31;
	v54 =	vld.idx.msk [tilespmem:v54+s22+$0x0], $0xffff;
	[tilespmem:s13+$0x20] =	vst v26  }
0x426: {  	s19 =	simm.s32 $0x1800;
	s17 =	sand.u32 $0x300, s21;
	v32 =	vor.u32 v7, v25;
	[tilespmem:s12+$0x20] =	vst v55;
	v26 =	vadd.s32 v2, v42;
	v42 =	vld.idx.msk [tilespmem:v27+s22+$0x0], $0xffff  }
0x427: {  	s25 =	sand.u32 $0x2000, s19;
	s16 =	sadd.s32 s17, s18;
	s18 =	simm.s32 $0x380;
	[tilespmem:s7+$0x60] =	vst v53;
	v27 =	vor.u32 v0, v39;
	v25 =	vor.u32 v44, v26;
	v44 =	vld.idx.msk [tilespmem:v63+s22+$0x0], $0xffff  }
0x428: {  	s21 =	simm.s32 $0x6;
	s20 =	sadd.s32 s25, s11;
	s29 =	sand.u32 $0x380, s18;
	v39 =	vor.u32 v9, v46;
	v46 =	vor.u32 v6, v40;
	v40 =	vld.idx.msk [tilespmem:v20+s22+$0x0], $0xffff;
	[tilespmem:s16+$0x0] =	vst v43  }
0x429: {  	s17 =	sadd.s32 s29, s20;
	v23 =	vor.u32 v52, v23;
	v38 =	vor.u32 v6, v47;
	v63 =	vmov s21;
	v45 =	vld.idx.msk [tilespmem:v45+s22+$0x0], $0xffff;
	[tilespmem:s10+$0x50] =	vst v51  }
0x42a: {  	v26 =	vor.u32 v1, v49;
	s21 =	simm.s32 $0x8;
	v47 =	vshll.u32 v63, $0xA;
	v43 =	vld.idx.msk [tilespmem:v48+s22+$0x0], $0xffff;
	v48 =	vshll.u32 v63, $0x7;
	[tilespmem:s17+$0x0] =	vst v54  }
.LBB2_28:
0x42b: {  	s25 =	sadd.s32 $0x1, s21;
	v47 =	vand.u32 $0x2000, v47;
	v48 =	vand.u32 $0x300, v48  }
0x42c: {  	p0 =	slt.u32 s21, $0xE;
	v49 =	vor.u32 v7, v37;
	v33 =	vld.idx.msk [tilespmem:v33+s22+$0x0], $0xffff;
	v20 =	vmovc v17;
	v17 =	vmovc v21;
	v50 =	vmov v36;
	v51 =	vmov v41;
	s29 =	smov.u32 s21;
	s21 =	sadd.s32 $0x2, s21  }
0x42d: {  	v21 =	vmov s25;
	v36 =	vadd.s32 v15, v47;
	v41 =	vadd.s32 v8, v47;
	v34 =	vld.idx.msk [tilespmem:v34+s22+$0x0], $0xffff;
	[tilespmem:s13+$0x30] =	vst v42  }
0x42e: {  	v42 =	vadd.s32 v14, v47;
	v52 =	vadd.s32 v10, v47;
	v37 =	vshll.u32 v21, $0xA;
	[tilespmem:s16+$0x10] =	vst v45;
	v38 =	vld.idx.msk [tilespmem:v38+s22+$0x0], $0xffff  }
0x42f: {  	v36 =	vor.u32 v48, v36;
	v42 =	vor.u32 v48, v42;
	v45 =	vadd.s32 v13, v47;
	[tilespmem:s12+$0x30] =	vst v44  }
0x430: {  	v21 =	vshll.u32 v21, $0x7;
	v44 =	vand.u32 $0x2000, v37;
	v36 =	vor.u32 v11, v36;
	v46 =	vld.idx.msk [tilespmem:v46+s22+$0x0], $0xffff;
	[tilespmem:s8+$0x50] =	vst v43  }
0x431: {  	v37 =	vadd.s32 v15, v44;
	v43 =	vand.u32 $0x380, v21;
	v21 =	vadd.s32 v13, v44;
	v53 =	vld.idx.msk [tilespmem:v22+s22+$0x0], $0xffff;
	[tilespmem:s7+$0x70] =	vst v40;
	s7 =	smov.u32 s8;
	s8 =	smov.u32 s13;
	s13 =	smov.u32 s17  }
0x432: {  	v22 =	vor.u32 v43, v37;
	v37 =	vadd.s32 v14, v44;
	v40 =	vadd.s32 v2, v44;
	[tilespmem:s10+$0x60] =	vst v33  }
0x433: {  	v22 =	vor.u32 v11, v22;
	v33 =	vor.u32 v43, v37;
	v37 =	vor.u32 v43, v40;
	[tilespmem:s13+$0x10] =	vst v34  }
0x434: {  	v34 =	vor.u32 v12, v33;
	v33 =	vor.u32 v43, v21;
	v21 =	vor.u32 v0, v37;
	v40 =	vld.idx.msk [tilespmem:v19+s22+$0x0], $0xffff  }
0x435: {  	v19 =	vadd.s32 v10, v44;
	v54 =	vld.idx.msk [tilespmem:v28+s22+$0x0], $0xffff;
	v28 =	vor.u32 v9, v33;
	v33 =	vor.u32 v1, v18  }
0x436: {  	v56 =	vor.u32 v12, v42;
	v37 =	vadd.s32 v8, v44;
	v18 =	vmov v31;
	v55 =	vld.idx.msk [tilespmem:v36+s22+$0x0], $0xffff;
	[tilespmem:s8+$0x40] =	vst v38  }
0x437: {  	v57 =	vor.u32 v43, v37;
	v37 =	vor.u32 v48, v52;
	v31 =	vadd.s32 v5, v44;
	v39 =	vld.idx.msk [tilespmem:v39+s22+$0x0], $0xffff  }
0x438: {  	s17 =	sadd.s32 $0xFFFFFF80, s18;
	v58 =	vor.u32 v43, v31;
	v52 =	vld.idx.msk [tilespmem:v22+s22+$0x0], $0xffff;
	v22 =	vor.u32 v43, v19;
	[tilespmem:s12+$0x40] =	vst v46;
	v19 =	vmov v27  }
0x439: {  	s17 =	sand.u32 $0x300, s17;
	v31 =	vadd.s32 v5, v47;
	v27 =	vadd.s32 v3, v44;
	v44 =	vor.u32 v48, v45;
	v59 =	vld.idx.msk [tilespmem:v35+s22+$0x0], $0xffff  }
0x43a: {  	s19 =	sadd.s32 $0x800, s19;
	s25 =	sadd.s32 s17, s20;
	v36 =	vor.u32 v48, v31;
	v35 =	vor.u32 v43, v27;
	v27 =	vadd.s32 v3, v47;
	[tilespmem:s10+$0x70] =	vst v40;
	s10 =	smov.u32 s12  }
0x43b: {  	v41 =	vor.u32 v48, v41;
	s18 =	sadd.s32 $0x100, s18;
	s17 =	sand.u32 $0x2000, s19;
	v38 =	vor.u32 v6, v29;
	v31 =	vor.u32 v48, v27;
	s12 =	smov.u32 s16;
	[tilespmem:s13+$0x20] =	vst v54  }
.Ltmp12:
0x43c: {  	s20 =	sadd.s32 s17, s11;
	v29 =	vmov v57;
	s16 =	sand.u32 $0x380, s18;
	v40 =	vadd.s32 v2, v47;
	v27 =	vor.u32 v0, v25;
	[tilespmem:s25+$0x0] =	vst v55;
	v42 =	vld.idx.msk [tilespmem:v32+s22+$0x0], $0xffff;
	(pc) =	sbr.rel @p0 .LBB2_28-.Ltmp12, $4  }
0x43d: {  	s17 =	sadd.s32 s16, s20;
	v25 =	vor.u32 v48, v40;
	s16 =	smov.u32 s25;
	v32 =	vor.u32 v7, v22;
	v22 =	vmov v26;
	v45 =	vld.idx.msk [tilespmem:v56+s22+$0x0], $0xffff;
	[tilespmem:s12+$0x20] =	vst v39  }
0x43e: {  	v26 =	vor.u32 v1, v23;
	v23 =	vmov v35;
	v39 =	vor.u32 v9, v44;
	[tilespmem:s17+$0x0] =	vst v52;
	v44 =	vld.idx.msk [tilespmem:v49+s22+$0x0], $0xffff  }
0x43f: {  	v40 =	vmov s29;
	v35 =	vor.u32 v4, v50;
	v43 =	vld.idx.msk [tilespmem:v30+s22+$0x0], $0xffff;
	v30 =	vor.u32 v4, v24;
	[tilespmem:s7+$0x60] =	vst v53;
	v24 =	vmovc v58  }
0x440: {  	v46 =	vor.u32 v6, v51;
	v47 =	vshll.u32 v40, $0xA;
	v48 =	vshll.u32 v40, $0x7;
	[tilespmem:s10+$0x50] =	vst v59;
	v40 =	vld.idx.msk [tilespmem:v16+s22+$0x0], $0xffff;
	v16 =	vmovc v20  }
0x441: {  	v20 =	vand.u32 $0x2000, v47  }
0x442: {  	v47 =	vand.u32 $0x300, v48;
	v15 =	vadd.s32 v15, v20  }
0x443: {  	v15 =	vor.u32 v47, v15  }
0x444: {  	v11 =	vor.u32 v11, v15;
	_ =	sdelay $0x3  }
0x445: {  	v14 =	vadd.s32 v14, v20  }
0x446: {  	v14 =	vor.u32 v47, v14;
	v11 =	vld.idx.msk [tilespmem:v11+s22+$0x0], $0xffff  }
0x447: {  	v12 =	vor.u32 v12, v14  }
0x448: {  	s11 =	sadd.s32 $0xFFFFFF80, s18  }
0x449: {  	s11 =	sand.u32 $0x300, s11  }
0x44a: {  	s11 =	sadd.s32 s11, s20  }
0x44b: {  	v57 =	vld.idx.msk [tilespmem:v34+s22+$0x0], $0xffff;
	v13 =	vadd.s32 v13, v20;
	[tilespmem:s11+$0x0] =	vst v11  }
0x44c: {  	v58 =	vor.u32 v47, v13;
	v12 =	vld.idx.msk [tilespmem:v12+s22+$0x0], $0xffff  }
0x44d: {  	v9 =	vor.u32 v9, v58;
	_ =	sdelay $0x1  }
0x44e: {  	[tilespmem:s16+$0x10] =	vst v45  }
0x44f: {  	v59 =	vld.idx.msk [tilespmem:v39+s22+$0x0], $0xffff;
	[tilespmem:s17+$0x10] =	vst v57  }
0x450: {  	v60 =	vor.u32 v7, v37;
	v10 =	vadd.s32 v10, v20;
	v14 =	vld.idx.msk [tilespmem:v28+s22+$0x0], $0xffff;
	[tilespmem:s11+$0x10] =	vst v12  }
0x451: {  	v10 =	vor.u32 v47, v10;
	v9 =	vld.idx.msk [tilespmem:v9+s22+$0x0], $0xffff  }
0x452: {  	v61 =	vor.u32 v7, v10  }
0x453: {  	[tilespmem:s13+$0x30] =	vst v42  }
0x454: {  	[tilespmem:s16+$0x20] =	vst v59  }
0x455: {  	v62 =	vld.idx.msk [tilespmem:v60+s22+$0x0], $0xffff;
	[tilespmem:s17+$0x20] =	vst v14  }
0x456: {  	v8 =	vadd.s32 v8, v20;
	v28 =	vor.u32 v6, v41;
	v63 =	vld.idx.msk [tilespmem:v32+s22+$0x0], $0xffff;
	[tilespmem:s11+$0x20] =	vst v9  }
0x457: {  	[tilespmem:s12+$0x30] =	vst v44;
	v8 =	vor.u32 v47, v8;
	v32 =	vor.u32 v6, v29;
	v7 =	vld.idx.msk [tilespmem:v61+s22+$0x0], $0xffff  }
0x458: {  	v34 =	vld.idx.msk [tilespmem:v33+s22+$0x0], $0xffff;
	[tilespmem:s8+$0x50] =	vst v43;
	v37 =	vor.u32 v6, v8  }
0x459: {  	[tilespmem:s7+$0x70] =	vst v40;
	v41 =	vld.idx.msk [tilespmem:v38+s22+$0x0], $0xffff  }
0x45a: {  	v39 =	vld.idx.msk [tilespmem:v46+s22+$0x0], $0xffff;
	[tilespmem:s16+$0x30] =	vst v62  }
0x45b: {  	v10 =	vld.idx.msk [tilespmem:v28+s22+$0x0], $0xffff;
	[tilespmem:s17+$0x30] =	vst v63  }
0x45c: {  	v42 =	vor.u32 v4, v36;
	v5 =	vadd.s32 v5, v20;
	v9 =	vld.idx.msk [tilespmem:v32+s22+$0x0], $0xffff;
	[tilespmem:s11+$0x30] =	vst v7  }
0x45d: {  	v5 =	vor.u32 v47, v5;
	v43 =	vor.u32 v4, v24;
	[tilespmem:s10+$0x60] =	vst v34;
	v6 =	vld.idx.msk [tilespmem:v37+s22+$0x0], $0xffff  }
0x45e: {  	v45 =	vor.u32 v4, v5;
	v53 =	vld.idx.msk [tilespmem:v22+s22+$0x0], $0xffff;
	[tilespmem:s13+$0x40] =	vst v41  }
0x45f: {  	[tilespmem:s12+$0x40] =	vst v39;
	v49 =	vld.idx.msk [tilespmem:v30+s22+$0x0], $0xffff  }
0x460: {  	v46 =	vld.idx.msk [tilespmem:v35+s22+$0x0], $0xffff;
	[tilespmem:s16+$0x40] =	vst v10  }
0x461: {  	v48 =	vor.u32 v1, v18;
	v50 =	vld.idx.msk [tilespmem:v42+s22+$0x0], $0xffff;
	[tilespmem:s17+$0x40] =	vst v9  }
0x462: {  	v51 =	vor.u32 v1, v31;
	v3 =	vadd.s32 v3, v20;
	v7 =	vld.idx.msk [tilespmem:v43+s22+$0x0], $0xffff;
	[tilespmem:s11+$0x40] =	vst v6  }
0x463: {  	v52 =	vor.u32 v1, v23;
	v3 =	vor.u32 v47, v3;
	[tilespmem:s8+$0x60] =	vst v53;
	v4 =	vld.idx.msk [tilespmem:v45+s22+$0x0], $0xffff  }
0x464: {  	v54 =	vor.u32 v1, v3;
	v44 =	vld.idx.msk [tilespmem:v19+s22+$0x0], $0xffff;
	[tilespmem:s13+$0x50] =	vst v49  }
0x465: {  	[tilespmem:s12+$0x50] =	vst v46;
	v56 =	vld.idx.msk [tilespmem:v26+s22+$0x0], $0xffff  }
0x466: {  	v55 =	vld.idx.msk [tilespmem:v48+s22+$0x0], $0xffff;
	[tilespmem:s16+$0x50] =	vst v50  }
0x467: {  	v57 =	vld.idx.msk [tilespmem:v51+s22+$0x0], $0xffff;
	[tilespmem:s17+$0x50] =	vst v7  }
0x468: {  	v2 =	vadd.s32 v2, v20;
	v58 =	vor.u32 v0, v25;
	v6 =	vld.idx.msk [tilespmem:v52+s22+$0x0], $0xffff;
	[tilespmem:s11+$0x50] =	vst v4  }
0x469: {  	v2 =	vor.u32 v47, v2;
	[tilespmem:s10+$0x70] =	vst v44;
	v1 =	vld.idx.msk [tilespmem:v54+s22+$0x0], $0xffff  }
0x46a: {  	v60 =	vor.u32 v0, v2;
	v59 =	vld.idx.msk [tilespmem:v16+s22+$0x0], $0xffff;
	[tilespmem:s13+$0x60] =	vst v56  }
0x46b: {  	[tilespmem:s12+$0x60] =	vst v55;
	v62 =	vld.idx.msk [tilespmem:v17+s22+$0x0], $0xffff  }
0x46c: {  	v61 =	vld.idx.msk [tilespmem:v27+s22+$0x0], $0xffff;
	[tilespmem:s16+$0x60] =	vst v57  }
0x46d: {  	v63 =	vld.idx.msk [tilespmem:v58+s22+$0x0], $0xffff;
	[tilespmem:s17+$0x60] =	vst v6  }
0x46e: {  	s5 =	sadd.s32 $0x1, s5;
	v6 =	vld.idx.msk [tilespmem:v21+s22+$0x0], $0xffff;
	[tilespmem:s11+$0x60] =	vst v1  }
0x46f: {  	p0 =	sne.s32 s5, $0x8;
	[tilespmem:s8+$0x70] =	vst v59;
	v0 =	vld.idx.msk [tilespmem:v60+s22+$0x0], $0xffff  }
.Ltmp13:
0x470: {  	[tilespmem:s13+$0x70] =	vst v62;
	(pc) =	sbr.rel @p0 .LBB2_27-.Ltmp13, $4  }
0x471: {  	[tilespmem:s12+$0x70] =	vst v61  }
0x472: {  	[tilespmem:s16+$0x70] =	vst v63  }
0x473: {  	[tilespmem:s17+$0x70] =	vst v6  }
0x474: {  	[tilespmem:s11+$0x70] =	vst v0  }
0x475: {  	s2 =	sadd.s32 s31, s14  }
0x476: {  	s2 =	sshll.u32 s2, $0x7  }
0x477: {  	s5 =	sadd.s32 s1, s2;
	s2 =	simm.s32 $0x0  }
0x478: {  	[tilespmem:s22], [sflag:$0x1] =	stream.linear.gather [hbm4b:s5+s2], $0x4000, $0x38;
	[tilespmem:$0x18400] =	vst v63  }
0x479: {  	_ =	swait.ge [sflag:s24], $0x4000  }
0x47a: {  	[sflag:s24] =	ssyncset.done $0x0  }
0x47b: {  	s5 =	simm.s32 $0x0;
	[sflag:s24] =	ssyncadd.s32 $0xFFFFC000  }
.LBB2_31:
0x47c: {  	s7 =	sshll.u32 s5, $0x7  }
0x47d: {  	s7 =	sand.u32 $0x3FFFFF80, s7  }
0x47e: {  	v0 =	vld [tilespmem:s7+$0x0];
	_ =	sdelay $0x2  }
0x47f: {  	s8 =	simm.s32 $0x1  }
0x480: {  	v1 =	vmov s8  }
0x481: {  	v3 =	vshll.u32 v1, $0xA;
	v2 =	vshll.u32 v0, $0x3  }
0x482: {  	v4 =	vld [tilespmem:s7+$0x10];
	v1 =	vshll.u32 v1, $0x7;
	v20 =	vand.u32 $0x2000, v3;
	v12 =	vand.u32 $0xFFFFFC00, v2  }
0x483: {  	v26 =	vand.u32 $0x380, v1;
	v1 =	vadd.s32 v12, v20  }
0x484: {  	v14 =	vand.u32 $0x7F, v0;
	v0 =	vmov s2;
	v1 =	vor.u32 v26, v1  }
0x485: {  	v2 =	vshll.u32 v0, $0xA;
	v1 =	vor.u32 v14, v1  }
0x486: {  	v0 =	vshll.u32 v0, $0x7;
	v25 =	vand.u32 $0x2000, v2  }
0x487: {  	v3 =	vshll.u32 v4, $0x3;
	v24 =	vand.u32 $0x300, v0;
	v0 =	vadd.s32 v12, v25  }
0x488: {  	v17 =	vand.u32 $0xFFFFFC00, v3;
	v2 =	vld [tilespmem:s7+$0x20];
	v0 =	vor.u32 v24, v0  }
0x489: {  	v5 =	vld [tilespmem:s7+$0x30];
	v3 =	vadd.s32 v17, v20;
	v0 =	vor.u32 v14, v0  }
0x48a: {  	s10 =	sshll.u32 s5, $0xA;
	v16 =	vand.u32 $0x7F, v4;
	v3 =	vor.u32 v26, v3;
	v1 =	vld.idx.msk [tilespmem:v1+s23+$0x0], $0xffff  }
0x48b: {  	s25 =	simm.s32 $0x4400;
	s19 =	simm.s32 $0x3;
	s20 =	simm.s32 $0x4;
	v7 =	vld [tilespmem:s7+$0x40];
	v4 =	vor.u32 v16, v3  }
0x48c: {  	s12 =	simm.s32 $0x880;
	s11 =	sadd.s32 $0x10400, s10;
	s8 =	sand.u32 $0x6000, s25;
	v19 =	vmov s19;
	v32 =	vmov s20;
	v8 =	vld [tilespmem:s7+$0x50]  }
0x48d: {  	s29 =	sand.u32 $0x380, s12;
	s25 =	simm.s32 $0x5;
	v9 =	vld [tilespmem:s7+$0x60];
	s8 =	sadd.s32 s8, s11;
	v3 =	vadd.s32 v17, v25;
	v11 =	vand.u32 $0x7F, v2;
	v2 =	vshll.u32 v2, $0x3  }
0x48e: {  	v52 =	vmov s25;
	s17 =	sadd.s32 s29, s8;
	v18 =	vand.u32 $0xFFFFFC00, v2;
	v2 =	vor.u32 v24, v3;
	v0 =	vld.idx.msk [tilespmem:v0+s23+$0x0], $0xffff  }
0x48f: {  	s12 =	simm.s32 $0x2;
	v27 =	vld [tilespmem:s7+$0x70];
	v6 =	vand.u32 $0x7F, v5;
	v2 =	vor.u32 v16, v2;
	[tilespmem:s17+$0x0] =	vst v1;
	v1 =	vadd.s32 v18, v20  }
0x490: {  	s13 =	sand.u32 $0x2000, s2;
	v3 =	vshll.u32 v5, $0x3;
	v5 =	vmov s12;
	v4 =	vld.idx.msk [tilespmem:v4+s23+$0x0], $0xffff;
	v1 =	vor.u32 v26, v1  }
0x491: {  	s16 =	sand.u32 $0x300, s2;
	s8 =	sadd.s32 s10, s13;
	v10 =	vand.u32 $0xFFFFFC00, v3;
	v15 =	vadd.s32 v18, v25;
	v13 =	vor.u32 v11, v1  }
0x492: {  	s18 =	sadd.s32 s16, s8;
	v3 =	vand.u32 $0x7F, v7;
	v7 =	vshll.u32 v7, $0x3;
	v15 =	vor.u32 v24, v15  }
0x493: {  	v21 =	vor.u32 v11, v15;
	[tilespmem:s18+$0x14400] =	vst v0;
	v1 =	vshll.u32 v5, $0x7;
	v5 =	vshll.u32 v5, $0xA  }
0x494: {  	v2 =	vld.idx.msk [tilespmem:v2+s23+$0x0], $0xffff;
	v0 =	vand.u32 $0x300, v1;
	v1 =	vand.u32 $0x2000, v5;
	v5 =	vshll.u32 v19, $0xA  }
0x495: {  	v15 =	vshll.u32 v19, $0x7;
	v19 =	vadd.s32 v10, v20;
	v5 =	vand.u32 $0x2000, v5;
	[tilespmem:s17+$0x10] =	vst v4  }
0x496: {  	v19 =	vor.u32 v26, v19;
	v4 =	vand.u32 $0x380, v15;
	v15 =	vadd.s32 v12, v5;
	v13 =	vld.idx.msk [tilespmem:v13+s23+$0x0], $0xffff  }
0x497: {  	v22 =	vadd.s32 v12, v1;
	v19 =	vor.u32 v6, v19;
	v23 =	vor.u32 v4, v15  }
0x498: {  	s12 =	sadd.s32 $0x14400, s18;
	v15 =	vand.u32 $0xFFFFFC00, v7;
	v7 =	vor.u32 v0, v22;
	v22 =	vor.u32 v14, v23  }
0x499: {  	[tilespmem:s12+$0x10] =	vst v2;
	v2 =	vadd.s32 v10, v25;
	v23 =	vshll.u32 v8, $0x3;
	v28 =	vor.u32 v14, v7  }
0x49a: {  	v7 =	vand.u32 $0x7F, v8;
	v21 =	vld.idx.msk [tilespmem:v21+s23+$0x0], $0xffff;
	v8 =	vand.u32 $0xFFFFFC00, v23;
	v23 =	vor.u32 v24, v2  }
0x49b: {  	v30 =	vadd.s32 v17, v1;
	v23 =	vor.u32 v6, v23;
	[tilespmem:s17+$0x20] =	vst v13;
	v13 =	vadd.s32 v15, v20  }
0x49c: {  	v33 =	vadd.s32 v18, v1;
	v29 =	vadd.s32 v17, v5;
	v19 =	vld.idx.msk [tilespmem:v19+s23+$0x0], $0xffff;
	v13 =	vor.u32 v26, v13  }
0x49d: {  	v54 =	vadd.s32 v10, v1;
	v29 =	vor.u32 v4, v29;
	v22 =	vld.idx.msk [tilespmem:v22+s23+$0x0], $0xffff;
	v13 =	vor.u32 v3, v13  }
0x49e: {  	s21 =	simm.s32 $0x800;
	s13 =	simm.s32 $0x4C00;
	v30 =	vor.u32 v0, v30;
	v50 =	vadd.s32 v18, v5;
	v29 =	vor.u32 v16, v29;
	v28 =	vld.idx.msk [tilespmem:v28+s23+$0x0], $0xffff  }
0x49f: {  	s8 =	sand.u32 $0x2000, s21;
	s13 =	sand.u32 $0x6000, s13;
	s16 =	simm.s32 $0x980;
	v2 =	vand.u32 $0x7F, v9;
	v9 =	vshll.u32 v9, $0x3;
	[tilespmem:s12+$0x20] =	vst v21;
	v21 =	vor.u32 v16, v30  }
0x4a0: {  	s16 =	sand.u32 $0x380, s16;
	s13 =	sadd.s32 s13, s11;
	s18 =	simm.s32 $0x100;
	v31 =	vadd.s32 v15, v25;
	v9 =	vand.u32 $0xFFFFFC00, v9;
	v34 =	vadd.s32 v8, v20;
	v23 =	vld.idx.msk [tilespmem:v23+s23+$0x0], $0xffff  }
0x4a1: {  	s8 =	sadd.s32 s10, s8;
	s7 =	sadd.s32 s16, s13;
	s18 =	sand.u32 $0x300, s18;
	v63 =	vadd.s32 v8, v1;
	v34 =	vor.u32 v26, v34;
	v30 =	vor.u32 v24, v31;
	[tilespmem:s17+$0x30] =	vst v19  }
0x4a2: {  	s8 =	sadd.s32 s18, s8;
	v30 =	vor.u32 v3, v30;
	v19 =	vshll.u32 v32, $0x7;
	[tilespmem:s7+$0x0] =	vst v22;
	v22 =	vshll.u32 v32, $0xA;
	v35 =	vld.idx.msk [tilespmem:v13+s23+$0x0], $0xffff  }
0x4a3: {  	[tilespmem:s8+$0x14400] =	vst v28;
	v28 =	vld.idx.msk [tilespmem:v29+s23+$0x0], $0xffff;
	v13 =	vand.u32 $0x300, v19;
	v19 =	vor.u32 v4, v50;
	v29 =	vor.u32 v7, v34  }
0x4a4: {  	v51 =	vld.idx.msk [tilespmem:v21+s23+$0x0], $0xffff;
	v22 =	vand.u32 $0x2000, v22;
	v21 =	vor.u32 v0, v33;
	v19 =	vor.u32 v11, v19  }
0x4a5: {  	v34 =	vshll.u32 v52, $0xA;
	[tilespmem:s12+$0x30] =	vst v23;
	v23 =	vadd.s32 v12, v22;
	v33 =	vor.u32 v11, v21  }
0x4a6: {  	v21 =	vadd.s32 v8, v25;
	v61 =	vadd.s32 v18, v22;
	v23 =	vor.u32 v13, v23  }
0x4a7: {  	v30 =	vld.idx.msk [tilespmem:v30+s23+$0x0], $0xffff;
	v21 =	vor.u32 v24, v21;
	v36 =	vor.u32 v14, v23;
	v23 =	vshll.u32 v52, $0x7;
	[tilespmem:s17+$0x40] =	vst v35  }
0x4a8: {  	v37 =	vor.u32 v7, v21;
	v21 =	vand.u32 $0x380, v23;
	[tilespmem:s7+$0x10] =	vst v28;
	v28 =	vld.idx.msk [tilespmem:v29+s23+$0x0], $0xffff;
	v29 =	vadd.s32 v9, v20  }
0x4a9: {  	v23 =	vand.u32 $0x2000, v34;
	v53 =	vld.idx.msk [tilespmem:v19+s23+$0x0], $0xffff;
	v19 =	vadd.s32 v10, v5;
	v29 =	vor.u32 v26, v29  }
0x4aa: {  	s8 =	sadd.s32 $0x14400, s8;
	v34 =	vadd.s32 v12, v23;
	v19 =	vor.u32 v4, v19;
	v29 =	vor.u32 v2, v29  }
0x4ab: {  	[tilespmem:s8+$0x10] =	vst v51;
	v35 =	vor.u32 v0, v54;
	v34 =	vor.u32 v21, v34;
	v38 =	vor.u32 v6, v19  }
0x4ac: {  	v31 =	vshll.u32 v27, $0x3;
	v33 =	vld.idx.msk [tilespmem:v33+s23+$0x0], $0xffff;
	[tilespmem:s12+$0x40] =	vst v30;
	v30 =	vadd.s32 v9, v25;
	v34 =	vor.u32 v14, v34  }
0x4ad: {  	v57 =	vadd.s32 v17, v23;
	v37 =	vld.idx.msk [tilespmem:v37+s23+$0x0], $0xffff;
	v19 =	vand.u32 $0xFFFFFC00, v31;
	v30 =	vor.u32 v24, v30  }
0x4ae: {  	v31 =	vor.u32 v6, v35;
	v30 =	vor.u32 v2, v30;
	v56 =	vadd.s32 v19, v20;
	[tilespmem:s17+$0x50] =	vst v28  }
0x4af: {  	v20 =	vand.u32 $0x7F, v27;
	v26 =	vor.u32 v26, v56;
	[tilespmem:s7+$0x20] =	vst v53;
	v27 =	vld.idx.msk [tilespmem:v29+s23+$0x0], $0xffff;
	v29 =	vadd.s32 v15, v5  }
0x4b0: {  	v62 =	vadd.s32 v18, v23;
	v58 =	vor.u32 v20, v26;
	v32 =	vld.idx.msk [tilespmem:v38+s23+$0x0], $0xffff;
	v29 =	vor.u32 v4, v29  }
0x4b1: {  	v28 =	vadd.s32 v17, v22;
	v26 =	vor.u32 v21, v57;
	v59 =	vld.idx.msk [tilespmem:v34+s23+$0x0], $0xffff;
	v29 =	vor.u32 v3, v29  }
0x4b2: {  	s19 =	simm.s32 $0x200;
	s29 =	simm.s32 $0x6;
	s21 =	simm.s32 $0x5400;
	v55 =	vld.idx.msk [tilespmem:v36+s23+$0x0], $0xffff;
	[tilespmem:s8+$0x20] =	vst v33;
	v28 =	vor.u32 v13, v28;
	v36 =	vor.u32 v16, v26  }
0x4b3: {  	s16 =	sand.u32 $0x6000, s21;
	s21 =	simm.s32 $0xA80;
	s18 =	simm.s32 $0x1000;
	v26 =	vadd.s32 v15, v1;
	v60 =	vld.idx.msk [tilespmem:v31+s23+$0x0], $0xffff;
	[tilespmem:s12+$0x50] =	vst v37;
	v28 =	vor.u32 v16, v28  }
0x4b4: {  	s21 =	sand.u32 $0x380, s21;
	s16 =	sadd.s32 s16, s11;
	s20 =	sand.u32 $0x2000, s18;
	v25 =	vadd.s32 v19, v25;
	v26 =	vor.u32 v0, v26;
	v37 =	vld.idx.msk [tilespmem:v30+s23+$0x0], $0xffff;
	[tilespmem:s17+$0x60] =	vst v27  }
0x4b5: {  	s25 =	sand.u32 $0x300, s19;
	s13 =	sadd.s32 s21, s16;
	s20 =	sadd.s32 s10, s20;
	v24 =	vor.u32 v24, v25;
	v25 =	vmov s29;
	v30 =	vor.u32 v3, v26;
	[tilespmem:s7+$0x30] =	vst v32;
	v39 =	vld.idx.msk [tilespmem:v58+s23+$0x0], $0xffff  }
0x4b6: {  	s25 =	sadd.s32 s25, s20;
	v40 =	vshll.u32 v25, $0xA;
	[tilespmem:s13+$0x0] =	vst v59;
	v27 =	vor.u32 v20, v24;
	v31 =	vld.idx.msk [tilespmem:v29+s23+$0x0], $0xffff;
	v29 =	vadd.s32 v8, v5  }
0x4b7: {  	[tilespmem:s25+$0x14400] =	vst v55;
	v26 =	vadd.s32 v9, v1;
	v24 =	vshll.u32 v25, $0x7;
	v32 =	vld.idx.msk [tilespmem:v36+s23+$0x0], $0xffff;
	v29 =	vor.u32 v4, v29  }
0x4b8: {  	v33 =	vld.idx.msk [tilespmem:v28+s23+$0x0], $0xffff;
	v28 =	vor.u32 v21, v62;
	v25 =	vand.u32 $0x300, v24;
	v35 =	vor.u32 v7, v29  }
0x4b9: {  	[tilespmem:s8+$0x30] =	vst v60;
	v24 =	vand.u32 $0x2000, v40;
	v34 =	vor.u32 v11, v28;
	v29 =	vor.u32 v13, v61  }
0x4ba: {  	s29 =	simm.s32 $0x7;
	v30 =	vld.idx.msk [tilespmem:v30+s23+$0x0], $0xffff;
	[tilespmem:s12+$0x60] =	vst v37;
	v28 =	vadd.s32 v12, v24;
	v36 =	vor.u32 v11, v29  }
0x4bb: {  	s20 =	simm.s32 $0x8;
	s16 =	sadd.s32 $0x14400, s25;
	v37 =	vor.u32 v0, v63;
	v38 =	vor.u32 v25, v28;
	v29 =	vld.idx.msk [tilespmem:v27+s23+$0x0], $0xffff;
	v27 =	vmov s29;
	[tilespmem:s17+$0x70] =	vst v39  }
.LBB2_32:
0x4bc: {  	p0 =	slt.u32 s20, $0xE;
	v28 =	vor.u32 v14, v38;
	v38 =	vshll.u32 v27, $0x7;
	v37 =	vor.u32 v7, v37;
	[tilespmem:s7+$0x40] =	vst v31  }
0x4bd: {  	v27 =	vshll.u32 v27, $0xA;
	v31 =	vand.u32 $0x380, v38;
	[tilespmem:s13+$0x10] =	vst v32;
	v32 =	vld.idx.msk [tilespmem:v35+s23+$0x0], $0xffff;
	v35 =	vadd.s32 v9, v5  }
0x4be: {  	v27 =	vand.u32 $0x2000, v27;
	[tilespmem:s16+$0x10] =	vst v33;
	v33 =	vld.idx.msk [tilespmem:v34+s23+$0x0], $0xffff;
	v34 =	vadd.s32 v10, v23;
	v35 =	vor.u32 v4, v35  }
0x4bf: {  	v38 =	vadd.s32 v12, v27;
	v36 =	vld.idx.msk [tilespmem:v36+s23+$0x0], $0xffff;
	v34 =	vor.u32 v21, v34;
	v35 =	vor.u32 v2, v35  }
0x4c0: {  	v39 =	vadd.s32 v10, v22;
	v38 =	vor.u32 v31, v38;
	v34 =	vor.u32 v6, v34;
	[tilespmem:s8+$0x40] =	vst v30  }
0x4c1: {  	v30 =	vor.u32 v14, v38;
	v38 =	vor.u32 v13, v39;
	v37 =	vld.idx.msk [tilespmem:v37+s23+$0x0], $0xffff;
	[tilespmem:s12+$0x70] =	vst v29;
	s12 =	smov.u32 s8;
	s8 =	smov.u32 s16  }
0x4c2: {  	v26 =	vor.u32 v0, v26;
	v29 =	vor.u32 v6, v38  }
0x4c3: {  	v26 =	vor.u32 v2, v26;
	v28 =	vld.idx.msk [tilespmem:v28+s23+$0x0], $0xffff;
	[tilespmem:s7+$0x50] =	vst v32  }
0x4c4: {  	v32 =	vadd.s32 v17, v24;
	[tilespmem:s13+$0x20] =	vst v33;
	v33 =	vld.idx.msk [tilespmem:v35+s23+$0x0], $0xffff;
	v35 =	vadd.s32 v19, v5;
	v5 =	vmov v23  }
0x4c5: {  	[tilespmem:s8+$0x20] =	vst v36;
	v34 =	vld.idx.msk [tilespmem:v34+s23+$0x0], $0xffff;
	v23 =	vadd.s32 v15, v5;
	v35 =	vor.u32 v4, v35;
	v4 =	vmov v21  }
0x4c6: {  	v39 =	vadd.s32 v17, v27;
	v30 =	vld.idx.msk [tilespmem:v30+s23+$0x0], $0xffff;
	v23 =	vor.u32 v4, v23;
	v35 =	vor.u32 v20, v35  }
0x4c7: {  	s18 =	sadd.s32 $0x800, s18;
	v36 =	vor.u32 v31, v39;
	v21 =	vmov v31;
	v29 =	vld.idx.msk [tilespmem:v29+s23+$0x0], $0xffff;
	v38 =	vor.u32 v3, v23;
	[tilespmem:s12+$0x50] =	vst v37  }
0x4c8: {  	s19 =	sadd.s32 $0x100, s19;
	s17 =	sadd.s32 $0x4400, s18;
	s16 =	sand.u32 $0x2000, s18;
	v39 =	vor.u32 v25, v32;
	v31 =	vadd.s32 v15, v22;
	v32 =	vor.u32 v16, v36;
	v36 =	vld.idx.msk [tilespmem:v26+s23+$0x0], $0xffff  }
0x4c9: {  	v41 =	vadd.s32 v19, v1;
	s21 =	sadd.s32 $0x880, s19;
	s17 =	sand.u32 $0x6000, s17;
	s16 =	sadd.s32 s10, s16;
	v37 =	vor.u32 v16, v39;
	v26 =	vor.u32 v13, v31;
	v23 =	vmovc v27  }
0x4ca: {  	s25 =	sand.u32 $0x300, s19;
	s21 =	sand.u32 $0x380, s21;
	s17 =	sadd.s32 s17, s11;
	v31 =	vor.u32 v0, v41;
	v0 =	vmovc v13;
	v13 =	vmov v25;
	v27 =	vor.u32 v3, v26;
	[tilespmem:s7+$0x60] =	vst v33  }
0x4cb: {  	v1 =	vmovc v22;
	s17 =	sadd.s32 s21, s17;
	s25 =	sadd.s32 s25, s16;
	v25 =	vmov s20;
	v26 =	vadd.s32 v9, v22;
	v39 =	vor.u32 v20, v31;
	[tilespmem:s13+$0x30] =	vst v34;
	v40 =	vld.idx.msk [tilespmem:v35+s23+$0x0], $0xffff  }
0x4cc: {  	s16 =	sadd.s32 $0x14400, s25;
	v22 =	vshll.u32 v25, $0x7;
	v34 =	vadd.s32 v18, v24;
	[tilespmem:s17+$0x0] =	vst v30;
	v31 =	vld.idx.msk [tilespmem:v38+s23+$0x0], $0xffff;
	v30 =	vadd.s32 v8, v5  }
.Ltmp14:
0x4cd: {  	v38 =	vshll.u32 v25, $0xA;
	[tilespmem:s25+$0x14400] =	vst v28;
	v32 =	vld.idx.msk [tilespmem:v32+s23+$0x0], $0xffff;
	v28 =	vadd.s32 v18, v23;
	v30 =	vor.u32 v4, v30;
	(pc) =	sbr.rel @p0 .LBB2_32-.Ltmp14, $4  }
0x4ce: {  	v25 =	vand.u32 $0x300, v22;
	v33 =	vld.idx.msk [tilespmem:v37+s23+$0x0], $0xffff;
	v22 =	vor.u32 v21, v28;
	[tilespmem:s8+$0x30] =	vst v29;
	v35 =	vor.u32 v7, v30  }
0x4cf: {  	v28 =	vand.u32 $0x2000, v38;
	v29 =	vor.u32 v13, v34;
	v34 =	vor.u32 v11, v22;
	v30 =	vld.idx.msk [tilespmem:v27+s23+$0x0], $0xffff;
	[tilespmem:s12+$0x60] =	vst v36  }
0x4d0: {  	s21 =	sadd.s32 $0x1, s20;
	v37 =	vadd.s32 v8, v1;
	v41 =	vadd.s32 v12, v28;
	v36 =	vor.u32 v11, v29;
	v29 =	vld.idx.msk [tilespmem:v39+s23+$0x0], $0xffff  }
0x4d1: {  	s20 =	sadd.s32 $0x2, s20;
	v27 =	vmov s21;
	v37 =	vor.u32 v0, v37;
	v38 =	vor.u32 v25, v41;
	[tilespmem:s7+$0x70] =	vst v40;
	v22 =	vmovc v24;
	v24 =	vmovc v28;
	s7 =	smov.u32 s13;
	s13 =	smov.u32 s17  }
0x4d2: {  	v28 =	vshll.u32 v27, $0xA  }
0x4d3: {  	v42 =	vshll.u32 v27, $0x7;
	v28 =	vand.u32 $0x2000, v28  }
0x4d4: {  	v27 =	vand.u32 $0x380, v42;
	v12 =	vadd.s32 v12, v28  }
0x4d5: {  	v12 =	vor.u32 v27, v12  }
0x4d6: {  	v12 =	vor.u32 v14, v12  }
0x4d7: {  	v43 =	vor.u32 v14, v38;
	_ =	sdelay $0x2  }
0x4d8: {  	v44 =	vadd.s32 v17, v28  }
0x4d9: {  	v45 =	vadd.s32 v17, v24;
	s17 =	sadd.s32 $0x800, s18;
	v38 =	vor.u32 v27, v44;
	v12 =	vld.idx.msk [tilespmem:v12+s23+$0x0], $0xffff  }
0x4da: {  	s19 =	sadd.s32 $0x100, s19;
	s18 =	sadd.s32 $0x4400, s17;
	v17 =	vor.u32 v25, v45;
	v38 =	vor.u32 v16, v38;
	v14 =	vld.idx.msk [tilespmem:v43+s23+$0x0], $0xffff  }
0x4db: {  	s20 =	sadd.s32 $0x880, s19;
	s18 =	sand.u32 $0x6000, s18;
	v46 =	vor.u32 v16, v17  }
0x4dc: {  	s17 =	sand.u32 $0x2000, s17;
	s21 =	sand.u32 $0x380, s20;
	s11 =	sadd.s32 s18, s11  }
0x4dd: {  	s19 =	sand.u32 $0x300, s19;
	s17 =	sadd.s32 s10, s17;
	s25 =	sadd.s32 s21, s11  }
0x4de: {  	v47 =	vor.u32 v7, v37;
	v48 =	vadd.s32 v18, v28;
	s29 =	sadd.s32 s19, s17;
	[tilespmem:s25+$0x0] =	vst v12  }
0x4df: {  	v49 =	vadd.s32 v18, v24;
	[tilespmem:s29+$0x14400] =	vst v14;
	v12 =	vor.u32 v27, v48;
	v50 =	vld.idx.msk [tilespmem:v38+s23+$0x0], $0xffff  }
0x4e0: {  	v51 =	vadd.s32 v10, v23;
	v18 =	vor.u32 v25, v49;
	v16 =	vld.idx.msk [tilespmem:v46+s23+$0x0], $0xffff;
	v12 =	vor.u32 v11, v12  }
0x4e1: {  	[tilespmem:s7+$0x40] =	vst v31;
	v54 =	vadd.s32 v10, v22;
	v55 =	vadd.s32 v9, v5;
	v52 =	vor.u32 v11, v18  }
0x4e2: {  	[tilespmem:s13+$0x10] =	vst v32;
	v58 =	vadd.s32 v10, v24;
	v62 =	vadd.s32 v15, v23;
	v63 =	vadd.s32 v15, v22  }
0x4e3: {  	[tilespmem:s16+$0x10] =	vst v33;
	v53 =	vld.idx.msk [tilespmem:v34+s23+$0x0], $0xffff;
	v32 =	vor.u32 v21, v51;
	v33 =	vor.u32 v13, v54  }
0x4e4: {  	v56 =	vld.idx.msk [tilespmem:v36+s23+$0x0], $0xffff;
	v32 =	vor.u32 v6, v32;
	v57 =	vadd.s32 v10, v28;
	s11 =	sadd.s32 $0x14400, s29;
	[tilespmem:s25+$0x10] =	vst v50  }
0x4e5: {  	v33 =	vor.u32 v6, v33;
	v14 =	vor.u32 v27, v57;
	[tilespmem:s11+$0x10] =	vst v16;
	v12 =	vld.idx.msk [tilespmem:v12+s23+$0x0], $0xffff  }
0x4e6: {  	v37 =	vadd.s32 v15, v24;
	v10 =	vor.u32 v25, v58;
	v14 =	vor.u32 v6, v14;
	v11 =	vld.idx.msk [tilespmem:v52+s23+$0x0], $0xffff  }
0x4e7: {  	v39 =	vadd.s32 v8, v23;
	v34 =	vor.u32 v4, v55;
	[tilespmem:s8+$0x40] =	vst v30;
	v60 =	vor.u32 v6, v10  }
0x4e8: {  	v1 =	vadd.s32 v19, v1;
	v31 =	vld.idx.msk [tilespmem:v35+s23+$0x0], $0xffff;
	v59 =	vor.u32 v2, v34;
	[tilespmem:s13+$0x20] =	vst v53  }
0x4e9: {  	v30 =	vor.u32 v13, v63;
	v18 =	vor.u32 v21, v62;
	[tilespmem:s16+$0x20] =	vst v56;
	v61 =	vld.idx.msk [tilespmem:v32+s23+$0x0], $0xffff  }
0x4ea: {  	v35 =	vadd.s32 v15, v28;
	v18 =	vor.u32 v3, v18;
	v34 =	vld.idx.msk [tilespmem:v33+s23+$0x0], $0xffff;
	[tilespmem:s25+$0x20] =	vst v12  }
0x4eb: {  	v30 =	vor.u32 v3, v30;
	[tilespmem:s11+$0x20] =	vst v11;
	v12 =	vor.u32 v27, v35;
	v36 =	vld.idx.msk [tilespmem:v14+s23+$0x0], $0xffff  }
0x4ec: {  	v42 =	vor.u32 v21, v39;
	v6 =	vld.idx.msk [tilespmem:v60+s23+$0x0], $0xffff;
	v12 =	vor.u32 v3, v12;
	v14 =	vor.u32 v25, v37  }
0x4ed: {  	v51 =	vadd.s32 v9, v22;
	v54 =	vadd.s32 v9, v24;
	[tilespmem:s12+$0x70] =	vst v29;
	v40 =	vor.u32 v3, v14  }
0x4ee: {  	v45 =	vadd.s32 v8, v28;
	v58 =	vadd.s32 v19, v23;
	v17 =	vld.idx.msk [tilespmem:v47+s23+$0x0], $0xffff;
	[tilespmem:s13+$0x30] =	vst v61  }
0x4ef: {  	v10 =	vor.u32 v7, v42;
	v43 =	vadd.s32 v8, v22;
	v18 =	vld.idx.msk [tilespmem:v18+s23+$0x0], $0xffff;
	[tilespmem:s16+$0x30] =	vst v34  }
0x4f0: {  	v46 =	vadd.s32 v8, v24;
	v44 =	vld.idx.msk [tilespmem:v30+s23+$0x0], $0xffff;
	v16 =	vor.u32 v13, v43;
	[tilespmem:s25+$0x30] =	vst v36  }
0x4f1: {  	v16 =	vor.u32 v7, v16;
	v11 =	vor.u32 v27, v45;
	[tilespmem:s11+$0x30] =	vst v6;
	v12 =	vld.idx.msk [tilespmem:v12+s23+$0x0], $0xffff  }
0x4f2: {  	v62 =	vadd.s32 v19, v24;
	v48 =	vor.u32 v7, v11;
	v6 =	vor.u32 v25, v46;
	v3 =	vld.idx.msk [tilespmem:v40+s23+$0x0], $0xffff  }
0x4f3: {  	v47 =	vadd.s32 v19, v5;
	[tilespmem:s7+$0x50] =	vst v31;
	v53 =	vadd.s32 v9, v28;
	v6 =	vor.u32 v7, v6  }
0x4f4: {  	v41 =	vld.idx.msk [tilespmem:v59+s23+$0x0], $0xffff;
	v38 =	vor.u32 v0, v26;
	[tilespmem:s13+$0x40] =	vst v18;
	v50 =	vadd.s32 v9, v23  }
0x4f5: {  	v15 =	vor.u32 v2, v38;
	v10 =	vld.idx.msk [tilespmem:v10+s23+$0x0], $0xffff;
	[tilespmem:s16+$0x40] =	vst v44;
	v5 =	vor.u32 v21, v50  }
0x4f6: {  	v5 =	vor.u32 v2, v5;
	v52 =	vld.idx.msk [tilespmem:v16+s23+$0x0], $0xffff;
	v7 =	vor.u32 v13, v51;
	[tilespmem:s25+$0x40] =	vst v12  }
0x4f7: {  	v7 =	vor.u32 v2, v7;
	v12 =	vor.u32 v27, v53;
	[tilespmem:s11+$0x40] =	vst v3;
	v8 =	vld.idx.msk [tilespmem:v48+s23+$0x0], $0xffff  }
0x4f8: {  	v49 =	vor.u32 v4, v47;
	v9 =	vor.u32 v25, v54;
	v55 =	vor.u32 v2, v12;
	v6 =	vld.idx.msk [tilespmem:v6+s23+$0x0], $0xffff  }
0x4f9: {  	[tilespmem:s8+$0x50] =	vst v17;
	v57 =	vor.u32 v0, v1;
	v1 =	vor.u32 v21, v58;
	v59 =	vor.u32 v2, v9  }
0x4fa: {  	v4 =	vor.u32 v20, v49;
	v1 =	vor.u32 v20, v1;
	v56 =	vld.idx.msk [tilespmem:v15+s23+$0x0], $0xffff;
	[tilespmem:s13+$0x50] =	vst v10  }
0x4fb: {  	v0 =	vor.u32 v20, v57;
	v60 =	vadd.s32 v19, v22;
	v5 =	vld.idx.msk [tilespmem:v5+s23+$0x0], $0xffff;
	[tilespmem:s16+$0x50] =	vst v52  }
0x4fc: {  	v61 =	vadd.s32 v19, v28;
	v9 =	vor.u32 v13, v60;
	v7 =	vld.idx.msk [tilespmem:v7+s23+$0x0], $0xffff;
	[tilespmem:s25+$0x50] =	vst v8  }
0x4fd: {  	v9 =	vor.u32 v20, v9;
	v8 =	vor.u32 v27, v61;
	[tilespmem:s11+$0x50] =	vst v6;
	v3 =	vld.idx.msk [tilespmem:v55+s23+$0x0], $0xffff  }
0x4fe: {  	[tilespmem:s7+$0x60] =	vst v41;
	v6 =	vor.u32 v25, v62;
	v8 =	vor.u32 v20, v8;
	v2 =	vld.idx.msk [tilespmem:v59+s23+$0x0], $0xffff  }
0x4ff: {  	v4 =	vld.idx.msk [tilespmem:v4+s23+$0x0], $0xffff;
	[tilespmem:s8+$0x60] =	vst v56;
	v6 =	vor.u32 v20, v6  }
0x500: {  	v0 =	vld.idx.msk [tilespmem:v0+s23+$0x0], $0xffff;
	[tilespmem:s13+$0x60] =	vst v5  }
0x501: {  	v1 =	vld.idx.msk [tilespmem:v1+s23+$0x0], $0xffff;
	[tilespmem:s16+$0x60] =	vst v7  }
0x502: {  	v63 =	vld.idx.msk [tilespmem:v9+s23+$0x0], $0xffff;
	[tilespmem:s25+$0x60] =	vst v3  }
0x503: {  	s5 =	sadd.s32 $0x1, s5;
	[tilespmem:s11+$0x60] =	vst v2;
	v3 =	vld.idx.msk [tilespmem:v8+s23+$0x0], $0xffff  }
0x504: {  	p0 =	sne.s32 s5, $0x8;
	[tilespmem:s7+$0x70] =	vst v4;
	v2 =	vld.idx.msk [tilespmem:v6+s23+$0x0], $0xffff  }
.Ltmp15:
0x505: {  	[tilespmem:s8+$0x70] =	vst v0;
	(pc) =	sbr.rel @p0 .LBB2_31-.Ltmp15, $4  }
0x506: {  	[tilespmem:s13+$0x70] =	vst v1  }
0x507: {  	[tilespmem:s16+$0x70] =	vst v63  }
0x508: {  	[tilespmem:s25+$0x70] =	vst v3  }
0x509: {  	[tilespmem:s11+$0x70] =	vst v2  }
0x50a: {  	s30 =	sadd.s32 $0x1, s30  }
0x50b: {  	s0 =	sand.u32 $0xF000, s0;
	p0 =	sne.s32 s30, $0x7  }
.Ltmp16:
0x50c: {  	s31 =	sadd.s32 s31, s15;
	s0 =	sadd.s32 s0, s9;
	(pc) =	sbr.rel @p0 .LBB2_18-.Ltmp16, $4  }
0x50d: {  	[hbm4b:s0+s3] =	stream.linear.scatter [tilespmem:s26], [sflag:$0x2], $0x8000, $0x38;
	[tilespmem:$0x18400] =	vst v63  }
0x50e: {  	s0 =	sshll.u32 s31, $0x7  }
0x50f: {  	s0 =	sadd.s32 s1, s0  }
0x510: {  	[tilespmem:s23], [sflag:$0x1] =	stream.linear.gather [hbm4b:s0+s3], $0x4000, $0x38;
	[tilespmem:$0x18400] =	vst v63  }
0x511: {  	_ =	swait.ge [sflag:s24], $0x4000  }
0x512: {  	[sflag:s24] =	ssyncset.done $0x0  }
0x513: {  	[sflag:s24] =	ssyncadd.s32 $0xFFFFC000  }
0x514: {  	_ =	swait.ge [sflag:s28], $0x8000  }
0x515: {  	[sflag:s28] =	ssyncset.done $0x0  }
0x516: {  	s0 =	simm.s32 $0x0;
	s2 =	simm.s32 $0x0;
	[sflag:s28] =	ssyncadd.s32 $0xFFFF8000  }
.LBB2_36:
0x517: {  	s5 =	sshll.u32 s2, $0x7  }
0x518: {  	s5 =	sand.u32 $0x3FFFFF80, s5  }
0x519: {  	v0 =	vld [tilespmem:s5+$0x0]  }
0x51a: {  	v1 =	vld [tilespmem:s5+$0x10]  }
0x51b: {  	v2 =	vld [tilespmem:s5+$0x20]  }
0x51c: {  	v3 =	vld [tilespmem:s5+$0x30]  }
0x51d: {  	v4 =	vld [tilespmem:s5+$0x40]  }
0x51e: {  	s8 =	simm.s32 $0x2;
	v5 =	vld [tilespmem:s5+$0x50]  }
0x51f: {  	v25 =	vmov s0;
	v54 =	vmov s8;
	v11 =	vand.u32 $0x7F, v0  }
0x520: {  	v16 =	vld [tilespmem:s5+$0x60];
	v0 =	vshll.u32 v0, $0x3;
	v6 =	vshll.u32 v1, $0x3;
	v12 =	vand.u32 $0x7F, v1  }
0x521: {  	v9 =	vand.u32 $0x7F, v2;
	v1 =	vshll.u32 v3, $0x3;
	v7 =	vand.u32 $0x7F, v3  }
0x522: {  	v15 =	vand.u32 $0xFFFFFC00, v0;
	v14 =	vand.u32 $0xFFFFFC00, v6;
	v0 =	vshll.u32 v2, $0x3  }
0x523: {  	s21 =	simm.s32 $0x1;
	v17 =	vld [tilespmem:s5+$0x70];
	v10 =	vand.u32 $0xFFFFFC00, v1;
	v6 =	vand.u32 $0x7F, v4;
	v1 =	vshll.u32 v5, $0x3  }
0x524: {  	v2 =	vmov s21;
	v13 =	vand.u32 $0xFFFFFC00, v0;
	v0 =	vshll.u32 v4, $0x3  }
0x525: {  	v4 =	vand.u32 $0x7F, v5;
	v5 =	vand.u32 $0xFFFFFC00, v1;
	v1 =	vand.u32 $0x7F, v16  }
0x526: {  	v18 =	vshll.u32 v2, $0x7;
	v8 =	vand.u32 $0xFFFFFC00, v0;
	v0 =	vshll.u32 v16, $0x3  }
0x527: {  	v16 =	vshll.u32 v2, $0xA;
	v18 =	vand.u32 $0x380, v18;
	v3 =	vand.u32 $0xFFFFFC00, v0  }
0x528: {  	v0 =	vand.u32 $0x7F, v17;
	v17 =	vshll.u32 v17, $0x3;
	v16 =	vand.u32 $0x2000, v16  }
0x529: {  	v2 =	vand.u32 $0xFFFFFC00, v17;
	v17 =	vadd.s32 v15, v16;
	v19 =	vadd.s32 v13, v16  }
0x52a: {  	v20 =	vadd.s32 v14, v16;
	v23 =	vadd.s32 v10, v16;
	v24 =	vadd.s32 v5, v16  }
0x52b: {  	v17 =	vor.u32 v18, v17;
	v21 =	vadd.s32 v2, v16;
	v20 =	vor.u32 v18, v20  }
0x52c: {  	v19 =	vor.u32 v18, v19;
	v23 =	vor.u32 v18, v23;
	v24 =	vor.u32 v18, v24  }
0x52d: {  	v17 =	vor.u32 v11, v17;
	v21 =	vor.u32 v18, v21;
	v22 =	vor.u32 v12, v20  }
0x52e: {  	v19 =	vor.u32 v9, v19;
	v26 =	vor.u32 v7, v23;
	v23 =	vshll.u32 v25, $0x7  }
0x52f: {  	v20 =	vor.u32 v0, v21;
	v21 =	vadd.s32 v8, v16;
	v16 =	vadd.s32 v3, v16  }
0x530: {  	v21 =	vor.u32 v18, v21;
	v18 =	vor.u32 v18, v16;
	v16 =	vshll.u32 v25, $0xA  }
0x531: {  	s25 =	simm.s32 $0x3;
	v24 =	vor.u32 v4, v24;
	v27 =	vand.u32 $0x300, v23;
	v25 =	vand.u32 $0x2000, v16  }
0x532: {  	v16 =	vmov s25;
	v23 =	vadd.s32 v15, v25;
	v28 =	vadd.s32 v8, v25  }
0x533: {  	v29 =	vshll.u32 v16, $0xA;
	v30 =	vadd.s32 v14, v25;
	v31 =	vadd.s32 v10, v25  }
0x534: {  	s29 =	sshll.u32 s2, $0xA;
	v32 =	vadd.s32 v13, v25;
	v16 =	vshll.u32 v16, $0x7;
	v17 =	vld.idx.msk [tilespmem:v17+s22+$0x0], $0xffff;
	v23 =	vor.u32 v27, v23  }
0x535: {  	s5 =	sand.u32 $0x3FFFFC00, s29;
	v30 =	vor.u32 v27, v30;
	v29 =	vand.u32 $0x2000, v29;
	v34 =	vand.u32 $0x380, v16  }
0x536: {  	s30 =	simm.s32 $0x80;
	s7 =	sand.u32 $0x2000, s0;
	s10 =	sadd.s32 $0x8400, s5;
	v31 =	vor.u32 v27, v31;
	v28 =	vor.u32 v27, v28;
	v33 =	vor.u32 v11, v23  }
0x537: {  	s5 =	sand.u32 $0x380, s30;
	s7 =	sadd.s32 s7, s10;
	v23 =	vadd.s32 v15, v29;
	v16 =	vadd.s32 v13, v29;
	v35 =	vadd.s32 v14, v29  }
0x538: {  	s5 =	sadd.s32 s5, s7;
	v30 =	vor.u32 v12, v30;
	v31 =	vor.u32 v7, v31;
	v23 =	vor.u32 v34, v23  }
0x539: {  	v36 =	vor.u32 v11, v23;
	v23 =	vor.u32 v34, v35;
	[tilespmem:s5+$0x0] =	vst v17;
	v17 =	vadd.s32 v2, v29  }
0x53a: {  	v35 =	vor.u32 v12, v23;
	v23 =	vor.u32 v34, v16;
	v17 =	vor.u32 v34, v17  }
0x53b: {  	v37 =	vor.u32 v9, v23;
	v22 =	vld.idx.msk [tilespmem:v22+s22+$0x0], $0xffff;
	v16 =	vor.u32 v0, v17;
	v17 =	vadd.s32 v8, v29  }
0x53c: {  	v23 =	vadd.s32 v10, v29;
	v38 =	vor.u32 v34, v17;
	v17 =	vadd.s32 v5, v29  }
0x53d: {  	v28 =	vor.u32 v6, v28;
	v39 =	vor.u32 v34, v23;
	v41 =	vor.u32 v34, v17  }
0x53e: {  	v17 =	vadd.s32 v3, v29;
	v29 =	vor.u32 v27, v32;
	v38 =	vor.u32 v6, v38  }
0x53f: {  	v36 =	vld.idx.msk [tilespmem:v36+s22+$0x0], $0xffff;
	v52 =	vor.u32 v34, v17;
	v17 =	vadd.s32 v3, v25;
	v29 =	vor.u32 v9, v29  }
0x540: {  	[tilespmem:s5+$0x10] =	vst v22;
	v22 =	vadd.s32 v5, v25;
	v23 =	vor.u32 v27, v17;
	v17 =	vld.idx.msk [tilespmem:v33+s22+$0x0], $0xffff;
	v33 =	vshll.u32 v54, $0x7  }
0x541: {  	s31 =	simm.s32 $0x0;
	s11 =	simm.s32 $0x800;
	v53 =	vor.u32 v27, v22;
	v22 =	vor.u32 v6, v21;
	v21 =	vadd.s32 v2, v25  }
0x542: {  	s12 =	simm.s32 $0x5;
	s13 =	simm.s32 $0x180;
	s11 =	sand.u32 $0x2000, s11;
	v19 =	vld.idx.msk [tilespmem:v19+s22+$0x0], $0xffff;
	v27 =	vor.u32 v27, v21;
	v21 =	vor.u32 v1, v18;
	v18 =	vshll.u32 v54, $0xA  }
0x543: {  	s8 =	sand.u32 $0x300, s31;
	s13 =	sand.u32 $0x380, s13;
	s11 =	sadd.s32 s11, s10;
	v25 =	vor.u32 v7, v39;
	v33 =	vand.u32 $0x300, v33;
	v55 =	vand.u32 $0x2000, v18  }
0x544: {  	s8 =	sadd.s32 s8, s7;
	s7 =	sadd.s32 s13, s11;
	v32 =	vor.u32 v4, v53;
	v18 =	vmov s12;
	v40 =	vadd.s32 v8, v55  }
0x545: {  	[tilespmem:s7+$0x0] =	vst v36;
	v42 =	vadd.s32 v14, v55;
	v43 =	vadd.s32 v10, v55;
	v56 =	vadd.s32 v13, v55  }
0x546: {  	[tilespmem:s8+$0x0] =	vst v17;
	v42 =	vor.u32 v33, v42;
	v43 =	vor.u32 v33, v43;
	v36 =	vor.u32 v33, v56  }
0x547: {  	v17 =	vshll.u32 v18, $0xA;
	v40 =	vor.u32 v33, v40;
	[tilespmem:s5+$0x20] =	vst v19;
	v19 =	vadd.s32 v15, v55;
	v30 =	vld.idx.msk [tilespmem:v30+s22+$0x0], $0xffff  }
0x548: {  	v44 =	vand.u32 $0x2000, v17;
	v17 =	vshll.u32 v18, $0x7;
	v18 =	vld.idx.msk [tilespmem:v35+s22+$0x0], $0xffff;
	v42 =	vor.u32 v12, v42  }
0x549: {  	v36 =	vor.u32 v9, v36;
	v63 =	vor.u32 v7, v43;
	v26 =	vld.idx.msk [tilespmem:v26+s22+$0x0], $0xffff;
	v19 =	vor.u32 v33, v19  }
0x54a: {  	v57 =	vadd.s32 v15, v44;
	v45 =	vand.u32 $0x380, v17;
	v17 =	vadd.s32 v13, v44  }
0x54b: {  	v46 =	vadd.s32 v14, v44;
	v47 =	vadd.s32 v2, v44;
	v19 =	vor.u32 v11, v19  }
0x54c: {  	v35 =	vor.u32 v45, v57;
	v46 =	vor.u32 v45, v46;
	v58 =	vor.u32 v45, v17;
	[tilespmem:s8+$0x10] =	vst v30  }
0x54d: {  	v35 =	vor.u32 v11, v35;
	v46 =	vor.u32 v12, v46;
	v30 =	vadd.s32 v8, v44;
	[tilespmem:s7+$0x10] =	vst v18  }
0x54e: {  	v18 =	vadd.s32 v10, v44;
	[tilespmem:s5+$0x30] =	vst v26;
	v26 =	vor.u32 v45, v47;
	v37 =	vld.idx.msk [tilespmem:v37+s22+$0x0], $0xffff  }
0x54f: {  	v47 =	vor.u32 v45, v30;
	v30 =	vadd.s32 v5, v44;
	v48 =	vor.u32 v45, v18;
	v29 =	vld.idx.msk [tilespmem:v29+s22+$0x0], $0xffff  }
0x550: {  	v18 =	vadd.s32 v3, v44;
	v17 =	vor.u32 v0, v26;
	v26 =	vor.u32 v9, v58;
	v59 =	vld.idx.msk [tilespmem:v19+s22+$0x0], $0xffff  }
0x551: {  	v30 =	vor.u32 v45, v30;
	v19 =	vadd.s32 v5, v55;
	v49 =	vor.u32 v45, v18;
	v60 =	vld.idx.msk [tilespmem:v22+s22+$0x0], $0xffff  }
0x552: {  	s16 =	simm.s32 $0x100;
	v18 =	vadd.s32 v3, v55;
	v22 =	vadd.s32 v2, v55;
	v50 =	vor.u32 v33, v19;
	v35 =	vld.idx.msk [tilespmem:v35+s22+$0x0], $0xffff  }
0x553: {  	s17 =	simm.s32 $0x4;
	s12 =	sand.u32 $0x300, s16;
	s16 =	simm.s32 $0x1000;
	v18 =	vor.u32 v33, v18;
	v19 =	vor.u32 v0, v27;
	v27 =	vor.u32 v7, v48;
	[tilespmem:s7+$0x20] =	vst v37  }
0x554: {  	s19 =	simm.s32 $0x280;
	s11 =	sadd.s32 s12, s11;
	s18 =	sand.u32 $0x2000, s16;
	v39 =	vor.u32 v33, v22;
	v22 =	vor.u32 v1, v52;
	[tilespmem:s8+$0x20] =	vst v29;
	v29 =	vmov s17;
	v25 =	vld.idx.msk [tilespmem:v25+s22+$0x0], $0xffff  }
0x555: {  	s21 =	sand.u32 $0x380, s19;
	s20 =	sadd.s32 s18, s10;
	v48 =	vor.u32 v4, v41;
	[tilespmem:s11+$0x0] =	vst v59;
	v31 =	vld.idx.msk [tilespmem:v31+s22+$0x0], $0xffff;
	v61 =	vshll.u32 v29, $0xA;
	v29 =	vshll.u32 v29, $0x7  }
0x556: {  	s25 =	simm.s32 $0x7;
	s12 =	sadd.s32 s21, s20;
	v30 =	vor.u32 v4, v30;
	[tilespmem:s5+$0x40] =	vst v60;
	v62 =	vld.idx.msk [tilespmem:v42+s22+$0x0], $0xffff;
	v42 =	vand.u32 $0x2000, v61;
	v44 =	vand.u32 $0x300, v29  }
0x557: {  	[tilespmem:s12+$0x0] =	vst v35;
	v29 =	vmov s25;
	v35 =	vor.u32 v4, v50;
	v33 =	vadd.s32 v15, v42  }
0x558: {  	v24 =	vld.idx.msk [tilespmem:v24+s22+$0x0], $0xffff;
	v57 =	vadd.s32 v8, v42;
	v59 =	vshll.u32 v29, $0xA;
	v60 =	vadd.s32 v14, v42  }
0x559: {  	v58 =	vld.idx.msk [tilespmem:v46+s22+$0x0], $0xffff;
	v61 =	vadd.s32 v13, v42;
	v29 =	vshll.u32 v29, $0x7;
	v33 =	vor.u32 v44, v33  }
0x55a: {  	v45 =	vor.u32 v44, v60;
	v46 =	vor.u32 v44, v61;
	v41 =	vor.u32 v44, v57;
	[tilespmem:s7+$0x30] =	vst v25  }
0x55b: {  	v45 =	vor.u32 v12, v45;
	v25 =	vadd.s32 v10, v42;
	[tilespmem:s8+$0x30] =	vst v31;
	v31 =	vand.u32 $0x2000, v59;
	v38 =	vld.idx.msk [tilespmem:v38+s22+$0x0], $0xffff  }
0x55c: {  	v52 =	vand.u32 $0x380, v29;
	[tilespmem:s11+$0x10] =	vst v62;
	v62 =	vor.u32 v11, v33;
	v51 =	vld.idx.msk [tilespmem:v28+s22+$0x0], $0xffff;
	v28 =	vadd.s32 v15, v31  }
0x55d: {  	[tilespmem:s5+$0x50] =	vst v24;
	v24 =	vadd.s32 v13, v31;
	v29 =	vadd.s32 v14, v31;
	v33 =	vor.u32 v1, v23  }
0x55e: {  	v23 =	vadd.s32 v8, v31;
	v37 =	vor.u32 v44, v25;
	v28 =	vor.u32 v52, v28;
	v53 =	vld.idx.msk [tilespmem:v21+s22+$0x0], $0xffff  }
0x55f: {  	v21 =	vadd.s32 v2, v31;
	[tilespmem:s12+$0x10] =	vst v58;
	v24 =	vor.u32 v52, v24;
	v54 =	vor.u32 v11, v28  }
0x560: {  	v28 =	vor.u32 v52, v29;
	v26 =	vld.idx.msk [tilespmem:v26+s22+$0x0], $0xffff;
	v29 =	vor.u32 v52, v23;
	v23 =	vadd.s32 v5, v31  }
0x561: {  	v55 =	vld.idx.msk [tilespmem:v36+s22+$0x0], $0xffff;
	v34 =	vor.u32 v12, v28;
	v28 =	vor.u32 v9, v24;
	v24 =	vadd.s32 v10, v31  }
0x562: {  	v21 =	vor.u32 v52, v21;
	v25 =	vor.u32 v52, v24;
	v24 =	vor.u32 v52, v23  }
0x563: {  	v23 =	vadd.s32 v3, v31;
	v31 =	vadd.s32 v5, v42;
	v43 =	vld.idx.msk [tilespmem:v62+s22+$0x0], $0xffff;
	[tilespmem:s8+$0x40] =	vst v51  }
0x564: {  	[tilespmem:s7+$0x40] =	vst v38;
	v36 =	vor.u32 v44, v31;
	v31 =	vadd.s32 v3, v42;
	v51 =	vld.idx.msk [tilespmem:v32+s22+$0x0], $0xffff  }
0x565: {  	s29 =	simm.s32 $0x200;
	v21 =	vor.u32 v0, v21;
	v31 =	vor.u32 v44, v31;
	v54 =	vld.idx.msk [tilespmem:v54+s22+$0x0], $0xffff;
	[tilespmem:s12+$0x20] =	vst v26  }
0x566: {  	s16 =	sand.u32 $0x300, s29;
	s18 =	simm.s32 $0x1800;
	v32 =	vor.u32 v7, v25;
	[tilespmem:s11+$0x20] =	vst v55;
	v26 =	vadd.s32 v2, v42;
	v42 =	vld.idx.msk [tilespmem:v27+s22+$0x0], $0xffff  }
0x567: {  	s13 =	sadd.s32 s16, s20;
	s30 =	sand.u32 $0x2000, s18;
	s17 =	simm.s32 $0x380;
	[tilespmem:s5+$0x60] =	vst v53;
	v27 =	vor.u32 v0, v39;
	v25 =	vor.u32 v44, v26;
	v44 =	vld.idx.msk [tilespmem:v63+s22+$0x0], $0xffff  }
0x568: {  	s20 =	simm.s32 $0x6;
	s19 =	sadd.s32 s30, s10;
	s31 =	sand.u32 $0x380, s17;
	v39 =	vor.u32 v9, v46;
	v46 =	vor.u32 v6, v40;
	v40 =	vld.idx.msk [tilespmem:v20+s22+$0x0], $0xffff;
	[tilespmem:s13+$0x0] =	vst v43  }
0x569: {  	s16 =	sadd.s32 s31, s19;
	v23 =	vor.u32 v52, v23;
	v38 =	vor.u32 v6, v47;
	v63 =	vmov s20;
	v45 =	vld.idx.msk [tilespmem:v45+s22+$0x0], $0xffff;
	[tilespmem:s8+$0x50] =	vst v51  }
0x56a: {  	v26 =	vor.u32 v1, v49;
	s20 =	simm.s32 $0x8;
	v47 =	vshll.u32 v63, $0xA;
	v43 =	vld.idx.msk [tilespmem:v48+s22+$0x0], $0xffff;
	v48 =	vshll.u32 v63, $0x7;
	[tilespmem:s16+$0x0] =	vst v54  }
.LBB2_37:
0x56b: {  	s25 =	sadd.s32 $0x1, s20;
	v47 =	vand.u32 $0x2000, v47;
	v48 =	vand.u32 $0x300, v48  }
0x56c: {  	p0 =	slt.u32 s20, $0xE;
	v49 =	vor.u32 v7, v37;
	v33 =	vld.idx.msk [tilespmem:v33+s22+$0x0], $0xffff;
	v20 =	vmovc v17;
	v17 =	vmovc v21;
	v50 =	vmov v36;
	v51 =	vmov v41;
	s21 =	smov.u32 s20;
	s20 =	sadd.s32 $0x2, s20  }
0x56d: {  	v21 =	vmov s25;
	v36 =	vadd.s32 v15, v47;
	v41 =	vadd.s32 v8, v47;
	v34 =	vld.idx.msk [tilespmem:v34+s22+$0x0], $0xffff;
	[tilespmem:s12+$0x30] =	vst v42  }
0x56e: {  	v42 =	vadd.s32 v14, v47;
	v52 =	vadd.s32 v10, v47;
	v37 =	vshll.u32 v21, $0xA;
	[tilespmem:s13+$0x10] =	vst v45;
	v38 =	vld.idx.msk [tilespmem:v38+s22+$0x0], $0xffff  }
0x56f: {  	v36 =	vor.u32 v48, v36;
	v42 =	vor.u32 v48, v42;
	v45 =	vadd.s32 v13, v47;
	[tilespmem:s11+$0x30] =	vst v44  }
0x570: {  	v21 =	vshll.u32 v21, $0x7;
	v44 =	vand.u32 $0x2000, v37;
	v36 =	vor.u32 v11, v36;
	v46 =	vld.idx.msk [tilespmem:v46+s22+$0x0], $0xffff;
	[tilespmem:s7+$0x50] =	vst v43  }
0x571: {  	v37 =	vadd.s32 v15, v44;
	v43 =	vand.u32 $0x380, v21;
	v21 =	vadd.s32 v13, v44;
	v53 =	vld.idx.msk [tilespmem:v22+s22+$0x0], $0xffff;
	[tilespmem:s5+$0x70] =	vst v40;
	s5 =	smov.u32 s7;
	s7 =	smov.u32 s12;
	s12 =	smov.u32 s16  }
0x572: {  	v22 =	vor.u32 v43, v37;
	v37 =	vadd.s32 v14, v44;
	v40 =	vadd.s32 v2, v44;
	[tilespmem:s8+$0x60] =	vst v33  }
0x573: {  	v22 =	vor.u32 v11, v22;
	v33 =	vor.u32 v43, v37;
	v37 =	vor.u32 v43, v40;
	[tilespmem:s12+$0x10] =	vst v34  }
0x574: {  	v34 =	vor.u32 v12, v33;
	v33 =	vor.u32 v43, v21;
	v21 =	vor.u32 v0, v37;
	v40 =	vld.idx.msk [tilespmem:v19+s22+$0x0], $0xffff  }
0x575: {  	v19 =	vadd.s32 v10, v44;
	v54 =	vld.idx.msk [tilespmem:v28+s22+$0x0], $0xffff;
	v28 =	vor.u32 v9, v33;
	v33 =	vor.u32 v1, v18  }
0x576: {  	v56 =	vor.u32 v12, v42;
	v37 =	vadd.s32 v8, v44;
	v18 =	vmov v31;
	v55 =	vld.idx.msk [tilespmem:v36+s22+$0x0], $0xffff;
	[tilespmem:s7+$0x40] =	vst v38  }
0x577: {  	v57 =	vor.u32 v43, v37;
	v37 =	vor.u32 v48, v52;
	v31 =	vadd.s32 v5, v44;
	v39 =	vld.idx.msk [tilespmem:v39+s22+$0x0], $0xffff  }
0x578: {  	s16 =	sadd.s32 $0xFFFFFF80, s17;
	v58 =	vor.u32 v43, v31;
	v52 =	vld.idx.msk [tilespmem:v22+s22+$0x0], $0xffff;
	v22 =	vor.u32 v43, v19;
	[tilespmem:s11+$0x40] =	vst v46;
	v19 =	vmov v27  }
0x579: {  	s16 =	sand.u32 $0x300, s16;
	v31 =	vadd.s32 v5, v47;
	v27 =	vadd.s32 v3, v44;
	v44 =	vor.u32 v48, v45;
	v59 =	vld.idx.msk [tilespmem:v35+s22+$0x0], $0xffff  }
0x57a: {  	s18 =	sadd.s32 $0x800, s18;
	s25 =	sadd.s32 s16, s19;
	v36 =	vor.u32 v48, v31;
	v35 =	vor.u32 v43, v27;
	v27 =	vadd.s32 v3, v47;
	[tilespmem:s8+$0x70] =	vst v40;
	s8 =	smov.u32 s11  }
0x57b: {  	v41 =	vor.u32 v48, v41;
	s17 =	sadd.s32 $0x100, s17;
	s16 =	sand.u32 $0x2000, s18;
	v38 =	vor.u32 v6, v29;
	v31 =	vor.u32 v48, v27;
	s11 =	smov.u32 s13;
	[tilespmem:s12+$0x20] =	vst v54  }
.Ltmp17:
0x57c: {  	s19 =	sadd.s32 s16, s10;
	v29 =	vmov v57;
	s13 =	sand.u32 $0x380, s17;
	v40 =	vadd.s32 v2, v47;
	v27 =	vor.u32 v0, v25;
	[tilespmem:s25+$0x0] =	vst v55;
	v42 =	vld.idx.msk [tilespmem:v32+s22+$0x0], $0xffff;
	(pc) =	sbr.rel @p0 .LBB2_37-.Ltmp17, $4  }
0x57d: {  	s16 =	sadd.s32 s13, s19;
	v25 =	vor.u32 v48, v40;
	s13 =	smov.u32 s25;
	v32 =	vor.u32 v7, v22;
	v22 =	vmov v26;
	v45 =	vld.idx.msk [tilespmem:v56+s22+$0x0], $0xffff;
	[tilespmem:s11+$0x20] =	vst v39  }
0x57e: {  	v26 =	vor.u32 v1, v23;
	v23 =	vmov v35;
	v39 =	vor.u32 v9, v44;
	[tilespmem:s16+$0x0] =	vst v52;
	v44 =	vld.idx.msk [tilespmem:v49+s22+$0x0], $0xffff  }
0x57f: {  	v40 =	vmov s21;
	v35 =	vor.u32 v4, v50;
	v43 =	vld.idx.msk [tilespmem:v30+s22+$0x0], $0xffff;
	v30 =	vor.u32 v4, v24;
	[tilespmem:s5+$0x60] =	vst v53;
	v24 =	vmovc v58  }
0x580: {  	v46 =	vor.u32 v6, v51;
	v47 =	vshll.u32 v40, $0xA;
	v48 =	vshll.u32 v40, $0x7;
	[tilespmem:s8+$0x50] =	vst v59;
	v40 =	vld.idx.msk [tilespmem:v16+s22+$0x0], $0xffff;
	v16 =	vmovc v20  }
0x581: {  	v20 =	vand.u32 $0x2000, v47  }
0x582: {  	v47 =	vand.u32 $0x300, v48;
	v15 =	vadd.s32 v15, v20  }
0x583: {  	v15 =	vor.u32 v47, v15  }
0x584: {  	v11 =	vor.u32 v11, v15;
	_ =	sdelay $0x3  }
0x585: {  	v14 =	vadd.s32 v14, v20  }
0x586: {  	v14 =	vor.u32 v47, v14;
	v11 =	vld.idx.msk [tilespmem:v11+s22+$0x0], $0xffff  }
0x587: {  	v12 =	vor.u32 v12, v14  }
0x588: {  	s10 =	sadd.s32 $0xFFFFFF80, s17  }
0x589: {  	s10 =	sand.u32 $0x300, s10  }
0x58a: {  	s10 =	sadd.s32 s10, s19  }
0x58b: {  	v57 =	vld.idx.msk [tilespmem:v34+s22+$0x0], $0xffff;
	v13 =	vadd.s32 v13, v20;
	[tilespmem:s10+$0x0] =	vst v11  }
0x58c: {  	v58 =	vor.u32 v47, v13;
	v12 =	vld.idx.msk [tilespmem:v12+s22+$0x0], $0xffff  }
0x58d: {  	v9 =	vor.u32 v9, v58;
	_ =	sdelay $0x1  }
0x58e: {  	[tilespmem:s13+$0x10] =	vst v45  }
0x58f: {  	v59 =	vld.idx.msk [tilespmem:v39+s22+$0x0], $0xffff;
	[tilespmem:s16+$0x10] =	vst v57  }
0x590: {  	v60 =	vor.u32 v7, v37;
	v10 =	vadd.s32 v10, v20;
	v14 =	vld.idx.msk [tilespmem:v28+s22+$0x0], $0xffff;
	[tilespmem:s10+$0x10] =	vst v12  }
0x591: {  	v10 =	vor.u32 v47, v10;
	v9 =	vld.idx.msk [tilespmem:v9+s22+$0x0], $0xffff  }
0x592: {  	v61 =	vor.u32 v7, v10  }
0x593: {  	[tilespmem:s12+$0x30] =	vst v42  }
0x594: {  	[tilespmem:s13+$0x20] =	vst v59  }
0x595: {  	v62 =	vld.idx.msk [tilespmem:v60+s22+$0x0], $0xffff;
	[tilespmem:s16+$0x20] =	vst v14  }
0x596: {  	v8 =	vadd.s32 v8, v20;
	v28 =	vor.u32 v6, v41;
	v63 =	vld.idx.msk [tilespmem:v32+s22+$0x0], $0xffff;
	[tilespmem:s10+$0x20] =	vst v9  }
0x597: {  	[tilespmem:s11+$0x30] =	vst v44;
	v8 =	vor.u32 v47, v8;
	v32 =	vor.u32 v6, v29;
	v7 =	vld.idx.msk [tilespmem:v61+s22+$0x0], $0xffff  }
0x598: {  	v34 =	vld.idx.msk [tilespmem:v33+s22+$0x0], $0xffff;
	[tilespmem:s7+$0x50] =	vst v43;
	v37 =	vor.u32 v6, v8  }
0x599: {  	[tilespmem:s5+$0x70] =	vst v40;
	v41 =	vld.idx.msk [tilespmem:v38+s22+$0x0], $0xffff  }
0x59a: {  	v39 =	vld.idx.msk [tilespmem:v46+s22+$0x0], $0xffff;
	[tilespmem:s13+$0x30] =	vst v62  }
0x59b: {  	v10 =	vld.idx.msk [tilespmem:v28+s22+$0x0], $0xffff;
	[tilespmem:s16+$0x30] =	vst v63  }
0x59c: {  	v42 =	vor.u32 v4, v36;
	v5 =	vadd.s32 v5, v20;
	v9 =	vld.idx.msk [tilespmem:v32+s22+$0x0], $0xffff;
	[tilespmem:s10+$0x30] =	vst v7  }
0x59d: {  	v5 =	vor.u32 v47, v5;
	v43 =	vor.u32 v4, v24;
	[tilespmem:s8+$0x60] =	vst v34;
	v6 =	vld.idx.msk [tilespmem:v37+s22+$0x0], $0xffff  }
0x59e: {  	v45 =	vor.u32 v4, v5;
	v53 =	vld.idx.msk [tilespmem:v22+s22+$0x0], $0xffff;
	[tilespmem:s12+$0x40] =	vst v41  }
0x59f: {  	[tilespmem:s11+$0x40] =	vst v39;
	v49 =	vld.idx.msk [tilespmem:v30+s22+$0x0], $0xffff  }
0x5a0: {  	v46 =	vld.idx.msk [tilespmem:v35+s22+$0x0], $0xffff;
	[tilespmem:s13+$0x40] =	vst v10  }
0x5a1: {  	v48 =	vor.u32 v1, v18;
	v50 =	vld.idx.msk [tilespmem:v42+s22+$0x0], $0xffff;
	[tilespmem:s16+$0x40] =	vst v9  }
0x5a2: {  	v51 =	vor.u32 v1, v31;
	v3 =	vadd.s32 v3, v20;
	v7 =	vld.idx.msk [tilespmem:v43+s22+$0x0], $0xffff;
	[tilespmem:s10+$0x40] =	vst v6  }
0x5a3: {  	v52 =	vor.u32 v1, v23;
	v3 =	vor.u32 v47, v3;
	[tilespmem:s7+$0x60] =	vst v53;
	v4 =	vld.idx.msk [tilespmem:v45+s22+$0x0], $0xffff  }
0x5a4: {  	v54 =	vor.u32 v1, v3;
	v44 =	vld.idx.msk [tilespmem:v19+s22+$0x0], $0xffff;
	[tilespmem:s12+$0x50] =	vst v49  }
0x5a5: {  	[tilespmem:s11+$0x50] =	vst v46;
	v56 =	vld.idx.msk [tilespmem:v26+s22+$0x0], $0xffff  }
0x5a6: {  	v55 =	vld.idx.msk [tilespmem:v48+s22+$0x0], $0xffff;
	[tilespmem:s13+$0x50] =	vst v50  }
0x5a7: {  	v57 =	vld.idx.msk [tilespmem:v51+s22+$0x0], $0xffff;
	[tilespmem:s16+$0x50] =	vst v7  }
0x5a8: {  	v2 =	vadd.s32 v2, v20;
	v58 =	vor.u32 v0, v25;
	v6 =	vld.idx.msk [tilespmem:v52+s22+$0x0], $0xffff;
	[tilespmem:s10+$0x50] =	vst v4  }
0x5a9: {  	v2 =	vor.u32 v47, v2;
	[tilespmem:s8+$0x70] =	vst v44;
	v1 =	vld.idx.msk [tilespmem:v54+s22+$0x0], $0xffff  }
0x5aa: {  	v60 =	vor.u32 v0, v2;
	v59 =	vld.idx.msk [tilespmem:v16+s22+$0x0], $0xffff;
	[tilespmem:s12+$0x60] =	vst v56  }
0x5ab: {  	[tilespmem:s11+$0x60] =	vst v55;
	v62 =	vld.idx.msk [tilespmem:v17+s22+$0x0], $0xffff  }
0x5ac: {  	v61 =	vld.idx.msk [tilespmem:v27+s22+$0x0], $0xffff;
	[tilespmem:s13+$0x60] =	vst v57  }
0x5ad: {  	v63 =	vld.idx.msk [tilespmem:v58+s22+$0x0], $0xffff;
	[tilespmem:s16+$0x60] =	vst v6  }
0x5ae: {  	s2 =	sadd.s32 $0x1, s2;
	v6 =	vld.idx.msk [tilespmem:v21+s22+$0x0], $0xffff;
	[tilespmem:s10+$0x60] =	vst v1  }
0x5af: {  	p0 =	sne.s32 s2, $0x8;
	[tilespmem:s7+$0x70] =	vst v59;
	v0 =	vld.idx.msk [tilespmem:v60+s22+$0x0], $0xffff  }
.Ltmp18:
0x5b0: {  	[tilespmem:s12+$0x70] =	vst v62;
	(pc) =	sbr.rel @p0 .LBB2_36-.Ltmp18, $4  }
0x5b1: {  	[tilespmem:s11+$0x70] =	vst v61  }
0x5b2: {  	[tilespmem:s13+$0x70] =	vst v63  }
0x5b3: {  	[tilespmem:s16+$0x70] =	vst v6  }
0x5b4: {  	[tilespmem:s10+$0x70] =	vst v0  }
0x5b5: {  	s0 =	simm.s32 $0x0;
	s2 =	rddreg [dreg:$0xb]  }
0x5b6: {  	[tilespmem:s22], [sflag:$0x1] =	stream.linear.gather [hbm4b:s2+s0], $0x4000, $0x38;
	[tilespmem:$0x18400] =	vst v63  }
0x5b7: {  	_ =	swait.ge [sflag:s24], $0x4000  }
0x5b8: {  	[sflag:s24] =	ssyncset.done $0x0  }
0x5b9: {  	s2 =	simm.s32 $0x0;
	[sflag:s24] =	ssyncadd.s32 $0xFFFFC000  }
.LBB2_40:
0x5ba: {  	s5 =	sshll.u32 s2, $0x7  }
0x5bb: {  	s5 =	sand.u32 $0x3FFFFF80, s5  }
0x5bc: {  	v0 =	vld [tilespmem:s5+$0x0];
	_ =	sdelay $0x2  }
0x5bd: {  	s7 =	simm.s32 $0x1  }
0x5be: {  	v1 =	vmov s7  }
0x5bf: {  	v3 =	vshll.u32 v1, $0xA;
	v2 =	vshll.u32 v0, $0x3  }
0x5c0: {  	v4 =	vld [tilespmem:s5+$0x10];
	v1 =	vshll.u32 v1, $0x7;
	v20 =	vand.u32 $0x2000, v3;
	v12 =	vand.u32 $0xFFFFFC00, v2  }
0x5c1: {  	v26 =	vand.u32 $0x380, v1;
	v1 =	vadd.s32 v12, v20  }
0x5c2: {  	v14 =	vand.u32 $0x7F, v0;
	v0 =	vmov s0;
	v1 =	vor.u32 v26, v1  }
0x5c3: {  	v2 =	vshll.u32 v0, $0xA;
	v1 =	vor.u32 v14, v1  }
0x5c4: {  	v0 =	vshll.u32 v0, $0x7;
	v25 =	vand.u32 $0x2000, v2  }
0x5c5: {  	v5 =	vld [tilespmem:s5+$0x30];
	v3 =	vshll.u32 v4, $0x3;
	v24 =	vand.u32 $0x300, v0;
	v0 =	vadd.s32 v12, v25  }
0x5c6: {  	v17 =	vand.u32 $0xFFFFFC00, v3;
	v2 =	vld [tilespmem:s5+$0x20];
	v0 =	vor.u32 v24, v0  }
0x5c7: {  	v3 =	vadd.s32 v17, v20;
	v0 =	vor.u32 v14, v0  }
0x5c8: {  	v16 =	vand.u32 $0x7F, v4;
	v3 =	vor.u32 v26, v3;
	v1 =	vld.idx.msk [tilespmem:v1+s23+$0x0], $0xffff  }
0x5c9: {  	s10 =	sshll.u32 s2, $0xA;
	s8 =	simm.s32 $0x4400;
	v7 =	vld [tilespmem:s5+$0x40];
	v4 =	vor.u32 v16, v3  }
0x5ca: {  	s11 =	sadd.s32 $0x8400, s10;
	s7 =	sand.u32 $0x6000, s8;
	s8 =	simm.s32 $0x880;
	v8 =	vld [tilespmem:s5+$0x50];
	v6 =	vand.u32 $0x7F, v5  }
0x5cb: {  	v9 =	vld [tilespmem:s5+$0x60];
	s12 =	sand.u32 $0x380, s8;
	s7 =	sadd.s32 s7, s11;
	v3 =	vadd.s32 v17, v25;
	v11 =	vand.u32 $0x7F, v2;
	v2 =	vshll.u32 v2, $0x3  }
0x5cc: {  	s13 =	simm.s32 $0x2;
	s16 =	sadd.s32 s12, s7;
	v18 =	vand.u32 $0xFFFFFC00, v2;
	v2 =	vor.u32 v24, v3;
	v3 =	vshll.u32 v5, $0x3;
	v0 =	vld.idx.msk [tilespmem:v0+s23+$0x0], $0xffff  }
0x5cd: {  	v27 =	vld [tilespmem:s5+$0x70];
	v5 =	vmov s13;
	v2 =	vor.u32 v16, v2;
	[tilespmem:s16+$0x0] =	vst v1;
	v1 =	vadd.s32 v18, v20  }
0x5ce: {  	s17 =	sand.u32 $0x2000, s0;
	v10 =	vand.u32 $0xFFFFFC00, v3;
	v3 =	vand.u32 $0x7F, v7;
	v4 =	vld.idx.msk [tilespmem:v4+s23+$0x0], $0xffff;
	v1 =	vor.u32 v26, v1  }
0x5cf: {  	s18 =	sand.u32 $0x300, s0;
	s7 =	sadd.s32 s10, s17;
	v7 =	vshll.u32 v7, $0x3;
	v13 =	vshll.u32 v5, $0x7;
	v1 =	vor.u32 v11, v1  }
0x5d0: {  	s19 =	simm.s32 $0x3;
	s8 =	sadd.s32 s18, s7;
	v15 =	vadd.s32 v18, v25;
	v5 =	vshll.u32 v5, $0xA;
	v21 =	vadd.s32 v10, v20  }
0x5d1: {  	[tilespmem:s8+$0xC400] =	vst v0;
	v0 =	vand.u32 $0x300, v13;
	v13 =	vor.u32 v24, v15;
	v15 =	vmov s19  }
0x5d2: {  	v19 =	vld.idx.msk [tilespmem:v2+s23+$0x0], $0xffff;
	v2 =	vand.u32 $0x2000, v5;
	v5 =	vshll.u32 v15, $0xA;
	v15 =	vshll.u32 v15, $0x7  }
0x5d3: {  	v13 =	vor.u32 v11, v13;
	v5 =	vand.u32 $0x2000, v5;
	[tilespmem:s16+$0x10] =	vst v4;
	v4 =	vand.u32 $0x380, v15  }
0x5d4: {  	v15 =	vor.u32 v26, v21;
	v21 =	vadd.s32 v12, v2;
	v22 =	vld.idx.msk [tilespmem:v1+s23+$0x0], $0xffff;
	v1 =	vadd.s32 v12, v5  }
0x5d5: {  	v23 =	vor.u32 v6, v15;
	v15 =	vand.u32 $0xFFFFFC00, v7;
	v7 =	vor.u32 v0, v21  }
0x5d6: {  	v1 =	vor.u32 v4, v1;
	v28 =	vor.u32 v14, v7  }
0x5d7: {  	v30 =	vadd.s32 v17, v2;
	v33 =	vadd.s32 v18, v2;
	v21 =	vor.u32 v14, v1  }
0x5d8: {  	s25 =	simm.s32 $0x5;
	v53 =	vadd.s32 v10, v2;
	v29 =	vadd.s32 v17, v5;
	[tilespmem:s8+$0xC410] =	vst v19;
	v19 =	vadd.s32 v10, v25  }
0x5d9: {  	v50 =	vmov s25;
	v30 =	vor.u32 v0, v30;
	v13 =	vld.idx.msk [tilespmem:v13+s23+$0x0], $0xffff;
	v19 =	vor.u32 v24, v19;
	[tilespmem:s16+$0x20] =	vst v22  }
0x5da: {  	v35 =	vadd.s32 v18, v5;
	v19 =	vor.u32 v6, v19;
	v22 =	vadd.s32 v15, v20;
	v23 =	vld.idx.msk [tilespmem:v23+s23+$0x0], $0xffff  }
0x5db: {  	v33 =	vor.u32 v0, v33;
	v30 =	vor.u32 v16, v30;
	v22 =	vor.u32 v26, v22;
	v28 =	vld.idx.msk [tilespmem:v28+s23+$0x0], $0xffff  }
0x5dc: {  	s20 =	simm.s32 $0x4;
	s21 =	simm.s32 $0x800;
	s12 =	simm.s32 $0x4C00;
	v29 =	vor.u32 v4, v29;
	v7 =	vand.u32 $0x7F, v8;
	v21 =	vld.idx.msk [tilespmem:v21+s23+$0x0], $0xffff;
	v22 =	vor.u32 v3, v22  }
0x5dd: {  	s17 =	simm.s32 $0x100;
	s7 =	sand.u32 $0x2000, s21;
	s12 =	sand.u32 $0x6000, s12;
	v29 =	vor.u32 v16, v29;
	v31 =	vadd.s32 v15, v25;
	v1 =	vshll.u32 v8, $0x3  }
0x5de: {  	s17 =	sand.u32 $0x300, s17;
	s7 =	sadd.s32 s10, s7;
	s13 =	simm.s32 $0x980;
	v8 =	vand.u32 $0xFFFFFC00, v1;
	v1 =	vand.u32 $0x7F, v9;
	v9 =	vshll.u32 v9, $0x3;
	[tilespmem:s8+$0xC420] =	vst v13  }
0x5df: {  	s12 =	sadd.s32 s12, s11;
	s7 =	sadd.s32 s17, s7;
	s13 =	sand.u32 $0x380, s13;
	v33 =	vor.u32 v11, v33;
	v9 =	vand.u32 $0xFFFFFC00, v9;
	v13 =	vor.u32 v24, v31;
	v19 =	vld.idx.msk [tilespmem:v19+s23+$0x0], $0xffff;
	[tilespmem:s16+$0x30] =	vst v23  }
0x5e0: {  	s5 =	sadd.s32 s13, s12;
	v34 =	vadd.s32 v8, v20;
	v32 =	vor.u32 v3, v13;
	v13 =	vmov s20;
	[tilespmem:s7+$0xC400] =	vst v28  }
0x5e1: {  	v63 =	vadd.s32 v8, v2;
	v34 =	vor.u32 v26, v34;
	v23 =	vshll.u32 v13, $0x7;
	[tilespmem:s5+$0x0] =	vst v21;
	v21 =	vld.idx.msk [tilespmem:v22+s23+$0x0], $0xffff  }
0x5e2: {  	v54 =	vadd.s32 v9, v25;
	v22 =	vshll.u32 v13, $0xA;
	v13 =	vand.u32 $0x300, v23;
	v30 =	vld.idx.msk [tilespmem:v30+s23+$0x0], $0xffff  }
0x5e3: {  	v23 =	vor.u32 v4, v35;
	v28 =	vld.idx.msk [tilespmem:v29+s23+$0x0], $0xffff;
	v29 =	vor.u32 v7, v34;
	v22 =	vand.u32 $0x2000, v22  }
0x5e4: {  	[tilespmem:s8+$0xC430] =	vst v19;
	v49 =	vor.u32 v11, v23;
	v23 =	vadd.s32 v8, v25;
	v19 =	vadd.s32 v12, v22  }
0x5e5: {  	v34 =	vor.u32 v0, v53;
	v23 =	vor.u32 v24, v23;
	v19 =	vor.u32 v13, v19  }
0x5e6: {  	v32 =	vld.idx.msk [tilespmem:v32+s23+$0x0], $0xffff;
	v37 =	vor.u32 v7, v23;
	v36 =	vor.u32 v14, v19;
	v19 =	vshll.u32 v50, $0x7;
	[tilespmem:s16+$0x40] =	vst v21  }
0x5e7: {  	v23 =	vshll.u32 v50, $0xA;
	v21 =	vand.u32 $0x380, v19;
	v19 =	vadd.s32 v9, v20;
	[tilespmem:s7+$0xC410] =	vst v30  }
0x5e8: {  	v23 =	vand.u32 $0x2000, v23;
	v30 =	vadd.s32 v10, v5;
	[tilespmem:s5+$0x10] =	vst v28;
	v28 =	vld.idx.msk [tilespmem:v29+s23+$0x0], $0xffff;
	v19 =	vor.u32 v26, v19  }
0x5e9: {  	v51 =	vadd.s32 v12, v23;
	v30 =	vor.u32 v4, v30;
	v29 =	vld.idx.msk [tilespmem:v49+s23+$0x0], $0xffff;
	v52 =	vor.u32 v1, v19  }
0x5ea: {  	v57 =	vadd.s32 v17, v23;
	v62 =	vadd.s32 v18, v23;
	v30 =	vor.u32 v6, v30  }
0x5eb: {  	v31 =	vshll.u32 v27, $0x3;
	v33 =	vld.idx.msk [tilespmem:v33+s23+$0x0], $0xffff;
	[tilespmem:s8+$0xC440] =	vst v32;
	v32 =	vor.u32 v24, v54;
	v19 =	vor.u32 v21, v51  }
0x5ec: {  	v32 =	vor.u32 v1, v32;
	v38 =	vor.u32 v14, v19;
	v37 =	vld.idx.msk [tilespmem:v37+s23+$0x0], $0xffff;
	v19 =	vand.u32 $0xFFFFFC00, v31  }
0x5ed: {  	v31 =	vor.u32 v6, v34;
	v55 =	vld.idx.msk [tilespmem:v36+s23+$0x0], $0xffff;
	v56 =	vadd.s32 v19, v20;
	[tilespmem:s16+$0x50] =	vst v28  }
0x5ee: {  	v20 =	vand.u32 $0x7F, v27;
	v26 =	vor.u32 v26, v56;
	[tilespmem:s5+$0x20] =	vst v29;
	v27 =	vld.idx.msk [tilespmem:v52+s23+$0x0], $0xffff;
	v29 =	vadd.s32 v15, v5  }
0x5ef: {  	v28 =	vadd.s32 v17, v22;
	v36 =	vor.u32 v20, v26;
	v30 =	vld.idx.msk [tilespmem:v30+s23+$0x0], $0xffff;
	v29 =	vor.u32 v4, v29  }
0x5f0: {  	s29 =	simm.s32 $0x6;
	s18 =	simm.s32 $0x200;
	v25 =	vadd.s32 v19, v25;
	v28 =	vor.u32 v13, v28;
	v29 =	vor.u32 v3, v29  }
0x5f1: {  	s30 =	simm.s32 $0x5400;
	s21 =	sand.u32 $0x300, s18;
	s17 =	simm.s32 $0x1000;
	[tilespmem:s7+$0xC420] =	vst v33;
	v26 =	vor.u32 v21, v57;
	v58 =	vld.idx.msk [tilespmem:v38+s23+$0x0], $0xffff;
	v28 =	vor.u32 v16, v28  }
0x5f2: {  	s13 =	sand.u32 $0x6000, s30;
	s19 =	sand.u32 $0x2000, s17;
	s20 =	simm.s32 $0xA80;
	v60 =	vor.u32 v16, v26;
	v26 =	vadd.s32 v15, v2;
	v59 =	vld.idx.msk [tilespmem:v31+s23+$0x0], $0xffff;
	[tilespmem:s8+$0xC450] =	vst v37  }
0x5f3: {  	s13 =	sadd.s32 s13, s11;
	s19 =	sadd.s32 s10, s19;
	s20 =	sand.u32 $0x380, s20;
	v24 =	vor.u32 v24, v25;
	v26 =	vor.u32 v0, v26;
	v37 =	vld.idx.msk [tilespmem:v32+s23+$0x0], $0xffff;
	[tilespmem:s16+$0x60] =	vst v27  }
0x5f4: {  	s12 =	sadd.s32 s20, s13;
	s13 =	sadd.s32 s21, s19;
	v25 =	vmov s29;
	v39 =	vor.u32 v3, v26;
	v26 =	vadd.s32 v9, v2;
	[tilespmem:s5+$0x30] =	vst v30;
	v40 =	vld.idx.msk [tilespmem:v36+s23+$0x0], $0xffff  }
0x5f5: {  	v61 =	vshll.u32 v25, $0xA;
	[tilespmem:s13+$0xC400] =	vst v55;
	v27 =	vor.u32 v20, v24;
	v31 =	vld.idx.msk [tilespmem:v29+s23+$0x0], $0xffff;
	v29 =	vadd.s32 v8, v5  }
0x5f6: {  	v24 =	vshll.u32 v25, $0x7;
	v30 =	vadd.s32 v18, v22;
	[tilespmem:s12+$0x0] =	vst v58;
	v33 =	vld.idx.msk [tilespmem:v28+s23+$0x0], $0xffff;
	v29 =	vor.u32 v4, v29  }
0x5f7: {  	v25 =	vand.u32 $0x300, v24;
	v28 =	vor.u32 v21, v62;
	v32 =	vld.idx.msk [tilespmem:v60+s23+$0x0], $0xffff;
	v35 =	vor.u32 v7, v29  }
0x5f8: {  	[tilespmem:s7+$0xC430] =	vst v59;
	v24 =	vand.u32 $0x2000, v61;
	v34 =	vor.u32 v11, v28;
	v29 =	vor.u32 v13, v30  }
0x5f9: {  	s31 =	simm.s32 $0x7;
	[tilespmem:s8+$0xC460] =	vst v37;
	v28 =	vadd.s32 v12, v24;
	v30 =	vld.idx.msk [tilespmem:v39+s23+$0x0], $0xffff;
	v36 =	vor.u32 v11, v29  }
0x5fa: {  	s19 =	simm.s32 $0x8;
	v37 =	vor.u32 v0, v63;
	v38 =	vor.u32 v25, v28;
	v29 =	vld.idx.msk [tilespmem:v27+s23+$0x0], $0xffff;
	v27 =	vmov s31;
	[tilespmem:s16+$0x70] =	vst v40  }
.LBB2_41:
0x5fb: {  	p0 =	slt.u32 s19, $0xE;
	v28 =	vor.u32 v14, v38;
	v38 =	vshll.u32 v27, $0x7;
	v37 =	vor.u32 v7, v37;
	[tilespmem:s5+$0x40] =	vst v31  }
0x5fc: {  	v27 =	vshll.u32 v27, $0xA;
	v31 =	vand.u32 $0x380, v38;
	[tilespmem:s12+$0x10] =	vst v32;
	v32 =	vld.idx.msk [tilespmem:v35+s23+$0x0], $0xffff;
	v35 =	vadd.s32 v9, v5  }
0x5fd: {  	v27 =	vand.u32 $0x2000, v27;
	[tilespmem:s13+$0xC410] =	vst v33;
	v33 =	vld.idx.msk [tilespmem:v34+s23+$0x0], $0xffff;
	v34 =	vadd.s32 v10, v23;
	v35 =	vor.u32 v4, v35  }
0x5fe: {  	v38 =	vadd.s32 v12, v27;
	v36 =	vld.idx.msk [tilespmem:v36+s23+$0x0], $0xffff;
	v34 =	vor.u32 v21, v34;
	v35 =	vor.u32 v1, v35  }
0x5ff: {  	v39 =	vadd.s32 v10, v22;
	v38 =	vor.u32 v31, v38;
	v34 =	vor.u32 v6, v34;
	[tilespmem:s7+$0xC440] =	vst v30  }
0x600: {  	v30 =	vor.u32 v14, v38;
	v38 =	vor.u32 v13, v39;
	v37 =	vld.idx.msk [tilespmem:v37+s23+$0x0], $0xffff;
	[tilespmem:s8+$0xC470] =	vst v29;
	s8 =	smov.u32 s7;
	s7 =	smov.u32 s13  }
0x601: {  	v26 =	vor.u32 v0, v26;
	v29 =	vor.u32 v6, v38  }
0x602: {  	v26 =	vor.u32 v1, v26;
	v28 =	vld.idx.msk [tilespmem:v28+s23+$0x0], $0xffff;
	[tilespmem:s5+$0x50] =	vst v32  }
0x603: {  	v32 =	vadd.s32 v17, v24;
	[tilespmem:s12+$0x20] =	vst v33;
	v33 =	vld.idx.msk [tilespmem:v35+s23+$0x0], $0xffff;
	v35 =	vadd.s32 v19, v5;
	v5 =	vmov v23  }
0x604: {  	[tilespmem:s7+$0xC420] =	vst v36;
	v34 =	vld.idx.msk [tilespmem:v34+s23+$0x0], $0xffff;
	v23 =	vadd.s32 v15, v5;
	v35 =	vor.u32 v4, v35;
	v4 =	vmov v21  }
0x605: {  	v39 =	vadd.s32 v17, v27;
	v30 =	vld.idx.msk [tilespmem:v30+s23+$0x0], $0xffff;
	v23 =	vor.u32 v4, v23;
	v35 =	vor.u32 v20, v35  }
0x606: {  	s17 =	sadd.s32 $0x800, s17;
	v36 =	vor.u32 v31, v39;
	v21 =	vmov v31;
	v29 =	vld.idx.msk [tilespmem:v29+s23+$0x0], $0xffff;
	v38 =	vor.u32 v3, v23;
	[tilespmem:s8+$0xC450] =	vst v37  }
0x607: {  	s18 =	sadd.s32 $0x100, s18;
	s16 =	sadd.s32 $0x4400, s17;
	s13 =	sand.u32 $0x2000, s17;
	v39 =	vor.u32 v25, v32;
	v31 =	vadd.s32 v15, v22;
	v32 =	vor.u32 v16, v36;
	v36 =	vld.idx.msk [tilespmem:v26+s23+$0x0], $0xffff  }
0x608: {  	v41 =	vadd.s32 v19, v2;
	s20 =	sadd.s32 $0x880, s18;
	s16 =	sand.u32 $0x6000, s16;
	s13 =	sadd.s32 s10, s13;
	v37 =	vor.u32 v16, v39;
	v26 =	vor.u32 v13, v31;
	v23 =	vmovc v27  }
0x609: {  	s21 =	sand.u32 $0x300, s18;
	s20 =	sand.u32 $0x380, s20;
	s16 =	sadd.s32 s16, s11;
	v31 =	vor.u32 v0, v41;
	v0 =	vmovc v13;
	v13 =	vmov v25;
	v27 =	vor.u32 v3, v26;
	[tilespmem:s5+$0x60] =	vst v33  }
0x60a: {  	v2 =	vmovc v22;
	s16 =	sadd.s32 s20, s16;
	s13 =	sadd.s32 s21, s13;
	v25 =	vmov s19;
	v26 =	vadd.s32 v9, v22;
	v39 =	vor.u32 v20, v31;
	[tilespmem:s12+$0x30] =	vst v34;
	v40 =	vld.idx.msk [tilespmem:v35+s23+$0x0], $0xffff  }
0x60b: {  	v22 =	vshll.u32 v25, $0x7;
	v34 =	vadd.s32 v18, v24;
	[tilespmem:s16+$0x0] =	vst v30;
	v31 =	vld.idx.msk [tilespmem:v38+s23+$0x0], $0xffff;
	v30 =	vadd.s32 v8, v5  }
.Ltmp19:
0x60c: {  	v38 =	vshll.u32 v25, $0xA;
	[tilespmem:s13+$0xC400] =	vst v28;
	v32 =	vld.idx.msk [tilespmem:v32+s23+$0x0], $0xffff;
	v28 =	vadd.s32 v18, v23;
	v30 =	vor.u32 v4, v30;
	(pc) =	sbr.rel @p0 .LBB2_41-.Ltmp19, $4  }
0x60d: {  	v25 =	vand.u32 $0x300, v22;
	v33 =	vld.idx.msk [tilespmem:v37+s23+$0x0], $0xffff;
	v22 =	vor.u32 v21, v28;
	[tilespmem:s7+$0xC430] =	vst v29;
	v35 =	vor.u32 v7, v30  }
0x60e: {  	v28 =	vand.u32 $0x2000, v38;
	v29 =	vor.u32 v13, v34;
	v34 =	vor.u32 v11, v22;
	v30 =	vld.idx.msk [tilespmem:v27+s23+$0x0], $0xffff;
	[tilespmem:s8+$0xC460] =	vst v36  }
0x60f: {  	s20 =	sadd.s32 $0x1, s19;
	v37 =	vadd.s32 v8, v2;
	v41 =	vadd.s32 v12, v28;
	v36 =	vor.u32 v11, v29;
	v29 =	vld.idx.msk [tilespmem:v39+s23+$0x0], $0xffff  }
0x610: {  	s19 =	sadd.s32 $0x2, s19;
	v27 =	vmov s20;
	v37 =	vor.u32 v0, v37;
	v38 =	vor.u32 v25, v41;
	[tilespmem:s5+$0x70] =	vst v40;
	v22 =	vmovc v24;
	v24 =	vmovc v28;
	s5 =	smov.u32 s12;
	s12 =	smov.u32 s16  }
0x611: {  	v28 =	vshll.u32 v27, $0xA  }
0x612: {  	v42 =	vshll.u32 v27, $0x7;
	v28 =	vand.u32 $0x2000, v28  }
0x613: {  	v27 =	vand.u32 $0x380, v42;
	v12 =	vadd.s32 v12, v28  }
0x614: {  	v12 =	vor.u32 v27, v12  }
0x615: {  	v12 =	vor.u32 v14, v12  }
0x616: {  	v43 =	vor.u32 v14, v38;
	_ =	sdelay $0x2  }
0x617: {  	v44 =	vadd.s32 v17, v28  }
0x618: {  	v45 =	vadd.s32 v17, v24;
	s16 =	sadd.s32 $0x800, s17;
	v38 =	vor.u32 v27, v44;
	v12 =	vld.idx.msk [tilespmem:v12+s23+$0x0], $0xffff  }
0x619: {  	s18 =	sadd.s32 $0x100, s18;
	s17 =	sadd.s32 $0x4400, s16;
	v17 =	vor.u32 v25, v45;
	v38 =	vor.u32 v16, v38;
	v14 =	vld.idx.msk [tilespmem:v43+s23+$0x0], $0xffff  }
0x61a: {  	s19 =	sadd.s32 $0x880, s18;
	s17 =	sand.u32 $0x6000, s17;
	v46 =	vor.u32 v16, v17  }
0x61b: {  	s16 =	sand.u32 $0x2000, s16;
	s30 =	sand.u32 $0x380, s19;
	s11 =	sadd.s32 s17, s11  }
0x61c: {  	s31 =	sand.u32 $0x300, s18;
	s10 =	sadd.s32 s10, s16;
	s11 =	sadd.s32 s30, s11  }
0x61d: {  	v47 =	vor.u32 v7, v37;
	v48 =	vadd.s32 v18, v28;
	s10 =	sadd.s32 s31, s10;
	[tilespmem:s11+$0x0] =	vst v12  }
0x61e: {  	v49 =	vadd.s32 v18, v24;
	[tilespmem:s10+$0xC400] =	vst v14;
	v12 =	vor.u32 v27, v48;
	v50 =	vld.idx.msk [tilespmem:v38+s23+$0x0], $0xffff  }
0x61f: {  	v51 =	vadd.s32 v10, v23;
	v18 =	vor.u32 v25, v49;
	v16 =	vld.idx.msk [tilespmem:v46+s23+$0x0], $0xffff;
	v12 =	vor.u32 v11, v12  }
0x620: {  	[tilespmem:s5+$0x40] =	vst v31;
	v54 =	vadd.s32 v10, v22;
	v55 =	vadd.s32 v9, v5;
	v52 =	vor.u32 v11, v18  }
0x621: {  	[tilespmem:s12+$0x10] =	vst v32;
	v58 =	vadd.s32 v10, v24;
	v62 =	vadd.s32 v15, v23;
	v63 =	vadd.s32 v15, v22  }
0x622: {  	[tilespmem:s13+$0xC410] =	vst v33;
	v53 =	vld.idx.msk [tilespmem:v34+s23+$0x0], $0xffff;
	v32 =	vor.u32 v21, v51;
	v33 =	vor.u32 v13, v54  }
0x623: {  	v56 =	vld.idx.msk [tilespmem:v36+s23+$0x0], $0xffff;
	v32 =	vor.u32 v6, v32;
	v57 =	vadd.s32 v10, v28;
	[tilespmem:s11+$0x10] =	vst v50  }
0x624: {  	v33 =	vor.u32 v6, v33;
	v14 =	vor.u32 v27, v57;
	[tilespmem:s10+$0xC410] =	vst v16;
	v12 =	vld.idx.msk [tilespmem:v12+s23+$0x0], $0xffff  }
0x625: {  	v37 =	vadd.s32 v15, v24;
	v10 =	vor.u32 v25, v58;
	v14 =	vor.u32 v6, v14;
	v11 =	vld.idx.msk [tilespmem:v52+s23+$0x0], $0xffff  }
0x626: {  	v39 =	vadd.s32 v8, v23;
	v34 =	vor.u32 v4, v55;
	[tilespmem:s7+$0xC440] =	vst v30;
	v60 =	vor.u32 v6, v10  }
0x627: {  	v2 =	vadd.s32 v19, v2;
	v31 =	vld.idx.msk [tilespmem:v35+s23+$0x0], $0xffff;
	v59 =	vor.u32 v1, v34;
	[tilespmem:s12+$0x20] =	vst v53  }
0x628: {  	v30 =	vor.u32 v13, v63;
	v18 =	vor.u32 v21, v62;
	[tilespmem:s13+$0xC420] =	vst v56;
	v61 =	vld.idx.msk [tilespmem:v32+s23+$0x0], $0xffff  }
0x629: {  	v35 =	vadd.s32 v15, v28;
	v18 =	vor.u32 v3, v18;
	v34 =	vld.idx.msk [tilespmem:v33+s23+$0x0], $0xffff;
	[tilespmem:s11+$0x20] =	vst v12  }
0x62a: {  	v30 =	vor.u32 v3, v30;
	[tilespmem:s10+$0xC420] =	vst v11;
	v12 =	vor.u32 v27, v35;
	v36 =	vld.idx.msk [tilespmem:v14+s23+$0x0], $0xffff  }
0x62b: {  	v42 =	vor.u32 v21, v39;
	v6 =	vld.idx.msk [tilespmem:v60+s23+$0x0], $0xffff;
	v12 =	vor.u32 v3, v12;
	v14 =	vor.u32 v25, v37  }
0x62c: {  	v51 =	vadd.s32 v9, v22;
	v54 =	vadd.s32 v9, v24;
	[tilespmem:s8+$0xC470] =	vst v29;
	v40 =	vor.u32 v3, v14  }
0x62d: {  	v45 =	vadd.s32 v8, v28;
	v58 =	vadd.s32 v19, v23;
	v17 =	vld.idx.msk [tilespmem:v47+s23+$0x0], $0xffff;
	[tilespmem:s12+$0x30] =	vst v61  }
0x62e: {  	v10 =	vor.u32 v7, v42;
	v43 =	vadd.s32 v8, v22;
	v18 =	vld.idx.msk [tilespmem:v18+s23+$0x0], $0xffff;
	[tilespmem:s13+$0xC430] =	vst v34  }
0x62f: {  	v46 =	vadd.s32 v8, v24;
	v44 =	vld.idx.msk [tilespmem:v30+s23+$0x0], $0xffff;
	v16 =	vor.u32 v13, v43;
	[tilespmem:s11+$0x30] =	vst v36  }
0x630: {  	v16 =	vor.u32 v7, v16;
	v11 =	vor.u32 v27, v45;
	[tilespmem:s10+$0xC430] =	vst v6;
	v12 =	vld.idx.msk [tilespmem:v12+s23+$0x0], $0xffff  }
0x631: {  	v62 =	vadd.s32 v19, v24;
	v48 =	vor.u32 v7, v11;
	v6 =	vor.u32 v25, v46;
	v3 =	vld.idx.msk [tilespmem:v40+s23+$0x0], $0xffff  }
0x632: {  	v47 =	vadd.s32 v19, v5;
	[tilespmem:s5+$0x50] =	vst v31;
	v53 =	vadd.s32 v9, v28;
	v6 =	vor.u32 v7, v6  }
0x633: {  	v41 =	vld.idx.msk [tilespmem:v59+s23+$0x0], $0xffff;
	v38 =	vor.u32 v0, v26;
	[tilespmem:s12+$0x40] =	vst v18;
	v50 =	vadd.s32 v9, v23  }
0x634: {  	v15 =	vor.u32 v1, v38;
	v10 =	vld.idx.msk [tilespmem:v10+s23+$0x0], $0xffff;
	[tilespmem:s13+$0xC440] =	vst v44;
	v5 =	vor.u32 v21, v50  }
0x635: {  	v5 =	vor.u32 v1, v5;
	v52 =	vld.idx.msk [tilespmem:v16+s23+$0x0], $0xffff;
	v7 =	vor.u32 v13, v51;
	[tilespmem:s11+$0x40] =	vst v12  }
0x636: {  	v7 =	vor.u32 v1, v7;
	v12 =	vor.u32 v27, v53;
	[tilespmem:s10+$0xC440] =	vst v3;
	v8 =	vld.idx.msk [tilespmem:v48+s23+$0x0], $0xffff  }
0x637: {  	v49 =	vor.u32 v4, v47;
	v9 =	vor.u32 v25, v54;
	v55 =	vor.u32 v1, v12;
	v6 =	vld.idx.msk [tilespmem:v6+s23+$0x0], $0xffff  }
0x638: {  	[tilespmem:s7+$0xC450] =	vst v17;
	v57 =	vor.u32 v0, v2;
	v2 =	vor.u32 v21, v58;
	v59 =	vor.u32 v1, v9  }
0x639: {  	v4 =	vor.u32 v20, v49;
	v2 =	vor.u32 v20, v2;
	v56 =	vld.idx.msk [tilespmem:v15+s23+$0x0], $0xffff;
	[tilespmem:s12+$0x50] =	vst v10  }
0x63a: {  	v0 =	vor.u32 v20, v57;
	v60 =	vadd.s32 v19, v22;
	v5 =	vld.idx.msk [tilespmem:v5+s23+$0x0], $0xffff;
	[tilespmem:s13+$0xC450] =	vst v52  }
0x63b: {  	v61 =	vadd.s32 v19, v28;
	v9 =	vor.u32 v13, v60;
	v7 =	vld.idx.msk [tilespmem:v7+s23+$0x0], $0xffff;
	[tilespmem:s11+$0x50] =	vst v8  }
0x63c: {  	v9 =	vor.u32 v20, v9;
	v8 =	vor.u32 v27, v61;
	[tilespmem:s10+$0xC450] =	vst v6;
	v3 =	vld.idx.msk [tilespmem:v55+s23+$0x0], $0xffff  }
0x63d: {  	[tilespmem:s5+$0x60] =	vst v41;
	v6 =	vor.u32 v25, v62;
	v8 =	vor.u32 v20, v8;
	v1 =	vld.idx.msk [tilespmem:v59+s23+$0x0], $0xffff  }
0x63e: {  	v4 =	vld.idx.msk [tilespmem:v4+s23+$0x0], $0xffff;
	[tilespmem:s7+$0xC460] =	vst v56;
	v6 =	vor.u32 v20, v6  }
0x63f: {  	v0 =	vld.idx.msk [tilespmem:v0+s23+$0x0], $0xffff;
	[tilespmem:s12+$0x60] =	vst v5  }
0x640: {  	v2 =	vld.idx.msk [tilespmem:v2+s23+$0x0], $0xffff;
	[tilespmem:s13+$0xC460] =	vst v7  }
0x641: {  	v63 =	vld.idx.msk [tilespmem:v9+s23+$0x0], $0xffff;
	[tilespmem:s11+$0x60] =	vst v3  }
0x642: {  	s2 =	sadd.s32 $0x1, s2;
	[tilespmem:s10+$0xC460] =	vst v1;
	v3 =	vld.idx.msk [tilespmem:v8+s23+$0x0], $0xffff  }
0x643: {  	p0 =	sne.s32 s2, $0x8;
	[tilespmem:s5+$0x70] =	vst v4;
	v1 =	vld.idx.msk [tilespmem:v6+s23+$0x0], $0xffff  }
.Ltmp20:
0x644: {  	[tilespmem:s7+$0xC470] =	vst v0;
	(pc) =	sbr.rel @p0 .LBB2_40-.Ltmp20, $4  }
0x645: {  	[tilespmem:s12+$0x70] =	vst v2  }
0x646: {  	[tilespmem:s13+$0xC470] =	vst v63  }
0x647: {  	[tilespmem:s11+$0x70] =	vst v3  }
0x648: {  	[tilespmem:s10+$0xC470] =	vst v1  }
0x649: {  	s0 =	simm.s32 $0x0;
	s2 =	rddreg [dreg:$0xc];
	s5 =	simm.s32 $0x8400  }
0x64a: {  	[hbm4b:s2+s0] =	stream.linear.scatter [tilespmem:s5], [sflag:$0x2], $0x8000, $0x38;
	[tilespmem:$0x18400] =	vst v63  }
0x64b: {  	s31 =	rddreg [dreg:$0xd]  }
0x64c: {  	[tilespmem:s23], [sflag:$0x1] =	stream.linear.gather [hbm4b:s31+s0], $0x4000, $0x38;
	[tilespmem:$0x18400] =	vst v63  }
0x64d: {  	_ =	swait.ge [sflag:s24], $0x4000  }
0x64e: {  	[sflag:s24] =	ssyncset.done $0x0  }
0x64f: {  	[sflag:s24] =	ssyncadd.s32 $0xFFFFC000  }
0x650: {  	_ =	swait.ge [sflag:s28], $0x8000  }
0x651: {  	[sflag:s28] =	ssyncset.done $0x0  }
0x652: {  	s2 =	simm.s32 $0x0;
	[sflag:s28] =	ssyncadd.s32 $0xFFFF8000  }
.LBB2_44:
0x653: {  	s5 =	sshll.u32 s2, $0x7  }
0x654: {  	s5 =	sand.u32 $0x3FFFFF80, s5  }
0x655: {  	v0 =	vld [tilespmem:s5+$0x0]  }
0x656: {  	v1 =	vld [tilespmem:s5+$0x10]  }
0x657: {  	v2 =	vld [tilespmem:s5+$0x20]  }
0x658: {  	v3 =	vld [tilespmem:s5+$0x30]  }
0x659: {  	v4 =	vld [tilespmem:s5+$0x40]  }
0x65a: {  	s8 =	simm.s32 $0x2;
	v5 =	vld [tilespmem:s5+$0x50]  }
0x65b: {  	v25 =	vmov s0;
	v54 =	vmov s8;
	v11 =	vand.u32 $0x7F, v0  }
0x65c: {  	v16 =	vld [tilespmem:s5+$0x60];
	v0 =	vshll.u32 v0, $0x3;
	v6 =	vshll.u32 v1, $0x3;
	v12 =	vand.u32 $0x7F, v1  }
0x65d: {  	v9 =	vand.u32 $0x7F, v2;
	v1 =	vshll.u32 v3, $0x3;
	v7 =	vand.u32 $0x7F, v3  }
0x65e: {  	v15 =	vand.u32 $0xFFFFFC00, v0;
	v14 =	vand.u32 $0xFFFFFC00, v6;
	v0 =	vshll.u32 v2, $0x3  }
0x65f: {  	s21 =	simm.s32 $0x1;
	v17 =	vld [tilespmem:s5+$0x70];
	v10 =	vand.u32 $0xFFFFFC00, v1;
	v6 =	vand.u32 $0x7F, v4;
	v1 =	vshll.u32 v5, $0x3  }
0x660: {  	v2 =	vmov s21;
	v13 =	vand.u32 $0xFFFFFC00, v0;
	v0 =	vshll.u32 v4, $0x3  }
0x661: {  	v4 =	vand.u32 $0x7F, v5;
	v5 =	vand.u32 $0xFFFFFC00, v1;
	v1 =	vand.u32 $0x7F, v16  }
0x662: {  	v18 =	vshll.u32 v2, $0x7;
	v8 =	vand.u32 $0xFFFFFC00, v0;
	v0 =	vshll.u32 v16, $0x3  }
0x663: {  	v16 =	vshll.u32 v2, $0xA;
	v18 =	vand.u32 $0x380, v18;
	v3 =	vand.u32 $0xFFFFFC00, v0  }
0x664: {  	v0 =	vand.u32 $0x7F, v17;
	v17 =	vshll.u32 v17, $0x3;
	v16 =	vand.u32 $0x2000, v16  }
0x665: {  	v2 =	vand.u32 $0xFFFFFC00, v17;
	v17 =	vadd.s32 v15, v16;
	v19 =	vadd.s32 v13, v16  }
0x666: {  	v20 =	vadd.s32 v14, v16;
	v23 =	vadd.s32 v10, v16;
	v24 =	vadd.s32 v5, v16  }
0x667: {  	v17 =	vor.u32 v18, v17;
	v21 =	vadd.s32 v2, v16;
	v20 =	vor.u32 v18, v20  }
0x668: {  	v19 =	vor.u32 v18, v19;
	v23 =	vor.u32 v18, v23;
	v24 =	vor.u32 v18, v24  }
0x669: {  	v17 =	vor.u32 v11, v17;
	v21 =	vor.u32 v18, v21;
	v22 =	vor.u32 v12, v20  }
0x66a: {  	v19 =	vor.u32 v9, v19;
	v26 =	vor.u32 v7, v23;
	v23 =	vshll.u32 v25, $0x7  }
0x66b: {  	v20 =	vor.u32 v0, v21;
	v21 =	vadd.s32 v8, v16;
	v16 =	vadd.s32 v3, v16  }
0x66c: {  	v21 =	vor.u32 v18, v21;
	v18 =	vor.u32 v18, v16;
	v16 =	vshll.u32 v25, $0xA  }
0x66d: {  	s25 =	simm.s32 $0x3;
	v24 =	vor.u32 v4, v24;
	v27 =	vand.u32 $0x300, v23;
	v25 =	vand.u32 $0x2000, v16  }
0x66e: {  	v16 =	vmov s25;
	v23 =	vadd.s32 v15, v25;
	v28 =	vadd.s32 v8, v25  }
0x66f: {  	v29 =	vshll.u32 v16, $0xA;
	v30 =	vadd.s32 v14, v25;
	v31 =	vadd.s32 v10, v25  }
0x670: {  	s29 =	sshll.u32 s2, $0xA;
	v32 =	vadd.s32 v13, v25;
	v16 =	vshll.u32 v16, $0x7;
	v17 =	vld.idx.msk [tilespmem:v17+s22+$0x0], $0xffff;
	v23 =	vor.u32 v27, v23  }
0x671: {  	s5 =	sand.u32 $0x3FFFFC00, s29;
	v30 =	vor.u32 v27, v30;
	v29 =	vand.u32 $0x2000, v29;
	v34 =	vand.u32 $0x380, v16  }
0x672: {  	s30 =	simm.s32 $0x80;
	s7 =	sand.u32 $0x2000, s0;
	s10 =	sadd.s32 $0x10400, s5;
	v31 =	vor.u32 v27, v31;
	v28 =	vor.u32 v27, v28;
	v33 =	vor.u32 v11, v23  }
0x673: {  	s5 =	sand.u32 $0x380, s30;
	s7 =	sadd.s32 s7, s10;
	v23 =	vadd.s32 v15, v29;
	v16 =	vadd.s32 v13, v29;
	v35 =	vadd.s32 v14, v29  }
0x674: {  	s5 =	sadd.s32 s5, s7;
	v30 =	vor.u32 v12, v30;
	v31 =	vor.u32 v7, v31;
	v23 =	vor.u32 v34, v23  }
0x675: {  	v36 =	vor.u32 v11, v23;
	v23 =	vor.u32 v34, v35;
	[tilespmem:s5+$0x0] =	vst v17;
	v17 =	vadd.s32 v2, v29  }
0x676: {  	v35 =	vor.u32 v12, v23;
	v23 =	vor.u32 v34, v16;
	v17 =	vor.u32 v34, v17  }
0x677: {  	v37 =	vor.u32 v9, v23;
	v22 =	vld.idx.msk [tilespmem:v22+s22+$0x0], $0xffff;
	v16 =	vor.u32 v0, v17;
	v17 =	vadd.s32 v8, v29  }
0x678: {  	v23 =	vadd.s32 v10, v29;
	v38 =	vor.u32 v34, v17;
	v17 =	vadd.s32 v5, v29  }
0x679: {  	v28 =	vor.u32 v6, v28;
	v39 =	vor.u32 v34, v23;
	v41 =	vor.u32 v34, v17  }
0x67a: {  	v17 =	vadd.s32 v3, v29;
	v29 =	vor.u32 v27, v32;
	v38 =	vor.u32 v6, v38  }
0x67b: {  	v36 =	vld.idx.msk [tilespmem:v36+s22+$0x0], $0xffff;
	v52 =	vor.u32 v34, v17;
	v17 =	vadd.s32 v3, v25;
	v29 =	vor.u32 v9, v29  }
0x67c: {  	[tilespmem:s5+$0x10] =	vst v22;
	v22 =	vadd.s32 v5, v25;
	v23 =	vor.u32 v27, v17;
	v17 =	vld.idx.msk [tilespmem:v33+s22+$0x0], $0xffff;
	v33 =	vshll.u32 v54, $0x7  }
0x67d: {  	s31 =	simm.s32 $0x0;
	s11 =	simm.s32 $0x800;
	v53 =	vor.u32 v27, v22;
	v22 =	vor.u32 v6, v21;
	v21 =	vadd.s32 v2, v25  }
0x67e: {  	s12 =	simm.s32 $0x5;
	s13 =	simm.s32 $0x180;
	s11 =	sand.u32 $0x2000, s11;
	v19 =	vld.idx.msk [tilespmem:v19+s22+$0x0], $0xffff;
	v27 =	vor.u32 v27, v21;
	v21 =	vor.u32 v1, v18;
	v18 =	vshll.u32 v54, $0xA  }
0x67f: {  	s8 =	sand.u32 $0x300, s31;
	s13 =	sand.u32 $0x380, s13;
	s11 =	sadd.s32 s11, s10;
	v25 =	vor.u32 v7, v39;
	v33 =	vand.u32 $0x300, v33;
	v55 =	vand.u32 $0x2000, v18  }
0x680: {  	s8 =	sadd.s32 s8, s7;
	s7 =	sadd.s32 s13, s11;
	v32 =	vor.u32 v4, v53;
	v18 =	vmov s12;
	v40 =	vadd.s32 v8, v55  }
0x681: {  	[tilespmem:s7+$0x0] =	vst v36;
	v42 =	vadd.s32 v14, v55;
	v43 =	vadd.s32 v10, v55;
	v56 =	vadd.s32 v13, v55  }
0x682: {  	[tilespmem:s8+$0x0] =	vst v17;
	v42 =	vor.u32 v33, v42;
	v43 =	vor.u32 v33, v43;
	v36 =	vor.u32 v33, v56  }
0x683: {  	v17 =	vshll.u32 v18, $0xA;
	v40 =	vor.u32 v33, v40;
	[tilespmem:s5+$0x20] =	vst v19;
	v19 =	vadd.s32 v15, v55;
	v30 =	vld.idx.msk [tilespmem:v30+s22+$0x0], $0xffff  }
0x684: {  	v44 =	vand.u32 $0x2000, v17;
	v17 =	vshll.u32 v18, $0x7;
	v18 =	vld.idx.msk [tilespmem:v35+s22+$0x0], $0xffff;
	v42 =	vor.u32 v12, v42  }
0x685: {  	v36 =	vor.u32 v9, v36;
	v63 =	vor.u32 v7, v43;
	v26 =	vld.idx.msk [tilespmem:v26+s22+$0x0], $0xffff;
	v19 =	vor.u32 v33, v19  }
0x686: {  	v57 =	vadd.s32 v15, v44;
	v45 =	vand.u32 $0x380, v17;
	v17 =	vadd.s32 v13, v44  }
0x687: {  	v46 =	vadd.s32 v14, v44;
	v47 =	vadd.s32 v2, v44;
	v19 =	vor.u32 v11, v19  }
0x688: {  	v35 =	vor.u32 v45, v57;
	v46 =	vor.u32 v45, v46;
	v58 =	vor.u32 v45, v17;
	[tilespmem:s8+$0x10] =	vst v30  }
0x689: {  	v35 =	vor.u32 v11, v35;
	v46 =	vor.u32 v12, v46;
	v30 =	vadd.s32 v8, v44;
	[tilespmem:s7+$0x10] =	vst v18  }
0x68a: {  	v18 =	vadd.s32 v10, v44;
	[tilespmem:s5+$0x30] =	vst v26;
	v26 =	vor.u32 v45, v47;
	v37 =	vld.idx.msk [tilespmem:v37+s22+$0x0], $0xffff  }
0x68b: {  	v47 =	vor.u32 v45, v30;
	v30 =	vadd.s32 v5, v44;
	v48 =	vor.u32 v45, v18;
	v29 =	vld.idx.msk [tilespmem:v29+s22+$0x0], $0xffff  }
0x68c: {  	v18 =	vadd.s32 v3, v44;
	v17 =	vor.u32 v0, v26;
	v26 =	vor.u32 v9, v58;
	v59 =	vld.idx.msk [tilespmem:v19+s22+$0x0], $0xffff  }
0x68d: {  	v30 =	vor.u32 v45, v30;
	v19 =	vadd.s32 v5, v55;
	v49 =	vor.u32 v45, v18;
	v60 =	vld.idx.msk [tilespmem:v22+s22+$0x0], $0xffff  }
0x68e: {  	s16 =	simm.s32 $0x100;
	v18 =	vadd.s32 v3, v55;
	v22 =	vadd.s32 v2, v55;
	v50 =	vor.u32 v33, v19;
	v35 =	vld.idx.msk [tilespmem:v35+s22+$0x0], $0xffff  }
0x68f: {  	s17 =	simm.s32 $0x4;
	s12 =	sand.u32 $0x300, s16;
	s16 =	simm.s32 $0x1000;
	v18 =	vor.u32 v33, v18;
	v19 =	vor.u32 v0, v27;
	v27 =	vor.u32 v7, v48;
	[tilespmem:s7+$0x20] =	vst v37  }
0x690: {  	s19 =	simm.s32 $0x280;
	s11 =	sadd.s32 s12, s11;
	s18 =	sand.u32 $0x2000, s16;
	v39 =	vor.u32 v33, v22;
	v22 =	vor.u32 v1, v52;
	[tilespmem:s8+$0x20] =	vst v29;
	v29 =	vmov s17;
	v25 =	vld.idx.msk [tilespmem:v25+s22+$0x0], $0xffff  }
0x691: {  	s21 =	sand.u32 $0x380, s19;
	s20 =	sadd.s32 s18, s10;
	v48 =	vor.u32 v4, v41;
	[tilespmem:s11+$0x0] =	vst v59;
	v31 =	vld.idx.msk [tilespmem:v31+s22+$0x0], $0xffff;
	v61 =	vshll.u32 v29, $0xA;
	v29 =	vshll.u32 v29, $0x7  }
0x692: {  	s25 =	simm.s32 $0x7;
	s12 =	sadd.s32 s21, s20;
	v30 =	vor.u32 v4, v30;
	[tilespmem:s5+$0x40] =	vst v60;
	v62 =	vld.idx.msk [tilespmem:v42+s22+$0x0], $0xffff;
	v42 =	vand.u32 $0x2000, v61;
	v44 =	vand.u32 $0x300, v29  }
0x693: {  	[tilespmem:s12+$0x0] =	vst v35;
	v29 =	vmov s25;
	v35 =	vor.u32 v4, v50;
	v33 =	vadd.s32 v15, v42  }
0x694: {  	v24 =	vld.idx.msk [tilespmem:v24+s22+$0x0], $0xffff;
	v57 =	vadd.s32 v8, v42;
	v59 =	vshll.u32 v29, $0xA;
	v60 =	vadd.s32 v14, v42  }
0x695: {  	v58 =	vld.idx.msk [tilespmem:v46+s22+$0x0], $0xffff;
	v61 =	vadd.s32 v13, v42;
	v29 =	vshll.u32 v29, $0x7;
	v33 =	vor.u32 v44, v33  }
0x696: {  	v45 =	vor.u32 v44, v60;
	v46 =	vor.u32 v44, v61;
	v41 =	vor.u32 v44, v57;
	[tilespmem:s7+$0x30] =	vst v25  }
0x697: {  	v45 =	vor.u32 v12, v45;
	v25 =	vadd.s32 v10, v42;
	[tilespmem:s8+$0x30] =	vst v31;
	v31 =	vand.u32 $0x2000, v59;
	v38 =	vld.idx.msk [tilespmem:v38+s22+$0x0], $0xffff  }
0x698: {  	v52 =	vand.u32 $0x380, v29;
	[tilespmem:s11+$0x10] =	vst v62;
	v62 =	vor.u32 v11, v33;
	v51 =	vld.idx.msk [tilespmem:v28+s22+$0x0], $0xffff;
	v28 =	vadd.s32 v15, v31  }
0x699: {  	[tilespmem:s5+$0x50] =	vst v24;
	v24 =	vadd.s32 v13, v31;
	v29 =	vadd.s32 v14, v31;
	v33 =	vor.u32 v1, v23  }
0x69a: {  	v23 =	vadd.s32 v8, v31;
	v37 =	vor.u32 v44, v25;
	v28 =	vor.u32 v52, v28;
	v53 =	vld.idx.msk [tilespmem:v21+s22+$0x0], $0xffff  }
0x69b: {  	v21 =	vadd.s32 v2, v31;
	[tilespmem:s12+$0x10] =	vst v58;
	v24 =	vor.u32 v52, v24;
	v54 =	vor.u32 v11, v28  }
0x69c: {  	v28 =	vor.u32 v52, v29;
	v26 =	vld.idx.msk [tilespmem:v26+s22+$0x0], $0xffff;
	v29 =	vor.u32 v52, v23;
	v23 =	vadd.s32 v5, v31  }
0x69d: {  	v55 =	vld.idx.msk [tilespmem:v36+s22+$0x0], $0xffff;
	v34 =	vor.u32 v12, v28;
	v28 =	vor.u32 v9, v24;
	v24 =	vadd.s32 v10, v31  }
0x69e: {  	v21 =	vor.u32 v52, v21;
	v25 =	vor.u32 v52, v24;
	v24 =	vor.u32 v52, v23  }
0x69f: {  	v23 =	vadd.s32 v3, v31;
	v31 =	vadd.s32 v5, v42;
	v43 =	vld.idx.msk [tilespmem:v62+s22+$0x0], $0xffff;
	[tilespmem:s8+$0x40] =	vst v51  }
0x6a0: {  	[tilespmem:s7+$0x40] =	vst v38;
	v36 =	vor.u32 v44, v31;
	v31 =	vadd.s32 v3, v42;
	v51 =	vld.idx.msk [tilespmem:v32+s22+$0x0], $0xffff  }
0x6a1: {  	s29 =	simm.s32 $0x200;
	v21 =	vor.u32 v0, v21;
	v31 =	vor.u32 v44, v31;
	v54 =	vld.idx.msk [tilespmem:v54+s22+$0x0], $0xffff;
	[tilespmem:s12+$0x20] =	vst v26  }
0x6a2: {  	s16 =	sand.u32 $0x300, s29;
	s18 =	simm.s32 $0x1800;
	v32 =	vor.u32 v7, v25;
	[tilespmem:s11+$0x20] =	vst v55;
	v26 =	vadd.s32 v2, v42;
	v42 =	vld.idx.msk [tilespmem:v27+s22+$0x0], $0xffff  }
0x6a3: {  	s13 =	sadd.s32 s16, s20;
	s30 =	sand.u32 $0x2000, s18;
	s17 =	simm.s32 $0x380;
	[tilespmem:s5+$0x60] =	vst v53;
	v27 =	vor.u32 v0, v39;
	v25 =	vor.u32 v44, v26;
	v44 =	vld.idx.msk [tilespmem:v63+s22+$0x0], $0xffff  }
0x6a4: {  	s20 =	simm.s32 $0x6;
	s19 =	sadd.s32 s30, s10;
	s31 =	sand.u32 $0x380, s17;
	v39 =	vor.u32 v9, v46;
	v46 =	vor.u32 v6, v40;
	v40 =	vld.idx.msk [tilespmem:v20+s22+$0x0], $0xffff;
	[tilespmem:s13+$0x0] =	vst v43  }
0x6a5: {  	s16 =	sadd.s32 s31, s19;
	v23 =	vor.u32 v52, v23;
	v38 =	vor.u32 v6, v47;
	v63 =	vmov s20;
	v45 =	vld.idx.msk [tilespmem:v45+s22+$0x0], $0xffff;
	[tilespmem:s8+$0x50] =	vst v51  }
0x6a6: {  	v26 =	vor.u32 v1, v49;
	s20 =	simm.s32 $0x8;
	v47 =	vshll.u32 v63, $0xA;
	v43 =	vld.idx.msk [tilespmem:v48+s22+$0x0], $0xffff;
	v48 =	vshll.u32 v63, $0x7;
	[tilespmem:s16+$0x0] =	vst v54  }
.LBB2_45:
0x6a7: {  	s25 =	sadd.s32 $0x1, s20;
	v47 =	vand.u32 $0x2000, v47;
	v48 =	vand.u32 $0x300, v48  }
0x6a8: {  	p0 =	slt.u32 s20, $0xE;
	v49 =	vor.u32 v7, v37;
	v33 =	vld.idx.msk [tilespmem:v33+s22+$0x0], $0xffff;
	v20 =	vmovc v17;
	v17 =	vmovc v21;
	v50 =	vmov v36;
	v51 =	vmov v41;
	s21 =	smov.u32 s20;
	s20 =	sadd.s32 $0x2, s20  }
0x6a9: {  	v21 =	vmov s25;
	v36 =	vadd.s32 v15, v47;
	v41 =	vadd.s32 v8, v47;
	v34 =	vld.idx.msk [tilespmem:v34+s22+$0x0], $0xffff;
	[tilespmem:s12+$0x30] =	vst v42  }
0x6aa: {  	v42 =	vadd.s32 v14, v47;
	v52 =	vadd.s32 v10, v47;
	v37 =	vshll.u32 v21, $0xA;
	[tilespmem:s13+$0x10] =	vst v45;
	v38 =	vld.idx.msk [tilespmem:v38+s22+$0x0], $0xffff  }
0x6ab: {  	v36 =	vor.u32 v48, v36;
	v42 =	vor.u32 v48, v42;
	v45 =	vadd.s32 v13, v47;
	[tilespmem:s11+$0x30] =	vst v44  }
0x6ac: {  	v21 =	vshll.u32 v21, $0x7;
	v44 =	vand.u32 $0x2000, v37;
	v36 =	vor.u32 v11, v36;
	v46 =	vld.idx.msk [tilespmem:v46+s22+$0x0], $0xffff;
	[tilespmem:s7+$0x50] =	vst v43  }
0x6ad: {  	v37 =	vadd.s32 v15, v44;
	v43 =	vand.u32 $0x380, v21;
	v21 =	vadd.s32 v13, v44;
	v53 =	vld.idx.msk [tilespmem:v22+s22+$0x0], $0xffff;
	[tilespmem:s5+$0x70] =	vst v40;
	s5 =	smov.u32 s7;
	s7 =	smov.u32 s12;
	s12 =	smov.u32 s16  }
0x6ae: {  	v22 =	vor.u32 v43, v37;
	v37 =	vadd.s32 v14, v44;
	v40 =	vadd.s32 v2, v44;
	[tilespmem:s8+$0x60] =	vst v33  }
0x6af: {  	v22 =	vor.u32 v11, v22;
	v33 =	vor.u32 v43, v37;
	v37 =	vor.u32 v43, v40;
	[tilespmem:s12+$0x10] =	vst v34  }
0x6b0: {  	v34 =	vor.u32 v12, v33;
	v33 =	vor.u32 v43, v21;
	v21 =	vor.u32 v0, v37;
	v40 =	vld.idx.msk [tilespmem:v19+s22+$0x0], $0xffff  }
0x6b1: {  	v19 =	vadd.s32 v10, v44;
	v54 =	vld.idx.msk [tilespmem:v28+s22+$0x0], $0xffff;
	v28 =	vor.u32 v9, v33;
	v33 =	vor.u32 v1, v18  }
0x6b2: {  	v56 =	vor.u32 v12, v42;
	v37 =	vadd.s32 v8, v44;
	v18 =	vmov v31;
	v55 =	vld.idx.msk [tilespmem:v36+s22+$0x0], $0xffff;
	[tilespmem:s7+$0x40] =	vst v38  }
0x6b3: {  	v57 =	vor.u32 v43, v37;
	v37 =	vor.u32 v48, v52;
	v31 =	vadd.s32 v5, v44;
	v39 =	vld.idx.msk [tilespmem:v39+s22+$0x0], $0xffff  }
0x6b4: {  	s16 =	sadd.s32 $0xFFFFFF80, s17;
	v58 =	vor.u32 v43, v31;
	v52 =	vld.idx.msk [tilespmem:v22+s22+$0x0], $0xffff;
	v22 =	vor.u32 v43, v19;
	[tilespmem:s11+$0x40] =	vst v46;
	v19 =	vmov v27  }
0x6b5: {  	s16 =	sand.u32 $0x300, s16;
	v31 =	vadd.s32 v5, v47;
	v27 =	vadd.s32 v3, v44;
	v44 =	vor.u32 v48, v45;
	v59 =	vld.idx.msk [tilespmem:v35+s22+$0x0], $0xffff  }
0x6b6: {  	s18 =	sadd.s32 $0x800, s18;
	s25 =	sadd.s32 s16, s19;
	v36 =	vor.u32 v48, v31;
	v35 =	vor.u32 v43, v27;
	v27 =	vadd.s32 v3, v47;
	[tilespmem:s8+$0x70] =	vst v40;
	s8 =	smov.u32 s11  }
0x6b7: {  	v41 =	vor.u32 v48, v41;
	s17 =	sadd.s32 $0x100, s17;
	s16 =	sand.u32 $0x2000, s18;
	v38 =	vor.u32 v6, v29;
	v31 =	vor.u32 v48, v27;
	s11 =	smov.u32 s13;
	[tilespmem:s12+$0x20] =	vst v54  }
.Ltmp21:
0x6b8: {  	s19 =	sadd.s32 s16, s10;
	v29 =	vmov v57;
	s13 =	sand.u32 $0x380, s17;
	v40 =	vadd.s32 v2, v47;
	v27 =	vor.u32 v0, v25;
	[tilespmem:s25+$0x0] =	vst v55;
	v42 =	vld.idx.msk [tilespmem:v32+s22+$0x0], $0xffff;
	(pc) =	sbr.rel @p0 .LBB2_45-.Ltmp21, $4  }
0x6b9: {  	s16 =	sadd.s32 s13, s19;
	v25 =	vor.u32 v48, v40;
	s13 =	smov.u32 s25;
	v32 =	vor.u32 v7, v22;
	v22 =	vmov v26;
	v45 =	vld.idx.msk [tilespmem:v56+s22+$0x0], $0xffff;
	[tilespmem:s11+$0x20] =	vst v39  }
0x6ba: {  	v26 =	vor.u32 v1, v23;
	v23 =	vmov v35;
	v39 =	vor.u32 v9, v44;
	[tilespmem:s16+$0x0] =	vst v52;
	v44 =	vld.idx.msk [tilespmem:v49+s22+$0x0], $0xffff  }
0x6bb: {  	v40 =	vmov s21;
	v35 =	vor.u32 v4, v50;
	v43 =	vld.idx.msk [tilespmem:v30+s22+$0x0], $0xffff;
	v30 =	vor.u32 v4, v24;
	[tilespmem:s5+$0x60] =	vst v53;
	v24 =	vmovc v58  }
0x6bc: {  	v46 =	vor.u32 v6, v51;
	v47 =	vshll.u32 v40, $0xA;
	v48 =	vshll.u32 v40, $0x7;
	[tilespmem:s8+$0x50] =	vst v59;
	v40 =	vld.idx.msk [tilespmem:v16+s22+$0x0], $0xffff;
	v16 =	vmovc v20  }
0x6bd: {  	v20 =	vand.u32 $0x2000, v47  }
0x6be: {  	v47 =	vand.u32 $0x300, v48;
	v15 =	vadd.s32 v15, v20  }
0x6bf: {  	v15 =	vor.u32 v47, v15  }
0x6c0: {  	v11 =	vor.u32 v11, v15;
	_ =	sdelay $0x3  }
0x6c1: {  	v14 =	vadd.s32 v14, v20  }
0x6c2: {  	v14 =	vor.u32 v47, v14;
	v11 =	vld.idx.msk [tilespmem:v11+s22+$0x0], $0xffff  }
0x6c3: {  	v12 =	vor.u32 v12, v14  }
0x6c4: {  	s10 =	sadd.s32 $0xFFFFFF80, s17  }
0x6c5: {  	s10 =	sand.u32 $0x300, s10  }
0x6c6: {  	s10 =	sadd.s32 s10, s19  }
0x6c7: {  	v57 =	vld.idx.msk [tilespmem:v34+s22+$0x0], $0xffff;
	v13 =	vadd.s32 v13, v20;
	[tilespmem:s10+$0x0] =	vst v11  }
0x6c8: {  	v58 =	vor.u32 v47, v13;
	v12 =	vld.idx.msk [tilespmem:v12+s22+$0x0], $0xffff  }
0x6c9: {  	v9 =	vor.u32 v9, v58;
	_ =	sdelay $0x1  }
0x6ca: {  	[tilespmem:s13+$0x10] =	vst v45  }
0x6cb: {  	v59 =	vld.idx.msk [tilespmem:v39+s22+$0x0], $0xffff;
	[tilespmem:s16+$0x10] =	vst v57  }
0x6cc: {  	v60 =	vor.u32 v7, v37;
	v10 =	vadd.s32 v10, v20;
	v14 =	vld.idx.msk [tilespmem:v28+s22+$0x0], $0xffff;
	[tilespmem:s10+$0x10] =	vst v12  }
0x6cd: {  	v10 =	vor.u32 v47, v10;
	v9 =	vld.idx.msk [tilespmem:v9+s22+$0x0], $0xffff  }
0x6ce: {  	v61 =	vor.u32 v7, v10  }
0x6cf: {  	[tilespmem:s12+$0x30] =	vst v42  }
0x6d0: {  	[tilespmem:s13+$0x20] =	vst v59  }
0x6d1: {  	v62 =	vld.idx.msk [tilespmem:v60+s22+$0x0], $0xffff;
	[tilespmem:s16+$0x20] =	vst v14  }
0x6d2: {  	v8 =	vadd.s32 v8, v20;
	v28 =	vor.u32 v6, v41;
	v63 =	vld.idx.msk [tilespmem:v32+s22+$0x0], $0xffff;
	[tilespmem:s10+$0x20] =	vst v9  }
0x6d3: {  	[tilespmem:s11+$0x30] =	vst v44;
	v8 =	vor.u32 v47, v8;
	v32 =	vor.u32 v6, v29;
	v7 =	vld.idx.msk [tilespmem:v61+s22+$0x0], $0xffff  }
0x6d4: {  	v34 =	vld.idx.msk [tilespmem:v33+s22+$0x0], $0xffff;
	[tilespmem:s7+$0x50] =	vst v43;
	v37 =	vor.u32 v6, v8  }
0x6d5: {  	[tilespmem:s5+$0x70] =	vst v40;
	v41 =	vld.idx.msk [tilespmem:v38+s22+$0x0], $0xffff  }
0x6d6: {  	v39 =	vld.idx.msk [tilespmem:v46+s22+$0x0], $0xffff;
	[tilespmem:s13+$0x30] =	vst v62  }
0x6d7: {  	v10 =	vld.idx.msk [tilespmem:v28+s22+$0x0], $0xffff;
	[tilespmem:s16+$0x30] =	vst v63  }
0x6d8: {  	v42 =	vor.u32 v4, v36;
	v5 =	vadd.s32 v5, v20;
	v9 =	vld.idx.msk [tilespmem:v32+s22+$0x0], $0xffff;
	[tilespmem:s10+$0x30] =	vst v7  }
0x6d9: {  	v5 =	vor.u32 v47, v5;
	v43 =	vor.u32 v4, v24;
	[tilespmem:s8+$0x60] =	vst v34;
	v6 =	vld.idx.msk [tilespmem:v37+s22+$0x0], $0xffff  }
0x6da: {  	v45 =	vor.u32 v4, v5;
	v53 =	vld.idx.msk [tilespmem:v22+s22+$0x0], $0xffff;
	[tilespmem:s12+$0x40] =	vst v41  }
0x6db: {  	[tilespmem:s11+$0x40] =	vst v39;
	v49 =	vld.idx.msk [tilespmem:v30+s22+$0x0], $0xffff  }
0x6dc: {  	v46 =	vld.idx.msk [tilespmem:v35+s22+$0x0], $0xffff;
	[tilespmem:s13+$0x40] =	vst v10  }
0x6dd: {  	v48 =	vor.u32 v1, v18;
	v50 =	vld.idx.msk [tilespmem:v42+s22+$0x0], $0xffff;
	[tilespmem:s16+$0x40] =	vst v9  }
0x6de: {  	v51 =	vor.u32 v1, v31;
	v3 =	vadd.s32 v3, v20;
	v7 =	vld.idx.msk [tilespmem:v43+s22+$0x0], $0xffff;
	[tilespmem:s10+$0x40] =	vst v6  }
0x6df: {  	v52 =	vor.u32 v1, v23;
	v3 =	vor.u32 v47, v3;
	[tilespmem:s7+$0x60] =	vst v53;
	v4 =	vld.idx.msk [tilespmem:v45+s22+$0x0], $0xffff  }
0x6e0: {  	v54 =	vor.u32 v1, v3;
	v44 =	vld.idx.msk [tilespmem:v19+s22+$0x0], $0xffff;
	[tilespmem:s12+$0x50] =	vst v49  }
0x6e1: {  	[tilespmem:s11+$0x50] =	vst v46;
	v56 =	vld.idx.msk [tilespmem:v26+s22+$0x0], $0xffff  }
0x6e2: {  	v55 =	vld.idx.msk [tilespmem:v48+s22+$0x0], $0xffff;
	[tilespmem:s13+$0x50] =	vst v50  }
0x6e3: {  	v57 =	vld.idx.msk [tilespmem:v51+s22+$0x0], $0xffff;
	[tilespmem:s16+$0x50] =	vst v7  }
0x6e4: {  	v2 =	vadd.s32 v2, v20;
	v58 =	vor.u32 v0, v25;
	v6 =	vld.idx.msk [tilespmem:v52+s22+$0x0], $0xffff;
	[tilespmem:s10+$0x50] =	vst v4  }
0x6e5: {  	v2 =	vor.u32 v47, v2;
	[tilespmem:s8+$0x70] =	vst v44;
	v1 =	vld.idx.msk [tilespmem:v54+s22+$0x0], $0xffff  }
0x6e6: {  	v60 =	vor.u32 v0, v2;
	v59 =	vld.idx.msk [tilespmem:v16+s22+$0x0], $0xffff;
	[tilespmem:s12+$0x60] =	vst v56  }
0x6e7: {  	[tilespmem:s11+$0x60] =	vst v55;
	v62 =	vld.idx.msk [tilespmem:v17+s22+$0x0], $0xffff  }
0x6e8: {  	v61 =	vld.idx.msk [tilespmem:v27+s22+$0x0], $0xffff;
	[tilespmem:s13+$0x60] =	vst v57  }
0x6e9: {  	v63 =	vld.idx.msk [tilespmem:v58+s22+$0x0], $0xffff;
	[tilespmem:s16+$0x60] =	vst v6  }
0x6ea: {  	s2 =	sadd.s32 $0x1, s2;
	v6 =	vld.idx.msk [tilespmem:v21+s22+$0x0], $0xffff;
	[tilespmem:s10+$0x60] =	vst v1  }
0x6eb: {  	p0 =	sne.s32 s2, $0x8;
	[tilespmem:s7+$0x70] =	vst v59;
	v0 =	vld.idx.msk [tilespmem:v60+s22+$0x0], $0xffff  }
.Ltmp22:
0x6ec: {  	[tilespmem:s12+$0x70] =	vst v62;
	(pc) =	sbr.rel @p0 .LBB2_44-.Ltmp22, $4  }
0x6ed: {  	[tilespmem:s11+$0x70] =	vst v61  }
0x6ee: {  	[tilespmem:s13+$0x70] =	vst v63  }
0x6ef: {  	[tilespmem:s16+$0x70] =	vst v6  }
0x6f0: {  	[tilespmem:s10+$0x70] =	vst v0  }
0x6f1: {  	_ =	swait.ge [sflag:s24], $0x4000  }
0x6f2: {  	[sflag:s24] =	ssyncset.done $0x0  }
0x6f3: {  	s0 =	simm.s32 $0x0;
	s2 =	simm.s32 $0x0;
	[sflag:s24] =	ssyncadd.s32 $0xFFFFC000  }
.LBB2_48:
0x6f4: {  	s5 =	sshll.u32 s2, $0x7  }
0x6f5: {  	s5 =	sand.u32 $0x3FFFFF80, s5  }
0x6f6: {  	v0 =	vld [tilespmem:s5+$0x0];
	_ =	sdelay $0x2  }
0x6f7: {  	s7 =	simm.s32 $0x1  }
0x6f8: {  	v1 =	vmov s7  }
0x6f9: {  	v3 =	vshll.u32 v1, $0xA;
	v2 =	vshll.u32 v0, $0x3  }
0x6fa: {  	v4 =	vld [tilespmem:s5+$0x10];
	v1 =	vshll.u32 v1, $0x7;
	v20 =	vand.u32 $0x2000, v3;
	v12 =	vand.u32 $0xFFFFFC00, v2  }
0x6fb: {  	v26 =	vand.u32 $0x380, v1;
	v1 =	vadd.s32 v12, v20  }
0x6fc: {  	v14 =	vand.u32 $0x7F, v0;
	v0 =	vmov s0;
	v1 =	vor.u32 v26, v1  }
0x6fd: {  	v2 =	vshll.u32 v0, $0xA;
	v1 =	vor.u32 v14, v1  }
0x6fe: {  	v0 =	vshll.u32 v0, $0x7;
	v25 =	vand.u32 $0x2000, v2  }
0x6ff: {  	v3 =	vshll.u32 v4, $0x3;
	v24 =	vand.u32 $0x300, v0;
	v0 =	vadd.s32 v12, v25  }
0x700: {  	v17 =	vand.u32 $0xFFFFFC00, v3;
	v2 =	vld [tilespmem:s5+$0x20];
	v0 =	vor.u32 v24, v0  }
0x701: {  	v5 =	vld [tilespmem:s5+$0x30];
	v3 =	vadd.s32 v17, v20;
	v0 =	vor.u32 v14, v0  }
0x702: {  	s8 =	sshll.u32 s2, $0xA;
	v16 =	vand.u32 $0x7F, v4;
	v3 =	vor.u32 v26, v3;
	v1 =	vld.idx.msk [tilespmem:v1+s23+$0x0], $0xffff  }
0x703: {  	s30 =	simm.s32 $0x4400;
	s18 =	simm.s32 $0x3;
	s19 =	simm.s32 $0x4;
	v7 =	vld [tilespmem:s5+$0x40];
	v4 =	vor.u32 v16, v3  }
0x704: {  	s11 =	simm.s32 $0x880;
	s10 =	sadd.s32 $0x10400, s8;
	s7 =	sand.u32 $0x6000, s30;
	v19 =	vmov s18;
	v32 =	vmov s19;
	v8 =	vld [tilespmem:s5+$0x50]  }
0x705: {  	s21 =	simm.s32 $0x5;
	s31 =	sand.u32 $0x380, s11;
	v9 =	vld [tilespmem:s5+$0x60];
	s7 =	sadd.s32 s7, s10;
	v3 =	vadd.s32 v17, v25;
	v11 =	vand.u32 $0x7F, v2;
	v2 =	vshll.u32 v2, $0x3  }
0x706: {  	v52 =	vmov s21;
	s16 =	sadd.s32 s31, s7;
	v18 =	vand.u32 $0xFFFFFC00, v2;
	v2 =	vor.u32 v24, v3;
	v0 =	vld.idx.msk [tilespmem:v0+s23+$0x0], $0xffff  }
0x707: {  	s11 =	simm.s32 $0x2;
	v27 =	vld [tilespmem:s5+$0x70];
	v6 =	vand.u32 $0x7F, v5;
	v2 =	vor.u32 v16, v2;
	[tilespmem:s16+$0x0] =	vst v1;
	v1 =	vadd.s32 v18, v20  }
0x708: {  	s12 =	sand.u32 $0x2000, s0;
	v3 =	vshll.u32 v5, $0x3;
	v5 =	vmov s11;
	v4 =	vld.idx.msk [tilespmem:v4+s23+$0x0], $0xffff;
	v1 =	vor.u32 v26, v1  }
0x709: {  	s13 =	sand.u32 $0x300, s0;
	s7 =	sadd.s32 s8, s12;
	v10 =	vand.u32 $0xFFFFFC00, v3;
	v15 =	vadd.s32 v18, v25;
	v13 =	vor.u32 v11, v1  }
0x70a: {  	s17 =	sadd.s32 s13, s7;
	v3 =	vand.u32 $0x7F, v7;
	v7 =	vshll.u32 v7, $0x3;
	v15 =	vor.u32 v24, v15  }
0x70b: {  	v21 =	vor.u32 v11, v15;
	[tilespmem:s17+$0x14400] =	vst v0;
	v1 =	vshll.u32 v5, $0x7;
	v5 =	vshll.u32 v5, $0xA  }
0x70c: {  	v2 =	vld.idx.msk [tilespmem:v2+s23+$0x0], $0xffff;
	v0 =	vand.u32 $0x300, v1;
	v1 =	vand.u32 $0x2000, v5;
	v5 =	vshll.u32 v19, $0xA  }
0x70d: {  	v15 =	vshll.u32 v19, $0x7;
	v19 =	vadd.s32 v10, v20;
	v5 =	vand.u32 $0x2000, v5;
	[tilespmem:s16+$0x10] =	vst v4  }
0x70e: {  	v19 =	vor.u32 v26, v19;
	v4 =	vand.u32 $0x380, v15;
	v15 =	vadd.s32 v12, v5;
	v13 =	vld.idx.msk [tilespmem:v13+s23+$0x0], $0xffff  }
0x70f: {  	v22 =	vadd.s32 v12, v1;
	v19 =	vor.u32 v6, v19;
	v23 =	vor.u32 v4, v15  }
0x710: {  	s11 =	sadd.s32 $0x14400, s17;
	v15 =	vand.u32 $0xFFFFFC00, v7;
	v7 =	vor.u32 v0, v22;
	v22 =	vor.u32 v14, v23  }
0x711: {  	[tilespmem:s11+$0x10] =	vst v2;
	v2 =	vadd.s32 v10, v25;
	v23 =	vshll.u32 v8, $0x3;
	v28 =	vor.u32 v14, v7  }
0x712: {  	v7 =	vand.u32 $0x7F, v8;
	v21 =	vld.idx.msk [tilespmem:v21+s23+$0x0], $0xffff;
	v8 =	vand.u32 $0xFFFFFC00, v23;
	v23 =	vor.u32 v24, v2  }
0x713: {  	v30 =	vadd.s32 v17, v1;
	v23 =	vor.u32 v6, v23;
	[tilespmem:s16+$0x20] =	vst v13;
	v13 =	vadd.s32 v15, v20  }
0x714: {  	v33 =	vadd.s32 v18, v1;
	v29 =	vadd.s32 v17, v5;
	v19 =	vld.idx.msk [tilespmem:v19+s23+$0x0], $0xffff;
	v13 =	vor.u32 v26, v13  }
0x715: {  	v54 =	vadd.s32 v10, v1;
	v29 =	vor.u32 v4, v29;
	v22 =	vld.idx.msk [tilespmem:v22+s23+$0x0], $0xffff;
	v13 =	vor.u32 v3, v13  }
0x716: {  	s20 =	simm.s32 $0x800;
	s12 =	simm.s32 $0x4C00;
	v30 =	vor.u32 v0, v30;
	v50 =	vadd.s32 v18, v5;
	v29 =	vor.u32 v16, v29;
	v28 =	vld.idx.msk [tilespmem:v28+s23+$0x0], $0xffff  }
0x717: {  	s7 =	sand.u32 $0x2000, s20;
	s12 =	sand.u32 $0x6000, s12;
	s13 =	simm.s32 $0x980;
	v2 =	vand.u32 $0x7F, v9;
	v9 =	vshll.u32 v9, $0x3;
	[tilespmem:s11+$0x20] =	vst v21;
	v21 =	vor.u32 v16, v30  }
0x718: {  	s13 =	sand.u32 $0x380, s13;
	s12 =	sadd.s32 s12, s10;
	s17 =	simm.s32 $0x100;
	v31 =	vadd.s32 v15, v25;
	v9 =	vand.u32 $0xFFFFFC00, v9;
	v34 =	vadd.s32 v8, v20;
	v23 =	vld.idx.msk [tilespmem:v23+s23+$0x0], $0xffff  }
0x719: {  	s7 =	sadd.s32 s8, s7;
	s5 =	sadd.s32 s13, s12;
	s17 =	sand.u32 $0x300, s17;
	v63 =	vadd.s32 v8, v1;
	v34 =	vor.u32 v26, v34;
	v30 =	vor.u32 v24, v31;
	[tilespmem:s16+$0x30] =	vst v19  }
0x71a: {  	s7 =	sadd.s32 s17, s7;
	v30 =	vor.u32 v3, v30;
	v19 =	vshll.u32 v32, $0x7;
	[tilespmem:s5+$0x0] =	vst v22;
	v22 =	vshll.u32 v32, $0xA;
	v35 =	vld.idx.msk [tilespmem:v13+s23+$0x0], $0xffff  }
0x71b: {  	[tilespmem:s7+$0x14400] =	vst v28;
	v28 =	vld.idx.msk [tilespmem:v29+s23+$0x0], $0xffff;
	v13 =	vand.u32 $0x300, v19;
	v19 =	vor.u32 v4, v50;
	v29 =	vor.u32 v7, v34  }
0x71c: {  	v51 =	vld.idx.msk [tilespmem:v21+s23+$0x0], $0xffff;
	v22 =	vand.u32 $0x2000, v22;
	v21 =	vor.u32 v0, v33;
	v19 =	vor.u32 v11, v19  }
0x71d: {  	v34 =	vshll.u32 v52, $0xA;
	[tilespmem:s11+$0x30] =	vst v23;
	v23 =	vadd.s32 v12, v22;
	v33 =	vor.u32 v11, v21  }
0x71e: {  	v21 =	vadd.s32 v8, v25;
	v61 =	vadd.s32 v18, v22;
	v23 =	vor.u32 v13, v23  }
0x71f: {  	v30 =	vld.idx.msk [tilespmem:v30+s23+$0x0], $0xffff;
	v21 =	vor.u32 v24, v21;
	v36 =	vor.u32 v14, v23;
	v23 =	vshll.u32 v52, $0x7;
	[tilespmem:s16+$0x40] =	vst v35  }
0x720: {  	v37 =	vor.u32 v7, v21;
	v21 =	vand.u32 $0x380, v23;
	[tilespmem:s5+$0x10] =	vst v28;
	v28 =	vld.idx.msk [tilespmem:v29+s23+$0x0], $0xffff;
	v29 =	vadd.s32 v9, v20  }
0x721: {  	v23 =	vand.u32 $0x2000, v34;
	v53 =	vld.idx.msk [tilespmem:v19+s23+$0x0], $0xffff;
	v19 =	vadd.s32 v10, v5;
	v29 =	vor.u32 v26, v29  }
0x722: {  	s7 =	sadd.s32 $0x14400, s7;
	v34 =	vadd.s32 v12, v23;
	v19 =	vor.u32 v4, v19;
	v29 =	vor.u32 v2, v29  }
0x723: {  	[tilespmem:s7+$0x10] =	vst v51;
	v35 =	vor.u32 v0, v54;
	v34 =	vor.u32 v21, v34;
	v38 =	vor.u32 v6, v19  }
0x724: {  	v31 =	vshll.u32 v27, $0x3;
	v33 =	vld.idx.msk [tilespmem:v33+s23+$0x0], $0xffff;
	[tilespmem:s11+$0x40] =	vst v30;
	v30 =	vadd.s32 v9, v25;
	v34 =	vor.u32 v14, v34  }
0x725: {  	v57 =	vadd.s32 v17, v23;
	v37 =	vld.idx.msk [tilespmem:v37+s23+$0x0], $0xffff;
	v19 =	vand.u32 $0xFFFFFC00, v31;
	v30 =	vor.u32 v24, v30  }
0x726: {  	v31 =	vor.u32 v6, v35;
	v30 =	vor.u32 v2, v30;
	v56 =	vadd.s32 v19, v20;
	[tilespmem:s16+$0x50] =	vst v28  }
0x727: {  	v20 =	vand.u32 $0x7F, v27;
	v26 =	vor.u32 v26, v56;
	[tilespmem:s5+$0x20] =	vst v53;
	v27 =	vld.idx.msk [tilespmem:v29+s23+$0x0], $0xffff;
	v29 =	vadd.s32 v15, v5  }
0x728: {  	v62 =	vadd.s32 v18, v23;
	v58 =	vor.u32 v20, v26;
	v32 =	vld.idx.msk [tilespmem:v38+s23+$0x0], $0xffff;
	v29 =	vor.u32 v4, v29  }
0x729: {  	v28 =	vadd.s32 v17, v22;
	v26 =	vor.u32 v21, v57;
	v59 =	vld.idx.msk [tilespmem:v34+s23+$0x0], $0xffff;
	v29 =	vor.u32 v3, v29  }
0x72a: {  	s25 =	simm.s32 $0x6;
	s29 =	simm.s32 $0x5400;
	s18 =	simm.s32 $0x200;
	v55 =	vld.idx.msk [tilespmem:v36+s23+$0x0], $0xffff;
	[tilespmem:s7+$0x20] =	vst v33;
	v28 =	vor.u32 v13, v28;
	v36 =	vor.u32 v16, v26  }
0x72b: {  	s20 =	simm.s32 $0xA80;
	s13 =	sand.u32 $0x6000, s29;
	s17 =	simm.s32 $0x1000;
	v26 =	vadd.s32 v15, v1;
	v60 =	vld.idx.msk [tilespmem:v31+s23+$0x0], $0xffff;
	[tilespmem:s11+$0x50] =	vst v37;
	v28 =	vor.u32 v16, v28  }
0x72c: {  	s20 =	sand.u32 $0x380, s20;
	s13 =	sadd.s32 s13, s10;
	s19 =	sand.u32 $0x2000, s17;
	v25 =	vadd.s32 v19, v25;
	v26 =	vor.u32 v0, v26;
	v37 =	vld.idx.msk [tilespmem:v30+s23+$0x0], $0xffff;
	[tilespmem:s16+$0x60] =	vst v27  }
0x72d: {  	s21 =	sand.u32 $0x300, s18;
	s12 =	sadd.s32 s20, s13;
	s19 =	sadd.s32 s8, s19;
	v24 =	vor.u32 v24, v25;
	v25 =	vmov s25;
	v30 =	vor.u32 v3, v26;
	[tilespmem:s5+$0x30] =	vst v32;
	v39 =	vld.idx.msk [tilespmem:v58+s23+$0x0], $0xffff  }
0x72e: {  	s30 =	sadd.s32 s21, s19;
	v40 =	vshll.u32 v25, $0xA;
	[tilespmem:s12+$0x0] =	vst v59;
	v27 =	vor.u32 v20, v24;
	v31 =	vld.idx.msk [tilespmem:v29+s23+$0x0], $0xffff;
	v29 =	vadd.s32 v8, v5  }
0x72f: {  	[tilespmem:s30+$0x14400] =	vst v55;
	v26 =	vadd.s32 v9, v1;
	v24 =	vshll.u32 v25, $0x7;
	v32 =	vld.idx.msk [tilespmem:v36+s23+$0x0], $0xffff;
	v29 =	vor.u32 v4, v29  }
0x730: {  	v33 =	vld.idx.msk [tilespmem:v28+s23+$0x0], $0xffff;
	v28 =	vor.u32 v21, v62;
	v25 =	vand.u32 $0x300, v24;
	v35 =	vor.u32 v7, v29  }
0x731: {  	[tilespmem:s7+$0x30] =	vst v60;
	v24 =	vand.u32 $0x2000, v40;
	v34 =	vor.u32 v11, v28;
	v29 =	vor.u32 v13, v61  }
0x732: {  	s31 =	simm.s32 $0x7;
	v30 =	vld.idx.msk [tilespmem:v30+s23+$0x0], $0xffff;
	[tilespmem:s11+$0x60] =	vst v37;
	v28 =	vadd.s32 v12, v24;
	v36 =	vor.u32 v11, v29  }
0x733: {  	s19 =	simm.s32 $0x8;
	s13 =	sadd.s32 $0x14400, s30;
	v37 =	vor.u32 v0, v63;
	v38 =	vor.u32 v25, v28;
	v29 =	vld.idx.msk [tilespmem:v27+s23+$0x0], $0xffff;
	v27 =	vmov s31;
	[tilespmem:s16+$0x70] =	vst v39  }
.LBB2_49:
0x734: {  	p0 =	slt.u32 s19, $0xE;
	v28 =	vor.u32 v14, v38;
	v38 =	vshll.u32 v27, $0x7;
	v37 =	vor.u32 v7, v37;
	[tilespmem:s5+$0x40] =	vst v31  }
0x735: {  	v27 =	vshll.u32 v27, $0xA;
	v31 =	vand.u32 $0x380, v38;
	[tilespmem:s12+$0x10] =	vst v32;
	v32 =	vld.idx.msk [tilespmem:v35+s23+$0x0], $0xffff;
	v35 =	vadd.s32 v9, v5  }
0x736: {  	v27 =	vand.u32 $0x2000, v27;
	[tilespmem:s13+$0x10] =	vst v33;
	v33 =	vld.idx.msk [tilespmem:v34+s23+$0x0], $0xffff;
	v34 =	vadd.s32 v10, v23;
	v35 =	vor.u32 v4, v35  }
0x737: {  	v38 =	vadd.s32 v12, v27;
	v36 =	vld.idx.msk [tilespmem:v36+s23+$0x0], $0xffff;
	v34 =	vor.u32 v21, v34;
	v35 =	vor.u32 v2, v35  }
0x738: {  	v39 =	vadd.s32 v10, v22;
	v38 =	vor.u32 v31, v38;
	v34 =	vor.u32 v6, v34;
	[tilespmem:s7+$0x40] =	vst v30  }
0x739: {  	v30 =	vor.u32 v14, v38;
	v38 =	vor.u32 v13, v39;
	v37 =	vld.idx.msk [tilespmem:v37+s23+$0x0], $0xffff;
	[tilespmem:s11+$0x70] =	vst v29;
	s11 =	smov.u32 s7;
	s7 =	smov.u32 s13  }
0x73a: {  	v26 =	vor.u32 v0, v26;
	v29 =	vor.u32 v6, v38  }
0x73b: {  	v26 =	vor.u32 v2, v26;
	v28 =	vld.idx.msk [tilespmem:v28+s23+$0x0], $0xffff;
	[tilespmem:s5+$0x50] =	vst v32  }
0x73c: {  	v32 =	vadd.s32 v17, v24;
	[tilespmem:s12+$0x20] =	vst v33;
	v33 =	vld.idx.msk [tilespmem:v35+s23+$0x0], $0xffff;
	v35 =	vadd.s32 v19, v5;
	v5 =	vmov v23  }
0x73d: {  	[tilespmem:s7+$0x20] =	vst v36;
	v34 =	vld.idx.msk [tilespmem:v34+s23+$0x0], $0xffff;
	v23 =	vadd.s32 v15, v5;
	v35 =	vor.u32 v4, v35;
	v4 =	vmov v21  }
0x73e: {  	v39 =	vadd.s32 v17, v27;
	v30 =	vld.idx.msk [tilespmem:v30+s23+$0x0], $0xffff;
	v23 =	vor.u32 v4, v23;
	v35 =	vor.u32 v20, v35  }
0x73f: {  	s17 =	sadd.s32 $0x800, s17;
	v36 =	vor.u32 v31, v39;
	v21 =	vmov v31;
	v29 =	vld.idx.msk [tilespmem:v29+s23+$0x0], $0xffff;
	v38 =	vor.u32 v3, v23;
	[tilespmem:s11+$0x50] =	vst v37  }
0x740: {  	s18 =	sadd.s32 $0x100, s18;
	s16 =	sadd.s32 $0x4400, s17;
	s13 =	sand.u32 $0x2000, s17;
	v39 =	vor.u32 v25, v32;
	v31 =	vadd.s32 v15, v22;
	v32 =	vor.u32 v16, v36;
	v36 =	vld.idx.msk [tilespmem:v26+s23+$0x0], $0xffff  }
0x741: {  	v41 =	vadd.s32 v19, v1;
	s20 =	sadd.s32 $0x880, s18;
	s16 =	sand.u32 $0x6000, s16;
	s13 =	sadd.s32 s8, s13;
	v37 =	vor.u32 v16, v39;
	v26 =	vor.u32 v13, v31;
	v23 =	vmovc v27  }
0x742: {  	s21 =	sand.u32 $0x300, s18;
	s20 =	sand.u32 $0x380, s20;
	s16 =	sadd.s32 s16, s10;
	v31 =	vor.u32 v0, v41;
	v0 =	vmovc v13;
	v13 =	vmov v25;
	v27 =	vor.u32 v3, v26;
	[tilespmem:s5+$0x60] =	vst v33  }
0x743: {  	v1 =	vmovc v22;
	s16 =	sadd.s32 s20, s16;
	s21 =	sadd.s32 s21, s13;
	v25 =	vmov s19;
	v26 =	vadd.s32 v9, v22;
	v39 =	vor.u32 v20, v31;
	[tilespmem:s12+$0x30] =	vst v34;
	v40 =	vld.idx.msk [tilespmem:v35+s23+$0x0], $0xffff  }
0x744: {  	s13 =	sadd.s32 $0x14400, s21;
	v22 =	vshll.u32 v25, $0x7;
	v34 =	vadd.s32 v18, v24;
	[tilespmem:s16+$0x0] =	vst v30;
	v31 =	vld.idx.msk [tilespmem:v38+s23+$0x0], $0xffff;
	v30 =	vadd.s32 v8, v5  }
.Ltmp23:
0x745: {  	v38 =	vshll.u32 v25, $0xA;
	[tilespmem:s21+$0x14400] =	vst v28;
	v32 =	vld.idx.msk [tilespmem:v32+s23+$0x0], $0xffff;
	v28 =	vadd.s32 v18, v23;
	v30 =	vor.u32 v4, v30;
	(pc) =	sbr.rel @p0 .LBB2_49-.Ltmp23, $4  }
0x746: {  	v25 =	vand.u32 $0x300, v22;
	v33 =	vld.idx.msk [tilespmem:v37+s23+$0x0], $0xffff;
	v22 =	vor.u32 v21, v28;
	[tilespmem:s7+$0x30] =	vst v29;
	v35 =	vor.u32 v7, v30  }
0x747: {  	v28 =	vand.u32 $0x2000, v38;
	v29 =	vor.u32 v13, v34;
	v34 =	vor.u32 v11, v22;
	v30 =	vld.idx.msk [tilespmem:v27+s23+$0x0], $0xffff;
	[tilespmem:s11+$0x60] =	vst v36  }
0x748: {  	s20 =	sadd.s32 $0x1, s19;
	v37 =	vadd.s32 v8, v1;
	v41 =	vadd.s32 v12, v28;
	v36 =	vor.u32 v11, v29;
	v29 =	vld.idx.msk [tilespmem:v39+s23+$0x0], $0xffff  }
0x749: {  	s19 =	sadd.s32 $0x2, s19;
	v27 =	vmov s20;
	v37 =	vor.u32 v0, v37;
	v38 =	vor.u32 v25, v41;
	[tilespmem:s5+$0x70] =	vst v40;
	v22 =	vmovc v24;
	v24 =	vmovc v28;
	s5 =	smov.u32 s12;
	s12 =	smov.u32 s16  }
0x74a: {  	v28 =	vshll.u32 v27, $0xA  }
0x74b: {  	v42 =	vshll.u32 v27, $0x7;
	v28 =	vand.u32 $0x2000, v28  }
0x74c: {  	v27 =	vand.u32 $0x380, v42;
	v12 =	vadd.s32 v12, v28  }
0x74d: {  	v12 =	vor.u32 v27, v12  }
0x74e: {  	v12 =	vor.u32 v14, v12  }
0x74f: {  	v43 =	vor.u32 v14, v38;
	_ =	sdelay $0x2  }
0x750: {  	v44 =	vadd.s32 v17, v28  }
0x751: {  	v45 =	vadd.s32 v17, v24;
	s16 =	sadd.s32 $0x800, s17;
	v38 =	vor.u32 v27, v44;
	v12 =	vld.idx.msk [tilespmem:v12+s23+$0x0], $0xffff  }
0x752: {  	s18 =	sadd.s32 $0x100, s18;
	s17 =	sadd.s32 $0x4400, s16;
	v17 =	vor.u32 v25, v45;
	v38 =	vor.u32 v16, v38;
	v14 =	vld.idx.msk [tilespmem:v43+s23+$0x0], $0xffff  }
0x753: {  	s19 =	sadd.s32 $0x880, s18;
	s17 =	sand.u32 $0x6000, s17;
	v46 =	vor.u32 v16, v17  }
0x754: {  	s16 =	sand.u32 $0x2000, s16;
	s29 =	sand.u32 $0x380, s19;
	s10 =	sadd.s32 s17, s10  }
0x755: {  	s18 =	sand.u32 $0x300, s18;
	s16 =	sadd.s32 s8, s16;
	s30 =	sadd.s32 s29, s10  }
0x756: {  	v47 =	vor.u32 v7, v37;
	v48 =	vadd.s32 v18, v28;
	s31 =	sadd.s32 s18, s16;
	[tilespmem:s30+$0x0] =	vst v12  }
0x757: {  	v49 =	vadd.s32 v18, v24;
	[tilespmem:s31+$0x14400] =	vst v14;
	v12 =	vor.u32 v27, v48;
	v50 =	vld.idx.msk [tilespmem:v38+s23+$0x0], $0xffff  }
0x758: {  	v51 =	vadd.s32 v10, v23;
	v18 =	vor.u32 v25, v49;
	v16 =	vld.idx.msk [tilespmem:v46+s23+$0x0], $0xffff;
	v12 =	vor.u32 v11, v12  }
0x759: {  	[tilespmem:s5+$0x40] =	vst v31;
	v54 =	vadd.s32 v10, v22;
	v55 =	vadd.s32 v9, v5;
	v52 =	vor.u32 v11, v18  }
0x75a: {  	[tilespmem:s12+$0x10] =	vst v32;
	v58 =	vadd.s32 v10, v24;
	v62 =	vadd.s32 v15, v23;
	v63 =	vadd.s32 v15, v22  }
0x75b: {  	[tilespmem:s13+$0x10] =	vst v33;
	v53 =	vld.idx.msk [tilespmem:v34+s23+$0x0], $0xffff;
	v32 =	vor.u32 v21, v51;
	v33 =	vor.u32 v13, v54  }
0x75c: {  	v56 =	vld.idx.msk [tilespmem:v36+s23+$0x0], $0xffff;
	v32 =	vor.u32 v6, v32;
	v57 =	vadd.s32 v10, v28;
	s10 =	sadd.s32 $0x14400, s31;
	[tilespmem:s30+$0x10] =	vst v50  }
0x75d: {  	v33 =	vor.u32 v6, v33;
	v14 =	vor.u32 v27, v57;
	[tilespmem:s10+$0x10] =	vst v16;
	v12 =	vld.idx.msk [tilespmem:v12+s23+$0x0], $0xffff  }
0x75e: {  	v37 =	vadd.s32 v15, v24;
	v10 =	vor.u32 v25, v58;
	v14 =	vor.u32 v6, v14;
	v11 =	vld.idx.msk [tilespmem:v52+s23+$0x0], $0xffff  }
0x75f: {  	v39 =	vadd.s32 v8, v23;
	v34 =	vor.u32 v4, v55;
	[tilespmem:s7+$0x40] =	vst v30;
	v60 =	vor.u32 v6, v10  }
0x760: {  	v1 =	vadd.s32 v19, v1;
	v31 =	vld.idx.msk [tilespmem:v35+s23+$0x0], $0xffff;
	v59 =	vor.u32 v2, v34;
	[tilespmem:s12+$0x20] =	vst v53  }
0x761: {  	v30 =	vor.u32 v13, v63;
	v18 =	vor.u32 v21, v62;
	[tilespmem:s13+$0x20] =	vst v56;
	v61 =	vld.idx.msk [tilespmem:v32+s23+$0x0], $0xffff  }
0x762: {  	v35 =	vadd.s32 v15, v28;
	v18 =	vor.u32 v3, v18;
	v34 =	vld.idx.msk [tilespmem:v33+s23+$0x0], $0xffff;
	[tilespmem:s30+$0x20] =	vst v12  }
0x763: {  	v30 =	vor.u32 v3, v30;
	[tilespmem:s10+$0x20] =	vst v11;
	v12 =	vor.u32 v27, v35;
	v36 =	vld.idx.msk [tilespmem:v14+s23+$0x0], $0xffff  }
0x764: {  	v42 =	vor.u32 v21, v39;
	v6 =	vld.idx.msk [tilespmem:v60+s23+$0x0], $0xffff;
	v12 =	vor.u32 v3, v12;
	v14 =	vor.u32 v25, v37  }
0x765: {  	v51 =	vadd.s32 v9, v22;
	v54 =	vadd.s32 v9, v24;
	[tilespmem:s11+$0x70] =	vst v29;
	v40 =	vor.u32 v3, v14  }
0x766: {  	v45 =	vadd.s32 v8, v28;
	v58 =	vadd.s32 v19, v23;
	v17 =	vld.idx.msk [tilespmem:v47+s23+$0x0], $0xffff;
	[tilespmem:s12+$0x30] =	vst v61  }
0x767: {  	v10 =	vor.u32 v7, v42;
	v43 =	vadd.s32 v8, v22;
	v18 =	vld.idx.msk [tilespmem:v18+s23+$0x0], $0xffff;
	[tilespmem:s13+$0x30] =	vst v34  }
0x768: {  	v46 =	vadd.s32 v8, v24;
	v44 =	vld.idx.msk [tilespmem:v30+s23+$0x0], $0xffff;
	v16 =	vor.u32 v13, v43;
	[tilespmem:s30+$0x30] =	vst v36  }
0x769: {  	v16 =	vor.u32 v7, v16;
	v11 =	vor.u32 v27, v45;
	[tilespmem:s10+$0x30] =	vst v6;
	v12 =	vld.idx.msk [tilespmem:v12+s23+$0x0], $0xffff  }
0x76a: {  	v62 =	vadd.s32 v19, v24;
	v48 =	vor.u32 v7, v11;
	v6 =	vor.u32 v25, v46;
	v3 =	vld.idx.msk [tilespmem:v40+s23+$0x0], $0xffff  }
0x76b: {  	v47 =	vadd.s32 v19, v5;
	[tilespmem:s5+$0x50] =	vst v31;
	v53 =	vadd.s32 v9, v28;
	v6 =	vor.u32 v7, v6  }
0x76c: {  	v41 =	vld.idx.msk [tilespmem:v59+s23+$0x0], $0xffff;
	v38 =	vor.u32 v0, v26;
	[tilespmem:s12+$0x40] =	vst v18;
	v50 =	vadd.s32 v9, v23  }
0x76d: {  	v15 =	vor.u32 v2, v38;
	v10 =	vld.idx.msk [tilespmem:v10+s23+$0x0], $0xffff;
	[tilespmem:s13+$0x40] =	vst v44;
	v5 =	vor.u32 v21, v50  }
0x76e: {  	v5 =	vor.u32 v2, v5;
	v52 =	vld.idx.msk [tilespmem:v16+s23+$0x0], $0xffff;
	v7 =	vor.u32 v13, v51;
	[tilespmem:s30+$0x40] =	vst v12  }
0x76f: {  	v7 =	vor.u32 v2, v7;
	v12 =	vor.u32 v27, v53;
	[tilespmem:s10+$0x40] =	vst v3;
	v8 =	vld.idx.msk [tilespmem:v48+s23+$0x0], $0xffff  }
0x770: {  	v49 =	vor.u32 v4, v47;
	v9 =	vor.u32 v25, v54;
	v55 =	vor.u32 v2, v12;
	v6 =	vld.idx.msk [tilespmem:v6+s23+$0x0], $0xffff  }
0x771: {  	[tilespmem:s7+$0x50] =	vst v17;
	v57 =	vor.u32 v0, v1;
	v1 =	vor.u32 v21, v58;
	v59 =	vor.u32 v2, v9  }
0x772: {  	v4 =	vor.u32 v20, v49;
	v1 =	vor.u32 v20, v1;
	v56 =	vld.idx.msk [tilespmem:v15+s23+$0x0], $0xffff;
	[tilespmem:s12+$0x50] =	vst v10  }
0x773: {  	v0 =	vor.u32 v20, v57;
	v60 =	vadd.s32 v19, v22;
	v5 =	vld.idx.msk [tilespmem:v5+s23+$0x0], $0xffff;
	[tilespmem:s13+$0x50] =	vst v52  }
0x774: {  	v61 =	vadd.s32 v19, v28;
	v9 =	vor.u32 v13, v60;
	v7 =	vld.idx.msk [tilespmem:v7+s23+$0x0], $0xffff;
	[tilespmem:s30+$0x50] =	vst v8  }
0x775: {  	v9 =	vor.u32 v20, v9;
	v8 =	vor.u32 v27, v61;
	[tilespmem:s10+$0x50] =	vst v6;
	v3 =	vld.idx.msk [tilespmem:v55+s23+$0x0], $0xffff  }
0x776: {  	[tilespmem:s5+$0x60] =	vst v41;
	v6 =	vor.u32 v25, v62;
	v8 =	vor.u32 v20, v8;
	v2 =	vld.idx.msk [tilespmem:v59+s23+$0x0], $0xffff  }
0x777: {  	v4 =	vld.idx.msk [tilespmem:v4+s23+$0x0], $0xffff;
	[tilespmem:s7+$0x60] =	vst v56;
	v6 =	vor.u32 v20, v6  }
0x778: {  	v0 =	vld.idx.msk [tilespmem:v0+s23+$0x0], $0xffff;
	[tilespmem:s12+$0x60] =	vst v5  }
0x779: {  	v1 =	vld.idx.msk [tilespmem:v1+s23+$0x0], $0xffff;
	[tilespmem:s13+$0x60] =	vst v7  }
0x77a: {  	v63 =	vld.idx.msk [tilespmem:v9+s23+$0x0], $0xffff;
	[tilespmem:s30+$0x60] =	vst v3  }
0x77b: {  	s2 =	sadd.s32 $0x1, s2;
	[tilespmem:s10+$0x60] =	vst v2;
	v3 =	vld.idx.msk [tilespmem:v8+s23+$0x0], $0xffff  }
0x77c: {  	p0 =	sne.s32 s2, $0x8;
	[tilespmem:s5+$0x70] =	vst v4;
	v2 =	vld.idx.msk [tilespmem:v6+s23+$0x0], $0xffff  }
.Ltmp24:
0x77d: {  	[tilespmem:s7+$0x70] =	vst v0;
	(pc) =	sbr.rel @p0 .LBB2_48-.Ltmp24, $4  }
0x77e: {  	[tilespmem:s12+$0x70] =	vst v1  }
0x77f: {  	[tilespmem:s13+$0x70] =	vst v63  }
0x780: {  	[tilespmem:s30+$0x70] =	vst v3  }
0x781: {  	[tilespmem:s10+$0x70] =	vst v2  }
0x782: {  	s0 =	rddreg [dreg:$0xe]  }
0x783: {  	[hbm4b:s0+s3] =	stream.linear.scatter [tilespmem:s26], [sflag:$0x2], $0x8000, $0x38;
	[tilespmem:$0x18400] =	vst v63  }
0x784: {  	_ =	swait.ge [sflag:s28], $0x8000  }
0x785: {  	[sflag:s28] =	ssyncset.done $0x0  }
0x786: {  	[sflag:s28] =	ssyncadd.s32 $0xFFFF8000  }
0x787: {  	_ =	swait.ge [sflag:s28], $0x8000  }
0x788: {  	s2 =	rddreg [dreg:$0x10]  }
0x789: {  	s31 =	rddreg [dreg:$0xf];
	s2 =	sadd.s32 $0x1, s2  }
0x78a: {  	p0 =	sne.s32 s2, s31  }
.Ltmp25:
0x78b: {  	_ = 	snop;
	(pc) =	sbr.rel @p0 .LBB2_1-.Ltmp25, $3  }
0x78c: {  	_ =	sdelay $0x1  }
0x78d: {  	[sflag:s28] =	ssyncset.done $0x0  }
0x78e: {  	[sflag:s28] =	ssyncadd.s32 $0xFFFF8000  }
0x78f: {  	_ =	sfence.sel $0x180000  }
0x790: {  	[bflag:$0x0] =	sbarrier.arrive $0xFFFF  }
0x791: {  	_ =	strace $0x90000047  }
0x792: {  	s0 =	stileid.u32;
	[bflag:$0x2] =	sbarrier.arrive $0xFFFF  }
0x793: {  	p0 =	sne.s32 s0, $0x0;
	s0 =	rddreg [dreg:$0x3]  }
0x794: {  	s0 =	sadd.s32 @!p0 $0x100000, s0  }
0x795: {  	[sflag:s0] =	ssyncadd.tile.s32 @!p0 $0x1;
	_ =	shalt  }
.Lfunc_end2:
_tile_overlayer_lowered:
.L_overlay_start_2:
0x796: {  	(tag) =	ssettag $0x2  }
0x797: {  	s0 =	rddreg [dreg:$0x0];
	s2 =	stileid.u32  }
0x798: {  	s1 =	rddreg [dreg:$0x1];
	p0 =	sne.s32 s2, $0x0  }
0x799: {  	s3 =	rddreg [dreg:$0x2];
	[bflag:$0x3] =	sbarrier.arrive $0xFFFF;
	s2 =	simm.s32 @!p0 $0x1C03  }
0x79a: {  	[timem:s3], [sflag:s2] =	dma.local @!p0 [hbm:s0], s1  }
0x79b: {  	s0 =	simm.s32 @!p0 $0x3  }
0x79c: {  	_ =	swait.ge @!p0 [sflag:s0], s1  }
0x79d: {  	s1 =	ssub.s32 @!p0 $0x0, s1;
	[sflag:s0] =	ssyncset.done @!p0 $0x0  }
0x79e: {  	[sflag:s0] =	ssyncadd.s32 @!p0 s1  }
0x79f: {  	[bflag:$0x3] =	sbarrier.arrive $0xFFFF  }
0x7a0: {  	_ =	shalt  }

</sc_bundles>
